<compile_context>
chip_gen: v7x
topology: tpu7x:2x2x1
jax: 0.10.2.dev20260603
libtpu: 0.0.44.dev20260713+nightly
codegen_flags: <defaults>
</compile_context>

<pallas_src>
import functools

import jax
import jax.numpy as jnp
from jax import lax
from jax.experimental import pallas as pl
from jax.experimental.pallas import tpu as pltpu
from jax.experimental.pallas import tpu_sc as plsc

BATCH = 4
C = 19
TPAD = 128
PIX = 512 * 512
N = BATCH * PIX
THR = 2.3

BLK = 8192
NB = N // BLK
NBB = PIX // BLK
NG = BLK // 16

NW = 32
CHUNK = N // NW
GROUP = 128
NGRP = CHUNK // GROUP
SUPER = 4
NSUP = NGRP // SUPER
DUMMY = N


def _tree_sum(vals):
    vals = list(vals)
    n = 16
    while n >= 1:
        for i in range(n):
            if i + n < len(vals):
                vals[i] = vals[i] + vals[i + n]
        vals = vals[:n]
        n //= 2
    return vals[0]


def _tree_max(vals):
    vals = list(vals)
    n = 16
    while n >= 1:
        for i in range(n):
            if i + n < len(vals):
                vals[i] = jnp.maximum(vals[i], vals[i + n])
        vals = vals[:n]
        n //= 2
    return vals[0]


def tc_entropy_body(t_ref, lo_ref, table_ref, mask_ref, pref_ref, gpref_ref,
                    acc_ref):
    i = pl.program_id(0)

    @pl.when(i == 0)
    def _():
        acc_ref[0] = 0

    x = lo_ref[0]
    planes = [x[c] for c in range(C)]
    m = _tree_max(planes)
    e = jnp.exp(x - m[None, :])
    s = _tree_sum([e[c] for c in range(C)])
    p = e / s[None, :]
    t = (-p) * jnp.log(p)
    h = _tree_sum([t[c] for c in range(C)])
    msk = (h < THR).astype(jnp.int32)
    scaled = x / t_ref[0]

    pref_ref[0] = acc_ref[0].reshape(1, 1)

    mf = (h < THR).astype(jnp.float32).reshape(64, 128)
    li = lax.broadcasted_iota(jnp.int32, (128, 8), 0)
    lj = lax.broadcasted_iota(jnp.int32, (128, 8), 1)
    P = jnp.where(li // 16 == lj, 1.0, 0.0)
    g2 = jnp.dot(mf, P, preferred_element_type=jnp.float32)
    t8r = lax.broadcasted_iota(jnp.int32, (8, 8), 0)
    t8c = lax.broadcasted_iota(jnp.int32, (8, 8), 1)
    T8 = jnp.where(t8r < t8c, 1.0, 0.0)
    g2ex = jnp.dot(g2, T8, preferred_element_type=jnp.float32)
    rt = jnp.sum(g2, axis=1, keepdims=True)
    lr = lax.broadcasted_iota(jnp.int32, (64, 64), 0)
    lc = lax.broadcasted_iota(jnp.int32, (64, 64), 1)
    L = jnp.where(lc < lr, 1.0, 0.0)
    ro2 = jnp.dot(L, rt, preferred_element_type=jnp.float32)
    accf = acc_ref[0].astype(jnp.float32)
    gpref_ref[0] = (g2ex + ro2 + accf).astype(jnp.int32)

    @pl.when(i < NB)
    def _():
        table_ref[0] = jnp.concatenate(
            [scaled.T, jnp.ones((BLK, TPAD - C), jnp.float32)], axis=1)
        mask_ref[0, 0] = msk
        acc_ref[0] = acc_ref[0] + jnp.sum(msk)

    @pl.when(i == NB)
    def _():
        table_ref[0] = jnp.ones((BLK, TPAD), jnp.float32)
        mask_ref[0, 0] = jnp.zeros((BLK,), jnp.int32)


def make_tc_call(interpret=False):
    return pl.pallas_call(
        tc_entropy_body,
        grid=(NB + 1,),
        in_specs=[
            pl.BlockSpec(memory_space=pltpu.SMEM),
            pl.BlockSpec(
                (1, C, BLK),
                lambda i: (jnp.minimum(i, NB - 1) // NBB, 0,
                           jnp.minimum(i, NB - 1) % NBB),
            ),
        ],
        out_specs=[
            pl.BlockSpec((1, BLK, TPAD), lambda i: (i, 0, 0)),
            pl.BlockSpec((1, 1, BLK), lambda i: (i, 0, 0)),
            pl.BlockSpec((1, 1, 1), lambda i: (i, 0, 0)),
            pl.BlockSpec((1, 64, 8), lambda i: (i, 0, 0)),
        ],
        out_shape=[
            jax.ShapeDtypeStruct((NB + 1, BLK, TPAD), jnp.float32),
            jax.ShapeDtypeStruct((NB + 1, 1, BLK), jnp.int32),
            jax.ShapeDtypeStruct((NB + 1, 1, 1), jnp.int32),
            jax.ShapeDtypeStruct((NB + 1, 64, 8), jnp.int32),
        ],
        scratch_shapes=[pltpu.SMEM((1,), jnp.int32)],
        interpret=interpret,
    )


def sc_compact_body(table_hbm, mask_hbm, prefix_hbm, gpref_hbm, out_hbm,
                    prefsmem, gprefsmem, maskbuf, gprefv, idxbuf, rowbuf,
                    gsem):
    wid = lax.axis_index("s") * 2 + lax.axis_index("c")
    base = wid * CHUNK
    lane = lax.iota(jnp.int32, 16)
    dummy16 = jnp.full((16,), DUMMY, jnp.int32)

    pltpu.sync_copy(prefix_hbm, maskbuf.at[pl.ds(0, NB + 16)])
    for k in range((NB + 16) // 16):
        v = maskbuf[pl.ds(16 * k, 16)]
        for j in range(16):
            prefsmem[16 * k + j] = v[j]

    def prefill(i, _):
        idxbuf[pl.ds(16 * i, 16)] = dummy16
        return 0
    lax.fori_loop(0, (CHUNK + 32) // 16, prefill, 0)

    ktot = prefsmem[NB]
    kend = jnp.clip(ktot - base, 0, CHUNK)

    def blk_body(b, _):
        pb = prefsmem[b]
        pb1 = prefsmem[b + 1]
        live = jnp.logical_and(
            jnp.logical_and(pb1 > base, pb < base + CHUNK),
            pb1 > pb)

        @pl.when(live)
        def _():
            pltpu.sync_copy(mask_hbm.at[pl.ds(b * BLK, BLK)], maskbuf)
            pltpu.sync_copy(gpref_hbm.at[pl.ds(b * NG, NG)], gprefv)
            for k in range(NG // 16):
                v = gprefv[pl.ds(16 * k, 16)]
                for j in range(16):
                    gprefsmem[16 * k + j] = v[j]
            gbase = b * BLK

            def step(g, _):
                wp = gprefsmem[g] - base
                off = jnp.clip(wp, 0, kend)
                skip = off - wp
                mv = maskbuf[pl.ds(16 * g, 16)]
                mb = mv > 0
                one = jnp.where(mb, 1, 0)
                x = one
                for d in (1, 2, 4, 8):
                    sh = x.at[jnp.maximum(lane - d, 0)].get(
                        mode="promise_in_bounds")
                    x = x + jnp.where(lane >= d, sh, 0)
                t = lane + 1 + skip
                lo = jnp.zeros((16,), jnp.int32)
                for s_ in (8, 4, 2, 1):
                    xm = x.at[lo + (s_ - 1)].get(mode="promise_in_bounds")
                    lo = lo + jnp.where(xm < t, s_, 0)
                comp = (gbase + 16 * g) + lo
                a = lax.bitwise_and(off, 15)
                off16 = off - a
                rot = comp.at[lax.bitwise_and(lane - a, 15)].get(
                    mode="promise_in_bounds")
                prev = idxbuf[pl.ds(off16, 16)]
                idxbuf[pl.ds(off16, 16)] = jnp.where(lane >= a, rot, prev)
                idxbuf[pl.ds(off16 + 16, 16)] = rot
                return 0

            lax.fori_loop(0, NG, step, 0)
        return 0
    lax.fori_loop(0, NB, blk_body, 0)

    ka = lax.bitwise_and(kend, 15)
    k16 = kend - ka
    prev = idxbuf[pl.ds(k16, 16)]
    idxbuf[pl.ds(k16, 16)] = jnp.where(lane < ka, prev, dummy16)
    idxbuf[pl.ds(k16 + 16, 16)] = dummy16

    def superstep(s, _):
        @pl.when(s * (SUPER * GROUP) < kend)
        def _():
            def fire(g, _):
                pltpu.async_copy(
                    table_hbm.at[idxbuf.at[pl.ds((s * SUPER + g) * GROUP,
                                                 GROUP)]],
                    rowbuf.at[pl.ds(g * GROUP, GROUP)],
                    gsem)
                return 0
            lax.fori_loop(0, SUPER, fire, 0)

            def drain(g, _):
                pltpu.make_async_copy(
                    table_hbm.at[idxbuf.at[pl.ds(0, GROUP)]],
                    rowbuf.at[pl.ds(g * GROUP, GROUP)],
                    gsem,
                ).wait()
                return 0
            lax.fori_loop(0, SUPER, drain, 0)

            pltpu.sync_copy(
                rowbuf,
                out_hbm.at[pl.ds(base + s * (SUPER * GROUP),
                                 SUPER * GROUP)],
            )
        return 0
    lax.fori_loop(0, NSUP, superstep, 0)

    pltpu.sync_copy(
        table_hbm.at[pl.ds(NB * BLK, SUPER * GROUP)], rowbuf)

    def ones_step(s, _):
        @pl.when(s * (SUPER * GROUP) >= kend)
        def _():
            pltpu.sync_copy(
                rowbuf,
                out_hbm.at[pl.ds(base + s * (SUPER * GROUP),
                                 SUPER * GROUP)],
            )
        return 0
    lax.fori_loop(0, NSUP, ones_step, 0)


def make_sc_call(interpret=False):
    mesh = plsc.VectorSubcoreMesh(core_axis_name="c", subcore_axis_name="s")
    return functools.partial(
        pl.kernel,
        out_type=jax.ShapeDtypeStruct((N, TPAD), jnp.float32),
        mesh=mesh,
        scratch_types=[
            pltpu.SMEM((NB + 16,), jnp.int32),
            pltpu.SMEM((NG,), jnp.int32),
            pltpu.VMEM((BLK,), jnp.int32),
            pltpu.VMEM((NG,), jnp.int32),
            pltpu.VMEM((CHUNK + 32,), jnp.int32),
            pltpu.VMEM((SUPER * GROUP, TPAD), jnp.float32),
            pltpu.SemaphoreType.DMA,
        ],
        interpret=interpret,
    )(sc_compact_body)


def kernel(logits, label, temperature):
    del label
    l3 = logits.reshape(BATCH, C, PIX)
    table3, mask3, pref3, gpref4 = make_tc_call()(temperature, l3)
    table2 = table3.reshape((NB + 1) * BLK, TPAD)
    mask1 = mask3[:NB].reshape(N)
    prefix1 = jnp.pad(pref3.reshape(NB + 1), (0, 15))
    gpref1 = gpref4.reshape((NB + 1) * NG)
    outp = make_sc_call()(table2, mask1, prefix1, gpref1)
    return outp[:, :C]

# --- scband reference (transcript-rebuilt; emitter-appended) ---
"""Pipeline reference for scband-meta-scaling-67044439490814 (READ-ONLY COPY).

The authoritative reference and input builder live on the scoring server;
editing this copy changes nothing except your own understanding.
"""

import jax, jax.numpy as jnp
import numpy as np

NUM_CLASSES = 19
THRESHOLD = 2.3


def setup_inputs(seed: int = 0) -> dict:
    key = jax.random.key(seed)
    k1, k2 = jax.random.split(key)
    logits = jax.random.normal(k1, (4, NUM_CLASSES, 512, 512), dtype=jnp.float32)
    label = jax.random.randint(k2, (4, 512, 512), 0, NUM_CLASSES, dtype=jnp.int32)
    temperature = jnp.ones((1,), dtype=jnp.float32)
    return {"logits": logits, "label": label, "temperature": temperature}


def reference(logits, label, temperature):
    # eval path of Meta_Scaling.forward (self.training == False)
    C = NUM_CLASSES
    l2 = jnp.transpose(logits, (0, 2, 3, 1)).reshape(-1, C)
    # label = label.view(-1) -- unused in eval path
    probs = jax.nn.softmax(l2, axis=-1)
    cross_entropy = jnp.sum(-probs * jnp.log(probs), axis=-1)
    mask = cross_entropy < THRESHOLD  # ce_sub_thresh
    N = l2.shape[0]
    # stable permutation: mask==True rows first (original order), then mask==False rows
    keys = jnp.logical_not(mask).astype(jnp.int32) * N + jnp.arange(N, dtype=jnp.int32)
    perm = jnp.argsort(keys)
    rows = l2[perm]
    mask_p = mask[perm]
    scaled = rows / temperature  # temperature broadcast, as in expand
    # scaled_logits for masked rows, ones_like for the rest; concatenated order == perm order
    cal_logits = jnp.where(mask_p[:, None], scaled, jnp.ones_like(rows))
    return cal_logits

if __name__ == "__main__":
    import jax
    _d = setup_inputs()
    print(jax.jit(kernel)(*tuple(_d.values())))

</pallas_src>

<mosaic_0001>
#map = affine_map<(d0, d1) -> (0, 0)>
#map1 = affine_map<(d0, d1) -> (0)>
module attributes {stable_mosaic.version = 14 : i64} {
  func.func @sc_compact_body(%arg0: i32, %arg1: i32, %arg2: memref<1056768x128xf32, #tpu.memory_space<hbm>>, %arg3: memref<1048576xi32, #tpu.memory_space<hbm>>, %arg4: memref<144xi32, #tpu.memory_space<hbm>>, %arg5: memref<66048xi32, #tpu.memory_space<hbm>>, %arg6: memref<1048576x128xf32, #tpu.memory_space<hbm>>, %arg7: memref<144xi32, #tpu.memory_space<smem>>, %arg8: memref<512xi32, #tpu.memory_space<smem>>, %arg9: memref<8192xi32, #tpu.memory_space<vmem>>, %arg10: memref<512xi32, #tpu.memory_space<vmem>>, %arg11: memref<32800xi32, #tpu.memory_space<vmem>>, %arg12: memref<512x128xf32, #tpu.memory_space<vmem>>, %arg13: memref<!tpu.dma_semaphore, #tpu.memory_space<semaphore_mem>>) attributes {dimension_semantics = [#tpu.dimension_semantics<core_parallel>, #tpu.dimension_semantics<subcore_parallel>], iteration_bounds = array<i64: 2, 16>, scalar_prefetch = 0 : i64, scratch_operands = 7 : i64, tpu.core_type = #tpu.core_type<sc_vector_subcore>, window_params = [{transform_indices = #map}, {transform_indices = #map1}, {transform_indices = #map1}, {transform_indices = #map1}, {transform_indices = #map}]} {
    %mul3A = arith.constant 2 : i32
    %mul3A_0 = arith.muli %arg1, %mul3A : i32
    %add3A = arith.addi %mul3A_0, %arg0 : i32
    %mul3A_1 = arith.constant 32768 : i32
    %mul3A_2 = arith.muli %add3A, %mul3A_1 : i32
    %iota3A = tpu.iota {dimensions = array<i32: 0>} : vector<16xi32>
    %broadcast_in_dim3A = arith.constant 1048576 : i32
    %broadcast_in_dim3A_3 = vector.broadcast %broadcast_in_dim3A : i32 to vector<16xi32>
    "tpu.region"() ({
      %run_scoped3A = tpu.sem_alloc : memref<!tpu.dma_semaphore, #tpu.memory_space<semaphore_mem>>
      %dma_start3A = arith.constant 0 : i32
      %dma_start3A_794 = tpu.memref_slice %arg9[%dma_start3A] : memref<8192xi32, #tpu.memory_space<vmem>> -> memref<144xi32, #tpu.memory_space<vmem>>
      %dma_start3A_795 = arith.constant 0 : i32
      %dma_start3A_796 = tpu.memref_slice %arg9[%dma_start3A_795] : memref<8192xi32, #tpu.memory_space<vmem>> -> memref<144xi32, #tpu.memory_space<vmem>>
      tpu.enqueue_dma source(%arg4 : memref<144xi32, #tpu.memory_space<hbm>>) target(%dma_start3A_796 : memref<144xi32, #tpu.memory_space<vmem>>) target_semaphore(%run_scoped3A : memref<!tpu.dma_semaphore, #tpu.memory_space<semaphore_mem>>)
      %dma_wait3A = arith.constant 0 : i32
      %dma_wait3A_797 = tpu.memref_slice %arg9[%dma_wait3A] : memref<8192xi32, #tpu.memory_space<vmem>> -> memref<144xi32, #tpu.memory_space<vmem>>
      %dma_wait3A_798 = arith.constant 0 : i32
      %dma_wait3A_799 = tpu.memref_slice %arg9[%dma_wait3A_798] : memref<8192xi32, #tpu.memory_space<vmem>> -> memref<144xi32, #tpu.memory_space<vmem>>
      tpu.wait_dma2 semaphore(%run_scoped3A : memref<!tpu.dma_semaphore, #tpu.memory_space<semaphore_mem>>) src(%arg4 : memref<144xi32, #tpu.memory_space<hbm>>) dst(%dma_wait3A_799 : memref<144xi32, #tpu.memory_space<vmem>>)
      tpu.yield
    }) : () -> ()
    %get3A = arith.constant 0 : index
    %get3A_4 = tpu.vector_load %arg9[%get3A] {strides = array<i32>} : memref<8192xi32, #tpu.memory_space<vmem>>, vector<16xi32>,
    %get3A_5 = vector.shape_cast %get3A_4 : vector<16xi32> to vector<16xi32>
    %slice3A = vector.extract_strided_slice %get3A_5 {offsets = [0], sizes = [1], strides = [1]} : vector<16xi32> to vector<1xi32>
    %squeeze3A = vector.extract %slice3A[0] : i32 from vector<1xi32>
    %swap3A = arith.constant 0 : i32
    %swap3A_6 = arith.index_cast %swap3A : i32 to index
    %swap3A_7 = memref.load %arg7[%swap3A_6] : memref<144xi32, #tpu.memory_space<smem>>
    memref.store %squeeze3A, %arg7[%swap3A_6] : memref<144xi32, #tpu.memory_space<smem>>
    %slice3A_8 = vector.extract_strided_slice %get3A_5 {offsets = [1], sizes = [1], strides = [1]} : vector<16xi32> to vector<1xi32>
    %squeeze3A_9 = vector.extract %slice3A_8[0] : i32 from vector<1xi32>
    %swap3A_10 = arith.constant 1 : i32
    %swap3A_11 = arith.index_cast %swap3A_10 : i32 to index
    %swap3A_12 = memref.load %arg7[%swap3A_11] : memref<144xi32, #tpu.memory_space<smem>>
    memref.store %squeeze3A_9, %arg7[%swap3A_11] : memref<144xi32, #tpu.memory_space<smem>>
    %slice3A_13 = vector.extract_strided_slice %get3A_5 {offsets = [2], sizes = [1], strides = [1]} : vector<16xi32> to vector<1xi32>
    %squeeze3A_14 = vector.extract %slice3A_13[0] : i32 from vector<1xi32>
    %swap3A_15 = arith.constant 2 : i32
    %swap3A_16 = arith.index_cast %swap3A_15 : i32 to index
    %swap3A_17 = memref.load %arg7[%swap3A_16] : memref<144xi32, #tpu.memory_space<smem>>
    memref.store %squeeze3A_14, %arg7[%swap3A_16] : memref<144xi32, #tpu.memory_space<smem>>
    %slice3A_18 = vector.extract_strided_slice %get3A_5 {offsets = [3], sizes = [1], strides = [1]} : vector<16xi32> to vector<1xi32>
    %squeeze3A_19 = vector.extract %slice3A_18[0] : i32 from vector<1xi32>
    %swap3A_20 = arith.constant 3 : i32
    %swap3A_21 = arith.index_cast %swap3A_20 : i32 to index
    %swap3A_22 = memref.load %arg7[%swap3A_21] : memref<144xi32, #tpu.memory_space<smem>>
    memref.store %squeeze3A_19, %arg7[%swap3A_21] : memref<144xi32, #tpu.memory_space<smem>>
    %slice3A_23 = vector.extract_strided_slice %get3A_5 {offsets = [4], sizes = [1], strides = [1]} : vector<16xi32> to vector<1xi32>
    %squeeze3A_24 = vector.extract %slice3A_23[0] : i32 from vector<1xi32>
    %swap3A_25 = arith.constant 4 : i32
    %swap3A_26 = arith.index_cast %swap3A_25 : i32 to index
    %swap3A_27 = memref.load %arg7[%swap3A_26] : memref<144xi32, #tpu.memory_space<smem>>
    memref.store %squeeze3A_24, %arg7[%swap3A_26] : memref<144xi32, #tpu.memory_space<smem>>
    %slice3A_28 = vector.extract_strided_slice %get3A_5 {offsets = [5], sizes = [1], strides = [1]} : vector<16xi32> to vector<1xi32>
    %squeeze3A_29 = vector.extract %slice3A_28[0] : i32 from vector<1xi32>
    %swap3A_30 = arith.constant 5 : i32
    %swap3A_31 = arith.index_cast %swap3A_30 : i32 to index
    %swap3A_32 = memref.load %arg7[%swap3A_31] : memref<144xi32, #tpu.memory_space<smem>>
    memref.store %squeeze3A_29, %arg7[%swap3A_31] : memref<144xi32, #tpu.memory_space<smem>>
    %slice3A_33 = vector.extract_strided_slice %get3A_5 {offsets = [6], sizes = [1], strides = [1]} : vector<16xi32> to vector<1xi32>
    %squeeze3A_34 = vector.extract %slice3A_33[0] : i32 from vector<1xi32>
    %swap3A_35 = arith.constant 6 : i32
    %swap3A_36 = arith.index_cast %swap3A_35 : i32 to index
    %swap3A_37 = memref.load %arg7[%swap3A_36] : memref<144xi32, #tpu.memory_space<smem>>
    memref.store %squeeze3A_34, %arg7[%swap3A_36] : memref<144xi32, #tpu.memory_space<smem>>
    %slice3A_38 = vector.extract_strided_slice %get3A_5 {offsets = [7], sizes = [1], strides = [1]} : vector<16xi32> to vector<1xi32>
    %squeeze3A_39 = vector.extract %slice3A_38[0] : i32 from vector<1xi32>
    %swap3A_40 = arith.constant 7 : i32
    %swap3A_41 = arith.index_cast %swap3A_40 : i32 to index
    %swap3A_42 = memref.load %arg7[%swap3A_41] : memref<144xi32, #tpu.memory_space<smem>>
    memref.store %squeeze3A_39, %arg7[%swap3A_41] : memref<144xi32, #tpu.memory_space<smem>>
    %slice3A_43 = vector.extract_strided_slice %get3A_5 {offsets = [8], sizes = [1], strides = [1]} : vector<16xi32> to vector<1xi32>
    %squeeze3A_44 = vector.extract %slice3A_43[0] : i32 from vector<1xi32>
    %swap3A_45 = arith.constant 8 : i32
    %swap3A_46 = arith.index_cast %swap3A_45 : i32 to index
    %swap3A_47 = memref.load %arg7[%swap3A_46] : memref<144xi32, #tpu.memory_space<smem>>
    memref.store %squeeze3A_44, %arg7[%swap3A_46] : memref<144xi32, #tpu.memory_space<smem>>
    %slice3A_48 = vector.extract_strided_slice %get3A_5 {offsets = [9], sizes = [1], strides = [1]} : vector<16xi32> to vector<1xi32>
    %squeeze3A_49 = vector.extract %slice3A_48[0] : i32 from vector<1xi32>
    %swap3A_50 = arith.constant 9 : i32
    %swap3A_51 = arith.index_cast %swap3A_50 : i32 to index
    %swap3A_52 = memref.load %arg7[%swap3A_51] : memref<144xi32, #tpu.memory_space<smem>>
    memref.store %squeeze3A_49, %arg7[%swap3A_51] : memref<144xi32, #tpu.memory_space<smem>>
    %slice3A_53 = vector.extract_strided_slice %get3A_5 {offsets = [10], sizes = [1], strides = [1]} : vector<16xi32> to vector<1xi32>
    %squeeze3A_54 = vector.extract %slice3A_53[0] : i32 from vector<1xi32>
    %swap3A_55 = arith.constant 10 : i32
    %swap3A_56 = arith.index_cast %swap3A_55 : i32 to index
    %swap3A_57 = memref.load %arg7[%swap3A_56] : memref<144xi32, #tpu.memory_space<smem>>
    memref.store %squeeze3A_54, %arg7[%swap3A_56] : memref<144xi32, #tpu.memory_space<smem>>
    %slice3A_58 = vector.extract_strided_slice %get3A_5 {offsets = [11], sizes = [1], strides = [1]} : vector<16xi32> to vector<1xi32>
    %squeeze3A_59 = vector.extract %slice3A_58[0] : i32 from vector<1xi32>
    %swap3A_60 = arith.constant 11 : i32
    %swap3A_61 = arith.index_cast %swap3A_60 : i32 to index
    %swap3A_62 = memref.load %arg7[%swap3A_61] : memref<144xi32, #tpu.memory_space<smem>>
    memref.store %squeeze3A_59, %arg7[%swap3A_61] : memref<144xi32, #tpu.memory_space<smem>>
    %slice3A_63 = vector.extract_strided_slice %get3A_5 {offsets = [12], sizes = [1], strides = [1]} : vector<16xi32> to vector<1xi32>
    %squeeze3A_64 = vector.extract %slice3A_63[0] : i32 from vector<1xi32>
    %swap3A_65 = arith.constant 12 : i32
    %swap3A_66 = arith.index_cast %swap3A_65 : i32 to index
    %swap3A_67 = memref.load %arg7[%swap3A_66] : memref<144xi32, #tpu.memory_space<smem>>
    memref.store %squeeze3A_64, %arg7[%swap3A_66] : memref<144xi32, #tpu.memory_space<smem>>
    %slice3A_68 = vector.extract_strided_slice %get3A_5 {offsets = [13], sizes = [1], strides = [1]} : vector<16xi32> to vector<1xi32>
    %squeeze3A_69 = vector.extract %slice3A_68[0] : i32 from vector<1xi32>
    %swap3A_70 = arith.constant 13 : i32
    %swap3A_71 = arith.index_cast %swap3A_70 : i32 to index
    %swap3A_72 = memref.load %arg7[%swap3A_71] : memref<144xi32, #tpu.memory_space<smem>>
    memref.store %squeeze3A_69, %arg7[%swap3A_71] : memref<144xi32, #tpu.memory_space<smem>>
    %slice3A_73 = vector.extract_strided_slice %get3A_5 {offsets = [14], sizes = [1], strides = [1]} : vector<16xi32> to vector<1xi32>
    %squeeze3A_74 = vector.extract %slice3A_73[0] : i32 from vector<1xi32>
    %swap3A_75 = arith.constant 14 : i32
    %swap3A_76 = arith.index_cast %swap3A_75 : i32 to index
    %swap3A_77 = memref.load %arg7[%swap3A_76] : memref<144xi32, #tpu.memory_space<smem>>
    memref.store %squeeze3A_74, %arg7[%swap3A_76] : memref<144xi32, #tpu.memory_space<smem>>
    %slice3A_78 = vector.extract_strided_slice %get3A_5 {offsets = [15], sizes = [1], strides = [1]} : vector<16xi32> to vector<1xi32>
    %squeeze3A_79 = vector.extract %slice3A_78[0] : i32 from vector<1xi32>
    %swap3A_80 = arith.constant 15 : i32
    %swap3A_81 = arith.index_cast %swap3A_80 : i32 to index
    %swap3A_82 = memref.load %arg7[%swap3A_81] : memref<144xi32, #tpu.memory_space<smem>>
    memref.store %squeeze3A_79, %arg7[%swap3A_81] : memref<144xi32, #tpu.memory_space<smem>>
    %get3A_83 = arith.constant 16 : index
    %get3A_84 = tpu.vector_load %arg9[%get3A_83] {strides = array<i32>} : memref<8192xi32, #tpu.memory_space<vmem>>, vector<16xi32>,
    %get3A_85 = vector.shape_cast %get3A_84 : vector<16xi32> to vector<16xi32>
    %slice3A_86 = vector.extract_strided_slice %get3A_85 {offsets = [0], sizes = [1], strides = [1]} : vector<16xi32> to vector<1xi32>
    %squeeze3A_87 = vector.extract %slice3A_86[0] : i32 from vector<1xi32>
    %swap3A_88 = arith.constant 16 : i32
    %swap3A_89 = arith.index_cast %swap3A_88 : i32 to index
    %swap3A_90 = memref.load %arg7[%swap3A_89] : memref<144xi32, #tpu.memory_space<smem>>
    memref.store %squeeze3A_87, %arg7[%swap3A_89] : memref<144xi32, #tpu.memory_space<smem>>
    %slice3A_91 = vector.extract_strided_slice %get3A_85 {offsets = [1], sizes = [1], strides = [1]} : vector<16xi32> to vector<1xi32>
    %squeeze3A_92 = vector.extract %slice3A_91[0] : i32 from vector<1xi32>
    %swap3A_93 = arith.constant 17 : i32
    %swap3A_94 = arith.index_cast %swap3A_93 : i32 to index
    %swap3A_95 = memref.load %arg7[%swap3A_94] : memref<144xi32, #tpu.memory_space<smem>>
    memref.store %squeeze3A_92, %arg7[%swap3A_94] : memref<144xi32, #tpu.memory_space<smem>>
    %slice3A_96 = vector.extract_strided_slice %get3A_85 {offsets = [2], sizes = [1], strides = [1]} : vector<16xi32> to vector<1xi32>
    %squeeze3A_97 = vector.extract %slice3A_96[0] : i32 from vector<1xi32>
    %swap3A_98 = arith.constant 18 : i32
    %swap3A_99 = arith.index_cast %swap3A_98 : i32 to index
    %swap3A_100 = memref.load %arg7[%swap3A_99] : memref<144xi32, #tpu.memory_space<smem>>
    memref.store %squeeze3A_97, %arg7[%swap3A_99] : memref<144xi32, #tpu.memory_space<smem>>
    %slice3A_101 = vector.extract_strided_slice %get3A_85 {offsets = [3], sizes = [1], strides = [1]} : vector<16xi32> to vector<1xi32>
    %squeeze3A_102 = vector.extract %slice3A_101[0] : i32 from vector<1xi32>
    %swap3A_103 = arith.constant 19 : i32
    %swap3A_104 = arith.index_cast %swap3A_103 : i32 to index
    %swap3A_105 = memref.load %arg7[%swap3A_104] : memref<144xi32, #tpu.memory_space<smem>>
    memref.store %squeeze3A_102, %arg7[%swap3A_104] : memref<144xi32, #tpu.memory_space<smem>>
    %slice3A_106 = vector.extract_strided_slice %get3A_85 {offsets = [4], sizes = [1], strides = [1]} : vector<16xi32> to vector<1xi32>
    %squeeze3A_107 = vector.extract %slice3A_106[0] : i32 from vector<1xi32>
    %swap3A_108 = arith.constant 20 : i32
    %swap3A_109 = arith.index_cast %swap3A_108 : i32 to index
    %swap3A_110 = memref.load %arg7[%swap3A_109] : memref<144xi32, #tpu.memory_space<smem>>
    memref.store %squeeze3A_107, %arg7[%swap3A_109] : memref<144xi32, #tpu.memory_space<smem>>
    %slice3A_111 = vector.extract_strided_slice %get3A_85 {offsets = [5], sizes = [1], strides = [1]} : vector<16xi32> to vector<1xi32>
    %squeeze3A_112 = vector.extract %slice3A_111[0] : i32 from vector<1xi32>
    %swap3A_113 = arith.constant 21 : i32
    %swap3A_114 = arith.index_cast %swap3A_113 : i32 to index
    %swap3A_115 = memref.load %arg7[%swap3A_114] : memref<144xi32, #tpu.memory_space<smem>>
    memref.store %squeeze3A_112, %arg7[%swap3A_114] : memref<144xi32, #tpu.memory_space<smem>>
    %slice3A_116 = vector.extract_strided_slice %get3A_85 {offsets = [6], sizes = [1], strides = [1]} : vector<16xi32> to vector<1xi32>
    %squeeze3A_117 = vector.extract %slice3A_116[0] : i32 from vector<1xi32>
    %swap3A_118 = arith.constant 22 : i32
    %swap3A_119 = arith.index_cast %swap3A_118 : i32 to index
    %swap3A_120 = memref.load %arg7[%swap3A_119] : memref<144xi32, #tpu.memory_space<smem>>
    memref.store %squeeze3A_117, %arg7[%swap3A_119] : memref<144xi32, #tpu.memory_space<smem>>
    %slice3A_121 = vector.extract_strided_slice %get3A_85 {offsets = [7], sizes = [1], strides = [1]} : vector<16xi32> to vector<1xi32>
    %squeeze3A_122 = vector.extract %slice3A_121[0] : i32 from vector<1xi32>
    %swap3A_123 = arith.constant 23 : i32
    %swap3A_124 = arith.index_cast %swap3A_123 : i32 to index
    %swap3A_125 = memref.load %arg7[%swap3A_124] : memref<144xi32, #tpu.memory_space<smem>>
    memref.store %squeeze3A_122, %arg7[%swap3A_124] : memref<144xi32, #tpu.memory_space<smem>>
    %slice3A_126 = vector.extract_strided_slice %get3A_85 {offsets = [8], sizes = [1], strides = [1]} : vector<16xi32> to vector<1xi32>
    %squeeze3A_127 = vector.extract %slice3A_126[0] : i32 from vector<1xi32>
    %swap3A_128 = arith.constant 24 : i32
    %swap3A_129 = arith.index_cast %swap3A_128 : i32 to index
    %swap3A_130 = memref.load %arg7[%swap3A_129] : memref<144xi32, #tpu.memory_space<smem>>
    memref.store %squeeze3A_127, %arg7[%swap3A_129] : memref<144xi32, #tpu.memory_space<smem>>
    %slice3A_131 = vector.extract_strided_slice %get3A_85 {offsets = [9], sizes = [1], strides = [1]} : vector<16xi32> to vector<1xi32>
    %squeeze3A_132 = vector.extract %slice3A_131[0] : i32 from vector<1xi32>
    %swap3A_133 = arith.constant 25 : i32
    %swap3A_134 = arith.index_cast %swap3A_133 : i32 to index
    %swap3A_135 = memref.load %arg7[%swap3A_134] : memref<144xi32, #tpu.memory_space<smem>>
    memref.store %squeeze3A_132, %arg7[%swap3A_134] : memref<144xi32, #tpu.memory_space<smem>>
    %slice3A_136 = vector.extract_strided_slice %get3A_85 {offsets = [10], sizes = [1], strides = [1]} : vector<16xi32> to vector<1xi32>
    %squeeze3A_137 = vector.extract %slice3A_136[0] : i32 from vector<1xi32>
    %swap3A_138 = arith.constant 26 : i32
    %swap3A_139 = arith.index_cast %swap3A_138 : i32 to index
    %swap3A_140 = memref.load %arg7[%swap3A_139] : memref<144xi32, #tpu.memory_space<smem>>
    memref.store %squeeze3A_137, %arg7[%swap3A_139] : memref<144xi32, #tpu.memory_space<smem>>
    %slice3A_141 = vector.extract_strided_slice %get3A_85 {offsets = [11], sizes = [1], strides = [1]} : vector<16xi32> to vector<1xi32>
    %squeeze3A_142 = vector.extract %slice3A_141[0] : i32 from vector<1xi32>
    %swap3A_143 = arith.constant 27 : i32
    %swap3A_144 = arith.index_cast %swap3A_143 : i32 to index
    %swap3A_145 = memref.load %arg7[%swap3A_144] : memref<144xi32, #tpu.memory_space<smem>>
    memref.store %squeeze3A_142, %arg7[%swap3A_144] : memref<144xi32, #tpu.memory_space<smem>>
    %slice3A_146 = vector.extract_strided_slice %get3A_85 {offsets = [12], sizes = [1], strides = [1]} : vector<16xi32> to vector<1xi32>
    %squeeze3A_147 = vector.extract %slice3A_146[0] : i32 from vector<1xi32>
    %swap3A_148 = arith.constant 28 : i32
    %swap3A_149 = arith.index_cast %swap3A_148 : i32 to index
    %swap3A_150 = memref.load %arg7[%swap3A_149] : memref<144xi32, #tpu.memory_space<smem>>
    memref.store %squeeze3A_147, %arg7[%swap3A_149] : memref<144xi32, #tpu.memory_space<smem>>
    %slice3A_151 = vector.extract_strided_slice %get3A_85 {offsets = [13], sizes = [1], strides = [1]} : vector<16xi32> to vector<1xi32>
    %squeeze3A_152 = vector.extract %slice3A_151[0] : i32 from vector<1xi32>
    %swap3A_153 = arith.constant 29 : i32
    %swap3A_154 = arith.index_cast %swap3A_153 : i32 to index
    %swap3A_155 = memref.load %arg7[%swap3A_154] : memref<144xi32, #tpu.memory_space<smem>>
    memref.store %squeeze3A_152, %arg7[%swap3A_154] : memref<144xi32, #tpu.memory_space<smem>>
    %slice3A_156 = vector.extract_strided_slice %get3A_85 {offsets = [14], sizes = [1], strides = [1]} : vector<16xi32> to vector<1xi32>
    %squeeze3A_157 = vector.extract %slice3A_156[0] : i32 from vector<1xi32>
    %swap3A_158 = arith.constant 30 : i32
    %swap3A_159 = arith.index_cast %swap3A_158 : i32 to index
    %swap3A_160 = memref.load %arg7[%swap3A_159] : memref<144xi32, #tpu.memory_space<smem>>
    memref.store %squeeze3A_157, %arg7[%swap3A_159] : memref<144xi32, #tpu.memory_space<smem>>
    %slice3A_161 = vector.extract_strided_slice %get3A_85 {offsets = [15], sizes = [1], strides = [1]} : vector<16xi32> to vector<1xi32>
    %squeeze3A_162 = vector.extract %slice3A_161[0] : i32 from vector<1xi32>
    %swap3A_163 = arith.constant 31 : i32
    %swap3A_164 = arith.index_cast %swap3A_163 : i32 to index
    %swap3A_165 = memref.load %arg7[%swap3A_164] : memref<144xi32, #tpu.memory_space<smem>>
    memref.store %squeeze3A_162, %arg7[%swap3A_164] : memref<144xi32, #tpu.memory_space<smem>>
    %get3A_166 = arith.constant 32 : index
    %get3A_167 = tpu.vector_load %arg9[%get3A_166] {strides = array<i32>} : memref<8192xi32, #tpu.memory_space<vmem>>, vector<16xi32>,
    %get3A_168 = vector.shape_cast %get3A_167 : vector<16xi32> to vector<16xi32>
    %slice3A_169 = vector.extract_strided_slice %get3A_168 {offsets = [0], sizes = [1], strides = [1]} : vector<16xi32> to vector<1xi32>
    %squeeze3A_170 = vector.extract %slice3A_169[0] : i32 from vector<1xi32>
    %swap3A_171 = arith.constant 32 : i32
    %swap3A_172 = arith.index_cast %swap3A_171 : i32 to index
    %swap3A_173 = memref.load %arg7[%swap3A_172] : memref<144xi32, #tpu.memory_space<smem>>
    memref.store %squeeze3A_170, %arg7[%swap3A_172] : memref<144xi32, #tpu.memory_space<smem>>
    %slice3A_174 = vector.extract_strided_slice %get3A_168 {offsets = [1], sizes = [1], strides = [1]} : vector<16xi32> to vector<1xi32>
    %squeeze3A_175 = vector.extract %slice3A_174[0] : i32 from vector<1xi32>
    %swap3A_176 = arith.constant 33 : i32
    %swap3A_177 = arith.index_cast %swap3A_176 : i32 to index
    %swap3A_178 = memref.load %arg7[%swap3A_177] : memref<144xi32, #tpu.memory_space<smem>>
    memref.store %squeeze3A_175, %arg7[%swap3A_177] : memref<144xi32, #tpu.memory_space<smem>>
    %slice3A_179 = vector.extract_strided_slice %get3A_168 {offsets = [2], sizes = [1], strides = [1]} : vector<16xi32> to vector<1xi32>
    %squeeze3A_180 = vector.extract %slice3A_179[0] : i32 from vector<1xi32>
    %swap3A_181 = arith.constant 34 : i32
    %swap3A_182 = arith.index_cast %swap3A_181 : i32 to index
    %swap3A_183 = memref.load %arg7[%swap3A_182] : memref<144xi32, #tpu.memory_space<smem>>
    memref.store %squeeze3A_180, %arg7[%swap3A_182] : memref<144xi32, #tpu.memory_space<smem>>
    %slice3A_184 = vector.extract_strided_slice %get3A_168 {offsets = [3], sizes = [1], strides = [1]} : vector<16xi32> to vector<1xi32>
    %squeeze3A_185 = vector.extract %slice3A_184[0] : i32 from vector<1xi32>
    %swap3A_186 = arith.constant 35 : i32
    %swap3A_187 = arith.index_cast %swap3A_186 : i32 to index
    %swap3A_188 = memref.load %arg7[%swap3A_187] : memref<144xi32, #tpu.memory_space<smem>>
    memref.store %squeeze3A_185, %arg7[%swap3A_187] : memref<144xi32, #tpu.memory_space<smem>>
    %slice3A_189 = vector.extract_strided_slice %get3A_168 {offsets = [4], sizes = [1], strides = [1]} : vector<16xi32> to vector<1xi32>
    %squeeze3A_190 = vector.extract %slice3A_189[0] : i32 from vector<1xi32>
    %swap3A_191 = arith.constant 36 : i32
    %swap3A_192 = arith.index_cast %swap3A_191 : i32 to index
    %swap3A_193 = memref.load %arg7[%swap3A_192] : memref<144xi32, #tpu.memory_space<smem>>
    memref.store %squeeze3A_190, %arg7[%swap3A_192] : memref<144xi32, #tpu.memory_space<smem>>
    %slice3A_194 = vector.extract_strided_slice %get3A_168 {offsets = [5], sizes = [1], strides = [1]} : vector<16xi32> to vector<1xi32>
    %squeeze3A_195 = vector.extract %slice3A_194[0] : i32 from vector<1xi32>
    %swap3A_196 = arith.constant 37 : i32
    %swap3A_197 = arith.index_cast %swap3A_196 : i32 to index
    %swap3A_198 = memref.load %arg7[%swap3A_197] : memref<144xi32, #tpu.memory_space<smem>>
    memref.store %squeeze3A_195, %arg7[%swap3A_197] : memref<144xi32, #tpu.memory_space<smem>>
    %slice3A_199 = vector.extract_strided_slice %get3A_168 {offsets = [6], sizes = [1], strides = [1]} : vector<16xi32> to vector<1xi32>
    %squeeze3A_200 = vector.extract %slice3A_199[0] : i32 from vector<1xi32>
    %swap3A_201 = arith.constant 38 : i32
    %swap3A_202 = arith.index_cast %swap3A_201 : i32 to index
    %swap3A_203 = memref.load %arg7[%swap3A_202] : memref<144xi32, #tpu.memory_space<smem>>
    memref.store %squeeze3A_200, %arg7[%swap3A_202] : memref<144xi32, #tpu.memory_space<smem>>
    %slice3A_204 = vector.extract_strided_slice %get3A_168 {offsets = [7], sizes = [1], strides = [1]} : vector<16xi32> to vector<1xi32>
    %squeeze3A_205 = vector.extract %slice3A_204[0] : i32 from vector<1xi32>
    %swap3A_206 = arith.constant 39 : i32
    %swap3A_207 = arith.index_cast %swap3A_206 : i32 to index
    %swap3A_208 = memref.load %arg7[%swap3A_207] : memref<144xi32, #tpu.memory_space<smem>>
    memref.store %squeeze3A_205, %arg7[%swap3A_207] : memref<144xi32, #tpu.memory_space<smem>>
    %slice3A_209 = vector.extract_strided_slice %get3A_168 {offsets = [8], sizes = [1], strides = [1]} : vector<16xi32> to vector<1xi32>
    %squeeze3A_210 = vector.extract %slice3A_209[0] : i32 from vector<1xi32>
    %swap3A_211 = arith.constant 40 : i32
    %swap3A_212 = arith.index_cast %swap3A_211 : i32 to index
    %swap3A_213 = memref.load %arg7[%swap3A_212] : memref<144xi32, #tpu.memory_space<smem>>
    memref.store %squeeze3A_210, %arg7[%swap3A_212] : memref<144xi32, #tpu.memory_space<smem>>
    %slice3A_214 = vector.extract_strided_slice %get3A_168 {offsets = [9], sizes = [1], strides = [1]} : vector<16xi32> to vector<1xi32>
    %squeeze3A_215 = vector.extract %slice3A_214[0] : i32 from vector<1xi32>
    %swap3A_216 = arith.constant 41 : i32
    %swap3A_217 = arith.index_cast %swap3A_216 : i32 to index
    %swap3A_218 = memref.load %arg7[%swap3A_217] : memref<144xi32, #tpu.memory_space<smem>>
    memref.store %squeeze3A_215, %arg7[%swap3A_217] : memref<144xi32, #tpu.memory_space<smem>>
    %slice3A_219 = vector.extract_strided_slice %get3A_168 {offsets = [10], sizes = [1], strides = [1]} : vector<16xi32> to vector<1xi32>
    %squeeze3A_220 = vector.extract %slice3A_219[0] : i32 from vector<1xi32>
    %swap3A_221 = arith.constant 42 : i32
    %swap3A_222 = arith.index_cast %swap3A_221 : i32 to index
    %swap3A_223 = memref.load %arg7[%swap3A_222] : memref<144xi32, #tpu.memory_space<smem>>
    memref.store %squeeze3A_220, %arg7[%swap3A_222] : memref<144xi32, #tpu.memory_space<smem>>
    %slice3A_224 = vector.extract_strided_slice %get3A_168 {offsets = [11], sizes = [1], strides = [1]} : vector<16xi32> to vector<1xi32>
    %squeeze3A_225 = vector.extract %slice3A_224[0] : i32 from vector<1xi32>
    %swap3A_226 = arith.constant 43 : i32
    %swap3A_227 = arith.index_cast %swap3A_226 : i32 to index
    %swap3A_228 = memref.load %arg7[%swap3A_227] : memref<144xi32, #tpu.memory_space<smem>>
    memref.store %squeeze3A_225, %arg7[%swap3A_227] : memref<144xi32, #tpu.memory_space<smem>>
    %slice3A_229 = vector.extract_strided_slice %get3A_168 {offsets = [12], sizes = [1], strides = [1]} : vector<16xi32> to vector<1xi32>
    %squeeze3A_230 = vector.extract %slice3A_229[0] : i32 from vector<1xi32>
    %swap3A_231 = arith.constant 44 : i32
    %swap3A_232 = arith.index_cast %swap3A_231 : i32 to index
    %swap3A_233 = memref.load %arg7[%swap3A_232] : memref<144xi32, #tpu.memory_space<smem>>
    memref.store %squeeze3A_230, %arg7[%swap3A_232] : memref<144xi32, #tpu.memory_space<smem>>
    %slice3A_234 = vector.extract_strided_slice %get3A_168 {offsets = [13], sizes = [1], strides = [1]} : vector<16xi32> to vector<1xi32>
    %squeeze3A_235 = vector.extract %slice3A_234[0] : i32 from vector<1xi32>
    %swap3A_236 = arith.constant 45 : i32
    %swap3A_237 = arith.index_cast %swap3A_236 : i32 to index
    %swap3A_238 = memref.load %arg7[%swap3A_237] : memref<144xi32, #tpu.memory_space<smem>>
    memref.store %squeeze3A_235, %arg7[%swap3A_237] : memref<144xi32, #tpu.memory_space<smem>>
    %slice3A_239 = vector.extract_strided_slice %get3A_168 {offsets = [14], sizes = [1], strides = [1]} : vector<16xi32> to vector<1xi32>
    %squeeze3A_240 = vector.extract %slice3A_239[0] : i32 from vector<1xi32>
    %swap3A_241 = arith.constant 46 : i32
    %swap3A_242 = arith.index_cast %swap3A_241 : i32 to index
    %swap3A_243 = memref.load %arg7[%swap3A_242] : memref<144xi32, #tpu.memory_space<smem>>
    memref.store %squeeze3A_240, %arg7[%swap3A_242] : memref<144xi32, #tpu.memory_space<smem>>
    %slice3A_244 = vector.extract_strided_slice %get3A_168 {offsets = [15], sizes = [1], strides = [1]} : vector<16xi32> to vector<1xi32>
    %squeeze3A_245 = vector.extract %slice3A_244[0] : i32 from vector<1xi32>
    %swap3A_246 = arith.constant 47 : i32
    %swap3A_247 = arith.index_cast %swap3A_246 : i32 to index
    %swap3A_248 = memref.load %arg7[%swap3A_247] : memref<144xi32, #tpu.memory_space<smem>>
    memref.store %squeeze3A_245, %arg7[%swap3A_247] : memref<144xi32, #tpu.memory_space<smem>>
    %get3A_249 = arith.constant 48 : index
    %get3A_250 = tpu.vector_load %arg9[%get3A_249] {strides = array<i32>} : memref<8192xi32, #tpu.memory_space<vmem>>, vector<16xi32>,
    %get3A_251 = vector.shape_cast %get3A_250 : vector<16xi32> to vector<16xi32>
    %slice3A_252 = vector.extract_strided_slice %get3A_251 {offsets = [0], sizes = [1], strides = [1]} : vector<16xi32> to vector<1xi32>
    %squeeze3A_253 = vector.extract %slice3A_252[0] : i32 from vector<1xi32>
    %swap3A_254 = arith.constant 48 : i32
    %swap3A_255 = arith.index_cast %swap3A_254 : i32 to index
    %swap3A_256 = memref.load %arg7[%swap3A_255] : memref<144xi32, #tpu.memory_space<smem>>
    memref.store %squeeze3A_253, %arg7[%swap3A_255] : memref<144xi32, #tpu.memory_space<smem>>
    %slice3A_257 = vector.extract_strided_slice %get3A_251 {offsets = [1], sizes = [1], strides = [1]} : vector<16xi32> to vector<1xi32>
    %squeeze3A_258 = vector.extract %slice3A_257[0] : i32 from vector<1xi32>
    %swap3A_259 = arith.constant 49 : i32
    %swap3A_260 = arith.index_cast %swap3A_259 : i32 to index
    %swap3A_261 = memref.load %arg7[%swap3A_260] : memref<144xi32, #tpu.memory_space<smem>>
    memref.store %squeeze3A_258, %arg7[%swap3A_260] : memref<144xi32, #tpu.memory_space<smem>>
    %slice3A_262 = vector.extract_strided_slice %get3A_251 {offsets = [2], sizes = [1], strides = [1]} : vector<16xi32> to vector<1xi32>
    %squeeze3A_263 = vector.extract %slice3A_262[0] : i32 from vector<1xi32>
    %swap3A_264 = arith.constant 50 : i32
    %swap3A_265 = arith.index_cast %swap3A_264 : i32 to index
    %swap3A_266 = memref.load %arg7[%swap3A_265] : memref<144xi32, #tpu.memory_space<smem>>
    memref.store %squeeze3A_263, %arg7[%swap3A_265] : memref<144xi32, #tpu.memory_space<smem>>
    %slice3A_267 = vector.extract_strided_slice %get3A_251 {offsets = [3], sizes = [1], strides = [1]} : vector<16xi32> to vector<1xi32>
    %squeeze3A_268 = vector.extract %slice3A_267[0] : i32 from vector<1xi32>
    %swap3A_269 = arith.constant 51 : i32
    %swap3A_270 = arith.index_cast %swap3A_269 : i32 to index
    %swap3A_271 = memref.load %arg7[%swap3A_270] : memref<144xi32, #tpu.memory_space<smem>>
    memref.store %squeeze3A_268, %arg7[%swap3A_270] : memref<144xi32, #tpu.memory_space<smem>>
    %slice3A_272 = vector.extract_strided_slice %get3A_251 {offsets = [4], sizes = [1], strides = [1]} : vector<16xi32> to vector<1xi32>
    %squeeze3A_273 = vector.extract %slice3A_272[0] : i32 from vector<1xi32>
    %swap3A_274 = arith.constant 52 : i32
    %swap3A_275 = arith.index_cast %swap3A_274 : i32 to index
    %swap3A_276 = memref.load %arg7[%swap3A_275] : memref<144xi32, #tpu.memory_space<smem>>
    memref.store %squeeze3A_273, %arg7[%swap3A_275] : memref<144xi32, #tpu.memory_space<smem>>
    %slice3A_277 = vector.extract_strided_slice %get3A_251 {offsets = [5], sizes = [1], strides = [1]} : vector<16xi32> to vector<1xi32>
    %squeeze3A_278 = vector.extract %slice3A_277[0] : i32 from vector<1xi32>
    %swap3A_279 = arith.constant 53 : i32
    %swap3A_280 = arith.index_cast %swap3A_279 : i32 to index
    %swap3A_281 = memref.load %arg7[%swap3A_280] : memref<144xi32, #tpu.memory_space<smem>>
    memref.store %squeeze3A_278, %arg7[%swap3A_280] : memref<144xi32, #tpu.memory_space<smem>>
    %slice3A_282 = vector.extract_strided_slice %get3A_251 {offsets = [6], sizes = [1], strides = [1]} : vector<16xi32> to vector<1xi32>
    %squeeze3A_283 = vector.extract %slice3A_282[0] : i32 from vector<1xi32>
    %swap3A_284 = arith.constant 54 : i32
    %swap3A_285 = arith.index_cast %swap3A_284 : i32 to index
    %swap3A_286 = memref.load %arg7[%swap3A_285] : memref<144xi32, #tpu.memory_space<smem>>
    memref.store %squeeze3A_283, %arg7[%swap3A_285] : memref<144xi32, #tpu.memory_space<smem>>
    %slice3A_287 = vector.extract_strided_slice %get3A_251 {offsets = [7], sizes = [1], strides = [1]} : vector<16xi32> to vector<1xi32>
    %squeeze3A_288 = vector.extract %slice3A_287[0] : i32 from vector<1xi32>
    %swap3A_289 = arith.constant 55 : i32
    %swap3A_290 = arith.index_cast %swap3A_289 : i32 to index
    %swap3A_291 = memref.load %arg7[%swap3A_290] : memref<144xi32, #tpu.memory_space<smem>>
    memref.store %squeeze3A_288, %arg7[%swap3A_290] : memref<144xi32, #tpu.memory_space<smem>>
    %slice3A_292 = vector.extract_strided_slice %get3A_251 {offsets = [8], sizes = [1], strides = [1]} : vector<16xi32> to vector<1xi32>
    %squeeze3A_293 = vector.extract %slice3A_292[0] : i32 from vector<1xi32>
    %swap3A_294 = arith.constant 56 : i32
    %swap3A_295 = arith.index_cast %swap3A_294 : i32 to index
    %swap3A_296 = memref.load %arg7[%swap3A_295] : memref<144xi32, #tpu.memory_space<smem>>
    memref.store %squeeze3A_293, %arg7[%swap3A_295] : memref<144xi32, #tpu.memory_space<smem>>
    %slice3A_297 = vector.extract_strided_slice %get3A_251 {offsets = [9], sizes = [1], strides = [1]} : vector<16xi32> to vector<1xi32>
    %squeeze3A_298 = vector.extract %slice3A_297[0] : i32 from vector<1xi32>
    %swap3A_299 = arith.constant 57 : i32
    %swap3A_300 = arith.index_cast %swap3A_299 : i32 to index
    %swap3A_301 = memref.load %arg7[%swap3A_300] : memref<144xi32, #tpu.memory_space<smem>>
    memref.store %squeeze3A_298, %arg7[%swap3A_300] : memref<144xi32, #tpu.memory_space<smem>>
    %slice3A_302 = vector.extract_strided_slice %get3A_251 {offsets = [10], sizes = [1], strides = [1]} : vector<16xi32> to vector<1xi32>
    %squeeze3A_303 = vector.extract %slice3A_302[0] : i32 from vector<1xi32>
    %swap3A_304 = arith.constant 58 : i32
    %swap3A_305 = arith.index_cast %swap3A_304 : i32 to index
    %swap3A_306 = memref.load %arg7[%swap3A_305] : memref<144xi32, #tpu.memory_space<smem>>
    memref.store %squeeze3A_303, %arg7[%swap3A_305] : memref<144xi32, #tpu.memory_space<smem>>
    %slice3A_307 = vector.extract_strided_slice %get3A_251 {offsets = [11], sizes = [1], strides = [1]} : vector<16xi32> to vector<1xi32>
    %squeeze3A_308 = vector.extract %slice3A_307[0] : i32 from vector<1xi32>
    %swap3A_309 = arith.constant 59 : i32
    %swap3A_310 = arith.index_cast %swap3A_309 : i32 to index
    %swap3A_311 = memref.load %arg7[%swap3A_310] : memref<144xi32, #tpu.memory_space<smem>>
    memref.store %squeeze3A_308, %arg7[%swap3A_310] : memref<144xi32, #tpu.memory_space<smem>>
    %slice3A_312 = vector.extract_strided_slice %get3A_251 {offsets = [12], sizes = [1], strides = [1]} : vector<16xi32> to vector<1xi32>
    %squeeze3A_313 = vector.extract %slice3A_312[0] : i32 from vector<1xi32>
    %swap3A_314 = arith.constant 60 : i32
    %swap3A_315 = arith.index_cast %swap3A_314 : i32 to index
    %swap3A_316 = memref.load %arg7[%swap3A_315] : memref<144xi32, #tpu.memory_space<smem>>
    memref.store %squeeze3A_313, %arg7[%swap3A_315] : memref<144xi32, #tpu.memory_space<smem>>
    %slice3A_317 = vector.extract_strided_slice %get3A_251 {offsets = [13], sizes = [1], strides = [1]} : vector<16xi32> to vector<1xi32>
    %squeeze3A_318 = vector.extract %slice3A_317[0] : i32 from vector<1xi32>
    %swap3A_319 = arith.constant 61 : i32
    %swap3A_320 = arith.index_cast %swap3A_319 : i32 to index
    %swap3A_321 = memref.load %arg7[%swap3A_320] : memref<144xi32, #tpu.memory_space<smem>>
    memref.store %squeeze3A_318, %arg7[%swap3A_320] : memref<144xi32, #tpu.memory_space<smem>>
    %slice3A_322 = vector.extract_strided_slice %get3A_251 {offsets = [14], sizes = [1], strides = [1]} : vector<16xi32> to vector<1xi32>
    %squeeze3A_323 = vector.extract %slice3A_322[0] : i32 from vector<1xi32>
    %swap3A_324 = arith.constant 62 : i32
    %swap3A_325 = arith.index_cast %swap3A_324 : i32 to index
    %swap3A_326 = memref.load %arg7[%swap3A_325] : memref<144xi32, #tpu.memory_space<smem>>
    memref.store %squeeze3A_323, %arg7[%swap3A_325] : memref<144xi32, #tpu.memory_space<smem>>
    %slice3A_327 = vector.extract_strided_slice %get3A_251 {offsets = [15], sizes = [1], strides = [1]} : vector<16xi32> to vector<1xi32>
    %squeeze3A_328 = vector.extract %slice3A_327[0] : i32 from vector<1xi32>
    %swap3A_329 = arith.constant 63 : i32
    %swap3A_330 = arith.index_cast %swap3A_329 : i32 to index
    %swap3A_331 = memref.load %arg7[%swap3A_330] : memref<144xi32, #tpu.memory_space<smem>>
    memref.store %squeeze3A_328, %arg7[%swap3A_330] : memref<144xi32, #tpu.memory_space<smem>>
    %get3A_332 = arith.constant 64 : index
    %get3A_333 = tpu.vector_load %arg9[%get3A_332] {strides = array<i32>} : memref<8192xi32, #tpu.memory_space<vmem>>, vector<16xi32>,
    %get3A_334 = vector.shape_cast %get3A_333 : vector<16xi32> to vector<16xi32>
    %slice3A_335 = vector.extract_strided_slice %get3A_334 {offsets = [0], sizes = [1], strides = [1]} : vector<16xi32> to vector<1xi32>
    %squeeze3A_336 = vector.extract %slice3A_335[0] : i32 from vector<1xi32>
    %swap3A_337 = arith.constant 64 : i32
    %swap3A_338 = arith.index_cast %swap3A_337 : i32 to index
    %swap3A_339 = memref.load %arg7[%swap3A_338] : memref<144xi32, #tpu.memory_space<smem>>
    memref.store %squeeze3A_336, %arg7[%swap3A_338] : memref<144xi32, #tpu.memory_space<smem>>
    %slice3A_340 = vector.extract_strided_slice %get3A_334 {offsets = [1], sizes = [1], strides = [1]} : vector<16xi32> to vector<1xi32>
    %squeeze3A_341 = vector.extract %slice3A_340[0] : i32 from vector<1xi32>
    %swap3A_342 = arith.constant 65 : i32
    %swap3A_343 = arith.index_cast %swap3A_342 : i32 to index
    %swap3A_344 = memref.load %arg7[%swap3A_343] : memref<144xi32, #tpu.memory_space<smem>>
    memref.store %squeeze3A_341, %arg7[%swap3A_343] : memref<144xi32, #tpu.memory_space<smem>>
    %slice3A_345 = vector.extract_strided_slice %get3A_334 {offsets = [2], sizes = [1], strides = [1]} : vector<16xi32> to vector<1xi32>
    %squeeze3A_346 = vector.extract %slice3A_345[0] : i32 from vector<1xi32>
    %swap3A_347 = arith.constant 66 : i32
    %swap3A_348 = arith.index_cast %swap3A_347 : i32 to index
    %swap3A_349 = memref.load %arg7[%swap3A_348] : memref<144xi32, #tpu.memory_space<smem>>
    memref.store %squeeze3A_346, %arg7[%swap3A_348] : memref<144xi32, #tpu.memory_space<smem>>
    %slice3A_350 = vector.extract_strided_slice %get3A_334 {offsets = [3], sizes = [1], strides = [1]} : vector<16xi32> to vector<1xi32>
    %squeeze3A_351 = vector.extract %slice3A_350[0] : i32 from vector<1xi32>
    %swap3A_352 = arith.constant 67 : i32
    %swap3A_353 = arith.index_cast %swap3A_352 : i32 to index
    %swap3A_354 = memref.load %arg7[%swap3A_353] : memref<144xi32, #tpu.memory_space<smem>>
    memref.store %squeeze3A_351, %arg7[%swap3A_353] : memref<144xi32, #tpu.memory_space<smem>>
    %slice3A_355 = vector.extract_strided_slice %get3A_334 {offsets = [4], sizes = [1], strides = [1]} : vector<16xi32> to vector<1xi32>
    %squeeze3A_356 = vector.extract %slice3A_355[0] : i32 from vector<1xi32>
    %swap3A_357 = arith.constant 68 : i32
    %swap3A_358 = arith.index_cast %swap3A_357 : i32 to index
    %swap3A_359 = memref.load %arg7[%swap3A_358] : memref<144xi32, #tpu.memory_space<smem>>
    memref.store %squeeze3A_356, %arg7[%swap3A_358] : memref<144xi32, #tpu.memory_space<smem>>
    %slice3A_360 = vector.extract_strided_slice %get3A_334 {offsets = [5], sizes = [1], strides = [1]} : vector<16xi32> to vector<1xi32>
    %squeeze3A_361 = vector.extract %slice3A_360[0] : i32 from vector<1xi32>
    %swap3A_362 = arith.constant 69 : i32
    %swap3A_363 = arith.index_cast %swap3A_362 : i32 to index
    %swap3A_364 = memref.load %arg7[%swap3A_363] : memref<144xi32, #tpu.memory_space<smem>>
    memref.store %squeeze3A_361, %arg7[%swap3A_363] : memref<144xi32, #tpu.memory_space<smem>>
    %slice3A_365 = vector.extract_strided_slice %get3A_334 {offsets = [6], sizes = [1], strides = [1]} : vector<16xi32> to vector<1xi32>
    %squeeze3A_366 = vector.extract %slice3A_365[0] : i32 from vector<1xi32>
    %swap3A_367 = arith.constant 70 : i32
    %swap3A_368 = arith.index_cast %swap3A_367 : i32 to index
    %swap3A_369 = memref.load %arg7[%swap3A_368] : memref<144xi32, #tpu.memory_space<smem>>
    memref.store %squeeze3A_366, %arg7[%swap3A_368] : memref<144xi32, #tpu.memory_space<smem>>
    %slice3A_370 = vector.extract_strided_slice %get3A_334 {offsets = [7], sizes = [1], strides = [1]} : vector<16xi32> to vector<1xi32>
    %squeeze3A_371 = vector.extract %slice3A_370[0] : i32 from vector<1xi32>
    %swap3A_372 = arith.constant 71 : i32
    %swap3A_373 = arith.index_cast %swap3A_372 : i32 to index
    %swap3A_374 = memref.load %arg7[%swap3A_373] : memref<144xi32, #tpu.memory_space<smem>>
    memref.store %squeeze3A_371, %arg7[%swap3A_373] : memref<144xi32, #tpu.memory_space<smem>>
    %slice3A_375 = vector.extract_strided_slice %get3A_334 {offsets = [8], sizes = [1], strides = [1]} : vector<16xi32> to vector<1xi32>
    %squeeze3A_376 = vector.extract %slice3A_375[0] : i32 from vector<1xi32>
    %swap3A_377 = arith.constant 72 : i32
    %swap3A_378 = arith.index_cast %swap3A_377 : i32 to index
    %swap3A_379 = memref.load %arg7[%swap3A_378] : memref<144xi32, #tpu.memory_space<smem>>
    memref.store %squeeze3A_376, %arg7[%swap3A_378] : memref<144xi32, #tpu.memory_space<smem>>
    %slice3A_380 = vector.extract_strided_slice %get3A_334 {offsets = [9], sizes = [1], strides = [1]} : vector<16xi32> to vector<1xi32>
    %squeeze3A_381 = vector.extract %slice3A_380[0] : i32 from vector<1xi32>
    %swap3A_382 = arith.constant 73 : i32
    %swap3A_383 = arith.index_cast %swap3A_382 : i32 to index
    %swap3A_384 = memref.load %arg7[%swap3A_383] : memref<144xi32, #tpu.memory_space<smem>>
    memref.store %squeeze3A_381, %arg7[%swap3A_383] : memref<144xi32, #tpu.memory_space<smem>>
    %slice3A_385 = vector.extract_strided_slice %get3A_334 {offsets = [10], sizes = [1], strides = [1]} : vector<16xi32> to vector<1xi32>
    %squeeze3A_386 = vector.extract %slice3A_385[0] : i32 from vector<1xi32>
    %swap3A_387 = arith.constant 74 : i32
    %swap3A_388 = arith.index_cast %swap3A_387 : i32 to index
    %swap3A_389 = memref.load %arg7[%swap3A_388] : memref<144xi32, #tpu.memory_space<smem>>
    memref.store %squeeze3A_386, %arg7[%swap3A_388] : memref<144xi32, #tpu.memory_space<smem>>
    %slice3A_390 = vector.extract_strided_slice %get3A_334 {offsets = [11], sizes = [1], strides = [1]} : vector<16xi32> to vector<1xi32>
    %squeeze3A_391 = vector.extract %slice3A_390[0] : i32 from vector<1xi32>
    %swap3A_392 = arith.constant 75 : i32
    %swap3A_393 = arith.index_cast %swap3A_392 : i32 to index
    %swap3A_394 = memref.load %arg7[%swap3A_393] : memref<144xi32, #tpu.memory_space<smem>>
    memref.store %squeeze3A_391, %arg7[%swap3A_393] : memref<144xi32, #tpu.memory_space<smem>>
    %slice3A_395 = vector.extract_strided_slice %get3A_334 {offsets = [12], sizes = [1], strides = [1]} : vector<16xi32> to vector<1xi32>
    %squeeze3A_396 = vector.extract %slice3A_395[0] : i32 from vector<1xi32>
    %swap3A_397 = arith.constant 76 : i32
    %swap3A_398 = arith.index_cast %swap3A_397 : i32 to index
    %swap3A_399 = memref.load %arg7[%swap3A_398] : memref<144xi32, #tpu.memory_space<smem>>
    memref.store %squeeze3A_396, %arg7[%swap3A_398] : memref<144xi32, #tpu.memory_space<smem>>
    %slice3A_400 = vector.extract_strided_slice %get3A_334 {offsets = [13], sizes = [1], strides = [1]} : vector<16xi32> to vector<1xi32>
    %squeeze3A_401 = vector.extract %slice3A_400[0] : i32 from vector<1xi32>
    %swap3A_402 = arith.constant 77 : i32
    %swap3A_403 = arith.index_cast %swap3A_402 : i32 to index
    %swap3A_404 = memref.load %arg7[%swap3A_403] : memref<144xi32, #tpu.memory_space<smem>>
    memref.store %squeeze3A_401, %arg7[%swap3A_403] : memref<144xi32, #tpu.memory_space<smem>>
    %slice3A_405 = vector.extract_strided_slice %get3A_334 {offsets = [14], sizes = [1], strides = [1]} : vector<16xi32> to vector<1xi32>
    %squeeze3A_406 = vector.extract %slice3A_405[0] : i32 from vector<1xi32>
    %swap3A_407 = arith.constant 78 : i32
    %swap3A_408 = arith.index_cast %swap3A_407 : i32 to index
    %swap3A_409 = memref.load %arg7[%swap3A_408] : memref<144xi32, #tpu.memory_space<smem>>
    memref.store %squeeze3A_406, %arg7[%swap3A_408] : memref<144xi32, #tpu.memory_space<smem>>
    %slice3A_410 = vector.extract_strided_slice %get3A_334 {offsets = [15], sizes = [1], strides = [1]} : vector<16xi32> to vector<1xi32>
    %squeeze3A_411 = vector.extract %slice3A_410[0] : i32 from vector<1xi32>
    %swap3A_412 = arith.constant 79 : i32
    %swap3A_413 = arith.index_cast %swap3A_412 : i32 to index
    %swap3A_414 = memref.load %arg7[%swap3A_413] : memref<144xi32, #tpu.memory_space<smem>>
    memref.store %squeeze3A_411, %arg7[%swap3A_413] : memref<144xi32, #tpu.memory_space<smem>>
    %get3A_415 = arith.constant 80 : index
    %get3A_416 = tpu.vector_load %arg9[%get3A_415] {strides = array<i32>} : memref<8192xi32, #tpu.memory_space<vmem>>, vector<16xi32>,
    %get3A_417 = vector.shape_cast %get3A_416 : vector<16xi32> to vector<16xi32>
    %slice3A_418 = vector.extract_strided_slice %get3A_417 {offsets = [0], sizes = [1], strides = [1]} : vector<16xi32> to vector<1xi32>
    %squeeze3A_419 = vector.extract %slice3A_418[0] : i32 from vector<1xi32>
    %swap3A_420 = arith.constant 80 : i32
    %swap3A_421 = arith.index_cast %swap3A_420 : i32 to index
    %swap3A_422 = memref.load %arg7[%swap3A_421] : memref<144xi32, #tpu.memory_space<smem>>
    memref.store %squeeze3A_419, %arg7[%swap3A_421] : memref<144xi32, #tpu.memory_space<smem>>
    %slice3A_423 = vector.extract_strided_slice %get3A_417 {offsets = [1], sizes = [1], strides = [1]} : vector<16xi32> to vector<1xi32>
    %squeeze3A_424 = vector.extract %slice3A_423[0] : i32 from vector<1xi32>
    %swap3A_425 = arith.constant 81 : i32
    %swap3A_426 = arith.index_cast %swap3A_425 : i32 to index
    %swap3A_427 = memref.load %arg7[%swap3A_426] : memref<144xi32, #tpu.memory_space<smem>>
    memref.store %squeeze3A_424, %arg7[%swap3A_426] : memref<144xi32, #tpu.memory_space<smem>>
    %slice3A_428 = vector.extract_strided_slice %get3A_417 {offsets = [2], sizes = [1], strides = [1]} : vector<16xi32> to vector<1xi32>
    %squeeze3A_429 = vector.extract %slice3A_428[0] : i32 from vector<1xi32>
    %swap3A_430 = arith.constant 82 : i32
    %swap3A_431 = arith.index_cast %swap3A_430 : i32 to index
    %swap3A_432 = memref.load %arg7[%swap3A_431] : memref<144xi32, #tpu.memory_space<smem>>
    memref.store %squeeze3A_429, %arg7[%swap3A_431] : memref<144xi32, #tpu.memory_space<smem>>
    %slice3A_433 = vector.extract_strided_slice %get3A_417 {offsets = [3], sizes = [1], strides = [1]} : vector<16xi32> to vector<1xi32>
    %squeeze3A_434 = vector.extract %slice3A_433[0] : i32 from vector<1xi32>
    %swap3A_435 = arith.constant 83 : i32
    %swap3A_436 = arith.index_cast %swap3A_435 : i32 to index
    %swap3A_437 = memref.load %arg7[%swap3A_436] : memref<144xi32, #tpu.memory_space<smem>>
    memref.store %squeeze3A_434, %arg7[%swap3A_436] : memref<144xi32, #tpu.memory_space<smem>>
    %slice3A_438 = vector.extract_strided_slice %get3A_417 {offsets = [4], sizes = [1], strides = [1]} : vector<16xi32> to vector<1xi32>
    %squeeze3A_439 = vector.extract %slice3A_438[0] : i32 from vector<1xi32>
    %swap3A_440 = arith.constant 84 : i32
    %swap3A_441 = arith.index_cast %swap3A_440 : i32 to index
    %swap3A_442 = memref.load %arg7[%swap3A_441] : memref<144xi32, #tpu.memory_space<smem>>
    memref.store %squeeze3A_439, %arg7[%swap3A_441] : memref<144xi32, #tpu.memory_space<smem>>
    %slice3A_443 = vector.extract_strided_slice %get3A_417 {offsets = [5], sizes = [1], strides = [1]} : vector<16xi32> to vector<1xi32>
    %squeeze3A_444 = vector.extract %slice3A_443[0] : i32 from vector<1xi32>
    %swap3A_445 = arith.constant 85 : i32
    %swap3A_446 = arith.index_cast %swap3A_445 : i32 to index
    %swap3A_447 = memref.load %arg7[%swap3A_446] : memref<144xi32, #tpu.memory_space<smem>>
    memref.store %squeeze3A_444, %arg7[%swap3A_446] : memref<144xi32, #tpu.memory_space<smem>>
    %slice3A_448 = vector.extract_strided_slice %get3A_417 {offsets = [6], sizes = [1], strides = [1]} : vector<16xi32> to vector<1xi32>
    %squeeze3A_449 = vector.extract %slice3A_448[0] : i32 from vector<1xi32>
    %swap3A_450 = arith.constant 86 : i32
    %swap3A_451 = arith.index_cast %swap3A_450 : i32 to index
    %swap3A_452 = memref.load %arg7[%swap3A_451] : memref<144xi32, #tpu.memory_space<smem>>
    memref.store %squeeze3A_449, %arg7[%swap3A_451] : memref<144xi32, #tpu.memory_space<smem>>
    %slice3A_453 = vector.extract_strided_slice %get3A_417 {offsets = [7], sizes = [1], strides = [1]} : vector<16xi32> to vector<1xi32>
    %squeeze3A_454 = vector.extract %slice3A_453[0] : i32 from vector<1xi32>
    %swap3A_455 = arith.constant 87 : i32
    %swap3A_456 = arith.index_cast %swap3A_455 : i32 to index
    %swap3A_457 = memref.load %arg7[%swap3A_456] : memref<144xi32, #tpu.memory_space<smem>>
    memref.store %squeeze3A_454, %arg7[%swap3A_456] : memref<144xi32, #tpu.memory_space<smem>>
    %slice3A_458 = vector.extract_strided_slice %get3A_417 {offsets = [8], sizes = [1], strides = [1]} : vector<16xi32> to vector<1xi32>
    %squeeze3A_459 = vector.extract %slice3A_458[0] : i32 from vector<1xi32>
    %swap3A_460 = arith.constant 88 : i32
    %swap3A_461 = arith.index_cast %swap3A_460 : i32 to index
    %swap3A_462 = memref.load %arg7[%swap3A_461] : memref<144xi32, #tpu.memory_space<smem>>
    memref.store %squeeze3A_459, %arg7[%swap3A_461] : memref<144xi32, #tpu.memory_space<smem>>
    %slice3A_463 = vector.extract_strided_slice %get3A_417 {offsets = [9], sizes = [1], strides = [1]} : vector<16xi32> to vector<1xi32>
    %squeeze3A_464 = vector.extract %slice3A_463[0] : i32 from vector<1xi32>
    %swap3A_465 = arith.constant 89 : i32
    %swap3A_466 = arith.index_cast %swap3A_465 : i32 to index
    %swap3A_467 = memref.load %arg7[%swap3A_466] : memref<144xi32, #tpu.memory_space<smem>>
    memref.store %squeeze3A_464, %arg7[%swap3A_466] : memref<144xi32, #tpu.memory_space<smem>>
    %slice3A_468 = vector.extract_strided_slice %get3A_417 {offsets = [10], sizes = [1], strides = [1]} : vector<16xi32> to vector<1xi32>
    %squeeze3A_469 = vector.extract %slice3A_468[0] : i32 from vector<1xi32>
    %swap3A_470 = arith.constant 90 : i32
    %swap3A_471 = arith.index_cast %swap3A_470 : i32 to index
    %swap3A_472 = memref.load %arg7[%swap3A_471] : memref<144xi32, #tpu.memory_space<smem>>
    memref.store %squeeze3A_469, %arg7[%swap3A_471] : memref<144xi32, #tpu.memory_space<smem>>
    %slice3A_473 = vector.extract_strided_slice %get3A_417 {offsets = [11], sizes = [1], strides = [1]} : vector<16xi32> to vector<1xi32>
    %squeeze3A_474 = vector.extract %slice3A_473[0] : i32 from vector<1xi32>
    %swap3A_475 = arith.constant 91 : i32
    %swap3A_476 = arith.index_cast %swap3A_475 : i32 to index
    %swap3A_477 = memref.load %arg7[%swap3A_476] : memref<144xi32, #tpu.memory_space<smem>>
    memref.store %squeeze3A_474, %arg7[%swap3A_476] : memref<144xi32, #tpu.memory_space<smem>>
    %slice3A_478 = vector.extract_strided_slice %get3A_417 {offsets = [12], sizes = [1], strides = [1]} : vector<16xi32> to vector<1xi32>
    %squeeze3A_479 = vector.extract %slice3A_478[0] : i32 from vector<1xi32>
    %swap3A_480 = arith.constant 92 : i32
    %swap3A_481 = arith.index_cast %swap3A_480 : i32 to index
    %swap3A_482 = memref.load %arg7[%swap3A_481] : memref<144xi32, #tpu.memory_space<smem>>
    memref.store %squeeze3A_479, %arg7[%swap3A_481] : memref<144xi32, #tpu.memory_space<smem>>
    %slice3A_483 = vector.extract_strided_slice %get3A_417 {offsets = [13], sizes = [1], strides = [1]} : vector<16xi32> to vector<1xi32>
    %squeeze3A_484 = vector.extract %slice3A_483[0] : i32 from vector<1xi32>
    %swap3A_485 = arith.constant 93 : i32
    %swap3A_486 = arith.index_cast %swap3A_485 : i32 to index
    %swap3A_487 = memref.load %arg7[%swap3A_486] : memref<144xi32, #tpu.memory_space<smem>>
    memref.store %squeeze3A_484, %arg7[%swap3A_486] : memref<144xi32, #tpu.memory_space<smem>>
    %slice3A_488 = vector.extract_strided_slice %get3A_417 {offsets = [14], sizes = [1], strides = [1]} : vector<16xi32> to vector<1xi32>
    %squeeze3A_489 = vector.extract %slice3A_488[0] : i32 from vector<1xi32>
    %swap3A_490 = arith.constant 94 : i32
    %swap3A_491 = arith.index_cast %swap3A_490 : i32 to index
    %swap3A_492 = memref.load %arg7[%swap3A_491] : memref<144xi32, #tpu.memory_space<smem>>
    memref.store %squeeze3A_489, %arg7[%swap3A_491] : memref<144xi32, #tpu.memory_space<smem>>
    %slice3A_493 = vector.extract_strided_slice %get3A_417 {offsets = [15], sizes = [1], strides = [1]} : vector<16xi32> to vector<1xi32>
    %squeeze3A_494 = vector.extract %slice3A_493[0] : i32 from vector<1xi32>
    %swap3A_495 = arith.constant 95 : i32
    %swap3A_496 = arith.index_cast %swap3A_495 : i32 to index
    %swap3A_497 = memref.load %arg7[%swap3A_496] : memref<144xi32, #tpu.memory_space<smem>>
    memref.store %squeeze3A_494, %arg7[%swap3A_496] : memref<144xi32, #tpu.memory_space<smem>>
    %get3A_498 = arith.constant 96 : index
    %get3A_499 = tpu.vector_load %arg9[%get3A_498] {strides = array<i32>} : memref<8192xi32, #tpu.memory_space<vmem>>, vector<16xi32>,
    %get3A_500 = vector.shape_cast %get3A_499 : vector<16xi32> to vector<16xi32>
    %slice3A_501 = vector.extract_strided_slice %get3A_500 {offsets = [0], sizes = [1], strides = [1]} : vector<16xi32> to vector<1xi32>
    %squeeze3A_502 = vector.extract %slice3A_501[0] : i32 from vector<1xi32>
    %swap3A_503 = arith.constant 96 : i32
    %swap3A_504 = arith.index_cast %swap3A_503 : i32 to index
    %swap3A_505 = memref.load %arg7[%swap3A_504] : memref<144xi32, #tpu.memory_space<smem>>
    memref.store %squeeze3A_502, %arg7[%swap3A_504] : memref<144xi32, #tpu.memory_space<smem>>
    %slice3A_506 = vector.extract_strided_slice %get3A_500 {offsets = [1], sizes = [1], strides = [1]} : vector<16xi32> to vector<1xi32>
    %squeeze3A_507 = vector.extract %slice3A_506[0] : i32 from vector<1xi32>
    %swap3A_508 = arith.constant 97 : i32
    %swap3A_509 = arith.index_cast %swap3A_508 : i32 to index
    %swap3A_510 = memref.load %arg7[%swap3A_509] : memref<144xi32, #tpu.memory_space<smem>>
    memref.store %squeeze3A_507, %arg7[%swap3A_509] : memref<144xi32, #tpu.memory_space<smem>>
    %slice3A_511 = vector.extract_strided_slice %get3A_500 {offsets = [2], sizes = [1], strides = [1]} : vector<16xi32> to vector<1xi32>
    %squeeze3A_512 = vector.extract %slice3A_511[0] : i32 from vector<1xi32>
    %swap3A_513 = arith.constant 98 : i32
    %swap3A_514 = arith.index_cast %swap3A_513 : i32 to index
    %swap3A_515 = memref.load %arg7[%swap3A_514] : memref<144xi32, #tpu.memory_space<smem>>
    memref.store %squeeze3A_512, %arg7[%swap3A_514] : memref<144xi32, #tpu.memory_space<smem>>
    %slice3A_516 = vector.extract_strided_slice %get3A_500 {offsets = [3], sizes = [1], strides = [1]} : vector<16xi32> to vector<1xi32>
    %squeeze3A_517 = vector.extract %slice3A_516[0] : i32 from vector<1xi32>
    %swap3A_518 = arith.constant 99 : i32
    %swap3A_519 = arith.index_cast %swap3A_518 : i32 to index
    %swap3A_520 = memref.load %arg7[%swap3A_519] : memref<144xi32, #tpu.memory_space<smem>>
    memref.store %squeeze3A_517, %arg7[%swap3A_519] : memref<144xi32, #tpu.memory_space<smem>>
    %slice3A_521 = vector.extract_strided_slice %get3A_500 {offsets = [4], sizes = [1], strides = [1]} : vector<16xi32> to vector<1xi32>
    %squeeze3A_522 = vector.extract %slice3A_521[0] : i32 from vector<1xi32>
    %swap3A_523 = arith.constant 100 : i32
    %swap3A_524 = arith.index_cast %swap3A_523 : i32 to index
    %swap3A_525 = memref.load %arg7[%swap3A_524] : memref<144xi32, #tpu.memory_space<smem>>
    memref.store %squeeze3A_522, %arg7[%swap3A_524] : memref<144xi32, #tpu.memory_space<smem>>
    %slice3A_526 = vector.extract_strided_slice %get3A_500 {offsets = [5], sizes = [1], strides = [1]} : vector<16xi32> to vector<1xi32>
    %squeeze3A_527 = vector.extract %slice3A_526[0] : i32 from vector<1xi32>
    %swap3A_528 = arith.constant 101 : i32
    %swap3A_529 = arith.index_cast %swap3A_528 : i32 to index
    %swap3A_530 = memref.load %arg7[%swap3A_529] : memref<144xi32, #tpu.memory_space<smem>>
    memref.store %squeeze3A_527, %arg7[%swap3A_529] : memref<144xi32, #tpu.memory_space<smem>>
    %slice3A_531 = vector.extract_strided_slice %get3A_500 {offsets = [6], sizes = [1], strides = [1]} : vector<16xi32> to vector<1xi32>
    %squeeze3A_532 = vector.extract %slice3A_531[0] : i32 from vector<1xi32>
    %swap3A_533 = arith.constant 102 : i32
    %swap3A_534 = arith.index_cast %swap3A_533 : i32 to index
    %swap3A_535 = memref.load %arg7[%swap3A_534] : memref<144xi32, #tpu.memory_space<smem>>
    memref.store %squeeze3A_532, %arg7[%swap3A_534] : memref<144xi32, #tpu.memory_space<smem>>
    %slice3A_536 = vector.extract_strided_slice %get3A_500 {offsets = [7], sizes = [1], strides = [1]} : vector<16xi32> to vector<1xi32>
    %squeeze3A_537 = vector.extract %slice3A_536[0] : i32 from vector<1xi32>
    %swap3A_538 = arith.constant 103 : i32
    %swap3A_539 = arith.index_cast %swap3A_538 : i32 to index
    %swap3A_540 = memref.load %arg7[%swap3A_539] : memref<144xi32, #tpu.memory_space<smem>>
    memref.store %squeeze3A_537, %arg7[%swap3A_539] : memref<144xi32, #tpu.memory_space<smem>>
    %slice3A_541 = vector.extract_strided_slice %get3A_500 {offsets = [8], sizes = [1], strides = [1]} : vector<16xi32> to vector<1xi32>
    %squeeze3A_542 = vector.extract %slice3A_541[0] : i32 from vector<1xi32>
    %swap3A_543 = arith.constant 104 : i32
    %swap3A_544 = arith.index_cast %swap3A_543 : i32 to index
    %swap3A_545 = memref.load %arg7[%swap3A_544] : memref<144xi32, #tpu.memory_space<smem>>
    memref.store %squeeze3A_542, %arg7[%swap3A_544] : memref<144xi32, #tpu.memory_space<smem>>
    %slice3A_546 = vector.extract_strided_slice %get3A_500 {offsets = [9], sizes = [1], strides = [1]} : vector<16xi32> to vector<1xi32>
    %squeeze3A_547 = vector.extract %slice3A_546[0] : i32 from vector<1xi32>
    %swap3A_548 = arith.constant 105 : i32
    %swap3A_549 = arith.index_cast %swap3A_548 : i32 to index
    %swap3A_550 = memref.load %arg7[%swap3A_549] : memref<144xi32, #tpu.memory_space<smem>>
    memref.store %squeeze3A_547, %arg7[%swap3A_549] : memref<144xi32, #tpu.memory_space<smem>>
    %slice3A_551 = vector.extract_strided_slice %get3A_500 {offsets = [10], sizes = [1], strides = [1]} : vector<16xi32> to vector<1xi32>
    %squeeze3A_552 = vector.extract %slice3A_551[0] : i32 from vector<1xi32>
    %swap3A_553 = arith.constant 106 : i32
    %swap3A_554 = arith.index_cast %swap3A_553 : i32 to index
    %swap3A_555 = memref.load %arg7[%swap3A_554] : memref<144xi32, #tpu.memory_space<smem>>
    memref.store %squeeze3A_552, %arg7[%swap3A_554] : memref<144xi32, #tpu.memory_space<smem>>
    %slice3A_556 = vector.extract_strided_slice %get3A_500 {offsets = [11], sizes = [1], strides = [1]} : vector<16xi32> to vector<1xi32>
    %squeeze3A_557 = vector.extract %slice3A_556[0] : i32 from vector<1xi32>
    %swap3A_558 = arith.constant 107 : i32
    %swap3A_559 = arith.index_cast %swap3A_558 : i32 to index
    %swap3A_560 = memref.load %arg7[%swap3A_559] : memref<144xi32, #tpu.memory_space<smem>>
    memref.store %squeeze3A_557, %arg7[%swap3A_559] : memref<144xi32, #tpu.memory_space<smem>>
    %slice3A_561 = vector.extract_strided_slice %get3A_500 {offsets = [12], sizes = [1], strides = [1]} : vector<16xi32> to vector<1xi32>
    %squeeze3A_562 = vector.extract %slice3A_561[0] : i32 from vector<1xi32>
    %swap3A_563 = arith.constant 108 : i32
    %swap3A_564 = arith.index_cast %swap3A_563 : i32 to index
    %swap3A_565 = memref.load %arg7[%swap3A_564] : memref<144xi32, #tpu.memory_space<smem>>
    memref.store %squeeze3A_562, %arg7[%swap3A_564] : memref<144xi32, #tpu.memory_space<smem>>
    %slice3A_566 = vector.extract_strided_slice %get3A_500 {offsets = [13], sizes = [1], strides = [1]} : vector<16xi32> to vector<1xi32>
    %squeeze3A_567 = vector.extract %slice3A_566[0] : i32 from vector<1xi32>
    %swap3A_568 = arith.constant 109 : i32
    %swap3A_569 = arith.index_cast %swap3A_568 : i32 to index
    %swap3A_570 = memref.load %arg7[%swap3A_569] : memref<144xi32, #tpu.memory_space<smem>>
    memref.store %squeeze3A_567, %arg7[%swap3A_569] : memref<144xi32, #tpu.memory_space<smem>>
    %slice3A_571 = vector.extract_strided_slice %get3A_500 {offsets = [14], sizes = [1], strides = [1]} : vector<16xi32> to vector<1xi32>
    %squeeze3A_572 = vector.extract %slice3A_571[0] : i32 from vector<1xi32>
    %swap3A_573 = arith.constant 110 : i32
    %swap3A_574 = arith.index_cast %swap3A_573 : i32 to index
    %swap3A_575 = memref.load %arg7[%swap3A_574] : memref<144xi32, #tpu.memory_space<smem>>
    memref.store %squeeze3A_572, %arg7[%swap3A_574] : memref<144xi32, #tpu.memory_space<smem>>
    %slice3A_576 = vector.extract_strided_slice %get3A_500 {offsets = [15], sizes = [1], strides = [1]} : vector<16xi32> to vector<1xi32>
    %squeeze3A_577 = vector.extract %slice3A_576[0] : i32 from vector<1xi32>
    %swap3A_578 = arith.constant 111 : i32
    %swap3A_579 = arith.index_cast %swap3A_578 : i32 to index
    %swap3A_580 = memref.load %arg7[%swap3A_579] : memref<144xi32, #tpu.memory_space<smem>>
    memref.store %squeeze3A_577, %arg7[%swap3A_579] : memref<144xi32, #tpu.memory_space<smem>>
    %get3A_581 = arith.constant 112 : index
    %get3A_582 = tpu.vector_load %arg9[%get3A_581] {strides = array<i32>} : memref<8192xi32, #tpu.memory_space<vmem>>, vector<16xi32>,
    %get3A_583 = vector.shape_cast %get3A_582 : vector<16xi32> to vector<16xi32>
    %slice3A_584 = vector.extract_strided_slice %get3A_583 {offsets = [0], sizes = [1], strides = [1]} : vector<16xi32> to vector<1xi32>
    %squeeze3A_585 = vector.extract %slice3A_584[0] : i32 from vector<1xi32>
    %swap3A_586 = arith.constant 112 : i32
    %swap3A_587 = arith.index_cast %swap3A_586 : i32 to index
    %swap3A_588 = memref.load %arg7[%swap3A_587] : memref<144xi32, #tpu.memory_space<smem>>
    memref.store %squeeze3A_585, %arg7[%swap3A_587] : memref<144xi32, #tpu.memory_space<smem>>
    %slice3A_589 = vector.extract_strided_slice %get3A_583 {offsets = [1], sizes = [1], strides = [1]} : vector<16xi32> to vector<1xi32>
    %squeeze3A_590 = vector.extract %slice3A_589[0] : i32 from vector<1xi32>
    %swap3A_591 = arith.constant 113 : i32
    %swap3A_592 = arith.index_cast %swap3A_591 : i32 to index
    %swap3A_593 = memref.load %arg7[%swap3A_592] : memref<144xi32, #tpu.memory_space<smem>>
    memref.store %squeeze3A_590, %arg7[%swap3A_592] : memref<144xi32, #tpu.memory_space<smem>>
    %slice3A_594 = vector.extract_strided_slice %get3A_583 {offsets = [2], sizes = [1], strides = [1]} : vector<16xi32> to vector<1xi32>
    %squeeze3A_595 = vector.extract %slice3A_594[0] : i32 from vector<1xi32>
    %swap3A_596 = arith.constant 114 : i32
    %swap3A_597 = arith.index_cast %swap3A_596 : i32 to index
    %swap3A_598 = memref.load %arg7[%swap3A_597] : memref<144xi32, #tpu.memory_space<smem>>
    memref.store %squeeze3A_595, %arg7[%swap3A_597] : memref<144xi32, #tpu.memory_space<smem>>
    %slice3A_599 = vector.extract_strided_slice %get3A_583 {offsets = [3], sizes = [1], strides = [1]} : vector<16xi32> to vector<1xi32>
    %squeeze3A_600 = vector.extract %slice3A_599[0] : i32 from vector<1xi32>
    %swap3A_601 = arith.constant 115 : i32
    %swap3A_602 = arith.index_cast %swap3A_601 : i32 to index
    %swap3A_603 = memref.load %arg7[%swap3A_602] : memref<144xi32, #tpu.memory_space<smem>>
    memref.store %squeeze3A_600, %arg7[%swap3A_602] : memref<144xi32, #tpu.memory_space<smem>>
    %slice3A_604 = vector.extract_strided_slice %get3A_583 {offsets = [4], sizes = [1], strides = [1]} : vector<16xi32> to vector<1xi32>
    %squeeze3A_605 = vector.extract %slice3A_604[0] : i32 from vector<1xi32>
    %swap3A_606 = arith.constant 116 : i32
    %swap3A_607 = arith.index_cast %swap3A_606 : i32 to index
    %swap3A_608 = memref.load %arg7[%swap3A_607] : memref<144xi32, #tpu.memory_space<smem>>
    memref.store %squeeze3A_605, %arg7[%swap3A_607] : memref<144xi32, #tpu.memory_space<smem>>
    %slice3A_609 = vector.extract_strided_slice %get3A_583 {offsets = [5], sizes = [1], strides = [1]} : vector<16xi32> to vector<1xi32>
    %squeeze3A_610 = vector.extract %slice3A_609[0] : i32 from vector<1xi32>
    %swap3A_611 = arith.constant 117 : i32
    %swap3A_612 = arith.index_cast %swap3A_611 : i32 to index
    %swap3A_613 = memref.load %arg7[%swap3A_612] : memref<144xi32, #tpu.memory_space<smem>>
    memref.store %squeeze3A_610, %arg7[%swap3A_612] : memref<144xi32, #tpu.memory_space<smem>>
    %slice3A_614 = vector.extract_strided_slice %get3A_583 {offsets = [6], sizes = [1], strides = [1]} : vector<16xi32> to vector<1xi32>
    %squeeze3A_615 = vector.extract %slice3A_614[0] : i32 from vector<1xi32>
    %swap3A_616 = arith.constant 118 : i32
    %swap3A_617 = arith.index_cast %swap3A_616 : i32 to index
    %swap3A_618 = memref.load %arg7[%swap3A_617] : memref<144xi32, #tpu.memory_space<smem>>
    memref.store %squeeze3A_615, %arg7[%swap3A_617] : memref<144xi32, #tpu.memory_space<smem>>
    %slice3A_619 = vector.extract_strided_slice %get3A_583 {offsets = [7], sizes = [1], strides = [1]} : vector<16xi32> to vector<1xi32>
    %squeeze3A_620 = vector.extract %slice3A_619[0] : i32 from vector<1xi32>
    %swap3A_621 = arith.constant 119 : i32
    %swap3A_622 = arith.index_cast %swap3A_621 : i32 to index
    %swap3A_623 = memref.load %arg7[%swap3A_622] : memref<144xi32, #tpu.memory_space<smem>>
    memref.store %squeeze3A_620, %arg7[%swap3A_622] : memref<144xi32, #tpu.memory_space<smem>>
    %slice3A_624 = vector.extract_strided_slice %get3A_583 {offsets = [8], sizes = [1], strides = [1]} : vector<16xi32> to vector<1xi32>
    %squeeze3A_625 = vector.extract %slice3A_624[0] : i32 from vector<1xi32>
    %swap3A_626 = arith.constant 120 : i32
    %swap3A_627 = arith.index_cast %swap3A_626 : i32 to index
    %swap3A_628 = memref.load %arg7[%swap3A_627] : memref<144xi32, #tpu.memory_space<smem>>
    memref.store %squeeze3A_625, %arg7[%swap3A_627] : memref<144xi32, #tpu.memory_space<smem>>
    %slice3A_629 = vector.extract_strided_slice %get3A_583 {offsets = [9], sizes = [1], strides = [1]} : vector<16xi32> to vector<1xi32>
    %squeeze3A_630 = vector.extract %slice3A_629[0] : i32 from vector<1xi32>
    %swap3A_631 = arith.constant 121 : i32
    %swap3A_632 = arith.index_cast %swap3A_631 : i32 to index
    %swap3A_633 = memref.load %arg7[%swap3A_632] : memref<144xi32, #tpu.memory_space<smem>>
    memref.store %squeeze3A_630, %arg7[%swap3A_632] : memref<144xi32, #tpu.memory_space<smem>>
    %slice3A_634 = vector.extract_strided_slice %get3A_583 {offsets = [10], sizes = [1], strides = [1]} : vector<16xi32> to vector<1xi32>
    %squeeze3A_635 = vector.extract %slice3A_634[0] : i32 from vector<1xi32>
    %swap3A_636 = arith.constant 122 : i32
    %swap3A_637 = arith.index_cast %swap3A_636 : i32 to index
    %swap3A_638 = memref.load %arg7[%swap3A_637] : memref<144xi32, #tpu.memory_space<smem>>
    memref.store %squeeze3A_635, %arg7[%swap3A_637] : memref<144xi32, #tpu.memory_space<smem>>
    %slice3A_639 = vector.extract_strided_slice %get3A_583 {offsets = [11], sizes = [1], strides = [1]} : vector<16xi32> to vector<1xi32>
    %squeeze3A_640 = vector.extract %slice3A_639[0] : i32 from vector<1xi32>
    %swap3A_641 = arith.constant 123 : i32
    %swap3A_642 = arith.index_cast %swap3A_641 : i32 to index
    %swap3A_643 = memref.load %arg7[%swap3A_642] : memref<144xi32, #tpu.memory_space<smem>>
    memref.store %squeeze3A_640, %arg7[%swap3A_642] : memref<144xi32, #tpu.memory_space<smem>>
    %slice3A_644 = vector.extract_strided_slice %get3A_583 {offsets = [12], sizes = [1], strides = [1]} : vector<16xi32> to vector<1xi32>
    %squeeze3A_645 = vector.extract %slice3A_644[0] : i32 from vector<1xi32>
    %swap3A_646 = arith.constant 124 : i32
    %swap3A_647 = arith.index_cast %swap3A_646 : i32 to index
    %swap3A_648 = memref.load %arg7[%swap3A_647] : memref<144xi32, #tpu.memory_space<smem>>
    memref.store %squeeze3A_645, %arg7[%swap3A_647] : memref<144xi32, #tpu.memory_space<smem>>
    %slice3A_649 = vector.extract_strided_slice %get3A_583 {offsets = [13], sizes = [1], strides = [1]} : vector<16xi32> to vector<1xi32>
    %squeeze3A_650 = vector.extract %slice3A_649[0] : i32 from vector<1xi32>
    %swap3A_651 = arith.constant 125 : i32
    %swap3A_652 = arith.index_cast %swap3A_651 : i32 to index
    %swap3A_653 = memref.load %arg7[%swap3A_652] : memref<144xi32, #tpu.memory_space<smem>>
    memref.store %squeeze3A_650, %arg7[%swap3A_652] : memref<144xi32, #tpu.memory_space<smem>>
    %slice3A_654 = vector.extract_strided_slice %get3A_583 {offsets = [14], sizes = [1], strides = [1]} : vector<16xi32> to vector<1xi32>
    %squeeze3A_655 = vector.extract %slice3A_654[0] : i32 from vector<1xi32>
    %swap3A_656 = arith.constant 126 : i32
    %swap3A_657 = arith.index_cast %swap3A_656 : i32 to index
    %swap3A_658 = memref.load %arg7[%swap3A_657] : memref<144xi32, #tpu.memory_space<smem>>
    memref.store %squeeze3A_655, %arg7[%swap3A_657] : memref<144xi32, #tpu.memory_space<smem>>
    %slice3A_659 = vector.extract_strided_slice %get3A_583 {offsets = [15], sizes = [1], strides = [1]} : vector<16xi32> to vector<1xi32>
    %squeeze3A_660 = vector.extract %slice3A_659[0] : i32 from vector<1xi32>
    %swap3A_661 = arith.constant 127 : i32
    %swap3A_662 = arith.index_cast %swap3A_661 : i32 to index
    %swap3A_663 = memref.load %arg7[%swap3A_662] : memref<144xi32, #tpu.memory_space<smem>>
    memref.store %squeeze3A_660, %arg7[%swap3A_662] : memref<144xi32, #tpu.memory_space<smem>>
    %get3A_664 = arith.constant 128 : index
    %get3A_665 = tpu.vector_load %arg9[%get3A_664] {strides = array<i32>} : memref<8192xi32, #tpu.memory_space<vmem>>, vector<16xi32>,
    %get3A_666 = vector.shape_cast %get3A_665 : vector<16xi32> to vector<16xi32>
    %slice3A_667 = vector.extract_strided_slice %get3A_666 {offsets = [0], sizes = [1], strides = [1]} : vector<16xi32> to vector<1xi32>
    %squeeze3A_668 = vector.extract %slice3A_667[0] : i32 from vector<1xi32>
    %swap3A_669 = arith.constant 128 : i32
    %swap3A_670 = arith.index_cast %swap3A_669 : i32 to index
    %swap3A_671 = memref.load %arg7[%swap3A_670] : memref<144xi32, #tpu.memory_space<smem>>
    memref.store %squeeze3A_668, %arg7[%swap3A_670] : memref<144xi32, #tpu.memory_space<smem>>
    %slice3A_672 = vector.extract_strided_slice %get3A_666 {offsets = [1], sizes = [1], strides = [1]} : vector<16xi32> to vector<1xi32>
    %squeeze3A_673 = vector.extract %slice3A_672[0] : i32 from vector<1xi32>
    %swap3A_674 = arith.constant 129 : i32
    %swap3A_675 = arith.index_cast %swap3A_674 : i32 to index
    %swap3A_676 = memref.load %arg7[%swap3A_675] : memref<144xi32, #tpu.memory_space<smem>>
    memref.store %squeeze3A_673, %arg7[%swap3A_675] : memref<144xi32, #tpu.memory_space<smem>>
    %slice3A_677 = vector.extract_strided_slice %get3A_666 {offsets = [2], sizes = [1], strides = [1]} : vector<16xi32> to vector<1xi32>
    %squeeze3A_678 = vector.extract %slice3A_677[0] : i32 from vector<1xi32>
    %swap3A_679 = arith.constant 130 : i32
    %swap3A_680 = arith.index_cast %swap3A_679 : i32 to index
    %swap3A_681 = memref.load %arg7[%swap3A_680] : memref<144xi32, #tpu.memory_space<smem>>
    memref.store %squeeze3A_678, %arg7[%swap3A_680] : memref<144xi32, #tpu.memory_space<smem>>
    %slice3A_682 = vector.extract_strided_slice %get3A_666 {offsets = [3], sizes = [1], strides = [1]} : vector<16xi32> to vector<1xi32>
    %squeeze3A_683 = vector.extract %slice3A_682[0] : i32 from vector<1xi32>
    %swap3A_684 = arith.constant 131 : i32
    %swap3A_685 = arith.index_cast %swap3A_684 : i32 to index
    %swap3A_686 = memref.load %arg7[%swap3A_685] : memref<144xi32, #tpu.memory_space<smem>>
    memref.store %squeeze3A_683, %arg7[%swap3A_685] : memref<144xi32, #tpu.memory_space<smem>>
    %slice3A_687 = vector.extract_strided_slice %get3A_666 {offsets = [4], sizes = [1], strides = [1]} : vector<16xi32> to vector<1xi32>
    %squeeze3A_688 = vector.extract %slice3A_687[0] : i32 from vector<1xi32>
    %swap3A_689 = arith.constant 132 : i32
    %swap3A_690 = arith.index_cast %swap3A_689 : i32 to index
    %swap3A_691 = memref.load %arg7[%swap3A_690] : memref<144xi32, #tpu.memory_space<smem>>
    memref.store %squeeze3A_688, %arg7[%swap3A_690] : memref<144xi32, #tpu.memory_space<smem>>
    %slice3A_692 = vector.extract_strided_slice %get3A_666 {offsets = [5], sizes = [1], strides = [1]} : vector<16xi32> to vector<1xi32>
    %squeeze3A_693 = vector.extract %slice3A_692[0] : i32 from vector<1xi32>
    %swap3A_694 = arith.constant 133 : i32
    %swap3A_695 = arith.index_cast %swap3A_694 : i32 to index
    %swap3A_696 = memref.load %arg7[%swap3A_695] : memref<144xi32, #tpu.memory_space<smem>>
    memref.store %squeeze3A_693, %arg7[%swap3A_695] : memref<144xi32, #tpu.memory_space<smem>>
    %slice3A_697 = vector.extract_strided_slice %get3A_666 {offsets = [6], sizes = [1], strides = [1]} : vector<16xi32> to vector<1xi32>
    %squeeze3A_698 = vector.extract %slice3A_697[0] : i32 from vector<1xi32>
    %swap3A_699 = arith.constant 134 : i32
    %swap3A_700 = arith.index_cast %swap3A_699 : i32 to index
    %swap3A_701 = memref.load %arg7[%swap3A_700] : memref<144xi32, #tpu.memory_space<smem>>
    memref.store %squeeze3A_698, %arg7[%swap3A_700] : memref<144xi32, #tpu.memory_space<smem>>
    %slice3A_702 = vector.extract_strided_slice %get3A_666 {offsets = [7], sizes = [1], strides = [1]} : vector<16xi32> to vector<1xi32>
    %squeeze3A_703 = vector.extract %slice3A_702[0] : i32 from vector<1xi32>
    %swap3A_704 = arith.constant 135 : i32
    %swap3A_705 = arith.index_cast %swap3A_704 : i32 to index
    %swap3A_706 = memref.load %arg7[%swap3A_705] : memref<144xi32, #tpu.memory_space<smem>>
    memref.store %squeeze3A_703, %arg7[%swap3A_705] : memref<144xi32, #tpu.memory_space<smem>>
    %slice3A_707 = vector.extract_strided_slice %get3A_666 {offsets = [8], sizes = [1], strides = [1]} : vector<16xi32> to vector<1xi32>
    %squeeze3A_708 = vector.extract %slice3A_707[0] : i32 from vector<1xi32>
    %swap3A_709 = arith.constant 136 : i32
    %swap3A_710 = arith.index_cast %swap3A_709 : i32 to index
    %swap3A_711 = memref.load %arg7[%swap3A_710] : memref<144xi32, #tpu.memory_space<smem>>
    memref.store %squeeze3A_708, %arg7[%swap3A_710] : memref<144xi32, #tpu.memory_space<smem>>
    %slice3A_712 = vector.extract_strided_slice %get3A_666 {offsets = [9], sizes = [1], strides = [1]} : vector<16xi32> to vector<1xi32>
    %squeeze3A_713 = vector.extract %slice3A_712[0] : i32 from vector<1xi32>
    %swap3A_714 = arith.constant 137 : i32
    %swap3A_715 = arith.index_cast %swap3A_714 : i32 to index
    %swap3A_716 = memref.load %arg7[%swap3A_715] : memref<144xi32, #tpu.memory_space<smem>>
    memref.store %squeeze3A_713, %arg7[%swap3A_715] : memref<144xi32, #tpu.memory_space<smem>>
    %slice3A_717 = vector.extract_strided_slice %get3A_666 {offsets = [10], sizes = [1], strides = [1]} : vector<16xi32> to vector<1xi32>
    %squeeze3A_718 = vector.extract %slice3A_717[0] : i32 from vector<1xi32>
    %swap3A_719 = arith.constant 138 : i32
    %swap3A_720 = arith.index_cast %swap3A_719 : i32 to index
    %swap3A_721 = memref.load %arg7[%swap3A_720] : memref<144xi32, #tpu.memory_space<smem>>
    memref.store %squeeze3A_718, %arg7[%swap3A_720] : memref<144xi32, #tpu.memory_space<smem>>
    %slice3A_722 = vector.extract_strided_slice %get3A_666 {offsets = [11], sizes = [1], strides = [1]} : vector<16xi32> to vector<1xi32>
    %squeeze3A_723 = vector.extract %slice3A_722[0] : i32 from vector<1xi32>
    %swap3A_724 = arith.constant 139 : i32
    %swap3A_725 = arith.index_cast %swap3A_724 : i32 to index
    %swap3A_726 = memref.load %arg7[%swap3A_725] : memref<144xi32, #tpu.memory_space<smem>>
    memref.store %squeeze3A_723, %arg7[%swap3A_725] : memref<144xi32, #tpu.memory_space<smem>>
    %slice3A_727 = vector.extract_strided_slice %get3A_666 {offsets = [12], sizes = [1], strides = [1]} : vector<16xi32> to vector<1xi32>
    %squeeze3A_728 = vector.extract %slice3A_727[0] : i32 from vector<1xi32>
    %swap3A_729 = arith.constant 140 : i32
    %swap3A_730 = arith.index_cast %swap3A_729 : i32 to index
    %swap3A_731 = memref.load %arg7[%swap3A_730] : memref<144xi32, #tpu.memory_space<smem>>
    memref.store %squeeze3A_728, %arg7[%swap3A_730] : memref<144xi32, #tpu.memory_space<smem>>
    %slice3A_732 = vector.extract_strided_slice %get3A_666 {offsets = [13], sizes = [1], strides = [1]} : vector<16xi32> to vector<1xi32>
    %squeeze3A_733 = vector.extract %slice3A_732[0] : i32 from vector<1xi32>
    %swap3A_734 = arith.constant 141 : i32
    %swap3A_735 = arith.index_cast %swap3A_734 : i32 to index
    %swap3A_736 = memref.load %arg7[%swap3A_735] : memref<144xi32, #tpu.memory_space<smem>>
    memref.store %squeeze3A_733, %arg7[%swap3A_735] : memref<144xi32, #tpu.memory_space<smem>>
    %slice3A_737 = vector.extract_strided_slice %get3A_666 {offsets = [14], sizes = [1], strides = [1]} : vector<16xi32> to vector<1xi32>
    %squeeze3A_738 = vector.extract %slice3A_737[0] : i32 from vector<1xi32>
    %swap3A_739 = arith.constant 142 : i32
    %swap3A_740 = arith.index_cast %swap3A_739 : i32 to index
    %swap3A_741 = memref.load %arg7[%swap3A_740] : memref<144xi32, #tpu.memory_space<smem>>
    memref.store %squeeze3A_738, %arg7[%swap3A_740] : memref<144xi32, #tpu.memory_space<smem>>
    %slice3A_742 = vector.extract_strided_slice %get3A_666 {offsets = [15], sizes = [1], strides = [1]} : vector<16xi32> to vector<1xi32>
    %squeeze3A_743 = vector.extract %slice3A_742[0] : i32 from vector<1xi32>
    %swap3A_744 = arith.constant 143 : i32
    %swap3A_745 = arith.index_cast %swap3A_744 : i32 to index
    %swap3A_746 = memref.load %arg7[%swap3A_745] : memref<144xi32, #tpu.memory_space<smem>>
    memref.store %squeeze3A_743, %arg7[%swap3A_745] : memref<144xi32, #tpu.memory_space<smem>>
    %scan3A = arith.constant 0 : i32
    %scan3A_747 = arith.constant 0 : i32
    %scan3A_748 = arith.constant 2050 : i32
    %scan3A_749 = arith.addi %scan3A_747, %scan3A_748 : i32
    %scan3A_750 = arith.constant 1 : i32
    %scan3A_751 = scf.for %scan3A_794 = %scan3A_747 to %scan3A_749 step %scan3A_750 iter_args(%scan3A_795 = %scan3A) -> (i32)  : i32 {
      %mul3A_796 = arith.constant 16 : i32
      %mul3A_797 = arith.muli %mul3A_796, %scan3A_794 : i32
      %swap3A_798 = arith.index_cast %mul3A_797 : i32 to index
      %swap3A_799 = tpu.vector_load %arg11[%swap3A_798] {strides = array<i32>} : memref<32800xi32, #tpu.memory_space<vmem>>, vector<16xi32>,
      %swap3A_800 = vector.shape_cast %swap3A_799 : vector<16xi32> to vector<16xi32>
      %swap3A_801 = vector.shape_cast %broadcast_in_dim3A_3 : vector<16xi32> to vector<16xi32>
      tpu.vector_store %arg11[%swap3A_798], %swap3A_801 {strides = array<i32>} : memref<32800xi32, #tpu.memory_space<vmem>>, vector<16xi32>,
      %scan3A_802 = arith.constant 0 : i32
      scf.yield %scan3A_802 : i32
    }
    %scan3A_752 = arith.constant 2050 : i32
    %get3A_753 = arith.constant 128 : i32
    %get3A_754 = arith.index_cast %get3A_753 : i32 to index
    %get3A_755 = memref.load %arg7[%get3A_754] : memref<144xi32, #tpu.memory_space<smem>>
    %sub3A = arith.subi %get3A_755, %mul3A_2 : i32
    %jit3A = arith.constant 0 : i32
    %jit3A_756 = arith.constant 32768 : i32
    %max3A = arith.maxsi %jit3A, %sub3A : i32
    %min3A = arith.minsi %jit3A_756, %max3A : i32
    %scan3A_757 = arith.constant 0 : i32
    %scan3A_758 = arith.constant 0 : i32
    %scan3A_759 = arith.constant 128 : i32
    %scan3A_760 = arith.addi %scan3A_758, %scan3A_759 : i32
    %scan3A_761 = arith.constant 1 : i32
    %scan3A_762 = scf.for %scan3A_794 = %scan3A_758 to %scan3A_760 step %scan3A_761 iter_args(%scan3A_795 = %scan3A_757) -> (i32)  : i32 {
      %get3A_796 = arith.index_cast %scan3A_794 : i32 to index
      %get3A_797 = memref.load %arg7[%get3A_796] : memref<144xi32, #tpu.memory_space<smem>>
      %add3A_798 = arith.constant 1 : i32
      %add3A_799 = arith.addi %scan3A_794, %add3A_798 : i32
      %get3A_800 = arith.index_cast %add3A_799 : i32 to index
      %get3A_801 = memref.load %arg7[%get3A_800] : memref<144xi32, #tpu.memory_space<smem>>
      %gt3A = arith.cmpi sgt, %get3A_801, %mul3A_2 : i32
      %add3A_802 = arith.constant 32768 : i32
      %add3A_803 = arith.addi %mul3A_2, %add3A_802 : i32
      %lt3A_804 = arith.cmpi slt, %get3A_797, %add3A_803 : i32
      %and3A_805 = arith.andi %gt3A, %lt3A_804 : i1
      %gt3A_806 = arith.cmpi sgt, %get3A_801, %get3A_797 : i32
      %and3A_807 = arith.andi %and3A_805, %gt3A_806 : i1
      %convert_element_type3A = arith.extui %and3A_807 : i1 to i32
      %cond3A = arith.constant 0 : i32
      %cond3A_808 = arith.cmpi ne, %convert_element_type3A, %cond3A : i32
      scf.if %cond3A_808 {
        %mul3A_810 = arith.constant 8192 : i32
        %mul3A_811 = arith.muli %scan3A_794, %mul3A_810 : i32
        "tpu.region"() ({
          %run_scoped3A = tpu.sem_alloc : memref<!tpu.dma_semaphore, #tpu.memory_space<semaphore_mem>>
          %dma_start3A = tpu.memref_slice %arg3[%mul3A_811] : memref<1048576xi32, #tpu.memory_space<hbm>> -> memref<8192xi32, #tpu.memory_space<hbm>>
          %dma_start3A_3479 = tpu.memref_slice %arg3[%mul3A_811] : memref<1048576xi32, #tpu.memory_space<hbm>> -> memref<8192xi32, #tpu.memory_space<hbm>>
          tpu.enqueue_dma source(%dma_start3A_3479 : memref<8192xi32, #tpu.memory_space<hbm>>) target(%arg9 : memref<8192xi32, #tpu.memory_space<vmem>>) target_semaphore(%run_scoped3A : memref<!tpu.dma_semaphore, #tpu.memory_space<semaphore_mem>>)
          %dma_wait3A = tpu.memref_slice %arg3[%mul3A_811] : memref<1048576xi32, #tpu.memory_space<hbm>> -> memref<8192xi32, #tpu.memory_space<hbm>>
          %dma_wait3A_3480 = tpu.memref_slice %arg3[%mul3A_811] : memref<1048576xi32, #tpu.memory_space<hbm>> -> memref<8192xi32, #tpu.memory_space<hbm>>
          tpu.wait_dma2 semaphore(%run_scoped3A : memref<!tpu.dma_semaphore, #tpu.memory_space<semaphore_mem>>) src(%dma_wait3A_3480 : memref<8192xi32, #tpu.memory_space<hbm>>) dst(%arg9 : memref<8192xi32, #tpu.memory_space<vmem>>)
          tpu.yield
        }) : () -> ()
        %mul3A_812 = arith.constant 512 : i32
        %mul3A_813 = arith.muli %scan3A_794, %mul3A_812 : i32
        "tpu.region"() ({
          %run_scoped3A = tpu.sem_alloc : memref<!tpu.dma_semaphore, #tpu.memory_space<semaphore_mem>>
          %dma_start3A = tpu.memref_slice %arg5[%mul3A_813] : memref<66048xi32, #tpu.memory_space<hbm>> -> memref<512xi32, #tpu.memory_space<hbm>>
          %dma_start3A_3479 = tpu.memref_slice %arg5[%mul3A_813] : memref<66048xi32, #tpu.memory_space<hbm>> -> memref<512xi32, #tpu.memory_space<hbm>>
          tpu.enqueue_dma source(%dma_start3A_3479 : memref<512xi32, #tpu.memory_space<hbm>>) target(%arg10 : memref<512xi32, #tpu.memory_space<vmem>>) target_semaphore(%run_scoped3A : memref<!tpu.dma_semaphore, #tpu.memory_space<semaphore_mem>>)
          %dma_wait3A = tpu.memref_slice %arg5[%mul3A_813] : memref<66048xi32, #tpu.memory_space<hbm>> -> memref<512xi32, #tpu.memory_space<hbm>>
          %dma_wait3A_3480 = tpu.memref_slice %arg5[%mul3A_813] : memref<66048xi32, #tpu.memory_space<hbm>> -> memref<512xi32, #tpu.memory_space<hbm>>
          tpu.wait_dma2 semaphore(%run_scoped3A : memref<!tpu.dma_semaphore, #tpu.memory_space<semaphore_mem>>) src(%dma_wait3A_3480 : memref<512xi32, #tpu.memory_space<hbm>>) dst(%arg10 : memref<512xi32, #tpu.memory_space<vmem>>)
          tpu.yield
        }) : () -> ()
        %get3A_814 = arith.constant 0 : index
        %get3A_815 = tpu.vector_load %arg10[%get3A_814] {strides = array<i32>} : memref<512xi32, #tpu.memory_space<vmem>>, vector<16xi32>,
        %get3A_816 = vector.shape_cast %get3A_815 : vector<16xi32> to vector<16xi32>
        %slice3A_817 = vector.extract_strided_slice %get3A_816 {offsets = [0], sizes = [1], strides = [1]} : vector<16xi32> to vector<1xi32>
        %squeeze3A_818 = vector.extract %slice3A_817[0] : i32 from vector<1xi32>
        %swap3A_819 = arith.constant 0 : i32
        %swap3A_820 = arith.index_cast %swap3A_819 : i32 to index
        %swap3A_821 = memref.load %arg8[%swap3A_820] : memref<512xi32, #tpu.memory_space<smem>>
        memref.store %squeeze3A_818, %arg8[%swap3A_820] : memref<512xi32, #tpu.memory_space<smem>>
        %slice3A_822 = vector.extract_strided_slice %get3A_816 {offsets = [1], sizes = [1], strides = [1]} : vector<16xi32> to vector<1xi32>
        %squeeze3A_823 = vector.extract %slice3A_822[0] : i32 from vector<1xi32>
        %swap3A_824 = arith.constant 1 : i32
        %swap3A_825 = arith.index_cast %swap3A_824 : i32 to index
        %swap3A_826 = memref.load %arg8[%swap3A_825] : memref<512xi32, #tpu.memory_space<smem>>
        memref.store %squeeze3A_823, %arg8[%swap3A_825] : memref<512xi32, #tpu.memory_space<smem>>
        %slice3A_827 = vector.extract_strided_slice %get3A_816 {offsets = [2], sizes = [1], strides = [1]} : vector<16xi32> to vector<1xi32>
        %squeeze3A_828 = vector.extract %slice3A_827[0] : i32 from vector<1xi32>
        %swap3A_829 = arith.constant 2 : i32
        %swap3A_830 = arith.index_cast %swap3A_829 : i32 to index
        %swap3A_831 = memref.load %arg8[%swap3A_830] : memref<512xi32, #tpu.memory_space<smem>>
        memref.store %squeeze3A_828, %arg8[%swap3A_830] : memref<512xi32, #tpu.memory_space<smem>>
        %slice3A_832 = vector.extract_strided_slice %get3A_816 {offsets = [3], sizes = [1], strides = [1]} : vector<16xi32> to vector<1xi32>
        %squeeze3A_833 = vector.extract %slice3A_832[0] : i32 from vector<1xi32>
        %swap3A_834 = arith.constant 3 : i32
        %swap3A_835 = arith.index_cast %swap3A_834 : i32 to index
        %swap3A_836 = memref.load %arg8[%swap3A_835] : memref<512xi32, #tpu.memory_space<smem>>
        memref.store %squeeze3A_833, %arg8[%swap3A_835] : memref<512xi32, #tpu.memory_space<smem>>
        %slice3A_837 = vector.extract_strided_slice %get3A_816 {offsets = [4], sizes = [1], strides = [1]} : vector<16xi32> to vector<1xi32>
        %squeeze3A_838 = vector.extract %slice3A_837[0] : i32 from vector<1xi32>
        %swap3A_839 = arith.constant 4 : i32
        %swap3A_840 = arith.index_cast %swap3A_839 : i32 to index
        %swap3A_841 = memref.load %arg8[%swap3A_840] : memref<512xi32, #tpu.memory_space<smem>>
        memref.store %squeeze3A_838, %arg8[%swap3A_840] : memref<512xi32, #tpu.memory_space<smem>>
        %slice3A_842 = vector.extract_strided_slice %get3A_816 {offsets = [5], sizes = [1], strides = [1]} : vector<16xi32> to vector<1xi32>
        %squeeze3A_843 = vector.extract %slice3A_842[0] : i32 from vector<1xi32>
        %swap3A_844 = arith.constant 5 : i32
        %swap3A_845 = arith.index_cast %swap3A_844 : i32 to index
        %swap3A_846 = memref.load %arg8[%swap3A_845] : memref<512xi32, #tpu.memory_space<smem>>
        memref.store %squeeze3A_843, %arg8[%swap3A_845] : memref<512xi32, #tpu.memory_space<smem>>
        %slice3A_847 = vector.extract_strided_slice %get3A_816 {offsets = [6], sizes = [1], strides = [1]} : vector<16xi32> to vector<1xi32>
        %squeeze3A_848 = vector.extract %slice3A_847[0] : i32 from vector<1xi32>
        %swap3A_849 = arith.constant 6 : i32
        %swap3A_850 = arith.index_cast %swap3A_849 : i32 to index
        %swap3A_851 = memref.load %arg8[%swap3A_850] : memref<512xi32, #tpu.memory_space<smem>>
        memref.store %squeeze3A_848, %arg8[%swap3A_850] : memref<512xi32, #tpu.memory_space<smem>>
        %slice3A_852 = vector.extract_strided_slice %get3A_816 {offsets = [7], sizes = [1], strides = [1]} : vector<16xi32> to vector<1xi32>
        %squeeze3A_853 = vector.extract %slice3A_852[0] : i32 from vector<1xi32>
        %swap3A_854 = arith.constant 7 : i32
        %swap3A_855 = arith.index_cast %swap3A_854 : i32 to index
        %swap3A_856 = memref.load %arg8[%swap3A_855] : memref<512xi32, #tpu.memory_space<smem>>
        memref.store %squeeze3A_853, %arg8[%swap3A_855] : memref<512xi32, #tpu.memory_space<smem>>
        %slice3A_857 = vector.extract_strided_slice %get3A_816 {offsets = [8], sizes = [1], strides = [1]} : vector<16xi32> to vector<1xi32>
        %squeeze3A_858 = vector.extract %slice3A_857[0] : i32 from vector<1xi32>
        %swap3A_859 = arith.constant 8 : i32
        %swap3A_860 = arith.index_cast %swap3A_859 : i32 to index
        %swap3A_861 = memref.load %arg8[%swap3A_860] : memref<512xi32, #tpu.memory_space<smem>>
        memref.store %squeeze3A_858, %arg8[%swap3A_860] : memref<512xi32, #tpu.memory_space<smem>>
        %slice3A_862 = vector.extract_strided_slice %get3A_816 {offsets = [9], sizes = [1], strides = [1]} : vector<16xi32> to vector<1xi32>
        %squeeze3A_863 = vector.extract %slice3A_862[0] : i32 from vector<1xi32>
        %swap3A_864 = arith.constant 9 : i32
        %swap3A_865 = arith.index_cast %swap3A_864 : i32 to index
        %swap3A_866 = memref.load %arg8[%swap3A_865] : memref<512xi32, #tpu.memory_space<smem>>
        memref.store %squeeze3A_863, %arg8[%swap3A_865] : memref<512xi32, #tpu.memory_space<smem>>
        %slice3A_867 = vector.extract_strided_slice %get3A_816 {offsets = [10], sizes = [1], strides = [1]} : vector<16xi32> to vector<1xi32>
        %squeeze3A_868 = vector.extract %slice3A_867[0] : i32 from vector<1xi32>
        %swap3A_869 = arith.constant 10 : i32
        %swap3A_870 = arith.index_cast %swap3A_869 : i32 to index
        %swap3A_871 = memref.load %arg8[%swap3A_870] : memref<512xi32, #tpu.memory_space<smem>>
        memref.store %squeeze3A_868, %arg8[%swap3A_870] : memref<512xi32, #tpu.memory_space<smem>>
        %slice3A_872 = vector.extract_strided_slice %get3A_816 {offsets = [11], sizes = [1], strides = [1]} : vector<16xi32> to vector<1xi32>
        %squeeze3A_873 = vector.extract %slice3A_872[0] : i32 from vector<1xi32>
        %swap3A_874 = arith.constant 11 : i32
        %swap3A_875 = arith.index_cast %swap3A_874 : i32 to index
        %swap3A_876 = memref.load %arg8[%swap3A_875] : memref<512xi32, #tpu.memory_space<smem>>
        memref.store %squeeze3A_873, %arg8[%swap3A_875] : memref<512xi32, #tpu.memory_space<smem>>
        %slice3A_877 = vector.extract_strided_slice %get3A_816 {offsets = [12], sizes = [1], strides = [1]} : vector<16xi32> to vector<1xi32>
        %squeeze3A_878 = vector.extract %slice3A_877[0] : i32 from vector<1xi32>
        %swap3A_879 = arith.constant 12 : i32
        %swap3A_880 = arith.index_cast %swap3A_879 : i32 to index
        %swap3A_881 = memref.load %arg8[%swap3A_880] : memref<512xi32, #tpu.memory_space<smem>>
        memref.store %squeeze3A_878, %arg8[%swap3A_880] : memref<512xi32, #tpu.memory_space<smem>>
        %slice3A_882 = vector.extract_strided_slice %get3A_816 {offsets = [13], sizes = [1], strides = [1]} : vector<16xi32> to vector<1xi32>
        %squeeze3A_883 = vector.extract %slice3A_882[0] : i32 from vector<1xi32>
        %swap3A_884 = arith.constant 13 : i32
        %swap3A_885 = arith.index_cast %swap3A_884 : i32 to index
        %swap3A_886 = memref.load %arg8[%swap3A_885] : memref<512xi32, #tpu.memory_space<smem>>
        memref.store %squeeze3A_883, %arg8[%swap3A_885] : memref<512xi32, #tpu.memory_space<smem>>
        %slice3A_887 = vector.extract_strided_slice %get3A_816 {offsets = [14], sizes = [1], strides = [1]} : vector<16xi32> to vector<1xi32>
        %squeeze3A_888 = vector.extract %slice3A_887[0] : i32 from vector<1xi32>
        %swap3A_889 = arith.constant 14 : i32
        %swap3A_890 = arith.index_cast %swap3A_889 : i32 to index
        %swap3A_891 = memref.load %arg8[%swap3A_890] : memref<512xi32, #tpu.memory_space<smem>>
        memref.store %squeeze3A_888, %arg8[%swap3A_890] : memref<512xi32, #tpu.memory_space<smem>>
        %slice3A_892 = vector.extract_strided_slice %get3A_816 {offsets = [15], sizes = [1], strides = [1]} : vector<16xi32> to vector<1xi32>
        %squeeze3A_893 = vector.extract %slice3A_892[0] : i32 from vector<1xi32>
        %swap3A_894 = arith.constant 15 : i32
        %swap3A_895 = arith.index_cast %swap3A_894 : i32 to index
        %swap3A_896 = memref.load %arg8[%swap3A_895] : memref<512xi32, #tpu.memory_space<smem>>
        memref.store %squeeze3A_893, %arg8[%swap3A_895] : memref<512xi32, #tpu.memory_space<smem>>
        %get3A_897 = arith.constant 16 : index
        %get3A_898 = tpu.vector_load %arg10[%get3A_897] {strides = array<i32>} : memref<512xi32, #tpu.memory_space<vmem>>, vector<16xi32>,
        %get3A_899 = vector.shape_cast %get3A_898 : vector<16xi32> to vector<16xi32>
        %slice3A_900 = vector.extract_strided_slice %get3A_899 {offsets = [0], sizes = [1], strides = [1]} : vector<16xi32> to vector<1xi32>
        %squeeze3A_901 = vector.extract %slice3A_900[0] : i32 from vector<1xi32>
        %swap3A_902 = arith.constant 16 : i32
        %swap3A_903 = arith.index_cast %swap3A_902 : i32 to index
        %swap3A_904 = memref.load %arg8[%swap3A_903] : memref<512xi32, #tpu.memory_space<smem>>
        memref.store %squeeze3A_901, %arg8[%swap3A_903] : memref<512xi32, #tpu.memory_space<smem>>
        %slice3A_905 = vector.extract_strided_slice %get3A_899 {offsets = [1], sizes = [1], strides = [1]} : vector<16xi32> to vector<1xi32>
        %squeeze3A_906 = vector.extract %slice3A_905[0] : i32 from vector<1xi32>
        %swap3A_907 = arith.constant 17 : i32
        %swap3A_908 = arith.index_cast %swap3A_907 : i32 to index
        %swap3A_909 = memref.load %arg8[%swap3A_908] : memref<512xi32, #tpu.memory_space<smem>>
        memref.store %squeeze3A_906, %arg8[%swap3A_908] : memref<512xi32, #tpu.memory_space<smem>>
        %slice3A_910 = vector.extract_strided_slice %get3A_899 {offsets = [2], sizes = [1], strides = [1]} : vector<16xi32> to vector<1xi32>
        %squeeze3A_911 = vector.extract %slice3A_910[0] : i32 from vector<1xi32>
        %swap3A_912 = arith.constant 18 : i32
        %swap3A_913 = arith.index_cast %swap3A_912 : i32 to index
        %swap3A_914 = memref.load %arg8[%swap3A_913] : memref<512xi32, #tpu.memory_space<smem>>
        memref.store %squeeze3A_911, %arg8[%swap3A_913] : memref<512xi32, #tpu.memory_space<smem>>
        %slice3A_915 = vector.extract_strided_slice %get3A_899 {offsets = [3], sizes = [1], strides = [1]} : vector<16xi32> to vector<1xi32>
        %squeeze3A_916 = vector.extract %slice3A_915[0] : i32 from vector<1xi32>
        %swap3A_917 = arith.constant 19 : i32
        %swap3A_918 = arith.index_cast %swap3A_917 : i32 to index
        %swap3A_919 = memref.load %arg8[%swap3A_918] : memref<512xi32, #tpu.memory_space<smem>>
        memref.store %squeeze3A_916, %arg8[%swap3A_918] : memref<512xi32, #tpu.memory_space<smem>>
        %slice3A_920 = vector.extract_strided_slice %get3A_899 {offsets = [4], sizes = [1], strides = [1]} : vector<16xi32> to vector<1xi32>
        %squeeze3A_921 = vector.extract %slice3A_920[0] : i32 from vector<1xi32>
        %swap3A_922 = arith.constant 20 : i32
        %swap3A_923 = arith.index_cast %swap3A_922 : i32 to index
        %swap3A_924 = memref.load %arg8[%swap3A_923] : memref<512xi32, #tpu.memory_space<smem>>
        memref.store %squeeze3A_921, %arg8[%swap3A_923] : memref<512xi32, #tpu.memory_space<smem>>
        %slice3A_925 = vector.extract_strided_slice %get3A_899 {offsets = [5], sizes = [1], strides = [1]} : vector<16xi32> to vector<1xi32>
        %squeeze3A_926 = vector.extract %slice3A_925[0] : i32 from vector<1xi32>
        %swap3A_927 = arith.constant 21 : i32
        %swap3A_928 = arith.index_cast %swap3A_927 : i32 to index
        %swap3A_929 = memref.load %arg8[%swap3A_928] : memref<512xi32, #tpu.memory_space<smem>>
        memref.store %squeeze3A_926, %arg8[%swap3A_928] : memref<512xi32, #tpu.memory_space<smem>>
        %slice3A_930 = vector.extract_strided_slice %get3A_899 {offsets = [6], sizes = [1], strides = [1]} : vector<16xi32> to vector<1xi32>
        %squeeze3A_931 = vector.extract %slice3A_930[0] : i32 from vector<1xi32>
        %swap3A_932 = arith.constant 22 : i32
        %swap3A_933 = arith.index_cast %swap3A_932 : i32 to index
        %swap3A_934 = memref.load %arg8[%swap3A_933] : memref<512xi32, #tpu.memory_space<smem>>
        memref.store %squeeze3A_931, %arg8[%swap3A_933] : memref<512xi32, #tpu.memory_space<smem>>
        %slice3A_935 = vector.extract_strided_slice %get3A_899 {offsets = [7], sizes = [1], strides = [1]} : vector<16xi32> to vector<1xi32>
        %squeeze3A_936 = vector.extract %slice3A_935[0] : i32 from vector<1xi32>
        %swap3A_937 = arith.constant 23 : i32
        %swap3A_938 = arith.index_cast %swap3A_937 : i32 to index
        %swap3A_939 = memref.load %arg8[%swap3A_938] : memref<512xi32, #tpu.memory_space<smem>>
        memref.store %squeeze3A_936, %arg8[%swap3A_938] : memref<512xi32, #tpu.memory_space<smem>>
        %slice3A_940 = vector.extract_strided_slice %get3A_899 {offsets = [8], sizes = [1], strides = [1]} : vector<16xi32> to vector<1xi32>
        %squeeze3A_941 = vector.extract %slice3A_940[0] : i32 from vector<1xi32>
        %swap3A_942 = arith.constant 24 : i32
        %swap3A_943 = arith.index_cast %swap3A_942 : i32 to index
        %swap3A_944 = memref.load %arg8[%swap3A_943] : memref<512xi32, #tpu.memory_space<smem>>
        memref.store %squeeze3A_941, %arg8[%swap3A_943] : memref<512xi32, #tpu.memory_space<smem>>
        %slice3A_945 = vector.extract_strided_slice %get3A_899 {offsets = [9], sizes = [1], strides = [1]} : vector<16xi32> to vector<1xi32>
        %squeeze3A_946 = vector.extract %slice3A_945[0] : i32 from vector<1xi32>
        %swap3A_947 = arith.constant 25 : i32
        %swap3A_948 = arith.index_cast %swap3A_947 : i32 to index
        %swap3A_949 = memref.load %arg8[%swap3A_948] : memref<512xi32, #tpu.memory_space<smem>>
        memref.store %squeeze3A_946, %arg8[%swap3A_948] : memref<512xi32, #tpu.memory_space<smem>>
        %slice3A_950 = vector.extract_strided_slice %get3A_899 {offsets = [10], sizes = [1], strides = [1]} : vector<16xi32> to vector<1xi32>
        %squeeze3A_951 = vector.extract %slice3A_950[0] : i32 from vector<1xi32>
        %swap3A_952 = arith.constant 26 : i32
        %swap3A_953 = arith.index_cast %swap3A_952 : i32 to index
        %swap3A_954 = memref.load %arg8[%swap3A_953] : memref<512xi32, #tpu.memory_space<smem>>
        memref.store %squeeze3A_951, %arg8[%swap3A_953] : memref<512xi32, #tpu.memory_space<smem>>
        %slice3A_955 = vector.extract_strided_slice %get3A_899 {offsets = [11], sizes = [1], strides = [1]} : vector<16xi32> to vector<1xi32>
        %squeeze3A_956 = vector.extract %slice3A_955[0] : i32 from vector<1xi32>
        %swap3A_957 = arith.constant 27 : i32
        %swap3A_958 = arith.index_cast %swap3A_957 : i32 to index
        %swap3A_959 = memref.load %arg8[%swap3A_958] : memref<512xi32, #tpu.memory_space<smem>>
        memref.store %squeeze3A_956, %arg8[%swap3A_958] : memref<512xi32, #tpu.memory_space<smem>>
        %slice3A_960 = vector.extract_strided_slice %get3A_899 {offsets = [12], sizes = [1], strides = [1]} : vector<16xi32> to vector<1xi32>
        %squeeze3A_961 = vector.extract %slice3A_960[0] : i32 from vector<1xi32>
        %swap3A_962 = arith.constant 28 : i32
        %swap3A_963 = arith.index_cast %swap3A_962 : i32 to index
        %swap3A_964 = memref.load %arg8[%swap3A_963] : memref<512xi32, #tpu.memory_space<smem>>
        memref.store %squeeze3A_961, %arg8[%swap3A_963] : memref<512xi32, #tpu.memory_space<smem>>
        %slice3A_965 = vector.extract_strided_slice %get3A_899 {offsets = [13], sizes = [1], strides = [1]} : vector<16xi32> to vector<1xi32>
        %squeeze3A_966 = vector.extract %slice3A_965[0] : i32 from vector<1xi32>
        %swap3A_967 = arith.constant 29 : i32
        %swap3A_968 = arith.index_cast %swap3A_967 : i32 to index
        %swap3A_969 = memref.load %arg8[%swap3A_968] : memref<512xi32, #tpu.memory_space<smem>>
        memref.store %squeeze3A_966, %arg8[%swap3A_968] : memref<512xi32, #tpu.memory_space<smem>>
        %slice3A_970 = vector.extract_strided_slice %get3A_899 {offsets = [14], sizes = [1], strides = [1]} : vector<16xi32> to vector<1xi32>
        %squeeze3A_971 = vector.extract %slice3A_970[0] : i32 from vector<1xi32>
        %swap3A_972 = arith.constant 30 : i32
        %swap3A_973 = arith.index_cast %swap3A_972 : i32 to index
        %swap3A_974 = memref.load %arg8[%swap3A_973] : memref<512xi32, #tpu.memory_space<smem>>
        memref.store %squeeze3A_971, %arg8[%swap3A_973] : memref<512xi32, #tpu.memory_space<smem>>
        %slice3A_975 = vector.extract_strided_slice %get3A_899 {offsets = [15], sizes = [1], strides = [1]} : vector<16xi32> to vector<1xi32>
        %squeeze3A_976 = vector.extract %slice3A_975[0] : i32 from vector<1xi32>
        %swap3A_977 = arith.constant 31 : i32
        %swap3A_978 = arith.index_cast %swap3A_977 : i32 to index
        %swap3A_979 = memref.load %arg8[%swap3A_978] : memref<512xi32, #tpu.memory_space<smem>>
        memref.store %squeeze3A_976, %arg8[%swap3A_978] : memref<512xi32, #tpu.memory_space<smem>>
        %get3A_980 = arith.constant 32 : index
        %get3A_981 = tpu.vector_load %arg10[%get3A_980] {strides = array<i32>} : memref<512xi32, #tpu.memory_space<vmem>>, vector<16xi32>,
        %get3A_982 = vector.shape_cast %get3A_981 : vector<16xi32> to vector<16xi32>
        %slice3A_983 = vector.extract_strided_slice %get3A_982 {offsets = [0], sizes = [1], strides = [1]} : vector<16xi32> to vector<1xi32>
        %squeeze3A_984 = vector.extract %slice3A_983[0] : i32 from vector<1xi32>
        %swap3A_985 = arith.constant 32 : i32
        %swap3A_986 = arith.index_cast %swap3A_985 : i32 to index
        %swap3A_987 = memref.load %arg8[%swap3A_986] : memref<512xi32, #tpu.memory_space<smem>>
        memref.store %squeeze3A_984, %arg8[%swap3A_986] : memref<512xi32, #tpu.memory_space<smem>>
        %slice3A_988 = vector.extract_strided_slice %get3A_982 {offsets = [1], sizes = [1], strides = [1]} : vector<16xi32> to vector<1xi32>
        %squeeze3A_989 = vector.extract %slice3A_988[0] : i32 from vector<1xi32>
        %swap3A_990 = arith.constant 33 : i32
        %swap3A_991 = arith.index_cast %swap3A_990 : i32 to index
        %swap3A_992 = memref.load %arg8[%swap3A_991] : memref<512xi32, #tpu.memory_space<smem>>
        memref.store %squeeze3A_989, %arg8[%swap3A_991] : memref<512xi32, #tpu.memory_space<smem>>
        %slice3A_993 = vector.extract_strided_slice %get3A_982 {offsets = [2], sizes = [1], strides = [1]} : vector<16xi32> to vector<1xi32>
        %squeeze3A_994 = vector.extract %slice3A_993[0] : i32 from vector<1xi32>
        %swap3A_995 = arith.constant 34 : i32
        %swap3A_996 = arith.index_cast %swap3A_995 : i32 to index
        %swap3A_997 = memref.load %arg8[%swap3A_996] : memref<512xi32, #tpu.memory_space<smem>>
        memref.store %squeeze3A_994, %arg8[%swap3A_996] : memref<512xi32, #tpu.memory_space<smem>>
        %slice3A_998 = vector.extract_strided_slice %get3A_982 {offsets = [3], sizes = [1], strides = [1]} : vector<16xi32> to vector<1xi32>
        %squeeze3A_999 = vector.extract %slice3A_998[0] : i32 from vector<1xi32>
        %swap3A_1000 = arith.constant 35 : i32
        %swap3A_1001 = arith.index_cast %swap3A_1000 : i32 to index
        %swap3A_1002 = memref.load %arg8[%swap3A_1001] : memref<512xi32, #tpu.memory_space<smem>>
        memref.store %squeeze3A_999, %arg8[%swap3A_1001] : memref<512xi32, #tpu.memory_space<smem>>
        %slice3A_1003 = vector.extract_strided_slice %get3A_982 {offsets = [4], sizes = [1], strides = [1]} : vector<16xi32> to vector<1xi32>
        %squeeze3A_1004 = vector.extract %slice3A_1003[0] : i32 from vector<1xi32>
        %swap3A_1005 = arith.constant 36 : i32
        %swap3A_1006 = arith.index_cast %swap3A_1005 : i32 to index
        %swap3A_1007 = memref.load %arg8[%swap3A_1006] : memref<512xi32, #tpu.memory_space<smem>>
        memref.store %squeeze3A_1004, %arg8[%swap3A_1006] : memref<512xi32, #tpu.memory_space<smem>>
        %slice3A_1008 = vector.extract_strided_slice %get3A_982 {offsets = [5], sizes = [1], strides = [1]} : vector<16xi32> to vector<1xi32>
        %squeeze3A_1009 = vector.extract %slice3A_1008[0] : i32 from vector<1xi32>
        %swap3A_1010 = arith.constant 37 : i32
        %swap3A_1011 = arith.index_cast %swap3A_1010 : i32 to index
        %swap3A_1012 = memref.load %arg8[%swap3A_1011] : memref<512xi32, #tpu.memory_space<smem>>
        memref.store %squeeze3A_1009, %arg8[%swap3A_1011] : memref<512xi32, #tpu.memory_space<smem>>
        %slice3A_1013 = vector.extract_strided_slice %get3A_982 {offsets = [6], sizes = [1], strides = [1]} : vector<16xi32> to vector<1xi32>
        %squeeze3A_1014 = vector.extract %slice3A_1013[0] : i32 from vector<1xi32>
        %swap3A_1015 = arith.constant 38 : i32
        %swap3A_1016 = arith.index_cast %swap3A_1015 : i32 to index
        %swap3A_1017 = memref.load %arg8[%swap3A_1016] : memref<512xi32, #tpu.memory_space<smem>>
        memref.store %squeeze3A_1014, %arg8[%swap3A_1016] : memref<512xi32, #tpu.memory_space<smem>>
        %slice3A_1018 = vector.extract_strided_slice %get3A_982 {offsets = [7], sizes = [1], strides = [1]} : vector<16xi32> to vector<1xi32>
        %squeeze3A_1019 = vector.extract %slice3A_1018[0] : i32 from vector<1xi32>
        %swap3A_1020 = arith.constant 39 : i32
        %swap3A_1021 = arith.index_cast %swap3A_1020 : i32 to index
        %swap3A_1022 = memref.load %arg8[%swap3A_1021] : memref<512xi32, #tpu.memory_space<smem>>
        memref.store %squeeze3A_1019, %arg8[%swap3A_1021] : memref<512xi32, #tpu.memory_space<smem>>
        %slice3A_1023 = vector.extract_strided_slice %get3A_982 {offsets = [8], sizes = [1], strides = [1]} : vector<16xi32> to vector<1xi32>
        %squeeze3A_1024 = vector.extract %slice3A_1023[0] : i32 from vector<1xi32>
        %swap3A_1025 = arith.constant 40 : i32
        %swap3A_1026 = arith.index_cast %swap3A_1025 : i32 to index
        %swap3A_1027 = memref.load %arg8[%swap3A_1026] : memref<512xi32, #tpu.memory_space<smem>>
        memref.store %squeeze3A_1024, %arg8[%swap3A_1026] : memref<512xi32, #tpu.memory_space<smem>>
        %slice3A_1028 = vector.extract_strided_slice %get3A_982 {offsets = [9], sizes = [1], strides = [1]} : vector<16xi32> to vector<1xi32>
        %squeeze3A_1029 = vector.extract %slice3A_1028[0] : i32 from vector<1xi32>
        %swap3A_1030 = arith.constant 41 : i32
        %swap3A_1031 = arith.index_cast %swap3A_1030 : i32 to index
        %swap3A_1032 = memref.load %arg8[%swap3A_1031] : memref<512xi32, #tpu.memory_space<smem>>
        memref.store %squeeze3A_1029, %arg8[%swap3A_1031] : memref<512xi32, #tpu.memory_space<smem>>
        %slice3A_1033 = vector.extract_strided_slice %get3A_982 {offsets = [10], sizes = [1], strides = [1]} : vector<16xi32> to vector<1xi32>
        %squeeze3A_1034 = vector.extract %slice3A_1033[0] : i32 from vector<1xi32>
        %swap3A_1035 = arith.constant 42 : i32
        %swap3A_1036 = arith.index_cast %swap3A_1035 : i32 to index
        %swap3A_1037 = memref.load %arg8[%swap3A_1036] : memref<512xi32, #tpu.memory_space<smem>>
        memref.store %squeeze3A_1034, %arg8[%swap3A_1036] : memref<512xi32, #tpu.memory_space<smem>>
        %slice3A_1038 = vector.extract_strided_slice %get3A_982 {offsets = [11], sizes = [1], strides = [1]} : vector<16xi32> to vector<1xi32>
        %squeeze3A_1039 = vector.extract %slice3A_1038[0] : i32 from vector<1xi32>
        %swap3A_1040 = arith.constant 43 : i32
        %swap3A_1041 = arith.index_cast %swap3A_1040 : i32 to index
        %swap3A_1042 = memref.load %arg8[%swap3A_1041] : memref<512xi32, #tpu.memory_space<smem>>
        memref.store %squeeze3A_1039, %arg8[%swap3A_1041] : memref<512xi32, #tpu.memory_space<smem>>
        %slice3A_1043 = vector.extract_strided_slice %get3A_982 {offsets = [12], sizes = [1], strides = [1]} : vector<16xi32> to vector<1xi32>
        %squeeze3A_1044 = vector.extract %slice3A_1043[0] : i32 from vector<1xi32>
        %swap3A_1045 = arith.constant 44 : i32
        %swap3A_1046 = arith.index_cast %swap3A_1045 : i32 to index
        %swap3A_1047 = memref.load %arg8[%swap3A_1046] : memref<512xi32, #tpu.memory_space<smem>>
        memref.store %squeeze3A_1044, %arg8[%swap3A_1046] : memref<512xi32, #tpu.memory_space<smem>>
        %slice3A_1048 = vector.extract_strided_slice %get3A_982 {offsets = [13], sizes = [1], strides = [1]} : vector<16xi32> to vector<1xi32>
        %squeeze3A_1049 = vector.extract %slice3A_1048[0] : i32 from vector<1xi32>
        %swap3A_1050 = arith.constant 45 : i32
        %swap3A_1051 = arith.index_cast %swap3A_1050 : i32 to index
        %swap3A_1052 = memref.load %arg8[%swap3A_1051] : memref<512xi32, #tpu.memory_space<smem>>
        memref.store %squeeze3A_1049, %arg8[%swap3A_1051] : memref<512xi32, #tpu.memory_space<smem>>
        %slice3A_1053 = vector.extract_strided_slice %get3A_982 {offsets = [14], sizes = [1], strides = [1]} : vector<16xi32> to vector<1xi32>
        %squeeze3A_1054 = vector.extract %slice3A_1053[0] : i32 from vector<1xi32>
        %swap3A_1055 = arith.constant 46 : i32
        %swap3A_1056 = arith.index_cast %swap3A_1055 : i32 to index
        %swap3A_1057 = memref.load %arg8[%swap3A_1056] : memref<512xi32, #tpu.memory_space<smem>>
        memref.store %squeeze3A_1054, %arg8[%swap3A_1056] : memref<512xi32, #tpu.memory_space<smem>>
        %slice3A_1058 = vector.extract_strided_slice %get3A_982 {offsets = [15], sizes = [1], strides = [1]} : vector<16xi32> to vector<1xi32>
        %squeeze3A_1059 = vector.extract %slice3A_1058[0] : i32 from vector<1xi32>
        %swap3A_1060 = arith.constant 47 : i32
        %swap3A_1061 = arith.index_cast %swap3A_1060 : i32 to index
        %swap3A_1062 = memref.load %arg8[%swap3A_1061] : memref<512xi32, #tpu.memory_space<smem>>
        memref.store %squeeze3A_1059, %arg8[%swap3A_1061] : memref<512xi32, #tpu.memory_space<smem>>
        %get3A_1063 = arith.constant 48 : index
        %get3A_1064 = tpu.vector_load %arg10[%get3A_1063] {strides = array<i32>} : memref<512xi32, #tpu.memory_space<vmem>>, vector<16xi32>,
        %get3A_1065 = vector.shape_cast %get3A_1064 : vector<16xi32> to vector<16xi32>
        %slice3A_1066 = vector.extract_strided_slice %get3A_1065 {offsets = [0], sizes = [1], strides = [1]} : vector<16xi32> to vector<1xi32>
        %squeeze3A_1067 = vector.extract %slice3A_1066[0] : i32 from vector<1xi32>
        %swap3A_1068 = arith.constant 48 : i32
        %swap3A_1069 = arith.index_cast %swap3A_1068 : i32 to index
        %swap3A_1070 = memref.load %arg8[%swap3A_1069] : memref<512xi32, #tpu.memory_space<smem>>
        memref.store %squeeze3A_1067, %arg8[%swap3A_1069] : memref<512xi32, #tpu.memory_space<smem>>
        %slice3A_1071 = vector.extract_strided_slice %get3A_1065 {offsets = [1], sizes = [1], strides = [1]} : vector<16xi32> to vector<1xi32>
        %squeeze3A_1072 = vector.extract %slice3A_1071[0] : i32 from vector<1xi32>
        %swap3A_1073 = arith.constant 49 : i32
        %swap3A_1074 = arith.index_cast %swap3A_1073 : i32 to index
        %swap3A_1075 = memref.load %arg8[%swap3A_1074] : memref<512xi32, #tpu.memory_space<smem>>
        memref.store %squeeze3A_1072, %arg8[%swap3A_1074] : memref<512xi32, #tpu.memory_space<smem>>
        %slice3A_1076 = vector.extract_strided_slice %get3A_1065 {offsets = [2], sizes = [1], strides = [1]} : vector<16xi32> to vector<1xi32>
        %squeeze3A_1077 = vector.extract %slice3A_1076[0] : i32 from vector<1xi32>
        %swap3A_1078 = arith.constant 50 : i32
        %swap3A_1079 = arith.index_cast %swap3A_1078 : i32 to index
        %swap3A_1080 = memref.load %arg8[%swap3A_1079] : memref<512xi32, #tpu.memory_space<smem>>
        memref.store %squeeze3A_1077, %arg8[%swap3A_1079] : memref<512xi32, #tpu.memory_space<smem>>
        %slice3A_1081 = vector.extract_strided_slice %get3A_1065 {offsets = [3], sizes = [1], strides = [1]} : vector<16xi32> to vector<1xi32>
        %squeeze3A_1082 = vector.extract %slice3A_1081[0] : i32 from vector<1xi32>
        %swap3A_1083 = arith.constant 51 : i32
        %swap3A_1084 = arith.index_cast %swap3A_1083 : i32 to index
        %swap3A_1085 = memref.load %arg8[%swap3A_1084] : memref<512xi32, #tpu.memory_space<smem>>
        memref.store %squeeze3A_1082, %arg8[%swap3A_1084] : memref<512xi32, #tpu.memory_space<smem>>
        %slice3A_1086 = vector.extract_strided_slice %get3A_1065 {offsets = [4], sizes = [1], strides = [1]} : vector<16xi32> to vector<1xi32>
        %squeeze3A_1087 = vector.extract %slice3A_1086[0] : i32 from vector<1xi32>
        %swap3A_1088 = arith.constant 52 : i32
        %swap3A_1089 = arith.index_cast %swap3A_1088 : i32 to index
        %swap3A_1090 = memref.load %arg8[%swap3A_1089] : memref<512xi32, #tpu.memory_space<smem>>
        memref.store %squeeze3A_1087, %arg8[%swap3A_1089] : memref<512xi32, #tpu.memory_space<smem>>
        %slice3A_1091 = vector.extract_strided_slice %get3A_1065 {offsets = [5], sizes = [1], strides = [1]} : vector<16xi32> to vector<1xi32>
        %squeeze3A_1092 = vector.extract %slice3A_1091[0] : i32 from vector<1xi32>
        %swap3A_1093 = arith.constant 53 : i32
        %swap3A_1094 = arith.index_cast %swap3A_1093 : i32 to index
        %swap3A_1095 = memref.load %arg8[%swap3A_1094] : memref<512xi32, #tpu.memory_space<smem>>
        memref.store %squeeze3A_1092, %arg8[%swap3A_1094] : memref<512xi32, #tpu.memory_space<smem>>
        %slice3A_1096 = vector.extract_strided_slice %get3A_1065 {offsets = [6], sizes = [1], strides = [1]} : vector<16xi32> to vector<1xi32>
        %squeeze3A_1097 = vector.extract %slice3A_1096[0] : i32 from vector<1xi32>
        %swap3A_1098 = arith.constant 54 : i32
        %swap3A_1099 = arith.index_cast %swap3A_1098 : i32 to index
        %swap3A_1100 = memref.load %arg8[%swap3A_1099] : memref<512xi32, #tpu.memory_space<smem>>
        memref.store %squeeze3A_1097, %arg8[%swap3A_1099] : memref<512xi32, #tpu.memory_space<smem>>
        %slice3A_1101 = vector.extract_strided_slice %get3A_1065 {offsets = [7], sizes = [1], strides = [1]} : vector<16xi32> to vector<1xi32>
        %squeeze3A_1102 = vector.extract %slice3A_1101[0] : i32 from vector<1xi32>
        %swap3A_1103 = arith.constant 55 : i32
        %swap3A_1104 = arith.index_cast %swap3A_1103 : i32 to index
        %swap3A_1105 = memref.load %arg8[%swap3A_1104] : memref<512xi32, #tpu.memory_space<smem>>
        memref.store %squeeze3A_1102, %arg8[%swap3A_1104] : memref<512xi32, #tpu.memory_space<smem>>
        %slice3A_1106 = vector.extract_strided_slice %get3A_1065 {offsets = [8], sizes = [1], strides = [1]} : vector<16xi32> to vector<1xi32>
        %squeeze3A_1107 = vector.extract %slice3A_1106[0] : i32 from vector<1xi32>
        %swap3A_1108 = arith.constant 56 : i32
        %swap3A_1109 = arith.index_cast %swap3A_1108 : i32 to index
        %swap3A_1110 = memref.load %arg8[%swap3A_1109] : memref<512xi32, #tpu.memory_space<smem>>
        memref.store %squeeze3A_1107, %arg8[%swap3A_1109] : memref<512xi32, #tpu.memory_space<smem>>
        %slice3A_1111 = vector.extract_strided_slice %get3A_1065 {offsets = [9], sizes = [1], strides = [1]} : vector<16xi32> to vector<1xi32>
        %squeeze3A_1112 = vector.extract %slice3A_1111[0] : i32 from vector<1xi32>
        %swap3A_1113 = arith.constant 57 : i32
        %swap3A_1114 = arith.index_cast %swap3A_1113 : i32 to index
        %swap3A_1115 = memref.load %arg8[%swap3A_1114] : memref<512xi32, #tpu.memory_space<smem>>
        memref.store %squeeze3A_1112, %arg8[%swap3A_1114] : memref<512xi32, #tpu.memory_space<smem>>
        %slice3A_1116 = vector.extract_strided_slice %get3A_1065 {offsets = [10], sizes = [1], strides = [1]} : vector<16xi32> to vector<1xi32>
        %squeeze3A_1117 = vector.extract %slice3A_1116[0] : i32 from vector<1xi32>
        %swap3A_1118 = arith.constant 58 : i32
        %swap3A_1119 = arith.index_cast %swap3A_1118 : i32 to index
        %swap3A_1120 = memref.load %arg8[%swap3A_1119] : memref<512xi32, #tpu.memory_space<smem>>
        memref.store %squeeze3A_1117, %arg8[%swap3A_1119] : memref<512xi32, #tpu.memory_space<smem>>
        %slice3A_1121 = vector.extract_strided_slice %get3A_1065 {offsets = [11], sizes = [1], strides = [1]} : vector<16xi32> to vector<1xi32>
        %squeeze3A_1122 = vector.extract %slice3A_1121[0] : i32 from vector<1xi32>
        %swap3A_1123 = arith.constant 59 : i32
        %swap3A_1124 = arith.index_cast %swap3A_1123 : i32 to index
        %swap3A_1125 = memref.load %arg8[%swap3A_1124] : memref<512xi32, #tpu.memory_space<smem>>
        memref.store %squeeze3A_1122, %arg8[%swap3A_1124] : memref<512xi32, #tpu.memory_space<smem>>
        %slice3A_1126 = vector.extract_strided_slice %get3A_1065 {offsets = [12], sizes = [1], strides = [1]} : vector<16xi32> to vector<1xi32>
        %squeeze3A_1127 = vector.extract %slice3A_1126[0] : i32 from vector<1xi32>
        %swap3A_1128 = arith.constant 60 : i32
        %swap3A_1129 = arith.index_cast %swap3A_1128 : i32 to index
        %swap3A_1130 = memref.load %arg8[%swap3A_1129] : memref<512xi32, #tpu.memory_space<smem>>
        memref.store %squeeze3A_1127, %arg8[%swap3A_1129] : memref<512xi32, #tpu.memory_space<smem>>
        %slice3A_1131 = vector.extract_strided_slice %get3A_1065 {offsets = [13], sizes = [1], strides = [1]} : vector<16xi32> to vector<1xi32>
        %squeeze3A_1132 = vector.extract %slice3A_1131[0] : i32 from vector<1xi32>
        %swap3A_1133 = arith.constant 61 : i32
        %swap3A_1134 = arith.index_cast %swap3A_1133 : i32 to index
        %swap3A_1135 = memref.load %arg8[%swap3A_1134] : memref<512xi32, #tpu.memory_space<smem>>
        memref.store %squeeze3A_1132, %arg8[%swap3A_1134] : memref<512xi32, #tpu.memory_space<smem>>
        %slice3A_1136 = vector.extract_strided_slice %get3A_1065 {offsets = [14], sizes = [1], strides = [1]} : vector<16xi32> to vector<1xi32>
        %squeeze3A_1137 = vector.extract %slice3A_1136[0] : i32 from vector<1xi32>
        %swap3A_1138 = arith.constant 62 : i32
        %swap3A_1139 = arith.index_cast %swap3A_1138 : i32 to index
        %swap3A_1140 = memref.load %arg8[%swap3A_1139] : memref<512xi32, #tpu.memory_space<smem>>
        memref.store %squeeze3A_1137, %arg8[%swap3A_1139] : memref<512xi32, #tpu.memory_space<smem>>
        %slice3A_1141 = vector.extract_strided_slice %get3A_1065 {offsets = [15], sizes = [1], strides = [1]} : vector<16xi32> to vector<1xi32>
        %squeeze3A_1142 = vector.extract %slice3A_1141[0] : i32 from vector<1xi32>
        %swap3A_1143 = arith.constant 63 : i32
        %swap3A_1144 = arith.index_cast %swap3A_1143 : i32 to index
        %swap3A_1145 = memref.load %arg8[%swap3A_1144] : memref<512xi32, #tpu.memory_space<smem>>
        memref.store %squeeze3A_1142, %arg8[%swap3A_1144] : memref<512xi32, #tpu.memory_space<smem>>
        %get3A_1146 = arith.constant 64 : index
        %get3A_1147 = tpu.vector_load %arg10[%get3A_1146] {strides = array<i32>} : memref<512xi32, #tpu.memory_space<vmem>>, vector<16xi32>,
        %get3A_1148 = vector.shape_cast %get3A_1147 : vector<16xi32> to vector<16xi32>
        %slice3A_1149 = vector.extract_strided_slice %get3A_1148 {offsets = [0], sizes = [1], strides = [1]} : vector<16xi32> to vector<1xi32>
        %squeeze3A_1150 = vector.extract %slice3A_1149[0] : i32 from vector<1xi32>
        %swap3A_1151 = arith.constant 64 : i32
        %swap3A_1152 = arith.index_cast %swap3A_1151 : i32 to index
        %swap3A_1153 = memref.load %arg8[%swap3A_1152] : memref<512xi32, #tpu.memory_space<smem>>
        memref.store %squeeze3A_1150, %arg8[%swap3A_1152] : memref<512xi32, #tpu.memory_space<smem>>
        %slice3A_1154 = vector.extract_strided_slice %get3A_1148 {offsets = [1], sizes = [1], strides = [1]} : vector<16xi32> to vector<1xi32>
        %squeeze3A_1155 = vector.extract %slice3A_1154[0] : i32 from vector<1xi32>
        %swap3A_1156 = arith.constant 65 : i32
        %swap3A_1157 = arith.index_cast %swap3A_1156 : i32 to index
        %swap3A_1158 = memref.load %arg8[%swap3A_1157] : memref<512xi32, #tpu.memory_space<smem>>
        memref.store %squeeze3A_1155, %arg8[%swap3A_1157] : memref<512xi32, #tpu.memory_space<smem>>
        %slice3A_1159 = vector.extract_strided_slice %get3A_1148 {offsets = [2], sizes = [1], strides = [1]} : vector<16xi32> to vector<1xi32>
        %squeeze3A_1160 = vector.extract %slice3A_1159[0] : i32 from vector<1xi32>
        %swap3A_1161 = arith.constant 66 : i32
        %swap3A_1162 = arith.index_cast %swap3A_1161 : i32 to index
        %swap3A_1163 = memref.load %arg8[%swap3A_1162] : memref<512xi32, #tpu.memory_space<smem>>
        memref.store %squeeze3A_1160, %arg8[%swap3A_1162] : memref<512xi32, #tpu.memory_space<smem>>
        %slice3A_1164 = vector.extract_strided_slice %get3A_1148 {offsets = [3], sizes = [1], strides = [1]} : vector<16xi32> to vector<1xi32>
        %squeeze3A_1165 = vector.extract %slice3A_1164[0] : i32 from vector<1xi32>
        %swap3A_1166 = arith.constant 67 : i32
        %swap3A_1167 = arith.index_cast %swap3A_1166 : i32 to index
        %swap3A_1168 = memref.load %arg8[%swap3A_1167] : memref<512xi32, #tpu.memory_space<smem>>
        memref.store %squeeze3A_1165, %arg8[%swap3A_1167] : memref<512xi32, #tpu.memory_space<smem>>
        %slice3A_1169 = vector.extract_strided_slice %get3A_1148 {offsets = [4], sizes = [1], strides = [1]} : vector<16xi32> to vector<1xi32>
        %squeeze3A_1170 = vector.extract %slice3A_1169[0] : i32 from vector<1xi32>
        %swap3A_1171 = arith.constant 68 : i32
        %swap3A_1172 = arith.index_cast %swap3A_1171 : i32 to index
        %swap3A_1173 = memref.load %arg8[%swap3A_1172] : memref<512xi32, #tpu.memory_space<smem>>
        memref.store %squeeze3A_1170, %arg8[%swap3A_1172] : memref<512xi32, #tpu.memory_space<smem>>
        %slice3A_1174 = vector.extract_strided_slice %get3A_1148 {offsets = [5], sizes = [1], strides = [1]} : vector<16xi32> to vector<1xi32>
        %squeeze3A_1175 = vector.extract %slice3A_1174[0] : i32 from vector<1xi32>
        %swap3A_1176 = arith.constant 69 : i32
        %swap3A_1177 = arith.index_cast %swap3A_1176 : i32 to index
        %swap3A_1178 = memref.load %arg8[%swap3A_1177] : memref<512xi32, #tpu.memory_space<smem>>
        memref.store %squeeze3A_1175, %arg8[%swap3A_1177] : memref<512xi32, #tpu.memory_space<smem>>
        %slice3A_1179 = vector.extract_strided_slice %get3A_1148 {offsets = [6], sizes = [1], strides = [1]} : vector<16xi32> to vector<1xi32>
        %squeeze3A_1180 = vector.extract %slice3A_1179[0] : i32 from vector<1xi32>
        %swap3A_1181 = arith.constant 70 : i32
        %swap3A_1182 = arith.index_cast %swap3A_1181 : i32 to index
        %swap3A_1183 = memref.load %arg8[%swap3A_1182] : memref<512xi32, #tpu.memory_space<smem>>
        memref.store %squeeze3A_1180, %arg8[%swap3A_1182] : memref<512xi32, #tpu.memory_space<smem>>
        %slice3A_1184 = vector.extract_strided_slice %get3A_1148 {offsets = [7], sizes = [1], strides = [1]} : vector<16xi32> to vector<1xi32>
        %squeeze3A_1185 = vector.extract %slice3A_1184[0] : i32 from vector<1xi32>
        %swap3A_1186 = arith.constant 71 : i32
        %swap3A_1187 = arith.index_cast %swap3A_1186 : i32 to index
        %swap3A_1188 = memref.load %arg8[%swap3A_1187] : memref<512xi32, #tpu.memory_space<smem>>
        memref.store %squeeze3A_1185, %arg8[%swap3A_1187] : memref<512xi32, #tpu.memory_space<smem>>
        %slice3A_1189 = vector.extract_strided_slice %get3A_1148 {offsets = [8], sizes = [1], strides = [1]} : vector<16xi32> to vector<1xi32>
        %squeeze3A_1190 = vector.extract %slice3A_1189[0] : i32 from vector<1xi32>
        %swap3A_1191 = arith.constant 72 : i32
        %swap3A_1192 = arith.index_cast %swap3A_1191 : i32 to index
        %swap3A_1193 = memref.load %arg8[%swap3A_1192] : memref<512xi32, #tpu.memory_space<smem>>
        memref.store %squeeze3A_1190, %arg8[%swap3A_1192] : memref<512xi32, #tpu.memory_space<smem>>
        %slice3A_1194 = vector.extract_strided_slice %get3A_1148 {offsets = [9], sizes = [1], strides = [1]} : vector<16xi32> to vector<1xi32>
        %squeeze3A_1195 = vector.extract %slice3A_1194[0] : i32 from vector<1xi32>
        %swap3A_1196 = arith.constant 73 : i32
        %swap3A_1197 = arith.index_cast %swap3A_1196 : i32 to index
        %swap3A_1198 = memref.load %arg8[%swap3A_1197] : memref<512xi32, #tpu.memory_space<smem>>
        memref.store %squeeze3A_1195, %arg8[%swap3A_1197] : memref<512xi32, #tpu.memory_space<smem>>
        %slice3A_1199 = vector.extract_strided_slice %get3A_1148 {offsets = [10], sizes = [1], strides = [1]} : vector<16xi32> to vector<1xi32>
        %squeeze3A_1200 = vector.extract %slice3A_1199[0] : i32 from vector<1xi32>
        %swap3A_1201 = arith.constant 74 : i32
        %swap3A_1202 = arith.index_cast %swap3A_1201 : i32 to index
        %swap3A_1203 = memref.load %arg8[%swap3A_1202] : memref<512xi32, #tpu.memory_space<smem>>
        memref.store %squeeze3A_1200, %arg8[%swap3A_1202] : memref<512xi32, #tpu.memory_space<smem>>
        %slice3A_1204 = vector.extract_strided_slice %get3A_1148 {offsets = [11], sizes = [1], strides = [1]} : vector<16xi32> to vector<1xi32>
        %squeeze3A_1205 = vector.extract %slice3A_1204[0] : i32 from vector<1xi32>
        %swap3A_1206 = arith.constant 75 : i32
        %swap3A_1207 = arith.index_cast %swap3A_1206 : i32 to index
        %swap3A_1208 = memref.load %arg8[%swap3A_1207] : memref<512xi32, #tpu.memory_space<smem>>
        memref.store %squeeze3A_1205, %arg8[%swap3A_1207] : memref<512xi32, #tpu.memory_space<smem>>
        %slice3A_1209 = vector.extract_strided_slice %get3A_1148 {offsets = [12], sizes = [1], strides = [1]} : vector<16xi32> to vector<1xi32>
        %squeeze3A_1210 = vector.extract %slice3A_1209[0] : i32 from vector<1xi32>
        %swap3A_1211 = arith.constant 76 : i32
        %swap3A_1212 = arith.index_cast %swap3A_1211 : i32 to index
        %swap3A_1213 = memref.load %arg8[%swap3A_1212] : memref<512xi32, #tpu.memory_space<smem>>
        memref.store %squeeze3A_1210, %arg8[%swap3A_1212] : memref<512xi32, #tpu.memory_space<smem>>
        %slice3A_1214 = vector.extract_strided_slice %get3A_1148 {offsets = [13], sizes = [1], strides = [1]} : vector<16xi32> to vector<1xi32>
        %squeeze3A_1215 = vector.extract %slice3A_1214[0] : i32 from vector<1xi32>
        %swap3A_1216 = arith.constant 77 : i32
        %swap3A_1217 = arith.index_cast %swap3A_1216 : i32 to index
        %swap3A_1218 = memref.load %arg8[%swap3A_1217] : memref<512xi32, #tpu.memory_space<smem>>
        memref.store %squeeze3A_1215, %arg8[%swap3A_1217] : memref<512xi32, #tpu.memory_space<smem>>
        %slice3A_1219 = vector.extract_strided_slice %get3A_1148 {offsets = [14], sizes = [1], strides = [1]} : vector<16xi32> to vector<1xi32>
        %squeeze3A_1220 = vector.extract %slice3A_1219[0] : i32 from vector<1xi32>
        %swap3A_1221 = arith.constant 78 : i32
        %swap3A_1222 = arith.index_cast %swap3A_1221 : i32 to index
        %swap3A_1223 = memref.load %arg8[%swap3A_1222] : memref<512xi32, #tpu.memory_space<smem>>
        memref.store %squeeze3A_1220, %arg8[%swap3A_1222] : memref<512xi32, #tpu.memory_space<smem>>
        %slice3A_1224 = vector.extract_strided_slice %get3A_1148 {offsets = [15], sizes = [1], strides = [1]} : vector<16xi32> to vector<1xi32>
        %squeeze3A_1225 = vector.extract %slice3A_1224[0] : i32 from vector<1xi32>
        %swap3A_1226 = arith.constant 79 : i32
        %swap3A_1227 = arith.index_cast %swap3A_1226 : i32 to index
        %swap3A_1228 = memref.load %arg8[%swap3A_1227] : memref<512xi32, #tpu.memory_space<smem>>
        memref.store %squeeze3A_1225, %arg8[%swap3A_1227] : memref<512xi32, #tpu.memory_space<smem>>
        %get3A_1229 = arith.constant 80 : index
        %get3A_1230 = tpu.vector_load %arg10[%get3A_1229] {strides = array<i32>} : memref<512xi32, #tpu.memory_space<vmem>>, vector<16xi32>,
        %get3A_1231 = vector.shape_cast %get3A_1230 : vector<16xi32> to vector<16xi32>
        %slice3A_1232 = vector.extract_strided_slice %get3A_1231 {offsets = [0], sizes = [1], strides = [1]} : vector<16xi32> to vector<1xi32>
        %squeeze3A_1233 = vector.extract %slice3A_1232[0] : i32 from vector<1xi32>
        %swap3A_1234 = arith.constant 80 : i32
        %swap3A_1235 = arith.index_cast %swap3A_1234 : i32 to index
        %swap3A_1236 = memref.load %arg8[%swap3A_1235] : memref<512xi32, #tpu.memory_space<smem>>
        memref.store %squeeze3A_1233, %arg8[%swap3A_1235] : memref<512xi32, #tpu.memory_space<smem>>
        %slice3A_1237 = vector.extract_strided_slice %get3A_1231 {offsets = [1], sizes = [1], strides = [1]} : vector<16xi32> to vector<1xi32>
        %squeeze3A_1238 = vector.extract %slice3A_1237[0] : i32 from vector<1xi32>
        %swap3A_1239 = arith.constant 81 : i32
        %swap3A_1240 = arith.index_cast %swap3A_1239 : i32 to index
        %swap3A_1241 = memref.load %arg8[%swap3A_1240] : memref<512xi32, #tpu.memory_space<smem>>
        memref.store %squeeze3A_1238, %arg8[%swap3A_1240] : memref<512xi32, #tpu.memory_space<smem>>
        %slice3A_1242 = vector.extract_strided_slice %get3A_1231 {offsets = [2], sizes = [1], strides = [1]} : vector<16xi32> to vector<1xi32>
        %squeeze3A_1243 = vector.extract %slice3A_1242[0] : i32 from vector<1xi32>
        %swap3A_1244 = arith.constant 82 : i32
        %swap3A_1245 = arith.index_cast %swap3A_1244 : i32 to index
        %swap3A_1246 = memref.load %arg8[%swap3A_1245] : memref<512xi32, #tpu.memory_space<smem>>
        memref.store %squeeze3A_1243, %arg8[%swap3A_1245] : memref<512xi32, #tpu.memory_space<smem>>
        %slice3A_1247 = vector.extract_strided_slice %get3A_1231 {offsets = [3], sizes = [1], strides = [1]} : vector<16xi32> to vector<1xi32>
        %squeeze3A_1248 = vector.extract %slice3A_1247[0] : i32 from vector<1xi32>
        %swap3A_1249 = arith.constant 83 : i32
        %swap3A_1250 = arith.index_cast %swap3A_1249 : i32 to index
        %swap3A_1251 = memref.load %arg8[%swap3A_1250] : memref<512xi32, #tpu.memory_space<smem>>
        memref.store %squeeze3A_1248, %arg8[%swap3A_1250] : memref<512xi32, #tpu.memory_space<smem>>
        %slice3A_1252 = vector.extract_strided_slice %get3A_1231 {offsets = [4], sizes = [1], strides = [1]} : vector<16xi32> to vector<1xi32>
        %squeeze3A_1253 = vector.extract %slice3A_1252[0] : i32 from vector<1xi32>
        %swap3A_1254 = arith.constant 84 : i32
        %swap3A_1255 = arith.index_cast %swap3A_1254 : i32 to index
        %swap3A_1256 = memref.load %arg8[%swap3A_1255] : memref<512xi32, #tpu.memory_space<smem>>
        memref.store %squeeze3A_1253, %arg8[%swap3A_1255] : memref<512xi32, #tpu.memory_space<smem>>
        %slice3A_1257 = vector.extract_strided_slice %get3A_1231 {offsets = [5], sizes = [1], strides = [1]} : vector<16xi32> to vector<1xi32>
        %squeeze3A_1258 = vector.extract %slice3A_1257[0] : i32 from vector<1xi32>
        %swap3A_1259 = arith.constant 85 : i32
        %swap3A_1260 = arith.index_cast %swap3A_1259 : i32 to index
        %swap3A_1261 = memref.load %arg8[%swap3A_1260] : memref<512xi32, #tpu.memory_space<smem>>
        memref.store %squeeze3A_1258, %arg8[%swap3A_1260] : memref<512xi32, #tpu.memory_space<smem>>
        %slice3A_1262 = vector.extract_strided_slice %get3A_1231 {offsets = [6], sizes = [1], strides = [1]} : vector<16xi32> to vector<1xi32>
        %squeeze3A_1263 = vector.extract %slice3A_1262[0] : i32 from vector<1xi32>
        %swap3A_1264 = arith.constant 86 : i32
        %swap3A_1265 = arith.index_cast %swap3A_1264 : i32 to index
        %swap3A_1266 = memref.load %arg8[%swap3A_1265] : memref<512xi32, #tpu.memory_space<smem>>
        memref.store %squeeze3A_1263, %arg8[%swap3A_1265] : memref<512xi32, #tpu.memory_space<smem>>
        %slice3A_1267 = vector.extract_strided_slice %get3A_1231 {offsets = [7], sizes = [1], strides = [1]} : vector<16xi32> to vector<1xi32>
        %squeeze3A_1268 = vector.extract %slice3A_1267[0] : i32 from vector<1xi32>
        %swap3A_1269 = arith.constant 87 : i32
        %swap3A_1270 = arith.index_cast %swap3A_1269 : i32 to index
        %swap3A_1271 = memref.load %arg8[%swap3A_1270] : memref<512xi32, #tpu.memory_space<smem>>
        memref.store %squeeze3A_1268, %arg8[%swap3A_1270] : memref<512xi32, #tpu.memory_space<smem>>
        %slice3A_1272 = vector.extract_strided_slice %get3A_1231 {offsets = [8], sizes = [1], strides = [1]} : vector<16xi32> to vector<1xi32>
        %squeeze3A_1273 = vector.extract %slice3A_1272[0] : i32 from vector<1xi32>
        %swap3A_1274 = arith.constant 88 : i32
        %swap3A_1275 = arith.index_cast %swap3A_1274 : i32 to index
        %swap3A_1276 = memref.load %arg8[%swap3A_1275] : memref<512xi32, #tpu.memory_space<smem>>
        memref.store %squeeze3A_1273, %arg8[%swap3A_1275] : memref<512xi32, #tpu.memory_space<smem>>
        %slice3A_1277 = vector.extract_strided_slice %get3A_1231 {offsets = [9], sizes = [1], strides = [1]} : vector<16xi32> to vector<1xi32>
        %squeeze3A_1278 = vector.extract %slice3A_1277[0] : i32 from vector<1xi32>
        %swap3A_1279 = arith.constant 89 : i32
        %swap3A_1280 = arith.index_cast %swap3A_1279 : i32 to index
        %swap3A_1281 = memref.load %arg8[%swap3A_1280] : memref<512xi32, #tpu.memory_space<smem>>
        memref.store %squeeze3A_1278, %arg8[%swap3A_1280] : memref<512xi32, #tpu.memory_space<smem>>
        %slice3A_1282 = vector.extract_strided_slice %get3A_1231 {offsets = [10], sizes = [1], strides = [1]} : vector<16xi32> to vector<1xi32>
        %squeeze3A_1283 = vector.extract %slice3A_1282[0] : i32 from vector<1xi32>
        %swap3A_1284 = arith.constant 90 : i32
        %swap3A_1285 = arith.index_cast %swap3A_1284 : i32 to index
        %swap3A_1286 = memref.load %arg8[%swap3A_1285] : memref<512xi32, #tpu.memory_space<smem>>
        memref.store %squeeze3A_1283, %arg8[%swap3A_1285] : memref<512xi32, #tpu.memory_space<smem>>
        %slice3A_1287 = vector.extract_strided_slice %get3A_1231 {offsets = [11], sizes = [1], strides = [1]} : vector<16xi32> to vector<1xi32>
        %squeeze3A_1288 = vector.extract %slice3A_1287[0] : i32 from vector<1xi32>
        %swap3A_1289 = arith.constant 91 : i32
        %swap3A_1290 = arith.index_cast %swap3A_1289 : i32 to index
        %swap3A_1291 = memref.load %arg8[%swap3A_1290] : memref<512xi32, #tpu.memory_space<smem>>
        memref.store %squeeze3A_1288, %arg8[%swap3A_1290] : memref<512xi32, #tpu.memory_space<smem>>
        %slice3A_1292 = vector.extract_strided_slice %get3A_1231 {offsets = [12], sizes = [1], strides = [1]} : vector<16xi32> to vector<1xi32>
        %squeeze3A_1293 = vector.extract %slice3A_1292[0] : i32 from vector<1xi32>
        %swap3A_1294 = arith.constant 92 : i32
        %swap3A_1295 = arith.index_cast %swap3A_1294 : i32 to index
        %swap3A_1296 = memref.load %arg8[%swap3A_1295] : memref<512xi32, #tpu.memory_space<smem>>
        memref.store %squeeze3A_1293, %arg8[%swap3A_1295] : memref<512xi32, #tpu.memory_space<smem>>
        %slice3A_1297 = vector.extract_strided_slice %get3A_1231 {offsets = [13], sizes = [1], strides = [1]} : vector<16xi32> to vector<1xi32>
        %squeeze3A_1298 = vector.extract %slice3A_1297[0] : i32 from vector<1xi32>
        %swap3A_1299 = arith.constant 93 : i32
        %swap3A_1300 = arith.index_cast %swap3A_1299 : i32 to index
        %swap3A_1301 = memref.load %arg8[%swap3A_1300] : memref<512xi32, #tpu.memory_space<smem>>
        memref.store %squeeze3A_1298, %arg8[%swap3A_1300] : memref<512xi32, #tpu.memory_space<smem>>
        %slice3A_1302 = vector.extract_strided_slice %get3A_1231 {offsets = [14], sizes = [1], strides = [1]} : vector<16xi32> to vector<1xi32>
        %squeeze3A_1303 = vector.extract %slice3A_1302[0] : i32 from vector<1xi32>
        %swap3A_1304 = arith.constant 94 : i32
        %swap3A_1305 = arith.index_cast %swap3A_1304 : i32 to index
        %swap3A_1306 = memref.load %arg8[%swap3A_1305] : memref<512xi32, #tpu.memory_space<smem>>
        memref.store %squeeze3A_1303, %arg8[%swap3A_1305] : memref<512xi32, #tpu.memory_space<smem>>
        %slice3A_1307 = vector.extract_strided_slice %get3A_1231 {offsets = [15], sizes = [1], strides = [1]} : vector<16xi32> to vector<1xi32>
        %squeeze3A_1308 = vector.extract %slice3A_1307[0] : i32 from vector<1xi32>
        %swap3A_1309 = arith.constant 95 : i32
        %swap3A_1310 = arith.index_cast %swap3A_1309 : i32 to index
        %swap3A_1311 = memref.load %arg8[%swap3A_1310] : memref<512xi32, #tpu.memory_space<smem>>
        memref.store %squeeze3A_1308, %arg8[%swap3A_1310] : memref<512xi32, #tpu.memory_space<smem>>
        %get3A_1312 = arith.constant 96 : index
        %get3A_1313 = tpu.vector_load %arg10[%get3A_1312] {strides = array<i32>} : memref<512xi32, #tpu.memory_space<vmem>>, vector<16xi32>,
        %get3A_1314 = vector.shape_cast %get3A_1313 : vector<16xi32> to vector<16xi32>
        %slice3A_1315 = vector.extract_strided_slice %get3A_1314 {offsets = [0], sizes = [1], strides = [1]} : vector<16xi32> to vector<1xi32>
        %squeeze3A_1316 = vector.extract %slice3A_1315[0] : i32 from vector<1xi32>
        %swap3A_1317 = arith.constant 96 : i32
        %swap3A_1318 = arith.index_cast %swap3A_1317 : i32 to index
        %swap3A_1319 = memref.load %arg8[%swap3A_1318] : memref<512xi32, #tpu.memory_space<smem>>
        memref.store %squeeze3A_1316, %arg8[%swap3A_1318] : memref<512xi32, #tpu.memory_space<smem>>
        %slice3A_1320 = vector.extract_strided_slice %get3A_1314 {offsets = [1], sizes = [1], strides = [1]} : vector<16xi32> to vector<1xi32>
        %squeeze3A_1321 = vector.extract %slice3A_1320[0] : i32 from vector<1xi32>
        %swap3A_1322 = arith.constant 97 : i32
        %swap3A_1323 = arith.index_cast %swap3A_1322 : i32 to index
        %swap3A_1324 = memref.load %arg8[%swap3A_1323] : memref<512xi32, #tpu.memory_space<smem>>
        memref.store %squeeze3A_1321, %arg8[%swap3A_1323] : memref<512xi32, #tpu.memory_space<smem>>
        %slice3A_1325 = vector.extract_strided_slice %get3A_1314 {offsets = [2], sizes = [1], strides = [1]} : vector<16xi32> to vector<1xi32>
        %squeeze3A_1326 = vector.extract %slice3A_1325[0] : i32 from vector<1xi32>
        %swap3A_1327 = arith.constant 98 : i32
        %swap3A_1328 = arith.index_cast %swap3A_1327 : i32 to index
        %swap3A_1329 = memref.load %arg8[%swap3A_1328] : memref<512xi32, #tpu.memory_space<smem>>
        memref.store %squeeze3A_1326, %arg8[%swap3A_1328] : memref<512xi32, #tpu.memory_space<smem>>
        %slice3A_1330 = vector.extract_strided_slice %get3A_1314 {offsets = [3], sizes = [1], strides = [1]} : vector<16xi32> to vector<1xi32>
        %squeeze3A_1331 = vector.extract %slice3A_1330[0] : i32 from vector<1xi32>
        %swap3A_1332 = arith.constant 99 : i32
        %swap3A_1333 = arith.index_cast %swap3A_1332 : i32 to index
        %swap3A_1334 = memref.load %arg8[%swap3A_1333] : memref<512xi32, #tpu.memory_space<smem>>
        memref.store %squeeze3A_1331, %arg8[%swap3A_1333] : memref<512xi32, #tpu.memory_space<smem>>
        %slice3A_1335 = vector.extract_strided_slice %get3A_1314 {offsets = [4], sizes = [1], strides = [1]} : vector<16xi32> to vector<1xi32>
        %squeeze3A_1336 = vector.extract %slice3A_1335[0] : i32 from vector<1xi32>
        %swap3A_1337 = arith.constant 100 : i32
        %swap3A_1338 = arith.index_cast %swap3A_1337 : i32 to index
        %swap3A_1339 = memref.load %arg8[%swap3A_1338] : memref<512xi32, #tpu.memory_space<smem>>
        memref.store %squeeze3A_1336, %arg8[%swap3A_1338] : memref<512xi32, #tpu.memory_space<smem>>
        %slice3A_1340 = vector.extract_strided_slice %get3A_1314 {offsets = [5], sizes = [1], strides = [1]} : vector<16xi32> to vector<1xi32>
        %squeeze3A_1341 = vector.extract %slice3A_1340[0] : i32 from vector<1xi32>
        %swap3A_1342 = arith.constant 101 : i32
        %swap3A_1343 = arith.index_cast %swap3A_1342 : i32 to index
        %swap3A_1344 = memref.load %arg8[%swap3A_1343] : memref<512xi32, #tpu.memory_space<smem>>
        memref.store %squeeze3A_1341, %arg8[%swap3A_1343] : memref<512xi32, #tpu.memory_space<smem>>
        %slice3A_1345 = vector.extract_strided_slice %get3A_1314 {offsets = [6], sizes = [1], strides = [1]} : vector<16xi32> to vector<1xi32>
        %squeeze3A_1346 = vector.extract %slice3A_1345[0] : i32 from vector<1xi32>
        %swap3A_1347 = arith.constant 102 : i32
        %swap3A_1348 = arith.index_cast %swap3A_1347 : i32 to index
        %swap3A_1349 = memref.load %arg8[%swap3A_1348] : memref<512xi32, #tpu.memory_space<smem>>
        memref.store %squeeze3A_1346, %arg8[%swap3A_1348] : memref<512xi32, #tpu.memory_space<smem>>
        %slice3A_1350 = vector.extract_strided_slice %get3A_1314 {offsets = [7], sizes = [1], strides = [1]} : vector<16xi32> to vector<1xi32>
        %squeeze3A_1351 = vector.extract %slice3A_1350[0] : i32 from vector<1xi32>
        %swap3A_1352 = arith.constant 103 : i32
        %swap3A_1353 = arith.index_cast %swap3A_1352 : i32 to index
        %swap3A_1354 = memref.load %arg8[%swap3A_1353] : memref<512xi32, #tpu.memory_space<smem>>
        memref.store %squeeze3A_1351, %arg8[%swap3A_1353] : memref<512xi32, #tpu.memory_space<smem>>
        %slice3A_1355 = vector.extract_strided_slice %get3A_1314 {offsets = [8], sizes = [1], strides = [1]} : vector<16xi32> to vector<1xi32>
        %squeeze3A_1356 = vector.extract %slice3A_1355[0] : i32 from vector<1xi32>
        %swap3A_1357 = arith.constant 104 : i32
        %swap3A_1358 = arith.index_cast %swap3A_1357 : i32 to index
        %swap3A_1359 = memref.load %arg8[%swap3A_1358] : memref<512xi32, #tpu.memory_space<smem>>
        memref.store %squeeze3A_1356, %arg8[%swap3A_1358] : memref<512xi32, #tpu.memory_space<smem>>
        %slice3A_1360 = vector.extract_strided_slice %get3A_1314 {offsets = [9], sizes = [1], strides = [1]} : vector<16xi32> to vector<1xi32>
        %squeeze3A_1361 = vector.extract %slice3A_1360[0] : i32 from vector<1xi32>
        %swap3A_1362 = arith.constant 105 : i32
        %swap3A_1363 = arith.index_cast %swap3A_1362 : i32 to index
        %swap3A_1364 = memref.load %arg8[%swap3A_1363] : memref<512xi32, #tpu.memory_space<smem>>
        memref.store %squeeze3A_1361, %arg8[%swap3A_1363] : memref<512xi32, #tpu.memory_space<smem>>
        %slice3A_1365 = vector.extract_strided_slice %get3A_1314 {offsets = [10], sizes = [1], strides = [1]} : vector<16xi32> to vector<1xi32>
        %squeeze3A_1366 = vector.extract %slice3A_1365[0] : i32 from vector<1xi32>
        %swap3A_1367 = arith.constant 106 : i32
        %swap3A_1368 = arith.index_cast %swap3A_1367 : i32 to index
        %swap3A_1369 = memref.load %arg8[%swap3A_1368] : memref<512xi32, #tpu.memory_space<smem>>
        memref.store %squeeze3A_1366, %arg8[%swap3A_1368] : memref<512xi32, #tpu.memory_space<smem>>
        %slice3A_1370 = vector.extract_strided_slice %get3A_1314 {offsets = [11], sizes = [1], strides = [1]} : vector<16xi32> to vector<1xi32>
        %squeeze3A_1371 = vector.extract %slice3A_1370[0] : i32 from vector<1xi32>
        %swap3A_1372 = arith.constant 107 : i32
        %swap3A_1373 = arith.index_cast %swap3A_1372 : i32 to index
        %swap3A_1374 = memref.load %arg8[%swap3A_1373] : memref<512xi32, #tpu.memory_space<smem>>
        memref.store %squeeze3A_1371, %arg8[%swap3A_1373] : memref<512xi32, #tpu.memory_space<smem>>
        %slice3A_1375 = vector.extract_strided_slice %get3A_1314 {offsets = [12], sizes = [1], strides = [1]} : vector<16xi32> to vector<1xi32>
        %squeeze3A_1376 = vector.extract %slice3A_1375[0] : i32 from vector<1xi32>
        %swap3A_1377 = arith.constant 108 : i32
        %swap3A_1378 = arith.index_cast %swap3A_1377 : i32 to index
        %swap3A_1379 = memref.load %arg8[%swap3A_1378] : memref<512xi32, #tpu.memory_space<smem>>
        memref.store %squeeze3A_1376, %arg8[%swap3A_1378] : memref<512xi32, #tpu.memory_space<smem>>
        %slice3A_1380 = vector.extract_strided_slice %get3A_1314 {offsets = [13], sizes = [1], strides = [1]} : vector<16xi32> to vector<1xi32>
        %squeeze3A_1381 = vector.extract %slice3A_1380[0] : i32 from vector<1xi32>
        %swap3A_1382 = arith.constant 109 : i32
        %swap3A_1383 = arith.index_cast %swap3A_1382 : i32 to index
        %swap3A_1384 = memref.load %arg8[%swap3A_1383] : memref<512xi32, #tpu.memory_space<smem>>
        memref.store %squeeze3A_1381, %arg8[%swap3A_1383] : memref<512xi32, #tpu.memory_space<smem>>
        %slice3A_1385 = vector.extract_strided_slice %get3A_1314 {offsets = [14], sizes = [1], strides = [1]} : vector<16xi32> to vector<1xi32>
        %squeeze3A_1386 = vector.extract %slice3A_1385[0] : i32 from vector<1xi32>
        %swap3A_1387 = arith.constant 110 : i32
        %swap3A_1388 = arith.index_cast %swap3A_1387 : i32 to index
        %swap3A_1389 = memref.load %arg8[%swap3A_1388] : memref<512xi32, #tpu.memory_space<smem>>
        memref.store %squeeze3A_1386, %arg8[%swap3A_1388] : memref<512xi32, #tpu.memory_space<smem>>
        %slice3A_1390 = vector.extract_strided_slice %get3A_1314 {offsets = [15], sizes = [1], strides = [1]} : vector<16xi32> to vector<1xi32>
        %squeeze3A_1391 = vector.extract %slice3A_1390[0] : i32 from vector<1xi32>
        %swap3A_1392 = arith.constant 111 : i32
        %swap3A_1393 = arith.index_cast %swap3A_1392 : i32 to index
        %swap3A_1394 = memref.load %arg8[%swap3A_1393] : memref<512xi32, #tpu.memory_space<smem>>
        memref.store %squeeze3A_1391, %arg8[%swap3A_1393] : memref<512xi32, #tpu.memory_space<smem>>
        %get3A_1395 = arith.constant 112 : index
        %get3A_1396 = tpu.vector_load %arg10[%get3A_1395] {strides = array<i32>} : memref<512xi32, #tpu.memory_space<vmem>>, vector<16xi32>,
        %get3A_1397 = vector.shape_cast %get3A_1396 : vector<16xi32> to vector<16xi32>
        %slice3A_1398 = vector.extract_strided_slice %get3A_1397 {offsets = [0], sizes = [1], strides = [1]} : vector<16xi32> to vector<1xi32>
        %squeeze3A_1399 = vector.extract %slice3A_1398[0] : i32 from vector<1xi32>
        %swap3A_1400 = arith.constant 112 : i32
        %swap3A_1401 = arith.index_cast %swap3A_1400 : i32 to index
        %swap3A_1402 = memref.load %arg8[%swap3A_1401] : memref<512xi32, #tpu.memory_space<smem>>
        memref.store %squeeze3A_1399, %arg8[%swap3A_1401] : memref<512xi32, #tpu.memory_space<smem>>
        %slice3A_1403 = vector.extract_strided_slice %get3A_1397 {offsets = [1], sizes = [1], strides = [1]} : vector<16xi32> to vector<1xi32>
        %squeeze3A_1404 = vector.extract %slice3A_1403[0] : i32 from vector<1xi32>
        %swap3A_1405 = arith.constant 113 : i32
        %swap3A_1406 = arith.index_cast %swap3A_1405 : i32 to index
        %swap3A_1407 = memref.load %arg8[%swap3A_1406] : memref<512xi32, #tpu.memory_space<smem>>
        memref.store %squeeze3A_1404, %arg8[%swap3A_1406] : memref<512xi32, #tpu.memory_space<smem>>
        %slice3A_1408 = vector.extract_strided_slice %get3A_1397 {offsets = [2], sizes = [1], strides = [1]} : vector<16xi32> to vector<1xi32>
        %squeeze3A_1409 = vector.extract %slice3A_1408[0] : i32 from vector<1xi32>
        %swap3A_1410 = arith.constant 114 : i32
        %swap3A_1411 = arith.index_cast %swap3A_1410 : i32 to index
        %swap3A_1412 = memref.load %arg8[%swap3A_1411] : memref<512xi32, #tpu.memory_space<smem>>
        memref.store %squeeze3A_1409, %arg8[%swap3A_1411] : memref<512xi32, #tpu.memory_space<smem>>
        %slice3A_1413 = vector.extract_strided_slice %get3A_1397 {offsets = [3], sizes = [1], strides = [1]} : vector<16xi32> to vector<1xi32>
        %squeeze3A_1414 = vector.extract %slice3A_1413[0] : i32 from vector<1xi32>
        %swap3A_1415 = arith.constant 115 : i32
        %swap3A_1416 = arith.index_cast %swap3A_1415 : i32 to index
        %swap3A_1417 = memref.load %arg8[%swap3A_1416] : memref<512xi32, #tpu.memory_space<smem>>
        memref.store %squeeze3A_1414, %arg8[%swap3A_1416] : memref<512xi32, #tpu.memory_space<smem>>
        %slice3A_1418 = vector.extract_strided_slice %get3A_1397 {offsets = [4], sizes = [1], strides = [1]} : vector<16xi32> to vector<1xi32>
        %squeeze3A_1419 = vector.extract %slice3A_1418[0] : i32 from vector<1xi32>
        %swap3A_1420 = arith.constant 116 : i32
        %swap3A_1421 = arith.index_cast %swap3A_1420 : i32 to index
        %swap3A_1422 = memref.load %arg8[%swap3A_1421] : memref<512xi32, #tpu.memory_space<smem>>
        memref.store %squeeze3A_1419, %arg8[%swap3A_1421] : memref<512xi32, #tpu.memory_space<smem>>
        %slice3A_1423 = vector.extract_strided_slice %get3A_1397 {offsets = [5], sizes = [1], strides = [1]} : vector<16xi32> to vector<1xi32>
        %squeeze3A_1424 = vector.extract %slice3A_1423[0] : i32 from vector<1xi32>
        %swap3A_1425 = arith.constant 117 : i32
        %swap3A_1426 = arith.index_cast %swap3A_1425 : i32 to index
        %swap3A_1427 = memref.load %arg8[%swap3A_1426] : memref<512xi32, #tpu.memory_space<smem>>
        memref.store %squeeze3A_1424, %arg8[%swap3A_1426] : memref<512xi32, #tpu.memory_space<smem>>
        %slice3A_1428 = vector.extract_strided_slice %get3A_1397 {offsets = [6], sizes = [1], strides = [1]} : vector<16xi32> to vector<1xi32>
        %squeeze3A_1429 = vector.extract %slice3A_1428[0] : i32 from vector<1xi32>
        %swap3A_1430 = arith.constant 118 : i32
        %swap3A_1431 = arith.index_cast %swap3A_1430 : i32 to index
        %swap3A_1432 = memref.load %arg8[%swap3A_1431] : memref<512xi32, #tpu.memory_space<smem>>
        memref.store %squeeze3A_1429, %arg8[%swap3A_1431] : memref<512xi32, #tpu.memory_space<smem>>
        %slice3A_1433 = vector.extract_strided_slice %get3A_1397 {offsets = [7], sizes = [1], strides = [1]} : vector<16xi32> to vector<1xi32>
        %squeeze3A_1434 = vector.extract %slice3A_1433[0] : i32 from vector<1xi32>
        %swap3A_1435 = arith.constant 119 : i32
        %swap3A_1436 = arith.index_cast %swap3A_1435 : i32 to index
        %swap3A_1437 = memref.load %arg8[%swap3A_1436] : memref<512xi32, #tpu.memory_space<smem>>
        memref.store %squeeze3A_1434, %arg8[%swap3A_1436] : memref<512xi32, #tpu.memory_space<smem>>
        %slice3A_1438 = vector.extract_strided_slice %get3A_1397 {offsets = [8], sizes = [1], strides = [1]} : vector<16xi32> to vector<1xi32>
        %squeeze3A_1439 = vector.extract %slice3A_1438[0] : i32 from vector<1xi32>
        %swap3A_1440 = arith.constant 120 : i32
        %swap3A_1441 = arith.index_cast %swap3A_1440 : i32 to index
        %swap3A_1442 = memref.load %arg8[%swap3A_1441] : memref<512xi32, #tpu.memory_space<smem>>
        memref.store %squeeze3A_1439, %arg8[%swap3A_1441] : memref<512xi32, #tpu.memory_space<smem>>
        %slice3A_1443 = vector.extract_strided_slice %get3A_1397 {offsets = [9], sizes = [1], strides = [1]} : vector<16xi32> to vector<1xi32>
        %squeeze3A_1444 = vector.extract %slice3A_1443[0] : i32 from vector<1xi32>
        %swap3A_1445 = arith.constant 121 : i32
        %swap3A_1446 = arith.index_cast %swap3A_1445 : i32 to index
        %swap3A_1447 = memref.load %arg8[%swap3A_1446] : memref<512xi32, #tpu.memory_space<smem>>
        memref.store %squeeze3A_1444, %arg8[%swap3A_1446] : memref<512xi32, #tpu.memory_space<smem>>
        %slice3A_1448 = vector.extract_strided_slice %get3A_1397 {offsets = [10], sizes = [1], strides = [1]} : vector<16xi32> to vector<1xi32>
        %squeeze3A_1449 = vector.extract %slice3A_1448[0] : i32 from vector<1xi32>
        %swap3A_1450 = arith.constant 122 : i32
        %swap3A_1451 = arith.index_cast %swap3A_1450 : i32 to index
        %swap3A_1452 = memref.load %arg8[%swap3A_1451] : memref<512xi32, #tpu.memory_space<smem>>
        memref.store %squeeze3A_1449, %arg8[%swap3A_1451] : memref<512xi32, #tpu.memory_space<smem>>
        %slice3A_1453 = vector.extract_strided_slice %get3A_1397 {offsets = [11], sizes = [1], strides = [1]} : vector<16xi32> to vector<1xi32>
        %squeeze3A_1454 = vector.extract %slice3A_1453[0] : i32 from vector<1xi32>
        %swap3A_1455 = arith.constant 123 : i32
        %swap3A_1456 = arith.index_cast %swap3A_1455 : i32 to index
        %swap3A_1457 = memref.load %arg8[%swap3A_1456] : memref<512xi32, #tpu.memory_space<smem>>
        memref.store %squeeze3A_1454, %arg8[%swap3A_1456] : memref<512xi32, #tpu.memory_space<smem>>
        %slice3A_1458 = vector.extract_strided_slice %get3A_1397 {offsets = [12], sizes = [1], strides = [1]} : vector<16xi32> to vector<1xi32>
        %squeeze3A_1459 = vector.extract %slice3A_1458[0] : i32 from vector<1xi32>
        %swap3A_1460 = arith.constant 124 : i32
        %swap3A_1461 = arith.index_cast %swap3A_1460 : i32 to index
        %swap3A_1462 = memref.load %arg8[%swap3A_1461] : memref<512xi32, #tpu.memory_space<smem>>
        memref.store %squeeze3A_1459, %arg8[%swap3A_1461] : memref<512xi32, #tpu.memory_space<smem>>
        %slice3A_1463 = vector.extract_strided_slice %get3A_1397 {offsets = [13], sizes = [1], strides = [1]} : vector<16xi32> to vector<1xi32>
        %squeeze3A_1464 = vector.extract %slice3A_1463[0] : i32 from vector<1xi32>
        %swap3A_1465 = arith.constant 125 : i32
        %swap3A_1466 = arith.index_cast %swap3A_1465 : i32 to index
        %swap3A_1467 = memref.load %arg8[%swap3A_1466] : memref<512xi32, #tpu.memory_space<smem>>
        memref.store %squeeze3A_1464, %arg8[%swap3A_1466] : memref<512xi32, #tpu.memory_space<smem>>
        %slice3A_1468 = vector.extract_strided_slice %get3A_1397 {offsets = [14], sizes = [1], strides = [1]} : vector<16xi32> to vector<1xi32>
        %squeeze3A_1469 = vector.extract %slice3A_1468[0] : i32 from vector<1xi32>
        %swap3A_1470 = arith.constant 126 : i32
        %swap3A_1471 = arith.index_cast %swap3A_1470 : i32 to index
        %swap3A_1472 = memref.load %arg8[%swap3A_1471] : memref<512xi32, #tpu.memory_space<smem>>
        memref.store %squeeze3A_1469, %arg8[%swap3A_1471] : memref<512xi32, #tpu.memory_space<smem>>
        %slice3A_1473 = vector.extract_strided_slice %get3A_1397 {offsets = [15], sizes = [1], strides = [1]} : vector<16xi32> to vector<1xi32>
        %squeeze3A_1474 = vector.extract %slice3A_1473[0] : i32 from vector<1xi32>
        %swap3A_1475 = arith.constant 127 : i32
        %swap3A_1476 = arith.index_cast %swap3A_1475 : i32 to index
        %swap3A_1477 = memref.load %arg8[%swap3A_1476] : memref<512xi32, #tpu.memory_space<smem>>
        memref.store %squeeze3A_1474, %arg8[%swap3A_1476] : memref<512xi32, #tpu.memory_space<smem>>
        %get3A_1478 = arith.constant 128 : index
        %get3A_1479 = tpu.vector_load %arg10[%get3A_1478] {strides = array<i32>} : memref<512xi32, #tpu.memory_space<vmem>>, vector<16xi32>,
        %get3A_1480 = vector.shape_cast %get3A_1479 : vector<16xi32> to vector<16xi32>
        %slice3A_1481 = vector.extract_strided_slice %get3A_1480 {offsets = [0], sizes = [1], strides = [1]} : vector<16xi32> to vector<1xi32>
        %squeeze3A_1482 = vector.extract %slice3A_1481[0] : i32 from vector<1xi32>
        %swap3A_1483 = arith.constant 128 : i32
        %swap3A_1484 = arith.index_cast %swap3A_1483 : i32 to index
        %swap3A_1485 = memref.load %arg8[%swap3A_1484] : memref<512xi32, #tpu.memory_space<smem>>
        memref.store %squeeze3A_1482, %arg8[%swap3A_1484] : memref<512xi32, #tpu.memory_space<smem>>
        %slice3A_1486 = vector.extract_strided_slice %get3A_1480 {offsets = [1], sizes = [1], strides = [1]} : vector<16xi32> to vector<1xi32>
        %squeeze3A_1487 = vector.extract %slice3A_1486[0] : i32 from vector<1xi32>
        %swap3A_1488 = arith.constant 129 : i32
        %swap3A_1489 = arith.index_cast %swap3A_1488 : i32 to index
        %swap3A_1490 = memref.load %arg8[%swap3A_1489] : memref<512xi32, #tpu.memory_space<smem>>
        memref.store %squeeze3A_1487, %arg8[%swap3A_1489] : memref<512xi32, #tpu.memory_space<smem>>
        %slice3A_1491 = vector.extract_strided_slice %get3A_1480 {offsets = [2], sizes = [1], strides = [1]} : vector<16xi32> to vector<1xi32>
        %squeeze3A_1492 = vector.extract %slice3A_1491[0] : i32 from vector<1xi32>
        %swap3A_1493 = arith.constant 130 : i32
        %swap3A_1494 = arith.index_cast %swap3A_1493 : i32 to index
        %swap3A_1495 = memref.load %arg8[%swap3A_1494] : memref<512xi32, #tpu.memory_space<smem>>
        memref.store %squeeze3A_1492, %arg8[%swap3A_1494] : memref<512xi32, #tpu.memory_space<smem>>
        %slice3A_1496 = vector.extract_strided_slice %get3A_1480 {offsets = [3], sizes = [1], strides = [1]} : vector<16xi32> to vector<1xi32>
        %squeeze3A_1497 = vector.extract %slice3A_1496[0] : i32 from vector<1xi32>
        %swap3A_1498 = arith.constant 131 : i32
        %swap3A_1499 = arith.index_cast %swap3A_1498 : i32 to index
        %swap3A_1500 = memref.load %arg8[%swap3A_1499] : memref<512xi32, #tpu.memory_space<smem>>
        memref.store %squeeze3A_1497, %arg8[%swap3A_1499] : memref<512xi32, #tpu.memory_space<smem>>
        %slice3A_1501 = vector.extract_strided_slice %get3A_1480 {offsets = [4], sizes = [1], strides = [1]} : vector<16xi32> to vector<1xi32>
        %squeeze3A_1502 = vector.extract %slice3A_1501[0] : i32 from vector<1xi32>
        %swap3A_1503 = arith.constant 132 : i32
        %swap3A_1504 = arith.index_cast %swap3A_1503 : i32 to index
        %swap3A_1505 = memref.load %arg8[%swap3A_1504] : memref<512xi32, #tpu.memory_space<smem>>
        memref.store %squeeze3A_1502, %arg8[%swap3A_1504] : memref<512xi32, #tpu.memory_space<smem>>
        %slice3A_1506 = vector.extract_strided_slice %get3A_1480 {offsets = [5], sizes = [1], strides = [1]} : vector<16xi32> to vector<1xi32>
        %squeeze3A_1507 = vector.extract %slice3A_1506[0] : i32 from vector<1xi32>
        %swap3A_1508 = arith.constant 133 : i32
        %swap3A_1509 = arith.index_cast %swap3A_1508 : i32 to index
        %swap3A_1510 = memref.load %arg8[%swap3A_1509] : memref<512xi32, #tpu.memory_space<smem>>
        memref.store %squeeze3A_1507, %arg8[%swap3A_1509] : memref<512xi32, #tpu.memory_space<smem>>
        %slice3A_1511 = vector.extract_strided_slice %get3A_1480 {offsets = [6], sizes = [1], strides = [1]} : vector<16xi32> to vector<1xi32>
        %squeeze3A_1512 = vector.extract %slice3A_1511[0] : i32 from vector<1xi32>
        %swap3A_1513 = arith.constant 134 : i32
        %swap3A_1514 = arith.index_cast %swap3A_1513 : i32 to index
        %swap3A_1515 = memref.load %arg8[%swap3A_1514] : memref<512xi32, #tpu.memory_space<smem>>
        memref.store %squeeze3A_1512, %arg8[%swap3A_1514] : memref<512xi32, #tpu.memory_space<smem>>
        %slice3A_1516 = vector.extract_strided_slice %get3A_1480 {offsets = [7], sizes = [1], strides = [1]} : vector<16xi32> to vector<1xi32>
        %squeeze3A_1517 = vector.extract %slice3A_1516[0] : i32 from vector<1xi32>
        %swap3A_1518 = arith.constant 135 : i32
        %swap3A_1519 = arith.index_cast %swap3A_1518 : i32 to index
        %swap3A_1520 = memref.load %arg8[%swap3A_1519] : memref<512xi32, #tpu.memory_space<smem>>
        memref.store %squeeze3A_1517, %arg8[%swap3A_1519] : memref<512xi32, #tpu.memory_space<smem>>
        %slice3A_1521 = vector.extract_strided_slice %get3A_1480 {offsets = [8], sizes = [1], strides = [1]} : vector<16xi32> to vector<1xi32>
        %squeeze3A_1522 = vector.extract %slice3A_1521[0] : i32 from vector<1xi32>
        %swap3A_1523 = arith.constant 136 : i32
        %swap3A_1524 = arith.index_cast %swap3A_1523 : i32 to index
        %swap3A_1525 = memref.load %arg8[%swap3A_1524] : memref<512xi32, #tpu.memory_space<smem>>
        memref.store %squeeze3A_1522, %arg8[%swap3A_1524] : memref<512xi32, #tpu.memory_space<smem>>
        %slice3A_1526 = vector.extract_strided_slice %get3A_1480 {offsets = [9], sizes = [1], strides = [1]} : vector<16xi32> to vector<1xi32>
        %squeeze3A_1527 = vector.extract %slice3A_1526[0] : i32 from vector<1xi32>
        %swap3A_1528 = arith.constant 137 : i32
        %swap3A_1529 = arith.index_cast %swap3A_1528 : i32 to index
        %swap3A_1530 = memref.load %arg8[%swap3A_1529] : memref<512xi32, #tpu.memory_space<smem>>
        memref.store %squeeze3A_1527, %arg8[%swap3A_1529] : memref<512xi32, #tpu.memory_space<smem>>
        %slice3A_1531 = vector.extract_strided_slice %get3A_1480 {offsets = [10], sizes = [1], strides = [1]} : vector<16xi32> to vector<1xi32>
        %squeeze3A_1532 = vector.extract %slice3A_1531[0] : i32 from vector<1xi32>
        %swap3A_1533 = arith.constant 138 : i32
        %swap3A_1534 = arith.index_cast %swap3A_1533 : i32 to index
        %swap3A_1535 = memref.load %arg8[%swap3A_1534] : memref<512xi32, #tpu.memory_space<smem>>
        memref.store %squeeze3A_1532, %arg8[%swap3A_1534] : memref<512xi32, #tpu.memory_space<smem>>
        %slice3A_1536 = vector.extract_strided_slice %get3A_1480 {offsets = [11], sizes = [1], strides = [1]} : vector<16xi32> to vector<1xi32>
        %squeeze3A_1537 = vector.extract %slice3A_1536[0] : i32 from vector<1xi32>
        %swap3A_1538 = arith.constant 139 : i32
        %swap3A_1539 = arith.index_cast %swap3A_1538 : i32 to index
        %swap3A_1540 = memref.load %arg8[%swap3A_1539] : memref<512xi32, #tpu.memory_space<smem>>
        memref.store %squeeze3A_1537, %arg8[%swap3A_1539] : memref<512xi32, #tpu.memory_space<smem>>
        %slice3A_1541 = vector.extract_strided_slice %get3A_1480 {offsets = [12], sizes = [1], strides = [1]} : vector<16xi32> to vector<1xi32>
        %squeeze3A_1542 = vector.extract %slice3A_1541[0] : i32 from vector<1xi32>
        %swap3A_1543 = arith.constant 140 : i32
        %swap3A_1544 = arith.index_cast %swap3A_1543 : i32 to index
        %swap3A_1545 = memref.load %arg8[%swap3A_1544] : memref<512xi32, #tpu.memory_space<smem>>
        memref.store %squeeze3A_1542, %arg8[%swap3A_1544] : memref<512xi32, #tpu.memory_space<smem>>
        %slice3A_1546 = vector.extract_strided_slice %get3A_1480 {offsets = [13], sizes = [1], strides = [1]} : vector<16xi32> to vector<1xi32>
        %squeeze3A_1547 = vector.extract %slice3A_1546[0] : i32 from vector<1xi32>
        %swap3A_1548 = arith.constant 141 : i32
        %swap3A_1549 = arith.index_cast %swap3A_1548 : i32 to index
        %swap3A_1550 = memref.load %arg8[%swap3A_1549] : memref<512xi32, #tpu.memory_space<smem>>
        memref.store %squeeze3A_1547, %arg8[%swap3A_1549] : memref<512xi32, #tpu.memory_space<smem>>
        %slice3A_1551 = vector.extract_strided_slice %get3A_1480 {offsets = [14], sizes = [1], strides = [1]} : vector<16xi32> to vector<1xi32>
        %squeeze3A_1552 = vector.extract %slice3A_1551[0] : i32 from vector<1xi32>
        %swap3A_1553 = arith.constant 142 : i32
        %swap3A_1554 = arith.index_cast %swap3A_1553 : i32 to index
        %swap3A_1555 = memref.load %arg8[%swap3A_1554] : memref<512xi32, #tpu.memory_space<smem>>
        memref.store %squeeze3A_1552, %arg8[%swap3A_1554] : memref<512xi32, #tpu.memory_space<smem>>
        %slice3A_1556 = vector.extract_strided_slice %get3A_1480 {offsets = [15], sizes = [1], strides = [1]} : vector<16xi32> to vector<1xi32>
        %squeeze3A_1557 = vector.extract %slice3A_1556[0] : i32 from vector<1xi32>
        %swap3A_1558 = arith.constant 143 : i32
        %swap3A_1559 = arith.index_cast %swap3A_1558 : i32 to index
        %swap3A_1560 = memref.load %arg8[%swap3A_1559] : memref<512xi32, #tpu.memory_space<smem>>
        memref.store %squeeze3A_1557, %arg8[%swap3A_1559] : memref<512xi32, #tpu.memory_space<smem>>
        %get3A_1561 = arith.constant 144 : index
        %get3A_1562 = tpu.vector_load %arg10[%get3A_1561] {strides = array<i32>} : memref<512xi32, #tpu.memory_space<vmem>>, vector<16xi32>,
        %get3A_1563 = vector.shape_cast %get3A_1562 : vector<16xi32> to vector<16xi32>
        %slice3A_1564 = vector.extract_strided_slice %get3A_1563 {offsets = [0], sizes = [1], strides = [1]} : vector<16xi32> to vector<1xi32>
        %squeeze3A_1565 = vector.extract %slice3A_1564[0] : i32 from vector<1xi32>
        %swap3A_1566 = arith.constant 144 : i32
        %swap3A_1567 = arith.index_cast %swap3A_1566 : i32 to index
        %swap3A_1568 = memref.load %arg8[%swap3A_1567] : memref<512xi32, #tpu.memory_space<smem>>
        memref.store %squeeze3A_1565, %arg8[%swap3A_1567] : memref<512xi32, #tpu.memory_space<smem>>
        %slice3A_1569 = vector.extract_strided_slice %get3A_1563 {offsets = [1], sizes = [1], strides = [1]} : vector<16xi32> to vector<1xi32>
        %squeeze3A_1570 = vector.extract %slice3A_1569[0] : i32 from vector<1xi32>
        %swap3A_1571 = arith.constant 145 : i32
        %swap3A_1572 = arith.index_cast %swap3A_1571 : i32 to index
        %swap3A_1573 = memref.load %arg8[%swap3A_1572] : memref<512xi32, #tpu.memory_space<smem>>
        memref.store %squeeze3A_1570, %arg8[%swap3A_1572] : memref<512xi32, #tpu.memory_space<smem>>
        %slice3A_1574 = vector.extract_strided_slice %get3A_1563 {offsets = [2], sizes = [1], strides = [1]} : vector<16xi32> to vector<1xi32>
        %squeeze3A_1575 = vector.extract %slice3A_1574[0] : i32 from vector<1xi32>
        %swap3A_1576 = arith.constant 146 : i32
        %swap3A_1577 = arith.index_cast %swap3A_1576 : i32 to index
        %swap3A_1578 = memref.load %arg8[%swap3A_1577] : memref<512xi32, #tpu.memory_space<smem>>
        memref.store %squeeze3A_1575, %arg8[%swap3A_1577] : memref<512xi32, #tpu.memory_space<smem>>
        %slice3A_1579 = vector.extract_strided_slice %get3A_1563 {offsets = [3], sizes = [1], strides = [1]} : vector<16xi32> to vector<1xi32>
        %squeeze3A_1580 = vector.extract %slice3A_1579[0] : i32 from vector<1xi32>
        %swap3A_1581 = arith.constant 147 : i32
        %swap3A_1582 = arith.index_cast %swap3A_1581 : i32 to index
        %swap3A_1583 = memref.load %arg8[%swap3A_1582] : memref<512xi32, #tpu.memory_space<smem>>
        memref.store %squeeze3A_1580, %arg8[%swap3A_1582] : memref<512xi32, #tpu.memory_space<smem>>
        %slice3A_1584 = vector.extract_strided_slice %get3A_1563 {offsets = [4], sizes = [1], strides = [1]} : vector<16xi32> to vector<1xi32>
        %squeeze3A_1585 = vector.extract %slice3A_1584[0] : i32 from vector<1xi32>
        %swap3A_1586 = arith.constant 148 : i32
        %swap3A_1587 = arith.index_cast %swap3A_1586 : i32 to index
        %swap3A_1588 = memref.load %arg8[%swap3A_1587] : memref<512xi32, #tpu.memory_space<smem>>
        memref.store %squeeze3A_1585, %arg8[%swap3A_1587] : memref<512xi32, #tpu.memory_space<smem>>
        %slice3A_1589 = vector.extract_strided_slice %get3A_1563 {offsets = [5], sizes = [1], strides = [1]} : vector<16xi32> to vector<1xi32>
        %squeeze3A_1590 = vector.extract %slice3A_1589[0] : i32 from vector<1xi32>
        %swap3A_1591 = arith.constant 149 : i32
        %swap3A_1592 = arith.index_cast %swap3A_1591 : i32 to index
        %swap3A_1593 = memref.load %arg8[%swap3A_1592] : memref<512xi32, #tpu.memory_space<smem>>
        memref.store %squeeze3A_1590, %arg8[%swap3A_1592] : memref<512xi32, #tpu.memory_space<smem>>
        %slice3A_1594 = vector.extract_strided_slice %get3A_1563 {offsets = [6], sizes = [1], strides = [1]} : vector<16xi32> to vector<1xi32>
        %squeeze3A_1595 = vector.extract %slice3A_1594[0] : i32 from vector<1xi32>
        %swap3A_1596 = arith.constant 150 : i32
        %swap3A_1597 = arith.index_cast %swap3A_1596 : i32 to index
        %swap3A_1598 = memref.load %arg8[%swap3A_1597] : memref<512xi32, #tpu.memory_space<smem>>
        memref.store %squeeze3A_1595, %arg8[%swap3A_1597] : memref<512xi32, #tpu.memory_space<smem>>
        %slice3A_1599 = vector.extract_strided_slice %get3A_1563 {offsets = [7], sizes = [1], strides = [1]} : vector<16xi32> to vector<1xi32>
        %squeeze3A_1600 = vector.extract %slice3A_1599[0] : i32 from vector<1xi32>
        %swap3A_1601 = arith.constant 151 : i32
        %swap3A_1602 = arith.index_cast %swap3A_1601 : i32 to index
        %swap3A_1603 = memref.load %arg8[%swap3A_1602] : memref<512xi32, #tpu.memory_space<smem>>
        memref.store %squeeze3A_1600, %arg8[%swap3A_1602] : memref<512xi32, #tpu.memory_space<smem>>
        %slice3A_1604 = vector.extract_strided_slice %get3A_1563 {offsets = [8], sizes = [1], strides = [1]} : vector<16xi32> to vector<1xi32>
        %squeeze3A_1605 = vector.extract %slice3A_1604[0] : i32 from vector<1xi32>
        %swap3A_1606 = arith.constant 152 : i32
        %swap3A_1607 = arith.index_cast %swap3A_1606 : i32 to index
        %swap3A_1608 = memref.load %arg8[%swap3A_1607] : memref<512xi32, #tpu.memory_space<smem>>
        memref.store %squeeze3A_1605, %arg8[%swap3A_1607] : memref<512xi32, #tpu.memory_space<smem>>
        %slice3A_1609 = vector.extract_strided_slice %get3A_1563 {offsets = [9], sizes = [1], strides = [1]} : vector<16xi32> to vector<1xi32>
        %squeeze3A_1610 = vector.extract %slice3A_1609[0] : i32 from vector<1xi32>
        %swap3A_1611 = arith.constant 153 : i32
        %swap3A_1612 = arith.index_cast %swap3A_1611 : i32 to index
        %swap3A_1613 = memref.load %arg8[%swap3A_1612] : memref<512xi32, #tpu.memory_space<smem>>
        memref.store %squeeze3A_1610, %arg8[%swap3A_1612] : memref<512xi32, #tpu.memory_space<smem>>
        %slice3A_1614 = vector.extract_strided_slice %get3A_1563 {offsets = [10], sizes = [1], strides = [1]} : vector<16xi32> to vector<1xi32>
        %squeeze3A_1615 = vector.extract %slice3A_1614[0] : i32 from vector<1xi32>
        %swap3A_1616 = arith.constant 154 : i32
        %swap3A_1617 = arith.index_cast %swap3A_1616 : i32 to index
        %swap3A_1618 = memref.load %arg8[%swap3A_1617] : memref<512xi32, #tpu.memory_space<smem>>
        memref.store %squeeze3A_1615, %arg8[%swap3A_1617] : memref<512xi32, #tpu.memory_space<smem>>
        %slice3A_1619 = vector.extract_strided_slice %get3A_1563 {offsets = [11], sizes = [1], strides = [1]} : vector<16xi32> to vector<1xi32>
        %squeeze3A_1620 = vector.extract %slice3A_1619[0] : i32 from vector<1xi32>
        %swap3A_1621 = arith.constant 155 : i32
        %swap3A_1622 = arith.index_cast %swap3A_1621 : i32 to index
        %swap3A_1623 = memref.load %arg8[%swap3A_1622] : memref<512xi32, #tpu.memory_space<smem>>
        memref.store %squeeze3A_1620, %arg8[%swap3A_1622] : memref<512xi32, #tpu.memory_space<smem>>
        %slice3A_1624 = vector.extract_strided_slice %get3A_1563 {offsets = [12], sizes = [1], strides = [1]} : vector<16xi32> to vector<1xi32>
        %squeeze3A_1625 = vector.extract %slice3A_1624[0] : i32 from vector<1xi32>
        %swap3A_1626 = arith.constant 156 : i32
        %swap3A_1627 = arith.index_cast %swap3A_1626 : i32 to index
        %swap3A_1628 = memref.load %arg8[%swap3A_1627] : memref<512xi32, #tpu.memory_space<smem>>
        memref.store %squeeze3A_1625, %arg8[%swap3A_1627] : memref<512xi32, #tpu.memory_space<smem>>
        %slice3A_1629 = vector.extract_strided_slice %get3A_1563 {offsets = [13], sizes = [1], strides = [1]} : vector<16xi32> to vector<1xi32>
        %squeeze3A_1630 = vector.extract %slice3A_1629[0] : i32 from vector<1xi32>
        %swap3A_1631 = arith.constant 157 : i32
        %swap3A_1632 = arith.index_cast %swap3A_1631 : i32 to index
        %swap3A_1633 = memref.load %arg8[%swap3A_1632] : memref<512xi32, #tpu.memory_space<smem>>
        memref.store %squeeze3A_1630, %arg8[%swap3A_1632] : memref<512xi32, #tpu.memory_space<smem>>
        %slice3A_1634 = vector.extract_strided_slice %get3A_1563 {offsets = [14], sizes = [1], strides = [1]} : vector<16xi32> to vector<1xi32>
        %squeeze3A_1635 = vector.extract %slice3A_1634[0] : i32 from vector<1xi32>
        %swap3A_1636 = arith.constant 158 : i32
        %swap3A_1637 = arith.index_cast %swap3A_1636 : i32 to index
        %swap3A_1638 = memref.load %arg8[%swap3A_1637] : memref<512xi32, #tpu.memory_space<smem>>
        memref.store %squeeze3A_1635, %arg8[%swap3A_1637] : memref<512xi32, #tpu.memory_space<smem>>
        %slice3A_1639 = vector.extract_strided_slice %get3A_1563 {offsets = [15], sizes = [1], strides = [1]} : vector<16xi32> to vector<1xi32>
        %squeeze3A_1640 = vector.extract %slice3A_1639[0] : i32 from vector<1xi32>
        %swap3A_1641 = arith.constant 159 : i32
        %swap3A_1642 = arith.index_cast %swap3A_1641 : i32 to index
        %swap3A_1643 = memref.load %arg8[%swap3A_1642] : memref<512xi32, #tpu.memory_space<smem>>
        memref.store %squeeze3A_1640, %arg8[%swap3A_1642] : memref<512xi32, #tpu.memory_space<smem>>
        %get3A_1644 = arith.constant 160 : index
        %get3A_1645 = tpu.vector_load %arg10[%get3A_1644] {strides = array<i32>} : memref<512xi32, #tpu.memory_space<vmem>>, vector<16xi32>,
        %get3A_1646 = vector.shape_cast %get3A_1645 : vector<16xi32> to vector<16xi32>
        %slice3A_1647 = vector.extract_strided_slice %get3A_1646 {offsets = [0], sizes = [1], strides = [1]} : vector<16xi32> to vector<1xi32>
        %squeeze3A_1648 = vector.extract %slice3A_1647[0] : i32 from vector<1xi32>
        %swap3A_1649 = arith.constant 160 : i32
        %swap3A_1650 = arith.index_cast %swap3A_1649 : i32 to index
        %swap3A_1651 = memref.load %arg8[%swap3A_1650] : memref<512xi32, #tpu.memory_space<smem>>
        memref.store %squeeze3A_1648, %arg8[%swap3A_1650] : memref<512xi32, #tpu.memory_space<smem>>
        %slice3A_1652 = vector.extract_strided_slice %get3A_1646 {offsets = [1], sizes = [1], strides = [1]} : vector<16xi32> to vector<1xi32>
        %squeeze3A_1653 = vector.extract %slice3A_1652[0] : i32 from vector<1xi32>
        %swap3A_1654 = arith.constant 161 : i32
        %swap3A_1655 = arith.index_cast %swap3A_1654 : i32 to index
        %swap3A_1656 = memref.load %arg8[%swap3A_1655] : memref<512xi32, #tpu.memory_space<smem>>
        memref.store %squeeze3A_1653, %arg8[%swap3A_1655] : memref<512xi32, #tpu.memory_space<smem>>
        %slice3A_1657 = vector.extract_strided_slice %get3A_1646 {offsets = [2], sizes = [1], strides = [1]} : vector<16xi32> to vector<1xi32>
        %squeeze3A_1658 = vector.extract %slice3A_1657[0] : i32 from vector<1xi32>
        %swap3A_1659 = arith.constant 162 : i32
        %swap3A_1660 = arith.index_cast %swap3A_1659 : i32 to index
        %swap3A_1661 = memref.load %arg8[%swap3A_1660] : memref<512xi32, #tpu.memory_space<smem>>
        memref.store %squeeze3A_1658, %arg8[%swap3A_1660] : memref<512xi32, #tpu.memory_space<smem>>
        %slice3A_1662 = vector.extract_strided_slice %get3A_1646 {offsets = [3], sizes = [1], strides = [1]} : vector<16xi32> to vector<1xi32>
        %squeeze3A_1663 = vector.extract %slice3A_1662[0] : i32 from vector<1xi32>
        %swap3A_1664 = arith.constant 163 : i32
        %swap3A_1665 = arith.index_cast %swap3A_1664 : i32 to index
        %swap3A_1666 = memref.load %arg8[%swap3A_1665] : memref<512xi32, #tpu.memory_space<smem>>
        memref.store %squeeze3A_1663, %arg8[%swap3A_1665] : memref<512xi32, #tpu.memory_space<smem>>
        %slice3A_1667 = vector.extract_strided_slice %get3A_1646 {offsets = [4], sizes = [1], strides = [1]} : vector<16xi32> to vector<1xi32>
        %squeeze3A_1668 = vector.extract %slice3A_1667[0] : i32 from vector<1xi32>
        %swap3A_1669 = arith.constant 164 : i32
        %swap3A_1670 = arith.index_cast %swap3A_1669 : i32 to index
        %swap3A_1671 = memref.load %arg8[%swap3A_1670] : memref<512xi32, #tpu.memory_space<smem>>
        memref.store %squeeze3A_1668, %arg8[%swap3A_1670] : memref<512xi32, #tpu.memory_space<smem>>
        %slice3A_1672 = vector.extract_strided_slice %get3A_1646 {offsets = [5], sizes = [1], strides = [1]} : vector<16xi32> to vector<1xi32>
        %squeeze3A_1673 = vector.extract %slice3A_1672[0] : i32 from vector<1xi32>
        %swap3A_1674 = arith.constant 165 : i32
        %swap3A_1675 = arith.index_cast %swap3A_1674 : i32 to index
        %swap3A_1676 = memref.load %arg8[%swap3A_1675] : memref<512xi32, #tpu.memory_space<smem>>
        memref.store %squeeze3A_1673, %arg8[%swap3A_1675] : memref<512xi32, #tpu.memory_space<smem>>
        %slice3A_1677 = vector.extract_strided_slice %get3A_1646 {offsets = [6], sizes = [1], strides = [1]} : vector<16xi32> to vector<1xi32>
        %squeeze3A_1678 = vector.extract %slice3A_1677[0] : i32 from vector<1xi32>
        %swap3A_1679 = arith.constant 166 : i32
        %swap3A_1680 = arith.index_cast %swap3A_1679 : i32 to index
        %swap3A_1681 = memref.load %arg8[%swap3A_1680] : memref<512xi32, #tpu.memory_space<smem>>
        memref.store %squeeze3A_1678, %arg8[%swap3A_1680] : memref<512xi32, #tpu.memory_space<smem>>
        %slice3A_1682 = vector.extract_strided_slice %get3A_1646 {offsets = [7], sizes = [1], strides = [1]} : vector<16xi32> to vector<1xi32>
        %squeeze3A_1683 = vector.extract %slice3A_1682[0] : i32 from vector<1xi32>
        %swap3A_1684 = arith.constant 167 : i32
        %swap3A_1685 = arith.index_cast %swap3A_1684 : i32 to index
        %swap3A_1686 = memref.load %arg8[%swap3A_1685] : memref<512xi32, #tpu.memory_space<smem>>
        memref.store %squeeze3A_1683, %arg8[%swap3A_1685] : memref<512xi32, #tpu.memory_space<smem>>
        %slice3A_1687 = vector.extract_strided_slice %get3A_1646 {offsets = [8], sizes = [1], strides = [1]} : vector<16xi32> to vector<1xi32>
        %squeeze3A_1688 = vector.extract %slice3A_1687[0] : i32 from vector<1xi32>
        %swap3A_1689 = arith.constant 168 : i32
        %swap3A_1690 = arith.index_cast %swap3A_1689 : i32 to index
        %swap3A_1691 = memref.load %arg8[%swap3A_1690] : memref<512xi32, #tpu.memory_space<smem>>
        memref.store %squeeze3A_1688, %arg8[%swap3A_1690] : memref<512xi32, #tpu.memory_space<smem>>
        %slice3A_1692 = vector.extract_strided_slice %get3A_1646 {offsets = [9], sizes = [1], strides = [1]} : vector<16xi32> to vector<1xi32>
        %squeeze3A_1693 = vector.extract %slice3A_1692[0] : i32 from vector<1xi32>
        %swap3A_1694 = arith.constant 169 : i32
        %swap3A_1695 = arith.index_cast %swap3A_1694 : i32 to index
        %swap3A_1696 = memref.load %arg8[%swap3A_1695] : memref<512xi32, #tpu.memory_space<smem>>
        memref.store %squeeze3A_1693, %arg8[%swap3A_1695] : memref<512xi32, #tpu.memory_space<smem>>
        %slice3A_1697 = vector.extract_strided_slice %get3A_1646 {offsets = [10], sizes = [1], strides = [1]} : vector<16xi32> to vector<1xi32>
        %squeeze3A_1698 = vector.extract %slice3A_1697[0] : i32 from vector<1xi32>
        %swap3A_1699 = arith.constant 170 : i32
        %swap3A_1700 = arith.index_cast %swap3A_1699 : i32 to index
        %swap3A_1701 = memref.load %arg8[%swap3A_1700] : memref<512xi32, #tpu.memory_space<smem>>
        memref.store %squeeze3A_1698, %arg8[%swap3A_1700] : memref<512xi32, #tpu.memory_space<smem>>
        %slice3A_1702 = vector.extract_strided_slice %get3A_1646 {offsets = [11], sizes = [1], strides = [1]} : vector<16xi32> to vector<1xi32>
        %squeeze3A_1703 = vector.extract %slice3A_1702[0] : i32 from vector<1xi32>
        %swap3A_1704 = arith.constant 171 : i32
        %swap3A_1705 = arith.index_cast %swap3A_1704 : i32 to index
        %swap3A_1706 = memref.load %arg8[%swap3A_1705] : memref<512xi32, #tpu.memory_space<smem>>
        memref.store %squeeze3A_1703, %arg8[%swap3A_1705] : memref<512xi32, #tpu.memory_space<smem>>
        %slice3A_1707 = vector.extract_strided_slice %get3A_1646 {offsets = [12], sizes = [1], strides = [1]} : vector<16xi32> to vector<1xi32>
        %squeeze3A_1708 = vector.extract %slice3A_1707[0] : i32 from vector<1xi32>
        %swap3A_1709 = arith.constant 172 : i32
        %swap3A_1710 = arith.index_cast %swap3A_1709 : i32 to index
        %swap3A_1711 = memref.load %arg8[%swap3A_1710] : memref<512xi32, #tpu.memory_space<smem>>
        memref.store %squeeze3A_1708, %arg8[%swap3A_1710] : memref<512xi32, #tpu.memory_space<smem>>
        %slice3A_1712 = vector.extract_strided_slice %get3A_1646 {offsets = [13], sizes = [1], strides = [1]} : vector<16xi32> to vector<1xi32>
        %squeeze3A_1713 = vector.extract %slice3A_1712[0] : i32 from vector<1xi32>
        %swap3A_1714 = arith.constant 173 : i32
        %swap3A_1715 = arith.index_cast %swap3A_1714 : i32 to index
        %swap3A_1716 = memref.load %arg8[%swap3A_1715] : memref<512xi32, #tpu.memory_space<smem>>
        memref.store %squeeze3A_1713, %arg8[%swap3A_1715] : memref<512xi32, #tpu.memory_space<smem>>
        %slice3A_1717 = vector.extract_strided_slice %get3A_1646 {offsets = [14], sizes = [1], strides = [1]} : vector<16xi32> to vector<1xi32>
        %squeeze3A_1718 = vector.extract %slice3A_1717[0] : i32 from vector<1xi32>
        %swap3A_1719 = arith.constant 174 : i32
        %swap3A_1720 = arith.index_cast %swap3A_1719 : i32 to index
        %swap3A_1721 = memref.load %arg8[%swap3A_1720] : memref<512xi32, #tpu.memory_space<smem>>
        memref.store %squeeze3A_1718, %arg8[%swap3A_1720] : memref<512xi32, #tpu.memory_space<smem>>
        %slice3A_1722 = vector.extract_strided_slice %get3A_1646 {offsets = [15], sizes = [1], strides = [1]} : vector<16xi32> to vector<1xi32>
        %squeeze3A_1723 = vector.extract %slice3A_1722[0] : i32 from vector<1xi32>
        %swap3A_1724 = arith.constant 175 : i32
        %swap3A_1725 = arith.index_cast %swap3A_1724 : i32 to index
        %swap3A_1726 = memref.load %arg8[%swap3A_1725] : memref<512xi32, #tpu.memory_space<smem>>
        memref.store %squeeze3A_1723, %arg8[%swap3A_1725] : memref<512xi32, #tpu.memory_space<smem>>
        %get3A_1727 = arith.constant 176 : index
        %get3A_1728 = tpu.vector_load %arg10[%get3A_1727] {strides = array<i32>} : memref<512xi32, #tpu.memory_space<vmem>>, vector<16xi32>,
        %get3A_1729 = vector.shape_cast %get3A_1728 : vector<16xi32> to vector<16xi32>
        %slice3A_1730 = vector.extract_strided_slice %get3A_1729 {offsets = [0], sizes = [1], strides = [1]} : vector<16xi32> to vector<1xi32>
        %squeeze3A_1731 = vector.extract %slice3A_1730[0] : i32 from vector<1xi32>
        %swap3A_1732 = arith.constant 176 : i32
        %swap3A_1733 = arith.index_cast %swap3A_1732 : i32 to index
        %swap3A_1734 = memref.load %arg8[%swap3A_1733] : memref<512xi32, #tpu.memory_space<smem>>
        memref.store %squeeze3A_1731, %arg8[%swap3A_1733] : memref<512xi32, #tpu.memory_space<smem>>
        %slice3A_1735 = vector.extract_strided_slice %get3A_1729 {offsets = [1], sizes = [1], strides = [1]} : vector<16xi32> to vector<1xi32>
        %squeeze3A_1736 = vector.extract %slice3A_1735[0] : i32 from vector<1xi32>
        %swap3A_1737 = arith.constant 177 : i32
        %swap3A_1738 = arith.index_cast %swap3A_1737 : i32 to index
        %swap3A_1739 = memref.load %arg8[%swap3A_1738] : memref<512xi32, #tpu.memory_space<smem>>
        memref.store %squeeze3A_1736, %arg8[%swap3A_1738] : memref<512xi32, #tpu.memory_space<smem>>
        %slice3A_1740 = vector.extract_strided_slice %get3A_1729 {offsets = [2], sizes = [1], strides = [1]} : vector<16xi32> to vector<1xi32>
        %squeeze3A_1741 = vector.extract %slice3A_1740[0] : i32 from vector<1xi32>
        %swap3A_1742 = arith.constant 178 : i32
        %swap3A_1743 = arith.index_cast %swap3A_1742 : i32 to index
        %swap3A_1744 = memref.load %arg8[%swap3A_1743] : memref<512xi32, #tpu.memory_space<smem>>
        memref.store %squeeze3A_1741, %arg8[%swap3A_1743] : memref<512xi32, #tpu.memory_space<smem>>
        %slice3A_1745 = vector.extract_strided_slice %get3A_1729 {offsets = [3], sizes = [1], strides = [1]} : vector<16xi32> to vector<1xi32>
        %squeeze3A_1746 = vector.extract %slice3A_1745[0] : i32 from vector<1xi32>
        %swap3A_1747 = arith.constant 179 : i32
        %swap3A_1748 = arith.index_cast %swap3A_1747 : i32 to index
        %swap3A_1749 = memref.load %arg8[%swap3A_1748] : memref<512xi32, #tpu.memory_space<smem>>
        memref.store %squeeze3A_1746, %arg8[%swap3A_1748] : memref<512xi32, #tpu.memory_space<smem>>
        %slice3A_1750 = vector.extract_strided_slice %get3A_1729 {offsets = [4], sizes = [1], strides = [1]} : vector<16xi32> to vector<1xi32>
        %squeeze3A_1751 = vector.extract %slice3A_1750[0] : i32 from vector<1xi32>
        %swap3A_1752 = arith.constant 180 : i32
        %swap3A_1753 = arith.index_cast %swap3A_1752 : i32 to index
        %swap3A_1754 = memref.load %arg8[%swap3A_1753] : memref<512xi32, #tpu.memory_space<smem>>
        memref.store %squeeze3A_1751, %arg8[%swap3A_1753] : memref<512xi32, #tpu.memory_space<smem>>
        %slice3A_1755 = vector.extract_strided_slice %get3A_1729 {offsets = [5], sizes = [1], strides = [1]} : vector<16xi32> to vector<1xi32>
        %squeeze3A_1756 = vector.extract %slice3A_1755[0] : i32 from vector<1xi32>
        %swap3A_1757 = arith.constant 181 : i32
        %swap3A_1758 = arith.index_cast %swap3A_1757 : i32 to index
        %swap3A_1759 = memref.load %arg8[%swap3A_1758] : memref<512xi32, #tpu.memory_space<smem>>
        memref.store %squeeze3A_1756, %arg8[%swap3A_1758] : memref<512xi32, #tpu.memory_space<smem>>
        %slice3A_1760 = vector.extract_strided_slice %get3A_1729 {offsets = [6], sizes = [1], strides = [1]} : vector<16xi32> to vector<1xi32>
        %squeeze3A_1761 = vector.extract %slice3A_1760[0] : i32 from vector<1xi32>
        %swap3A_1762 = arith.constant 182 : i32
        %swap3A_1763 = arith.index_cast %swap3A_1762 : i32 to index
        %swap3A_1764 = memref.load %arg8[%swap3A_1763] : memref<512xi32, #tpu.memory_space<smem>>
        memref.store %squeeze3A_1761, %arg8[%swap3A_1763] : memref<512xi32, #tpu.memory_space<smem>>
        %slice3A_1765 = vector.extract_strided_slice %get3A_1729 {offsets = [7], sizes = [1], strides = [1]} : vector<16xi32> to vector<1xi32>
        %squeeze3A_1766 = vector.extract %slice3A_1765[0] : i32 from vector<1xi32>
        %swap3A_1767 = arith.constant 183 : i32
        %swap3A_1768 = arith.index_cast %swap3A_1767 : i32 to index
        %swap3A_1769 = memref.load %arg8[%swap3A_1768] : memref<512xi32, #tpu.memory_space<smem>>
        memref.store %squeeze3A_1766, %arg8[%swap3A_1768] : memref<512xi32, #tpu.memory_space<smem>>
        %slice3A_1770 = vector.extract_strided_slice %get3A_1729 {offsets = [8], sizes = [1], strides = [1]} : vector<16xi32> to vector<1xi32>
        %squeeze3A_1771 = vector.extract %slice3A_1770[0] : i32 from vector<1xi32>
        %swap3A_1772 = arith.constant 184 : i32
        %swap3A_1773 = arith.index_cast %swap3A_1772 : i32 to index
        %swap3A_1774 = memref.load %arg8[%swap3A_1773] : memref<512xi32, #tpu.memory_space<smem>>
        memref.store %squeeze3A_1771, %arg8[%swap3A_1773] : memref<512xi32, #tpu.memory_space<smem>>
        %slice3A_1775 = vector.extract_strided_slice %get3A_1729 {offsets = [9], sizes = [1], strides = [1]} : vector<16xi32> to vector<1xi32>
        %squeeze3A_1776 = vector.extract %slice3A_1775[0] : i32 from vector<1xi32>
        %swap3A_1777 = arith.constant 185 : i32
        %swap3A_1778 = arith.index_cast %swap3A_1777 : i32 to index
        %swap3A_1779 = memref.load %arg8[%swap3A_1778] : memref<512xi32, #tpu.memory_space<smem>>
        memref.store %squeeze3A_1776, %arg8[%swap3A_1778] : memref<512xi32, #tpu.memory_space<smem>>
        %slice3A_1780 = vector.extract_strided_slice %get3A_1729 {offsets = [10], sizes = [1], strides = [1]} : vector<16xi32> to vector<1xi32>
        %squeeze3A_1781 = vector.extract %slice3A_1780[0] : i32 from vector<1xi32>
        %swap3A_1782 = arith.constant 186 : i32
        %swap3A_1783 = arith.index_cast %swap3A_1782 : i32 to index
        %swap3A_1784 = memref.load %arg8[%swap3A_1783] : memref<512xi32, #tpu.memory_space<smem>>
        memref.store %squeeze3A_1781, %arg8[%swap3A_1783] : memref<512xi32, #tpu.memory_space<smem>>
        %slice3A_1785 = vector.extract_strided_slice %get3A_1729 {offsets = [11], sizes = [1], strides = [1]} : vector<16xi32> to vector<1xi32>
        %squeeze3A_1786 = vector.extract %slice3A_1785[0] : i32 from vector<1xi32>
        %swap3A_1787 = arith.constant 187 : i32
        %swap3A_1788 = arith.index_cast %swap3A_1787 : i32 to index
        %swap3A_1789 = memref.load %arg8[%swap3A_1788] : memref<512xi32, #tpu.memory_space<smem>>
        memref.store %squeeze3A_1786, %arg8[%swap3A_1788] : memref<512xi32, #tpu.memory_space<smem>>
        %slice3A_1790 = vector.extract_strided_slice %get3A_1729 {offsets = [12], sizes = [1], strides = [1]} : vector<16xi32> to vector<1xi32>
        %squeeze3A_1791 = vector.extract %slice3A_1790[0] : i32 from vector<1xi32>
        %swap3A_1792 = arith.constant 188 : i32
        %swap3A_1793 = arith.index_cast %swap3A_1792 : i32 to index
        %swap3A_1794 = memref.load %arg8[%swap3A_1793] : memref<512xi32, #tpu.memory_space<smem>>
        memref.store %squeeze3A_1791, %arg8[%swap3A_1793] : memref<512xi32, #tpu.memory_space<smem>>
        %slice3A_1795 = vector.extract_strided_slice %get3A_1729 {offsets = [13], sizes = [1], strides = [1]} : vector<16xi32> to vector<1xi32>
        %squeeze3A_1796 = vector.extract %slice3A_1795[0] : i32 from vector<1xi32>
        %swap3A_1797 = arith.constant 189 : i32
        %swap3A_1798 = arith.index_cast %swap3A_1797 : i32 to index
        %swap3A_1799 = memref.load %arg8[%swap3A_1798] : memref<512xi32, #tpu.memory_space<smem>>
        memref.store %squeeze3A_1796, %arg8[%swap3A_1798] : memref<512xi32, #tpu.memory_space<smem>>
        %slice3A_1800 = vector.extract_strided_slice %get3A_1729 {offsets = [14], sizes = [1], strides = [1]} : vector<16xi32> to vector<1xi32>
        %squeeze3A_1801 = vector.extract %slice3A_1800[0] : i32 from vector<1xi32>
        %swap3A_1802 = arith.constant 190 : i32
        %swap3A_1803 = arith.index_cast %swap3A_1802 : i32 to index
        %swap3A_1804 = memref.load %arg8[%swap3A_1803] : memref<512xi32, #tpu.memory_space<smem>>
        memref.store %squeeze3A_1801, %arg8[%swap3A_1803] : memref<512xi32, #tpu.memory_space<smem>>
        %slice3A_1805 = vector.extract_strided_slice %get3A_1729 {offsets = [15], sizes = [1], strides = [1]} : vector<16xi32> to vector<1xi32>
        %squeeze3A_1806 = vector.extract %slice3A_1805[0] : i32 from vector<1xi32>
        %swap3A_1807 = arith.constant 191 : i32
        %swap3A_1808 = arith.index_cast %swap3A_1807 : i32 to index
        %swap3A_1809 = memref.load %arg8[%swap3A_1808] : memref<512xi32, #tpu.memory_space<smem>>
        memref.store %squeeze3A_1806, %arg8[%swap3A_1808] : memref<512xi32, #tpu.memory_space<smem>>
        %get3A_1810 = arith.constant 192 : index
        %get3A_1811 = tpu.vector_load %arg10[%get3A_1810] {strides = array<i32>} : memref<512xi32, #tpu.memory_space<vmem>>, vector<16xi32>,
        %get3A_1812 = vector.shape_cast %get3A_1811 : vector<16xi32> to vector<16xi32>
        %slice3A_1813 = vector.extract_strided_slice %get3A_1812 {offsets = [0], sizes = [1], strides = [1]} : vector<16xi32> to vector<1xi32>
        %squeeze3A_1814 = vector.extract %slice3A_1813[0] : i32 from vector<1xi32>
        %swap3A_1815 = arith.constant 192 : i32
        %swap3A_1816 = arith.index_cast %swap3A_1815 : i32 to index
        %swap3A_1817 = memref.load %arg8[%swap3A_1816] : memref<512xi32, #tpu.memory_space<smem>>
        memref.store %squeeze3A_1814, %arg8[%swap3A_1816] : memref<512xi32, #tpu.memory_space<smem>>
        %slice3A_1818 = vector.extract_strided_slice %get3A_1812 {offsets = [1], sizes = [1], strides = [1]} : vector<16xi32> to vector<1xi32>
        %squeeze3A_1819 = vector.extract %slice3A_1818[0] : i32 from vector<1xi32>
        %swap3A_1820 = arith.constant 193 : i32
        %swap3A_1821 = arith.index_cast %swap3A_1820 : i32 to index
        %swap3A_1822 = memref.load %arg8[%swap3A_1821] : memref<512xi32, #tpu.memory_space<smem>>
        memref.store %squeeze3A_1819, %arg8[%swap3A_1821] : memref<512xi32, #tpu.memory_space<smem>>
        %slice3A_1823 = vector.extract_strided_slice %get3A_1812 {offsets = [2], sizes = [1], strides = [1]} : vector<16xi32> to vector<1xi32>
        %squeeze3A_1824 = vector.extract %slice3A_1823[0] : i32 from vector<1xi32>
        %swap3A_1825 = arith.constant 194 : i32
        %swap3A_1826 = arith.index_cast %swap3A_1825 : i32 to index
        %swap3A_1827 = memref.load %arg8[%swap3A_1826] : memref<512xi32, #tpu.memory_space<smem>>
        memref.store %squeeze3A_1824, %arg8[%swap3A_1826] : memref<512xi32, #tpu.memory_space<smem>>
        %slice3A_1828 = vector.extract_strided_slice %get3A_1812 {offsets = [3], sizes = [1], strides = [1]} : vector<16xi32> to vector<1xi32>
        %squeeze3A_1829 = vector.extract %slice3A_1828[0] : i32 from vector<1xi32>
        %swap3A_1830 = arith.constant 195 : i32
        %swap3A_1831 = arith.index_cast %swap3A_1830 : i32 to index
        %swap3A_1832 = memref.load %arg8[%swap3A_1831] : memref<512xi32, #tpu.memory_space<smem>>
        memref.store %squeeze3A_1829, %arg8[%swap3A_1831] : memref<512xi32, #tpu.memory_space<smem>>
        %slice3A_1833 = vector.extract_strided_slice %get3A_1812 {offsets = [4], sizes = [1], strides = [1]} : vector<16xi32> to vector<1xi32>
        %squeeze3A_1834 = vector.extract %slice3A_1833[0] : i32 from vector<1xi32>
        %swap3A_1835 = arith.constant 196 : i32
        %swap3A_1836 = arith.index_cast %swap3A_1835 : i32 to index
        %swap3A_1837 = memref.load %arg8[%swap3A_1836] : memref<512xi32, #tpu.memory_space<smem>>
        memref.store %squeeze3A_1834, %arg8[%swap3A_1836] : memref<512xi32, #tpu.memory_space<smem>>
        %slice3A_1838 = vector.extract_strided_slice %get3A_1812 {offsets = [5], sizes = [1], strides = [1]} : vector<16xi32> to vector<1xi32>
        %squeeze3A_1839 = vector.extract %slice3A_1838[0] : i32 from vector<1xi32>
        %swap3A_1840 = arith.constant 197 : i32
        %swap3A_1841 = arith.index_cast %swap3A_1840 : i32 to index
        %swap3A_1842 = memref.load %arg8[%swap3A_1841] : memref<512xi32, #tpu.memory_space<smem>>
        memref.store %squeeze3A_1839, %arg8[%swap3A_1841] : memref<512xi32, #tpu.memory_space<smem>>
        %slice3A_1843 = vector.extract_strided_slice %get3A_1812 {offsets = [6], sizes = [1], strides = [1]} : vector<16xi32> to vector<1xi32>
        %squeeze3A_1844 = vector.extract %slice3A_1843[0] : i32 from vector<1xi32>
        %swap3A_1845 = arith.constant 198 : i32
        %swap3A_1846 = arith.index_cast %swap3A_1845 : i32 to index
        %swap3A_1847 = memref.load %arg8[%swap3A_1846] : memref<512xi32, #tpu.memory_space<smem>>
        memref.store %squeeze3A_1844, %arg8[%swap3A_1846] : memref<512xi32, #tpu.memory_space<smem>>
        %slice3A_1848 = vector.extract_strided_slice %get3A_1812 {offsets = [7], sizes = [1], strides = [1]} : vector<16xi32> to vector<1xi32>
        %squeeze3A_1849 = vector.extract %slice3A_1848[0] : i32 from vector<1xi32>
        %swap3A_1850 = arith.constant 199 : i32
        %swap3A_1851 = arith.index_cast %swap3A_1850 : i32 to index
        %swap3A_1852 = memref.load %arg8[%swap3A_1851] : memref<512xi32, #tpu.memory_space<smem>>
        memref.store %squeeze3A_1849, %arg8[%swap3A_1851] : memref<512xi32, #tpu.memory_space<smem>>
        %slice3A_1853 = vector.extract_strided_slice %get3A_1812 {offsets = [8], sizes = [1], strides = [1]} : vector<16xi32> to vector<1xi32>
        %squeeze3A_1854 = vector.extract %slice3A_1853[0] : i32 from vector<1xi32>
        %swap3A_1855 = arith.constant 200 : i32
        %swap3A_1856 = arith.index_cast %swap3A_1855 : i32 to index
        %swap3A_1857 = memref.load %arg8[%swap3A_1856] : memref<512xi32, #tpu.memory_space<smem>>
        memref.store %squeeze3A_1854, %arg8[%swap3A_1856] : memref<512xi32, #tpu.memory_space<smem>>
        %slice3A_1858 = vector.extract_strided_slice %get3A_1812 {offsets = [9], sizes = [1], strides = [1]} : vector<16xi32> to vector<1xi32>
        %squeeze3A_1859 = vector.extract %slice3A_1858[0] : i32 from vector<1xi32>
        %swap3A_1860 = arith.constant 201 : i32
        %swap3A_1861 = arith.index_cast %swap3A_1860 : i32 to index
        %swap3A_1862 = memref.load %arg8[%swap3A_1861] : memref<512xi32, #tpu.memory_space<smem>>
        memref.store %squeeze3A_1859, %arg8[%swap3A_1861] : memref<512xi32, #tpu.memory_space<smem>>
        %slice3A_1863 = vector.extract_strided_slice %get3A_1812 {offsets = [10], sizes = [1], strides = [1]} : vector<16xi32> to vector<1xi32>
        %squeeze3A_1864 = vector.extract %slice3A_1863[0] : i32 from vector<1xi32>
        %swap3A_1865 = arith.constant 202 : i32
        %swap3A_1866 = arith.index_cast %swap3A_1865 : i32 to index
        %swap3A_1867 = memref.load %arg8[%swap3A_1866] : memref<512xi32, #tpu.memory_space<smem>>
        memref.store %squeeze3A_1864, %arg8[%swap3A_1866] : memref<512xi32, #tpu.memory_space<smem>>
        %slice3A_1868 = vector.extract_strided_slice %get3A_1812 {offsets = [11], sizes = [1], strides = [1]} : vector<16xi32> to vector<1xi32>
        %squeeze3A_1869 = vector.extract %slice3A_1868[0] : i32 from vector<1xi32>
        %swap3A_1870 = arith.constant 203 : i32
        %swap3A_1871 = arith.index_cast %swap3A_1870 : i32 to index
        %swap3A_1872 = memref.load %arg8[%swap3A_1871] : memref<512xi32, #tpu.memory_space<smem>>
        memref.store %squeeze3A_1869, %arg8[%swap3A_1871] : memref<512xi32, #tpu.memory_space<smem>>
        %slice3A_1873 = vector.extract_strided_slice %get3A_1812 {offsets = [12], sizes = [1], strides = [1]} : vector<16xi32> to vector<1xi32>
        %squeeze3A_1874 = vector.extract %slice3A_1873[0] : i32 from vector<1xi32>
        %swap3A_1875 = arith.constant 204 : i32
        %swap3A_1876 = arith.index_cast %swap3A_1875 : i32 to index
        %swap3A_1877 = memref.load %arg8[%swap3A_1876] : memref<512xi32, #tpu.memory_space<smem>>
        memref.store %squeeze3A_1874, %arg8[%swap3A_1876] : memref<512xi32, #tpu.memory_space<smem>>
        %slice3A_1878 = vector.extract_strided_slice %get3A_1812 {offsets = [13], sizes = [1], strides = [1]} : vector<16xi32> to vector<1xi32>
        %squeeze3A_1879 = vector.extract %slice3A_1878[0] : i32 from vector<1xi32>
        %swap3A_1880 = arith.constant 205 : i32
        %swap3A_1881 = arith.index_cast %swap3A_1880 : i32 to index
        %swap3A_1882 = memref.load %arg8[%swap3A_1881] : memref<512xi32, #tpu.memory_space<smem>>
        memref.store %squeeze3A_1879, %arg8[%swap3A_1881] : memref<512xi32, #tpu.memory_space<smem>>
        %slice3A_1883 = vector.extract_strided_slice %get3A_1812 {offsets = [14], sizes = [1], strides = [1]} : vector<16xi32> to vector<1xi32>
        %squeeze3A_1884 = vector.extract %slice3A_1883[0] : i32 from vector<1xi32>
        %swap3A_1885 = arith.constant 206 : i32
        %swap3A_1886 = arith.index_cast %swap3A_1885 : i32 to index
        %swap3A_1887 = memref.load %arg8[%swap3A_1886] : memref<512xi32, #tpu.memory_space<smem>>
        memref.store %squeeze3A_1884, %arg8[%swap3A_1886] : memref<512xi32, #tpu.memory_space<smem>>
        %slice3A_1888 = vector.extract_strided_slice %get3A_1812 {offsets = [15], sizes = [1], strides = [1]} : vector<16xi32> to vector<1xi32>
        %squeeze3A_1889 = vector.extract %slice3A_1888[0] : i32 from vector<1xi32>
        %swap3A_1890 = arith.constant 207 : i32
        %swap3A_1891 = arith.index_cast %swap3A_1890 : i32 to index
        %swap3A_1892 = memref.load %arg8[%swap3A_1891] : memref<512xi32, #tpu.memory_space<smem>>
        memref.store %squeeze3A_1889, %arg8[%swap3A_1891] : memref<512xi32, #tpu.memory_space<smem>>
        %get3A_1893 = arith.constant 208 : index
        %get3A_1894 = tpu.vector_load %arg10[%get3A_1893] {strides = array<i32>} : memref<512xi32, #tpu.memory_space<vmem>>, vector<16xi32>,
        %get3A_1895 = vector.shape_cast %get3A_1894 : vector<16xi32> to vector<16xi32>
        %slice3A_1896 = vector.extract_strided_slice %get3A_1895 {offsets = [0], sizes = [1], strides = [1]} : vector<16xi32> to vector<1xi32>
        %squeeze3A_1897 = vector.extract %slice3A_1896[0] : i32 from vector<1xi32>
        %swap3A_1898 = arith.constant 208 : i32
        %swap3A_1899 = arith.index_cast %swap3A_1898 : i32 to index
        %swap3A_1900 = memref.load %arg8[%swap3A_1899] : memref<512xi32, #tpu.memory_space<smem>>
        memref.store %squeeze3A_1897, %arg8[%swap3A_1899] : memref<512xi32, #tpu.memory_space<smem>>
        %slice3A_1901 = vector.extract_strided_slice %get3A_1895 {offsets = [1], sizes = [1], strides = [1]} : vector<16xi32> to vector<1xi32>
        %squeeze3A_1902 = vector.extract %slice3A_1901[0] : i32 from vector<1xi32>
        %swap3A_1903 = arith.constant 209 : i32
        %swap3A_1904 = arith.index_cast %swap3A_1903 : i32 to index
        %swap3A_1905 = memref.load %arg8[%swap3A_1904] : memref<512xi32, #tpu.memory_space<smem>>
        memref.store %squeeze3A_1902, %arg8[%swap3A_1904] : memref<512xi32, #tpu.memory_space<smem>>
        %slice3A_1906 = vector.extract_strided_slice %get3A_1895 {offsets = [2], sizes = [1], strides = [1]} : vector<16xi32> to vector<1xi32>
        %squeeze3A_1907 = vector.extract %slice3A_1906[0] : i32 from vector<1xi32>
        %swap3A_1908 = arith.constant 210 : i32
        %swap3A_1909 = arith.index_cast %swap3A_1908 : i32 to index
        %swap3A_1910 = memref.load %arg8[%swap3A_1909] : memref<512xi32, #tpu.memory_space<smem>>
        memref.store %squeeze3A_1907, %arg8[%swap3A_1909] : memref<512xi32, #tpu.memory_space<smem>>
        %slice3A_1911 = vector.extract_strided_slice %get3A_1895 {offsets = [3], sizes = [1], strides = [1]} : vector<16xi32> to vector<1xi32>
        %squeeze3A_1912 = vector.extract %slice3A_1911[0] : i32 from vector<1xi32>
        %swap3A_1913 = arith.constant 211 : i32
        %swap3A_1914 = arith.index_cast %swap3A_1913 : i32 to index
        %swap3A_1915 = memref.load %arg8[%swap3A_1914] : memref<512xi32, #tpu.memory_space<smem>>
        memref.store %squeeze3A_1912, %arg8[%swap3A_1914] : memref<512xi32, #tpu.memory_space<smem>>
        %slice3A_1916 = vector.extract_strided_slice %get3A_1895 {offsets = [4], sizes = [1], strides = [1]} : vector<16xi32> to vector<1xi32>
        %squeeze3A_1917 = vector.extract %slice3A_1916[0] : i32 from vector<1xi32>
        %swap3A_1918 = arith.constant 212 : i32
        %swap3A_1919 = arith.index_cast %swap3A_1918 : i32 to index
        %swap3A_1920 = memref.load %arg8[%swap3A_1919] : memref<512xi32, #tpu.memory_space<smem>>
        memref.store %squeeze3A_1917, %arg8[%swap3A_1919] : memref<512xi32, #tpu.memory_space<smem>>
        %slice3A_1921 = vector.extract_strided_slice %get3A_1895 {offsets = [5], sizes = [1], strides = [1]} : vector<16xi32> to vector<1xi32>
        %squeeze3A_1922 = vector.extract %slice3A_1921[0] : i32 from vector<1xi32>
        %swap3A_1923 = arith.constant 213 : i32
        %swap3A_1924 = arith.index_cast %swap3A_1923 : i32 to index
        %swap3A_1925 = memref.load %arg8[%swap3A_1924] : memref<512xi32, #tpu.memory_space<smem>>
        memref.store %squeeze3A_1922, %arg8[%swap3A_1924] : memref<512xi32, #tpu.memory_space<smem>>
        %slice3A_1926 = vector.extract_strided_slice %get3A_1895 {offsets = [6], sizes = [1], strides = [1]} : vector<16xi32> to vector<1xi32>
        %squeeze3A_1927 = vector.extract %slice3A_1926[0] : i32 from vector<1xi32>
        %swap3A_1928 = arith.constant 214 : i32
        %swap3A_1929 = arith.index_cast %swap3A_1928 : i32 to index
        %swap3A_1930 = memref.load %arg8[%swap3A_1929] : memref<512xi32, #tpu.memory_space<smem>>
        memref.store %squeeze3A_1927, %arg8[%swap3A_1929] : memref<512xi32, #tpu.memory_space<smem>>
        %slice3A_1931 = vector.extract_strided_slice %get3A_1895 {offsets = [7], sizes = [1], strides = [1]} : vector<16xi32> to vector<1xi32>
        %squeeze3A_1932 = vector.extract %slice3A_1931[0] : i32 from vector<1xi32>
        %swap3A_1933 = arith.constant 215 : i32
        %swap3A_1934 = arith.index_cast %swap3A_1933 : i32 to index
        %swap3A_1935 = memref.load %arg8[%swap3A_1934] : memref<512xi32, #tpu.memory_space<smem>>
        memref.store %squeeze3A_1932, %arg8[%swap3A_1934] : memref<512xi32, #tpu.memory_space<smem>>
        %slice3A_1936 = vector.extract_strided_slice %get3A_1895 {offsets = [8], sizes = [1], strides = [1]} : vector<16xi32> to vector<1xi32>
        %squeeze3A_1937 = vector.extract %slice3A_1936[0] : i32 from vector<1xi32>
        %swap3A_1938 = arith.constant 216 : i32
        %swap3A_1939 = arith.index_cast %swap3A_1938 : i32 to index
        %swap3A_1940 = memref.load %arg8[%swap3A_1939] : memref<512xi32, #tpu.memory_space<smem>>
        memref.store %squeeze3A_1937, %arg8[%swap3A_1939] : memref<512xi32, #tpu.memory_space<smem>>
        %slice3A_1941 = vector.extract_strided_slice %get3A_1895 {offsets = [9], sizes = [1], strides = [1]} : vector<16xi32> to vector<1xi32>
        %squeeze3A_1942 = vector.extract %slice3A_1941[0] : i32 from vector<1xi32>
        %swap3A_1943 = arith.constant 217 : i32
        %swap3A_1944 = arith.index_cast %swap3A_1943 : i32 to index
        %swap3A_1945 = memref.load %arg8[%swap3A_1944] : memref<512xi32, #tpu.memory_space<smem>>
        memref.store %squeeze3A_1942, %arg8[%swap3A_1944] : memref<512xi32, #tpu.memory_space<smem>>
        %slice3A_1946 = vector.extract_strided_slice %get3A_1895 {offsets = [10], sizes = [1], strides = [1]} : vector<16xi32> to vector<1xi32>
        %squeeze3A_1947 = vector.extract %slice3A_1946[0] : i32 from vector<1xi32>
        %swap3A_1948 = arith.constant 218 : i32
        %swap3A_1949 = arith.index_cast %swap3A_1948 : i32 to index
        %swap3A_1950 = memref.load %arg8[%swap3A_1949] : memref<512xi32, #tpu.memory_space<smem>>
        memref.store %squeeze3A_1947, %arg8[%swap3A_1949] : memref<512xi32, #tpu.memory_space<smem>>
        %slice3A_1951 = vector.extract_strided_slice %get3A_1895 {offsets = [11], sizes = [1], strides = [1]} : vector<16xi32> to vector<1xi32>
        %squeeze3A_1952 = vector.extract %slice3A_1951[0] : i32 from vector<1xi32>
        %swap3A_1953 = arith.constant 219 : i32
        %swap3A_1954 = arith.index_cast %swap3A_1953 : i32 to index
        %swap3A_1955 = memref.load %arg8[%swap3A_1954] : memref<512xi32, #tpu.memory_space<smem>>
        memref.store %squeeze3A_1952, %arg8[%swap3A_1954] : memref<512xi32, #tpu.memory_space<smem>>
        %slice3A_1956 = vector.extract_strided_slice %get3A_1895 {offsets = [12], sizes = [1], strides = [1]} : vector<16xi32> to vector<1xi32>
        %squeeze3A_1957 = vector.extract %slice3A_1956[0] : i32 from vector<1xi32>
        %swap3A_1958 = arith.constant 220 : i32
        %swap3A_1959 = arith.index_cast %swap3A_1958 : i32 to index
        %swap3A_1960 = memref.load %arg8[%swap3A_1959] : memref<512xi32, #tpu.memory_space<smem>>
        memref.store %squeeze3A_1957, %arg8[%swap3A_1959] : memref<512xi32, #tpu.memory_space<smem>>
        %slice3A_1961 = vector.extract_strided_slice %get3A_1895 {offsets = [13], sizes = [1], strides = [1]} : vector<16xi32> to vector<1xi32>
        %squeeze3A_1962 = vector.extract %slice3A_1961[0] : i32 from vector<1xi32>
        %swap3A_1963 = arith.constant 221 : i32
        %swap3A_1964 = arith.index_cast %swap3A_1963 : i32 to index
        %swap3A_1965 = memref.load %arg8[%swap3A_1964] : memref<512xi32, #tpu.memory_space<smem>>
        memref.store %squeeze3A_1962, %arg8[%swap3A_1964] : memref<512xi32, #tpu.memory_space<smem>>
        %slice3A_1966 = vector.extract_strided_slice %get3A_1895 {offsets = [14], sizes = [1], strides = [1]} : vector<16xi32> to vector<1xi32>
        %squeeze3A_1967 = vector.extract %slice3A_1966[0] : i32 from vector<1xi32>
        %swap3A_1968 = arith.constant 222 : i32
        %swap3A_1969 = arith.index_cast %swap3A_1968 : i32 to index
        %swap3A_1970 = memref.load %arg8[%swap3A_1969] : memref<512xi32, #tpu.memory_space<smem>>
        memref.store %squeeze3A_1967, %arg8[%swap3A_1969] : memref<512xi32, #tpu.memory_space<smem>>
        %slice3A_1971 = vector.extract_strided_slice %get3A_1895 {offsets = [15], sizes = [1], strides = [1]} : vector<16xi32> to vector<1xi32>
        %squeeze3A_1972 = vector.extract %slice3A_1971[0] : i32 from vector<1xi32>
        %swap3A_1973 = arith.constant 223 : i32
        %swap3A_1974 = arith.index_cast %swap3A_1973 : i32 to index
        %swap3A_1975 = memref.load %arg8[%swap3A_1974] : memref<512xi32, #tpu.memory_space<smem>>
        memref.store %squeeze3A_1972, %arg8[%swap3A_1974] : memref<512xi32, #tpu.memory_space<smem>>
        %get3A_1976 = arith.constant 224 : index
        %get3A_1977 = tpu.vector_load %arg10[%get3A_1976] {strides = array<i32>} : memref<512xi32, #tpu.memory_space<vmem>>, vector<16xi32>,
        %get3A_1978 = vector.shape_cast %get3A_1977 : vector<16xi32> to vector<16xi32>
        %slice3A_1979 = vector.extract_strided_slice %get3A_1978 {offsets = [0], sizes = [1], strides = [1]} : vector<16xi32> to vector<1xi32>
        %squeeze3A_1980 = vector.extract %slice3A_1979[0] : i32 from vector<1xi32>
        %swap3A_1981 = arith.constant 224 : i32
        %swap3A_1982 = arith.index_cast %swap3A_1981 : i32 to index
        %swap3A_1983 = memref.load %arg8[%swap3A_1982] : memref<512xi32, #tpu.memory_space<smem>>
        memref.store %squeeze3A_1980, %arg8[%swap3A_1982] : memref<512xi32, #tpu.memory_space<smem>>
        %slice3A_1984 = vector.extract_strided_slice %get3A_1978 {offsets = [1], sizes = [1], strides = [1]} : vector<16xi32> to vector<1xi32>
        %squeeze3A_1985 = vector.extract %slice3A_1984[0] : i32 from vector<1xi32>
        %swap3A_1986 = arith.constant 225 : i32
        %swap3A_1987 = arith.index_cast %swap3A_1986 : i32 to index
        %swap3A_1988 = memref.load %arg8[%swap3A_1987] : memref<512xi32, #tpu.memory_space<smem>>
        memref.store %squeeze3A_1985, %arg8[%swap3A_1987] : memref<512xi32, #tpu.memory_space<smem>>
        %slice3A_1989 = vector.extract_strided_slice %get3A_1978 {offsets = [2], sizes = [1], strides = [1]} : vector<16xi32> to vector<1xi32>
        %squeeze3A_1990 = vector.extract %slice3A_1989[0] : i32 from vector<1xi32>
        %swap3A_1991 = arith.constant 226 : i32
        %swap3A_1992 = arith.index_cast %swap3A_1991 : i32 to index
        %swap3A_1993 = memref.load %arg8[%swap3A_1992] : memref<512xi32, #tpu.memory_space<smem>>
        memref.store %squeeze3A_1990, %arg8[%swap3A_1992] : memref<512xi32, #tpu.memory_space<smem>>
        %slice3A_1994 = vector.extract_strided_slice %get3A_1978 {offsets = [3], sizes = [1], strides = [1]} : vector<16xi32> to vector<1xi32>
        %squeeze3A_1995 = vector.extract %slice3A_1994[0] : i32 from vector<1xi32>
        %swap3A_1996 = arith.constant 227 : i32
        %swap3A_1997 = arith.index_cast %swap3A_1996 : i32 to index
        %swap3A_1998 = memref.load %arg8[%swap3A_1997] : memref<512xi32, #tpu.memory_space<smem>>
        memref.store %squeeze3A_1995, %arg8[%swap3A_1997] : memref<512xi32, #tpu.memory_space<smem>>
        %slice3A_1999 = vector.extract_strided_slice %get3A_1978 {offsets = [4], sizes = [1], strides = [1]} : vector<16xi32> to vector<1xi32>
        %squeeze3A_2000 = vector.extract %slice3A_1999[0] : i32 from vector<1xi32>
        %swap3A_2001 = arith.constant 228 : i32
        %swap3A_2002 = arith.index_cast %swap3A_2001 : i32 to index
        %swap3A_2003 = memref.load %arg8[%swap3A_2002] : memref<512xi32, #tpu.memory_space<smem>>
        memref.store %squeeze3A_2000, %arg8[%swap3A_2002] : memref<512xi32, #tpu.memory_space<smem>>
        %slice3A_2004 = vector.extract_strided_slice %get3A_1978 {offsets = [5], sizes = [1], strides = [1]} : vector<16xi32> to vector<1xi32>
        %squeeze3A_2005 = vector.extract %slice3A_2004[0] : i32 from vector<1xi32>
        %swap3A_2006 = arith.constant 229 : i32
        %swap3A_2007 = arith.index_cast %swap3A_2006 : i32 to index
        %swap3A_2008 = memref.load %arg8[%swap3A_2007] : memref<512xi32, #tpu.memory_space<smem>>
        memref.store %squeeze3A_2005, %arg8[%swap3A_2007] : memref<512xi32, #tpu.memory_space<smem>>
        %slice3A_2009 = vector.extract_strided_slice %get3A_1978 {offsets = [6], sizes = [1], strides = [1]} : vector<16xi32> to vector<1xi32>
        %squeeze3A_2010 = vector.extract %slice3A_2009[0] : i32 from vector<1xi32>
        %swap3A_2011 = arith.constant 230 : i32
        %swap3A_2012 = arith.index_cast %swap3A_2011 : i32 to index
        %swap3A_2013 = memref.load %arg8[%swap3A_2012] : memref<512xi32, #tpu.memory_space<smem>>
        memref.store %squeeze3A_2010, %arg8[%swap3A_2012] : memref<512xi32, #tpu.memory_space<smem>>
        %slice3A_2014 = vector.extract_strided_slice %get3A_1978 {offsets = [7], sizes = [1], strides = [1]} : vector<16xi32> to vector<1xi32>
        %squeeze3A_2015 = vector.extract %slice3A_2014[0] : i32 from vector<1xi32>
        %swap3A_2016 = arith.constant 231 : i32
        %swap3A_2017 = arith.index_cast %swap3A_2016 : i32 to index
        %swap3A_2018 = memref.load %arg8[%swap3A_2017] : memref<512xi32, #tpu.memory_space<smem>>
        memref.store %squeeze3A_2015, %arg8[%swap3A_2017] : memref<512xi32, #tpu.memory_space<smem>>
        %slice3A_2019 = vector.extract_strided_slice %get3A_1978 {offsets = [8], sizes = [1], strides = [1]} : vector<16xi32> to vector<1xi32>
        %squeeze3A_2020 = vector.extract %slice3A_2019[0] : i32 from vector<1xi32>
        %swap3A_2021 = arith.constant 232 : i32
        %swap3A_2022 = arith.index_cast %swap3A_2021 : i32 to index
        %swap3A_2023 = memref.load %arg8[%swap3A_2022] : memref<512xi32, #tpu.memory_space<smem>>
        memref.store %squeeze3A_2020, %arg8[%swap3A_2022] : memref<512xi32, #tpu.memory_space<smem>>
        %slice3A_2024 = vector.extract_strided_slice %get3A_1978 {offsets = [9], sizes = [1], strides = [1]} : vector<16xi32> to vector<1xi32>
        %squeeze3A_2025 = vector.extract %slice3A_2024[0] : i32 from vector<1xi32>
        %swap3A_2026 = arith.constant 233 : i32
        %swap3A_2027 = arith.index_cast %swap3A_2026 : i32 to index
        %swap3A_2028 = memref.load %arg8[%swap3A_2027] : memref<512xi32, #tpu.memory_space<smem>>
        memref.store %squeeze3A_2025, %arg8[%swap3A_2027] : memref<512xi32, #tpu.memory_space<smem>>
        %slice3A_2029 = vector.extract_strided_slice %get3A_1978 {offsets = [10], sizes = [1], strides = [1]} : vector<16xi32> to vector<1xi32>
        %squeeze3A_2030 = vector.extract %slice3A_2029[0] : i32 from vector<1xi32>
        %swap3A_2031 = arith.constant 234 : i32
        %swap3A_2032 = arith.index_cast %swap3A_2031 : i32 to index
        %swap3A_2033 = memref.load %arg8[%swap3A_2032] : memref<512xi32, #tpu.memory_space<smem>>
        memref.store %squeeze3A_2030, %arg8[%swap3A_2032] : memref<512xi32, #tpu.memory_space<smem>>
        %slice3A_2034 = vector.extract_strided_slice %get3A_1978 {offsets = [11], sizes = [1], strides = [1]} : vector<16xi32> to vector<1xi32>
        %squeeze3A_2035 = vector.extract %slice3A_2034[0] : i32 from vector<1xi32>
        %swap3A_2036 = arith.constant 235 : i32
        %swap3A_2037 = arith.index_cast %swap3A_2036 : i32 to index
        %swap3A_2038 = memref.load %arg8[%swap3A_2037] : memref<512xi32, #tpu.memory_space<smem>>
        memref.store %squeeze3A_2035, %arg8[%swap3A_2037] : memref<512xi32, #tpu.memory_space<smem>>
        %slice3A_2039 = vector.extract_strided_slice %get3A_1978 {offsets = [12], sizes = [1], strides = [1]} : vector<16xi32> to vector<1xi32>
        %squeeze3A_2040 = vector.extract %slice3A_2039[0] : i32 from vector<1xi32>
        %swap3A_2041 = arith.constant 236 : i32
        %swap3A_2042 = arith.index_cast %swap3A_2041 : i32 to index
        %swap3A_2043 = memref.load %arg8[%swap3A_2042] : memref<512xi32, #tpu.memory_space<smem>>
        memref.store %squeeze3A_2040, %arg8[%swap3A_2042] : memref<512xi32, #tpu.memory_space<smem>>
        %slice3A_2044 = vector.extract_strided_slice %get3A_1978 {offsets = [13], sizes = [1], strides = [1]} : vector<16xi32> to vector<1xi32>
        %squeeze3A_2045 = vector.extract %slice3A_2044[0] : i32 from vector<1xi32>
        %swap3A_2046 = arith.constant 237 : i32
        %swap3A_2047 = arith.index_cast %swap3A_2046 : i32 to index
        %swap3A_2048 = memref.load %arg8[%swap3A_2047] : memref<512xi32, #tpu.memory_space<smem>>
        memref.store %squeeze3A_2045, %arg8[%swap3A_2047] : memref<512xi32, #tpu.memory_space<smem>>
        %slice3A_2049 = vector.extract_strided_slice %get3A_1978 {offsets = [14], sizes = [1], strides = [1]} : vector<16xi32> to vector<1xi32>
        %squeeze3A_2050 = vector.extract %slice3A_2049[0] : i32 from vector<1xi32>
        %swap3A_2051 = arith.constant 238 : i32
        %swap3A_2052 = arith.index_cast %swap3A_2051 : i32 to index
        %swap3A_2053 = memref.load %arg8[%swap3A_2052] : memref<512xi32, #tpu.memory_space<smem>>
        memref.store %squeeze3A_2050, %arg8[%swap3A_2052] : memref<512xi32, #tpu.memory_space<smem>>
        %slice3A_2054 = vector.extract_strided_slice %get3A_1978 {offsets = [15], sizes = [1], strides = [1]} : vector<16xi32> to vector<1xi32>
        %squeeze3A_2055 = vector.extract %slice3A_2054[0] : i32 from vector<1xi32>
        %swap3A_2056 = arith.constant 239 : i32
        %swap3A_2057 = arith.index_cast %swap3A_2056 : i32 to index
        %swap3A_2058 = memref.load %arg8[%swap3A_2057] : memref<512xi32, #tpu.memory_space<smem>>
        memref.store %squeeze3A_2055, %arg8[%swap3A_2057] : memref<512xi32, #tpu.memory_space<smem>>
        %get3A_2059 = arith.constant 240 : index
        %get3A_2060 = tpu.vector_load %arg10[%get3A_2059] {strides = array<i32>} : memref<512xi32, #tpu.memory_space<vmem>>, vector<16xi32>,
        %get3A_2061 = vector.shape_cast %get3A_2060 : vector<16xi32> to vector<16xi32>
        %slice3A_2062 = vector.extract_strided_slice %get3A_2061 {offsets = [0], sizes = [1], strides = [1]} : vector<16xi32> to vector<1xi32>
        %squeeze3A_2063 = vector.extract %slice3A_2062[0] : i32 from vector<1xi32>
        %swap3A_2064 = arith.constant 240 : i32
        %swap3A_2065 = arith.index_cast %swap3A_2064 : i32 to index
        %swap3A_2066 = memref.load %arg8[%swap3A_2065] : memref<512xi32, #tpu.memory_space<smem>>
        memref.store %squeeze3A_2063, %arg8[%swap3A_2065] : memref<512xi32, #tpu.memory_space<smem>>
        %slice3A_2067 = vector.extract_strided_slice %get3A_2061 {offsets = [1], sizes = [1], strides = [1]} : vector<16xi32> to vector<1xi32>
        %squeeze3A_2068 = vector.extract %slice3A_2067[0] : i32 from vector<1xi32>
        %swap3A_2069 = arith.constant 241 : i32
        %swap3A_2070 = arith.index_cast %swap3A_2069 : i32 to index
        %swap3A_2071 = memref.load %arg8[%swap3A_2070] : memref<512xi32, #tpu.memory_space<smem>>
        memref.store %squeeze3A_2068, %arg8[%swap3A_2070] : memref<512xi32, #tpu.memory_space<smem>>
        %slice3A_2072 = vector.extract_strided_slice %get3A_2061 {offsets = [2], sizes = [1], strides = [1]} : vector<16xi32> to vector<1xi32>
        %squeeze3A_2073 = vector.extract %slice3A_2072[0] : i32 from vector<1xi32>
        %swap3A_2074 = arith.constant 242 : i32
        %swap3A_2075 = arith.index_cast %swap3A_2074 : i32 to index
        %swap3A_2076 = memref.load %arg8[%swap3A_2075] : memref<512xi32, #tpu.memory_space<smem>>
        memref.store %squeeze3A_2073, %arg8[%swap3A_2075] : memref<512xi32, #tpu.memory_space<smem>>
        %slice3A_2077 = vector.extract_strided_slice %get3A_2061 {offsets = [3], sizes = [1], strides = [1]} : vector<16xi32> to vector<1xi32>
        %squeeze3A_2078 = vector.extract %slice3A_2077[0] : i32 from vector<1xi32>
        %swap3A_2079 = arith.constant 243 : i32
        %swap3A_2080 = arith.index_cast %swap3A_2079 : i32 to index
        %swap3A_2081 = memref.load %arg8[%swap3A_2080] : memref<512xi32, #tpu.memory_space<smem>>
        memref.store %squeeze3A_2078, %arg8[%swap3A_2080] : memref<512xi32, #tpu.memory_space<smem>>
        %slice3A_2082 = vector.extract_strided_slice %get3A_2061 {offsets = [4], sizes = [1], strides = [1]} : vector<16xi32> to vector<1xi32>
        %squeeze3A_2083 = vector.extract %slice3A_2082[0] : i32 from vector<1xi32>
        %swap3A_2084 = arith.constant 244 : i32
        %swap3A_2085 = arith.index_cast %swap3A_2084 : i32 to index
        %swap3A_2086 = memref.load %arg8[%swap3A_2085] : memref<512xi32, #tpu.memory_space<smem>>
        memref.store %squeeze3A_2083, %arg8[%swap3A_2085] : memref<512xi32, #tpu.memory_space<smem>>
        %slice3A_2087 = vector.extract_strided_slice %get3A_2061 {offsets = [5], sizes = [1], strides = [1]} : vector<16xi32> to vector<1xi32>
        %squeeze3A_2088 = vector.extract %slice3A_2087[0] : i32 from vector<1xi32>
        %swap3A_2089 = arith.constant 245 : i32
        %swap3A_2090 = arith.index_cast %swap3A_2089 : i32 to index
        %swap3A_2091 = memref.load %arg8[%swap3A_2090] : memref<512xi32, #tpu.memory_space<smem>>
        memref.store %squeeze3A_2088, %arg8[%swap3A_2090] : memref<512xi32, #tpu.memory_space<smem>>
        %slice3A_2092 = vector.extract_strided_slice %get3A_2061 {offsets = [6], sizes = [1], strides = [1]} : vector<16xi32> to vector<1xi32>
        %squeeze3A_2093 = vector.extract %slice3A_2092[0] : i32 from vector<1xi32>
        %swap3A_2094 = arith.constant 246 : i32
        %swap3A_2095 = arith.index_cast %swap3A_2094 : i32 to index
        %swap3A_2096 = memref.load %arg8[%swap3A_2095] : memref<512xi32, #tpu.memory_space<smem>>
        memref.store %squeeze3A_2093, %arg8[%swap3A_2095] : memref<512xi32, #tpu.memory_space<smem>>
        %slice3A_2097 = vector.extract_strided_slice %get3A_2061 {offsets = [7], sizes = [1], strides = [1]} : vector<16xi32> to vector<1xi32>
        %squeeze3A_2098 = vector.extract %slice3A_2097[0] : i32 from vector<1xi32>
        %swap3A_2099 = arith.constant 247 : i32
        %swap3A_2100 = arith.index_cast %swap3A_2099 : i32 to index
        %swap3A_2101 = memref.load %arg8[%swap3A_2100] : memref<512xi32, #tpu.memory_space<smem>>
        memref.store %squeeze3A_2098, %arg8[%swap3A_2100] : memref<512xi32, #tpu.memory_space<smem>>
        %slice3A_2102 = vector.extract_strided_slice %get3A_2061 {offsets = [8], sizes = [1], strides = [1]} : vector<16xi32> to vector<1xi32>
        %squeeze3A_2103 = vector.extract %slice3A_2102[0] : i32 from vector<1xi32>
        %swap3A_2104 = arith.constant 248 : i32
        %swap3A_2105 = arith.index_cast %swap3A_2104 : i32 to index
        %swap3A_2106 = memref.load %arg8[%swap3A_2105] : memref<512xi32, #tpu.memory_space<smem>>
        memref.store %squeeze3A_2103, %arg8[%swap3A_2105] : memref<512xi32, #tpu.memory_space<smem>>
        %slice3A_2107 = vector.extract_strided_slice %get3A_2061 {offsets = [9], sizes = [1], strides = [1]} : vector<16xi32> to vector<1xi32>
        %squeeze3A_2108 = vector.extract %slice3A_2107[0] : i32 from vector<1xi32>
        %swap3A_2109 = arith.constant 249 : i32
        %swap3A_2110 = arith.index_cast %swap3A_2109 : i32 to index
        %swap3A_2111 = memref.load %arg8[%swap3A_2110] : memref<512xi32, #tpu.memory_space<smem>>
        memref.store %squeeze3A_2108, %arg8[%swap3A_2110] : memref<512xi32, #tpu.memory_space<smem>>
        %slice3A_2112 = vector.extract_strided_slice %get3A_2061 {offsets = [10], sizes = [1], strides = [1]} : vector<16xi32> to vector<1xi32>
        %squeeze3A_2113 = vector.extract %slice3A_2112[0] : i32 from vector<1xi32>
        %swap3A_2114 = arith.constant 250 : i32
        %swap3A_2115 = arith.index_cast %swap3A_2114 : i32 to index
        %swap3A_2116 = memref.load %arg8[%swap3A_2115] : memref<512xi32, #tpu.memory_space<smem>>
        memref.store %squeeze3A_2113, %arg8[%swap3A_2115] : memref<512xi32, #tpu.memory_space<smem>>
        %slice3A_2117 = vector.extract_strided_slice %get3A_2061 {offsets = [11], sizes = [1], strides = [1]} : vector<16xi32> to vector<1xi32>
        %squeeze3A_2118 = vector.extract %slice3A_2117[0] : i32 from vector<1xi32>
        %swap3A_2119 = arith.constant 251 : i32
        %swap3A_2120 = arith.index_cast %swap3A_2119 : i32 to index
        %swap3A_2121 = memref.load %arg8[%swap3A_2120] : memref<512xi32, #tpu.memory_space<smem>>
        memref.store %squeeze3A_2118, %arg8[%swap3A_2120] : memref<512xi32, #tpu.memory_space<smem>>
        %slice3A_2122 = vector.extract_strided_slice %get3A_2061 {offsets = [12], sizes = [1], strides = [1]} : vector<16xi32> to vector<1xi32>
        %squeeze3A_2123 = vector.extract %slice3A_2122[0] : i32 from vector<1xi32>
        %swap3A_2124 = arith.constant 252 : i32
        %swap3A_2125 = arith.index_cast %swap3A_2124 : i32 to index
        %swap3A_2126 = memref.load %arg8[%swap3A_2125] : memref<512xi32, #tpu.memory_space<smem>>
        memref.store %squeeze3A_2123, %arg8[%swap3A_2125] : memref<512xi32, #tpu.memory_space<smem>>
        %slice3A_2127 = vector.extract_strided_slice %get3A_2061 {offsets = [13], sizes = [1], strides = [1]} : vector<16xi32> to vector<1xi32>
        %squeeze3A_2128 = vector.extract %slice3A_2127[0] : i32 from vector<1xi32>
        %swap3A_2129 = arith.constant 253 : i32
        %swap3A_2130 = arith.index_cast %swap3A_2129 : i32 to index
        %swap3A_2131 = memref.load %arg8[%swap3A_2130] : memref<512xi32, #tpu.memory_space<smem>>
        memref.store %squeeze3A_2128, %arg8[%swap3A_2130] : memref<512xi32, #tpu.memory_space<smem>>
        %slice3A_2132 = vector.extract_strided_slice %get3A_2061 {offsets = [14], sizes = [1], strides = [1]} : vector<16xi32> to vector<1xi32>
        %squeeze3A_2133 = vector.extract %slice3A_2132[0] : i32 from vector<1xi32>
        %swap3A_2134 = arith.constant 254 : i32
        %swap3A_2135 = arith.index_cast %swap3A_2134 : i32 to index
        %swap3A_2136 = memref.load %arg8[%swap3A_2135] : memref<512xi32, #tpu.memory_space<smem>>
        memref.store %squeeze3A_2133, %arg8[%swap3A_2135] : memref<512xi32, #tpu.memory_space<smem>>
        %slice3A_2137 = vector.extract_strided_slice %get3A_2061 {offsets = [15], sizes = [1], strides = [1]} : vector<16xi32> to vector<1xi32>
        %squeeze3A_2138 = vector.extract %slice3A_2137[0] : i32 from vector<1xi32>
        %swap3A_2139 = arith.constant 255 : i32
        %swap3A_2140 = arith.index_cast %swap3A_2139 : i32 to index
        %swap3A_2141 = memref.load %arg8[%swap3A_2140] : memref<512xi32, #tpu.memory_space<smem>>
        memref.store %squeeze3A_2138, %arg8[%swap3A_2140] : memref<512xi32, #tpu.memory_space<smem>>
        %get3A_2142 = arith.constant 256 : index
        %get3A_2143 = tpu.vector_load %arg10[%get3A_2142] {strides = array<i32>} : memref<512xi32, #tpu.memory_space<vmem>>, vector<16xi32>,
        %get3A_2144 = vector.shape_cast %get3A_2143 : vector<16xi32> to vector<16xi32>
        %slice3A_2145 = vector.extract_strided_slice %get3A_2144 {offsets = [0], sizes = [1], strides = [1]} : vector<16xi32> to vector<1xi32>
        %squeeze3A_2146 = vector.extract %slice3A_2145[0] : i32 from vector<1xi32>
        %swap3A_2147 = arith.constant 256 : i32
        %swap3A_2148 = arith.index_cast %swap3A_2147 : i32 to index
        %swap3A_2149 = memref.load %arg8[%swap3A_2148] : memref<512xi32, #tpu.memory_space<smem>>
        memref.store %squeeze3A_2146, %arg8[%swap3A_2148] : memref<512xi32, #tpu.memory_space<smem>>
        %slice3A_2150 = vector.extract_strided_slice %get3A_2144 {offsets = [1], sizes = [1], strides = [1]} : vector<16xi32> to vector<1xi32>
        %squeeze3A_2151 = vector.extract %slice3A_2150[0] : i32 from vector<1xi32>
        %swap3A_2152 = arith.constant 257 : i32
        %swap3A_2153 = arith.index_cast %swap3A_2152 : i32 to index
        %swap3A_2154 = memref.load %arg8[%swap3A_2153] : memref<512xi32, #tpu.memory_space<smem>>
        memref.store %squeeze3A_2151, %arg8[%swap3A_2153] : memref<512xi32, #tpu.memory_space<smem>>
        %slice3A_2155 = vector.extract_strided_slice %get3A_2144 {offsets = [2], sizes = [1], strides = [1]} : vector<16xi32> to vector<1xi32>
        %squeeze3A_2156 = vector.extract %slice3A_2155[0] : i32 from vector<1xi32>
        %swap3A_2157 = arith.constant 258 : i32
        %swap3A_2158 = arith.index_cast %swap3A_2157 : i32 to index
        %swap3A_2159 = memref.load %arg8[%swap3A_2158] : memref<512xi32, #tpu.memory_space<smem>>
        memref.store %squeeze3A_2156, %arg8[%swap3A_2158] : memref<512xi32, #tpu.memory_space<smem>>
        %slice3A_2160 = vector.extract_strided_slice %get3A_2144 {offsets = [3], sizes = [1], strides = [1]} : vector<16xi32> to vector<1xi32>
        %squeeze3A_2161 = vector.extract %slice3A_2160[0] : i32 from vector<1xi32>
        %swap3A_2162 = arith.constant 259 : i32
        %swap3A_2163 = arith.index_cast %swap3A_2162 : i32 to index
        %swap3A_2164 = memref.load %arg8[%swap3A_2163] : memref<512xi32, #tpu.memory_space<smem>>
        memref.store %squeeze3A_2161, %arg8[%swap3A_2163] : memref<512xi32, #tpu.memory_space<smem>>
        %slice3A_2165 = vector.extract_strided_slice %get3A_2144 {offsets = [4], sizes = [1], strides = [1]} : vector<16xi32> to vector<1xi32>
        %squeeze3A_2166 = vector.extract %slice3A_2165[0] : i32 from vector<1xi32>
        %swap3A_2167 = arith.constant 260 : i32
        %swap3A_2168 = arith.index_cast %swap3A_2167 : i32 to index
        %swap3A_2169 = memref.load %arg8[%swap3A_2168] : memref<512xi32, #tpu.memory_space<smem>>
        memref.store %squeeze3A_2166, %arg8[%swap3A_2168] : memref<512xi32, #tpu.memory_space<smem>>
        %slice3A_2170 = vector.extract_strided_slice %get3A_2144 {offsets = [5], sizes = [1], strides = [1]} : vector<16xi32> to vector<1xi32>
        %squeeze3A_2171 = vector.extract %slice3A_2170[0] : i32 from vector<1xi32>
        %swap3A_2172 = arith.constant 261 : i32
        %swap3A_2173 = arith.index_cast %swap3A_2172 : i32 to index
        %swap3A_2174 = memref.load %arg8[%swap3A_2173] : memref<512xi32, #tpu.memory_space<smem>>
        memref.store %squeeze3A_2171, %arg8[%swap3A_2173] : memref<512xi32, #tpu.memory_space<smem>>
        %slice3A_2175 = vector.extract_strided_slice %get3A_2144 {offsets = [6], sizes = [1], strides = [1]} : vector<16xi32> to vector<1xi32>
        %squeeze3A_2176 = vector.extract %slice3A_2175[0] : i32 from vector<1xi32>
        %swap3A_2177 = arith.constant 262 : i32
        %swap3A_2178 = arith.index_cast %swap3A_2177 : i32 to index
        %swap3A_2179 = memref.load %arg8[%swap3A_2178] : memref<512xi32, #tpu.memory_space<smem>>
        memref.store %squeeze3A_2176, %arg8[%swap3A_2178] : memref<512xi32, #tpu.memory_space<smem>>
        %slice3A_2180 = vector.extract_strided_slice %get3A_2144 {offsets = [7], sizes = [1], strides = [1]} : vector<16xi32> to vector<1xi32>
        %squeeze3A_2181 = vector.extract %slice3A_2180[0] : i32 from vector<1xi32>
        %swap3A_2182 = arith.constant 263 : i32
        %swap3A_2183 = arith.index_cast %swap3A_2182 : i32 to index
        %swap3A_2184 = memref.load %arg8[%swap3A_2183] : memref<512xi32, #tpu.memory_space<smem>>
        memref.store %squeeze3A_2181, %arg8[%swap3A_2183] : memref<512xi32, #tpu.memory_space<smem>>
        %slice3A_2185 = vector.extract_strided_slice %get3A_2144 {offsets = [8], sizes = [1], strides = [1]} : vector<16xi32> to vector<1xi32>
        %squeeze3A_2186 = vector.extract %slice3A_2185[0] : i32 from vector<1xi32>
        %swap3A_2187 = arith.constant 264 : i32
        %swap3A_2188 = arith.index_cast %swap3A_2187 : i32 to index
        %swap3A_2189 = memref.load %arg8[%swap3A_2188] : memref<512xi32, #tpu.memory_space<smem>>
        memref.store %squeeze3A_2186, %arg8[%swap3A_2188] : memref<512xi32, #tpu.memory_space<smem>>
        %slice3A_2190 = vector.extract_strided_slice %get3A_2144 {offsets = [9], sizes = [1], strides = [1]} : vector<16xi32> to vector<1xi32>
        %squeeze3A_2191 = vector.extract %slice3A_2190[0] : i32 from vector<1xi32>
        %swap3A_2192 = arith.constant 265 : i32
        %swap3A_2193 = arith.index_cast %swap3A_2192 : i32 to index
        %swap3A_2194 = memref.load %arg8[%swap3A_2193] : memref<512xi32, #tpu.memory_space<smem>>
        memref.store %squeeze3A_2191, %arg8[%swap3A_2193] : memref<512xi32, #tpu.memory_space<smem>>
        %slice3A_2195 = vector.extract_strided_slice %get3A_2144 {offsets = [10], sizes = [1], strides = [1]} : vector<16xi32> to vector<1xi32>
        %squeeze3A_2196 = vector.extract %slice3A_2195[0] : i32 from vector<1xi32>
        %swap3A_2197 = arith.constant 266 : i32
        %swap3A_2198 = arith.index_cast %swap3A_2197 : i32 to index
        %swap3A_2199 = memref.load %arg8[%swap3A_2198] : memref<512xi32, #tpu.memory_space<smem>>
        memref.store %squeeze3A_2196, %arg8[%swap3A_2198] : memref<512xi32, #tpu.memory_space<smem>>
        %slice3A_2200 = vector.extract_strided_slice %get3A_2144 {offsets = [11], sizes = [1], strides = [1]} : vector<16xi32> to vector<1xi32>
        %squeeze3A_2201 = vector.extract %slice3A_2200[0] : i32 from vector<1xi32>
        %swap3A_2202 = arith.constant 267 : i32
        %swap3A_2203 = arith.index_cast %swap3A_2202 : i32 to index
        %swap3A_2204 = memref.load %arg8[%swap3A_2203] : memref<512xi32, #tpu.memory_space<smem>>
        memref.store %squeeze3A_2201, %arg8[%swap3A_2203] : memref<512xi32, #tpu.memory_space<smem>>
        %slice3A_2205 = vector.extract_strided_slice %get3A_2144 {offsets = [12], sizes = [1], strides = [1]} : vector<16xi32> to vector<1xi32>
        %squeeze3A_2206 = vector.extract %slice3A_2205[0] : i32 from vector<1xi32>
        %swap3A_2207 = arith.constant 268 : i32
        %swap3A_2208 = arith.index_cast %swap3A_2207 : i32 to index
        %swap3A_2209 = memref.load %arg8[%swap3A_2208] : memref<512xi32, #tpu.memory_space<smem>>
        memref.store %squeeze3A_2206, %arg8[%swap3A_2208] : memref<512xi32, #tpu.memory_space<smem>>
        %slice3A_2210 = vector.extract_strided_slice %get3A_2144 {offsets = [13], sizes = [1], strides = [1]} : vector<16xi32> to vector<1xi32>
        %squeeze3A_2211 = vector.extract %slice3A_2210[0] : i32 from vector<1xi32>
        %swap3A_2212 = arith.constant 269 : i32
        %swap3A_2213 = arith.index_cast %swap3A_2212 : i32 to index
        %swap3A_2214 = memref.load %arg8[%swap3A_2213] : memref<512xi32, #tpu.memory_space<smem>>
        memref.store %squeeze3A_2211, %arg8[%swap3A_2213] : memref<512xi32, #tpu.memory_space<smem>>
        %slice3A_2215 = vector.extract_strided_slice %get3A_2144 {offsets = [14], sizes = [1], strides = [1]} : vector<16xi32> to vector<1xi32>
        %squeeze3A_2216 = vector.extract %slice3A_2215[0] : i32 from vector<1xi32>
        %swap3A_2217 = arith.constant 270 : i32
        %swap3A_2218 = arith.index_cast %swap3A_2217 : i32 to index
        %swap3A_2219 = memref.load %arg8[%swap3A_2218] : memref<512xi32, #tpu.memory_space<smem>>
        memref.store %squeeze3A_2216, %arg8[%swap3A_2218] : memref<512xi32, #tpu.memory_space<smem>>
        %slice3A_2220 = vector.extract_strided_slice %get3A_2144 {offsets = [15], sizes = [1], strides = [1]} : vector<16xi32> to vector<1xi32>
        %squeeze3A_2221 = vector.extract %slice3A_2220[0] : i32 from vector<1xi32>
        %swap3A_2222 = arith.constant 271 : i32
        %swap3A_2223 = arith.index_cast %swap3A_2222 : i32 to index
        %swap3A_2224 = memref.load %arg8[%swap3A_2223] : memref<512xi32, #tpu.memory_space<smem>>
        memref.store %squeeze3A_2221, %arg8[%swap3A_2223] : memref<512xi32, #tpu.memory_space<smem>>
        %get3A_2225 = arith.constant 272 : index
        %get3A_2226 = tpu.vector_load %arg10[%get3A_2225] {strides = array<i32>} : memref<512xi32, #tpu.memory_space<vmem>>, vector<16xi32>,
        %get3A_2227 = vector.shape_cast %get3A_2226 : vector<16xi32> to vector<16xi32>
        %slice3A_2228 = vector.extract_strided_slice %get3A_2227 {offsets = [0], sizes = [1], strides = [1]} : vector<16xi32> to vector<1xi32>
        %squeeze3A_2229 = vector.extract %slice3A_2228[0] : i32 from vector<1xi32>
        %swap3A_2230 = arith.constant 272 : i32
        %swap3A_2231 = arith.index_cast %swap3A_2230 : i32 to index
        %swap3A_2232 = memref.load %arg8[%swap3A_2231] : memref<512xi32, #tpu.memory_space<smem>>
        memref.store %squeeze3A_2229, %arg8[%swap3A_2231] : memref<512xi32, #tpu.memory_space<smem>>
        %slice3A_2233 = vector.extract_strided_slice %get3A_2227 {offsets = [1], sizes = [1], strides = [1]} : vector<16xi32> to vector<1xi32>
        %squeeze3A_2234 = vector.extract %slice3A_2233[0] : i32 from vector<1xi32>
        %swap3A_2235 = arith.constant 273 : i32
        %swap3A_2236 = arith.index_cast %swap3A_2235 : i32 to index
        %swap3A_2237 = memref.load %arg8[%swap3A_2236] : memref<512xi32, #tpu.memory_space<smem>>
        memref.store %squeeze3A_2234, %arg8[%swap3A_2236] : memref<512xi32, #tpu.memory_space<smem>>
        %slice3A_2238 = vector.extract_strided_slice %get3A_2227 {offsets = [2], sizes = [1], strides = [1]} : vector<16xi32> to vector<1xi32>
        %squeeze3A_2239 = vector.extract %slice3A_2238[0] : i32 from vector<1xi32>
        %swap3A_2240 = arith.constant 274 : i32
        %swap3A_2241 = arith.index_cast %swap3A_2240 : i32 to index
        %swap3A_2242 = memref.load %arg8[%swap3A_2241] : memref<512xi32, #tpu.memory_space<smem>>
        memref.store %squeeze3A_2239, %arg8[%swap3A_2241] : memref<512xi32, #tpu.memory_space<smem>>
        %slice3A_2243 = vector.extract_strided_slice %get3A_2227 {offsets = [3], sizes = [1], strides = [1]} : vector<16xi32> to vector<1xi32>
        %squeeze3A_2244 = vector.extract %slice3A_2243[0] : i32 from vector<1xi32>
        %swap3A_2245 = arith.constant 275 : i32
        %swap3A_2246 = arith.index_cast %swap3A_2245 : i32 to index
        %swap3A_2247 = memref.load %arg8[%swap3A_2246] : memref<512xi32, #tpu.memory_space<smem>>
        memref.store %squeeze3A_2244, %arg8[%swap3A_2246] : memref<512xi32, #tpu.memory_space<smem>>
        %slice3A_2248 = vector.extract_strided_slice %get3A_2227 {offsets = [4], sizes = [1], strides = [1]} : vector<16xi32> to vector<1xi32>
        %squeeze3A_2249 = vector.extract %slice3A_2248[0] : i32 from vector<1xi32>
        %swap3A_2250 = arith.constant 276 : i32
        %swap3A_2251 = arith.index_cast %swap3A_2250 : i32 to index
        %swap3A_2252 = memref.load %arg8[%swap3A_2251] : memref<512xi32, #tpu.memory_space<smem>>
        memref.store %squeeze3A_2249, %arg8[%swap3A_2251] : memref<512xi32, #tpu.memory_space<smem>>
        %slice3A_2253 = vector.extract_strided_slice %get3A_2227 {offsets = [5], sizes = [1], strides = [1]} : vector<16xi32> to vector<1xi32>
        %squeeze3A_2254 = vector.extract %slice3A_2253[0] : i32 from vector<1xi32>
        %swap3A_2255 = arith.constant 277 : i32
        %swap3A_2256 = arith.index_cast %swap3A_2255 : i32 to index
        %swap3A_2257 = memref.load %arg8[%swap3A_2256] : memref<512xi32, #tpu.memory_space<smem>>
        memref.store %squeeze3A_2254, %arg8[%swap3A_2256] : memref<512xi32, #tpu.memory_space<smem>>
        %slice3A_2258 = vector.extract_strided_slice %get3A_2227 {offsets = [6], sizes = [1], strides = [1]} : vector<16xi32> to vector<1xi32>
        %squeeze3A_2259 = vector.extract %slice3A_2258[0] : i32 from vector<1xi32>
        %swap3A_2260 = arith.constant 278 : i32
        %swap3A_2261 = arith.index_cast %swap3A_2260 : i32 to index
        %swap3A_2262 = memref.load %arg8[%swap3A_2261] : memref<512xi32, #tpu.memory_space<smem>>
        memref.store %squeeze3A_2259, %arg8[%swap3A_2261] : memref<512xi32, #tpu.memory_space<smem>>
        %slice3A_2263 = vector.extract_strided_slice %get3A_2227 {offsets = [7], sizes = [1], strides = [1]} : vector<16xi32> to vector<1xi32>
        %squeeze3A_2264 = vector.extract %slice3A_2263[0] : i32 from vector<1xi32>
        %swap3A_2265 = arith.constant 279 : i32
        %swap3A_2266 = arith.index_cast %swap3A_2265 : i32 to index
        %swap3A_2267 = memref.load %arg8[%swap3A_2266] : memref<512xi32, #tpu.memory_space<smem>>
        memref.store %squeeze3A_2264, %arg8[%swap3A_2266] : memref<512xi32, #tpu.memory_space<smem>>
        %slice3A_2268 = vector.extract_strided_slice %get3A_2227 {offsets = [8], sizes = [1], strides = [1]} : vector<16xi32> to vector<1xi32>
        %squeeze3A_2269 = vector.extract %slice3A_2268[0] : i32 from vector<1xi32>
        %swap3A_2270 = arith.constant 280 : i32
        %swap3A_2271 = arith.index_cast %swap3A_2270 : i32 to index
        %swap3A_2272 = memref.load %arg8[%swap3A_2271] : memref<512xi32, #tpu.memory_space<smem>>
        memref.store %squeeze3A_2269, %arg8[%swap3A_2271] : memref<512xi32, #tpu.memory_space<smem>>
        %slice3A_2273 = vector.extract_strided_slice %get3A_2227 {offsets = [9], sizes = [1], strides = [1]} : vector<16xi32> to vector<1xi32>
        %squeeze3A_2274 = vector.extract %slice3A_2273[0] : i32 from vector<1xi32>
        %swap3A_2275 = arith.constant 281 : i32
        %swap3A_2276 = arith.index_cast %swap3A_2275 : i32 to index
        %swap3A_2277 = memref.load %arg8[%swap3A_2276] : memref<512xi32, #tpu.memory_space<smem>>
        memref.store %squeeze3A_2274, %arg8[%swap3A_2276] : memref<512xi32, #tpu.memory_space<smem>>
        %slice3A_2278 = vector.extract_strided_slice %get3A_2227 {offsets = [10], sizes = [1], strides = [1]} : vector<16xi32> to vector<1xi32>
        %squeeze3A_2279 = vector.extract %slice3A_2278[0] : i32 from vector<1xi32>
        %swap3A_2280 = arith.constant 282 : i32
        %swap3A_2281 = arith.index_cast %swap3A_2280 : i32 to index
        %swap3A_2282 = memref.load %arg8[%swap3A_2281] : memref<512xi32, #tpu.memory_space<smem>>
        memref.store %squeeze3A_2279, %arg8[%swap3A_2281] : memref<512xi32, #tpu.memory_space<smem>>
        %slice3A_2283 = vector.extract_strided_slice %get3A_2227 {offsets = [11], sizes = [1], strides = [1]} : vector<16xi32> to vector<1xi32>
        %squeeze3A_2284 = vector.extract %slice3A_2283[0] : i32 from vector<1xi32>
        %swap3A_2285 = arith.constant 283 : i32
        %swap3A_2286 = arith.index_cast %swap3A_2285 : i32 to index
        %swap3A_2287 = memref.load %arg8[%swap3A_2286] : memref<512xi32, #tpu.memory_space<smem>>
        memref.store %squeeze3A_2284, %arg8[%swap3A_2286] : memref<512xi32, #tpu.memory_space<smem>>
        %slice3A_2288 = vector.extract_strided_slice %get3A_2227 {offsets = [12], sizes = [1], strides = [1]} : vector<16xi32> to vector<1xi32>
        %squeeze3A_2289 = vector.extract %slice3A_2288[0] : i32 from vector<1xi32>
        %swap3A_2290 = arith.constant 284 : i32
        %swap3A_2291 = arith.index_cast %swap3A_2290 : i32 to index
        %swap3A_2292 = memref.load %arg8[%swap3A_2291] : memref<512xi32, #tpu.memory_space<smem>>
        memref.store %squeeze3A_2289, %arg8[%swap3A_2291] : memref<512xi32, #tpu.memory_space<smem>>
        %slice3A_2293 = vector.extract_strided_slice %get3A_2227 {offsets = [13], sizes = [1], strides = [1]} : vector<16xi32> to vector<1xi32>
        %squeeze3A_2294 = vector.extract %slice3A_2293[0] : i32 from vector<1xi32>
        %swap3A_2295 = arith.constant 285 : i32
        %swap3A_2296 = arith.index_cast %swap3A_2295 : i32 to index
        %swap3A_2297 = memref.load %arg8[%swap3A_2296] : memref<512xi32, #tpu.memory_space<smem>>
        memref.store %squeeze3A_2294, %arg8[%swap3A_2296] : memref<512xi32, #tpu.memory_space<smem>>
        %slice3A_2298 = vector.extract_strided_slice %get3A_2227 {offsets = [14], sizes = [1], strides = [1]} : vector<16xi32> to vector<1xi32>
        %squeeze3A_2299 = vector.extract %slice3A_2298[0] : i32 from vector<1xi32>
        %swap3A_2300 = arith.constant 286 : i32
        %swap3A_2301 = arith.index_cast %swap3A_2300 : i32 to index
        %swap3A_2302 = memref.load %arg8[%swap3A_2301] : memref<512xi32, #tpu.memory_space<smem>>
        memref.store %squeeze3A_2299, %arg8[%swap3A_2301] : memref<512xi32, #tpu.memory_space<smem>>
        %slice3A_2303 = vector.extract_strided_slice %get3A_2227 {offsets = [15], sizes = [1], strides = [1]} : vector<16xi32> to vector<1xi32>
        %squeeze3A_2304 = vector.extract %slice3A_2303[0] : i32 from vector<1xi32>
        %swap3A_2305 = arith.constant 287 : i32
        %swap3A_2306 = arith.index_cast %swap3A_2305 : i32 to index
        %swap3A_2307 = memref.load %arg8[%swap3A_2306] : memref<512xi32, #tpu.memory_space<smem>>
        memref.store %squeeze3A_2304, %arg8[%swap3A_2306] : memref<512xi32, #tpu.memory_space<smem>>
        %get3A_2308 = arith.constant 288 : index
        %get3A_2309 = tpu.vector_load %arg10[%get3A_2308] {strides = array<i32>} : memref<512xi32, #tpu.memory_space<vmem>>, vector<16xi32>,
        %get3A_2310 = vector.shape_cast %get3A_2309 : vector<16xi32> to vector<16xi32>
        %slice3A_2311 = vector.extract_strided_slice %get3A_2310 {offsets = [0], sizes = [1], strides = [1]} : vector<16xi32> to vector<1xi32>
        %squeeze3A_2312 = vector.extract %slice3A_2311[0] : i32 from vector<1xi32>
        %swap3A_2313 = arith.constant 288 : i32
        %swap3A_2314 = arith.index_cast %swap3A_2313 : i32 to index
        %swap3A_2315 = memref.load %arg8[%swap3A_2314] : memref<512xi32, #tpu.memory_space<smem>>
        memref.store %squeeze3A_2312, %arg8[%swap3A_2314] : memref<512xi32, #tpu.memory_space<smem>>
        %slice3A_2316 = vector.extract_strided_slice %get3A_2310 {offsets = [1], sizes = [1], strides = [1]} : vector<16xi32> to vector<1xi32>
        %squeeze3A_2317 = vector.extract %slice3A_2316[0] : i32 from vector<1xi32>
        %swap3A_2318 = arith.constant 289 : i32
        %swap3A_2319 = arith.index_cast %swap3A_2318 : i32 to index
        %swap3A_2320 = memref.load %arg8[%swap3A_2319] : memref<512xi32, #tpu.memory_space<smem>>
        memref.store %squeeze3A_2317, %arg8[%swap3A_2319] : memref<512xi32, #tpu.memory_space<smem>>
        %slice3A_2321 = vector.extract_strided_slice %get3A_2310 {offsets = [2], sizes = [1], strides = [1]} : vector<16xi32> to vector<1xi32>
        %squeeze3A_2322 = vector.extract %slice3A_2321[0] : i32 from vector<1xi32>
        %swap3A_2323 = arith.constant 290 : i32
        %swap3A_2324 = arith.index_cast %swap3A_2323 : i32 to index
        %swap3A_2325 = memref.load %arg8[%swap3A_2324] : memref<512xi32, #tpu.memory_space<smem>>
        memref.store %squeeze3A_2322, %arg8[%swap3A_2324] : memref<512xi32, #tpu.memory_space<smem>>
        %slice3A_2326 = vector.extract_strided_slice %get3A_2310 {offsets = [3], sizes = [1], strides = [1]} : vector<16xi32> to vector<1xi32>
        %squeeze3A_2327 = vector.extract %slice3A_2326[0] : i32 from vector<1xi32>
        %swap3A_2328 = arith.constant 291 : i32
        %swap3A_2329 = arith.index_cast %swap3A_2328 : i32 to index
        %swap3A_2330 = memref.load %arg8[%swap3A_2329] : memref<512xi32, #tpu.memory_space<smem>>
        memref.store %squeeze3A_2327, %arg8[%swap3A_2329] : memref<512xi32, #tpu.memory_space<smem>>
        %slice3A_2331 = vector.extract_strided_slice %get3A_2310 {offsets = [4], sizes = [1], strides = [1]} : vector<16xi32> to vector<1xi32>
        %squeeze3A_2332 = vector.extract %slice3A_2331[0] : i32 from vector<1xi32>
        %swap3A_2333 = arith.constant 292 : i32
        %swap3A_2334 = arith.index_cast %swap3A_2333 : i32 to index
        %swap3A_2335 = memref.load %arg8[%swap3A_2334] : memref<512xi32, #tpu.memory_space<smem>>
        memref.store %squeeze3A_2332, %arg8[%swap3A_2334] : memref<512xi32, #tpu.memory_space<smem>>
        %slice3A_2336 = vector.extract_strided_slice %get3A_2310 {offsets = [5], sizes = [1], strides = [1]} : vector<16xi32> to vector<1xi32>
        %squeeze3A_2337 = vector.extract %slice3A_2336[0] : i32 from vector<1xi32>
        %swap3A_2338 = arith.constant 293 : i32
        %swap3A_2339 = arith.index_cast %swap3A_2338 : i32 to index
        %swap3A_2340 = memref.load %arg8[%swap3A_2339] : memref<512xi32, #tpu.memory_space<smem>>
        memref.store %squeeze3A_2337, %arg8[%swap3A_2339] : memref<512xi32, #tpu.memory_space<smem>>
        %slice3A_2341 = vector.extract_strided_slice %get3A_2310 {offsets = [6], sizes = [1], strides = [1]} : vector<16xi32> to vector<1xi32>
        %squeeze3A_2342 = vector.extract %slice3A_2341[0] : i32 from vector<1xi32>
        %swap3A_2343 = arith.constant 294 : i32
        %swap3A_2344 = arith.index_cast %swap3A_2343 : i32 to index
        %swap3A_2345 = memref.load %arg8[%swap3A_2344] : memref<512xi32, #tpu.memory_space<smem>>
        memref.store %squeeze3A_2342, %arg8[%swap3A_2344] : memref<512xi32, #tpu.memory_space<smem>>
        %slice3A_2346 = vector.extract_strided_slice %get3A_2310 {offsets = [7], sizes = [1], strides = [1]} : vector<16xi32> to vector<1xi32>
        %squeeze3A_2347 = vector.extract %slice3A_2346[0] : i32 from vector<1xi32>
        %swap3A_2348 = arith.constant 295 : i32
        %swap3A_2349 = arith.index_cast %swap3A_2348 : i32 to index
        %swap3A_2350 = memref.load %arg8[%swap3A_2349] : memref<512xi32, #tpu.memory_space<smem>>
        memref.store %squeeze3A_2347, %arg8[%swap3A_2349] : memref<512xi32, #tpu.memory_space<smem>>
        %slice3A_2351 = vector.extract_strided_slice %get3A_2310 {offsets = [8], sizes = [1], strides = [1]} : vector<16xi32> to vector<1xi32>
        %squeeze3A_2352 = vector.extract %slice3A_2351[0] : i32 from vector<1xi32>
        %swap3A_2353 = arith.constant 296 : i32
        %swap3A_2354 = arith.index_cast %swap3A_2353 : i32 to index
        %swap3A_2355 = memref.load %arg8[%swap3A_2354] : memref<512xi32, #tpu.memory_space<smem>>
        memref.store %squeeze3A_2352, %arg8[%swap3A_2354] : memref<512xi32, #tpu.memory_space<smem>>
        %slice3A_2356 = vector.extract_strided_slice %get3A_2310 {offsets = [9], sizes = [1], strides = [1]} : vector<16xi32> to vector<1xi32>
        %squeeze3A_2357 = vector.extract %slice3A_2356[0] : i32 from vector<1xi32>
        %swap3A_2358 = arith.constant 297 : i32
        %swap3A_2359 = arith.index_cast %swap3A_2358 : i32 to index
        %swap3A_2360 = memref.load %arg8[%swap3A_2359] : memref<512xi32, #tpu.memory_space<smem>>
        memref.store %squeeze3A_2357, %arg8[%swap3A_2359] : memref<512xi32, #tpu.memory_space<smem>>
        %slice3A_2361 = vector.extract_strided_slice %get3A_2310 {offsets = [10], sizes = [1], strides = [1]} : vector<16xi32> to vector<1xi32>
        %squeeze3A_2362 = vector.extract %slice3A_2361[0] : i32 from vector<1xi32>
        %swap3A_2363 = arith.constant 298 : i32
        %swap3A_2364 = arith.index_cast %swap3A_2363 : i32 to index
        %swap3A_2365 = memref.load %arg8[%swap3A_2364] : memref<512xi32, #tpu.memory_space<smem>>
        memref.store %squeeze3A_2362, %arg8[%swap3A_2364] : memref<512xi32, #tpu.memory_space<smem>>
        %slice3A_2366 = vector.extract_strided_slice %get3A_2310 {offsets = [11], sizes = [1], strides = [1]} : vector<16xi32> to vector<1xi32>
        %squeeze3A_2367 = vector.extract %slice3A_2366[0] : i32 from vector<1xi32>
        %swap3A_2368 = arith.constant 299 : i32
        %swap3A_2369 = arith.index_cast %swap3A_2368 : i32 to index
        %swap3A_2370 = memref.load %arg8[%swap3A_2369] : memref<512xi32, #tpu.memory_space<smem>>
        memref.store %squeeze3A_2367, %arg8[%swap3A_2369] : memref<512xi32, #tpu.memory_space<smem>>
        %slice3A_2371 = vector.extract_strided_slice %get3A_2310 {offsets = [12], sizes = [1], strides = [1]} : vector<16xi32> to vector<1xi32>
        %squeeze3A_2372 = vector.extract %slice3A_2371[0] : i32 from vector<1xi32>
        %swap3A_2373 = arith.constant 300 : i32
        %swap3A_2374 = arith.index_cast %swap3A_2373 : i32 to index
        %swap3A_2375 = memref.load %arg8[%swap3A_2374] : memref<512xi32, #tpu.memory_space<smem>>
        memref.store %squeeze3A_2372, %arg8[%swap3A_2374] : memref<512xi32, #tpu.memory_space<smem>>
        %slice3A_2376 = vector.extract_strided_slice %get3A_2310 {offsets = [13], sizes = [1], strides = [1]} : vector<16xi32> to vector<1xi32>
        %squeeze3A_2377 = vector.extract %slice3A_2376[0] : i32 from vector<1xi32>
        %swap3A_2378 = arith.constant 301 : i32
        %swap3A_2379 = arith.index_cast %swap3A_2378 : i32 to index
        %swap3A_2380 = memref.load %arg8[%swap3A_2379] : memref<512xi32, #tpu.memory_space<smem>>
        memref.store %squeeze3A_2377, %arg8[%swap3A_2379] : memref<512xi32, #tpu.memory_space<smem>>
        %slice3A_2381 = vector.extract_strided_slice %get3A_2310 {offsets = [14], sizes = [1], strides = [1]} : vector<16xi32> to vector<1xi32>
        %squeeze3A_2382 = vector.extract %slice3A_2381[0] : i32 from vector<1xi32>
        %swap3A_2383 = arith.constant 302 : i32
        %swap3A_2384 = arith.index_cast %swap3A_2383 : i32 to index
        %swap3A_2385 = memref.load %arg8[%swap3A_2384] : memref<512xi32, #tpu.memory_space<smem>>
        memref.store %squeeze3A_2382, %arg8[%swap3A_2384] : memref<512xi32, #tpu.memory_space<smem>>
        %slice3A_2386 = vector.extract_strided_slice %get3A_2310 {offsets = [15], sizes = [1], strides = [1]} : vector<16xi32> to vector<1xi32>
        %squeeze3A_2387 = vector.extract %slice3A_2386[0] : i32 from vector<1xi32>
        %swap3A_2388 = arith.constant 303 : i32
        %swap3A_2389 = arith.index_cast %swap3A_2388 : i32 to index
        %swap3A_2390 = memref.load %arg8[%swap3A_2389] : memref<512xi32, #tpu.memory_space<smem>>
        memref.store %squeeze3A_2387, %arg8[%swap3A_2389] : memref<512xi32, #tpu.memory_space<smem>>
        %get3A_2391 = arith.constant 304 : index
        %get3A_2392 = tpu.vector_load %arg10[%get3A_2391] {strides = array<i32>} : memref<512xi32, #tpu.memory_space<vmem>>, vector<16xi32>,
        %get3A_2393 = vector.shape_cast %get3A_2392 : vector<16xi32> to vector<16xi32>
        %slice3A_2394 = vector.extract_strided_slice %get3A_2393 {offsets = [0], sizes = [1], strides = [1]} : vector<16xi32> to vector<1xi32>
        %squeeze3A_2395 = vector.extract %slice3A_2394[0] : i32 from vector<1xi32>
        %swap3A_2396 = arith.constant 304 : i32
        %swap3A_2397 = arith.index_cast %swap3A_2396 : i32 to index
        %swap3A_2398 = memref.load %arg8[%swap3A_2397] : memref<512xi32, #tpu.memory_space<smem>>
        memref.store %squeeze3A_2395, %arg8[%swap3A_2397] : memref<512xi32, #tpu.memory_space<smem>>
        %slice3A_2399 = vector.extract_strided_slice %get3A_2393 {offsets = [1], sizes = [1], strides = [1]} : vector<16xi32> to vector<1xi32>
        %squeeze3A_2400 = vector.extract %slice3A_2399[0] : i32 from vector<1xi32>
        %swap3A_2401 = arith.constant 305 : i32
        %swap3A_2402 = arith.index_cast %swap3A_2401 : i32 to index
        %swap3A_2403 = memref.load %arg8[%swap3A_2402] : memref<512xi32, #tpu.memory_space<smem>>
        memref.store %squeeze3A_2400, %arg8[%swap3A_2402] : memref<512xi32, #tpu.memory_space<smem>>
        %slice3A_2404 = vector.extract_strided_slice %get3A_2393 {offsets = [2], sizes = [1], strides = [1]} : vector<16xi32> to vector<1xi32>
        %squeeze3A_2405 = vector.extract %slice3A_2404[0] : i32 from vector<1xi32>
        %swap3A_2406 = arith.constant 306 : i32
        %swap3A_2407 = arith.index_cast %swap3A_2406 : i32 to index
        %swap3A_2408 = memref.load %arg8[%swap3A_2407] : memref<512xi32, #tpu.memory_space<smem>>
        memref.store %squeeze3A_2405, %arg8[%swap3A_2407] : memref<512xi32, #tpu.memory_space<smem>>
        %slice3A_2409 = vector.extract_strided_slice %get3A_2393 {offsets = [3], sizes = [1], strides = [1]} : vector<16xi32> to vector<1xi32>
        %squeeze3A_2410 = vector.extract %slice3A_2409[0] : i32 from vector<1xi32>
        %swap3A_2411 = arith.constant 307 : i32
        %swap3A_2412 = arith.index_cast %swap3A_2411 : i32 to index
        %swap3A_2413 = memref.load %arg8[%swap3A_2412] : memref<512xi32, #tpu.memory_space<smem>>
        memref.store %squeeze3A_2410, %arg8[%swap3A_2412] : memref<512xi32, #tpu.memory_space<smem>>
        %slice3A_2414 = vector.extract_strided_slice %get3A_2393 {offsets = [4], sizes = [1], strides = [1]} : vector<16xi32> to vector<1xi32>
        %squeeze3A_2415 = vector.extract %slice3A_2414[0] : i32 from vector<1xi32>
        %swap3A_2416 = arith.constant 308 : i32
        %swap3A_2417 = arith.index_cast %swap3A_2416 : i32 to index
        %swap3A_2418 = memref.load %arg8[%swap3A_2417] : memref<512xi32, #tpu.memory_space<smem>>
        memref.store %squeeze3A_2415, %arg8[%swap3A_2417] : memref<512xi32, #tpu.memory_space<smem>>
        %slice3A_2419 = vector.extract_strided_slice %get3A_2393 {offsets = [5], sizes = [1], strides = [1]} : vector<16xi32> to vector<1xi32>
        %squeeze3A_2420 = vector.extract %slice3A_2419[0] : i32 from vector<1xi32>
        %swap3A_2421 = arith.constant 309 : i32
        %swap3A_2422 = arith.index_cast %swap3A_2421 : i32 to index
        %swap3A_2423 = memref.load %arg8[%swap3A_2422] : memref<512xi32, #tpu.memory_space<smem>>
        memref.store %squeeze3A_2420, %arg8[%swap3A_2422] : memref<512xi32, #tpu.memory_space<smem>>
        %slice3A_2424 = vector.extract_strided_slice %get3A_2393 {offsets = [6], sizes = [1], strides = [1]} : vector<16xi32> to vector<1xi32>
        %squeeze3A_2425 = vector.extract %slice3A_2424[0] : i32 from vector<1xi32>
        %swap3A_2426 = arith.constant 310 : i32
        %swap3A_2427 = arith.index_cast %swap3A_2426 : i32 to index
        %swap3A_2428 = memref.load %arg8[%swap3A_2427] : memref<512xi32, #tpu.memory_space<smem>>
        memref.store %squeeze3A_2425, %arg8[%swap3A_2427] : memref<512xi32, #tpu.memory_space<smem>>
        %slice3A_2429 = vector.extract_strided_slice %get3A_2393 {offsets = [7], sizes = [1], strides = [1]} : vector<16xi32> to vector<1xi32>
        %squeeze3A_2430 = vector.extract %slice3A_2429[0] : i32 from vector<1xi32>
        %swap3A_2431 = arith.constant 311 : i32
        %swap3A_2432 = arith.index_cast %swap3A_2431 : i32 to index
        %swap3A_2433 = memref.load %arg8[%swap3A_2432] : memref<512xi32, #tpu.memory_space<smem>>
        memref.store %squeeze3A_2430, %arg8[%swap3A_2432] : memref<512xi32, #tpu.memory_space<smem>>
        %slice3A_2434 = vector.extract_strided_slice %get3A_2393 {offsets = [8], sizes = [1], strides = [1]} : vector<16xi32> to vector<1xi32>
        %squeeze3A_2435 = vector.extract %slice3A_2434[0] : i32 from vector<1xi32>
        %swap3A_2436 = arith.constant 312 : i32
        %swap3A_2437 = arith.index_cast %swap3A_2436 : i32 to index
        %swap3A_2438 = memref.load %arg8[%swap3A_2437] : memref<512xi32, #tpu.memory_space<smem>>
        memref.store %squeeze3A_2435, %arg8[%swap3A_2437] : memref<512xi32, #tpu.memory_space<smem>>
        %slice3A_2439 = vector.extract_strided_slice %get3A_2393 {offsets = [9], sizes = [1], strides = [1]} : vector<16xi32> to vector<1xi32>
        %squeeze3A_2440 = vector.extract %slice3A_2439[0] : i32 from vector<1xi32>
        %swap3A_2441 = arith.constant 313 : i32
        %swap3A_2442 = arith.index_cast %swap3A_2441 : i32 to index
        %swap3A_2443 = memref.load %arg8[%swap3A_2442] : memref<512xi32, #tpu.memory_space<smem>>
        memref.store %squeeze3A_2440, %arg8[%swap3A_2442] : memref<512xi32, #tpu.memory_space<smem>>
        %slice3A_2444 = vector.extract_strided_slice %get3A_2393 {offsets = [10], sizes = [1], strides = [1]} : vector<16xi32> to vector<1xi32>
        %squeeze3A_2445 = vector.extract %slice3A_2444[0] : i32 from vector<1xi32>
        %swap3A_2446 = arith.constant 314 : i32
        %swap3A_2447 = arith.index_cast %swap3A_2446 : i32 to index
        %swap3A_2448 = memref.load %arg8[%swap3A_2447] : memref<512xi32, #tpu.memory_space<smem>>
        memref.store %squeeze3A_2445, %arg8[%swap3A_2447] : memref<512xi32, #tpu.memory_space<smem>>
        %slice3A_2449 = vector.extract_strided_slice %get3A_2393 {offsets = [11], sizes = [1], strides = [1]} : vector<16xi32> to vector<1xi32>
        %squeeze3A_2450 = vector.extract %slice3A_2449[0] : i32 from vector<1xi32>
        %swap3A_2451 = arith.constant 315 : i32
        %swap3A_2452 = arith.index_cast %swap3A_2451 : i32 to index
        %swap3A_2453 = memref.load %arg8[%swap3A_2452] : memref<512xi32, #tpu.memory_space<smem>>
        memref.store %squeeze3A_2450, %arg8[%swap3A_2452] : memref<512xi32, #tpu.memory_space<smem>>
        %slice3A_2454 = vector.extract_strided_slice %get3A_2393 {offsets = [12], sizes = [1], strides = [1]} : vector<16xi32> to vector<1xi32>
        %squeeze3A_2455 = vector.extract %slice3A_2454[0] : i32 from vector<1xi32>
        %swap3A_2456 = arith.constant 316 : i32
        %swap3A_2457 = arith.index_cast %swap3A_2456 : i32 to index
        %swap3A_2458 = memref.load %arg8[%swap3A_2457] : memref<512xi32, #tpu.memory_space<smem>>
        memref.store %squeeze3A_2455, %arg8[%swap3A_2457] : memref<512xi32, #tpu.memory_space<smem>>
        %slice3A_2459 = vector.extract_strided_slice %get3A_2393 {offsets = [13], sizes = [1], strides = [1]} : vector<16xi32> to vector<1xi32>
        %squeeze3A_2460 = vector.extract %slice3A_2459[0] : i32 from vector<1xi32>
        %swap3A_2461 = arith.constant 317 : i32
        %swap3A_2462 = arith.index_cast %swap3A_2461 : i32 to index
        %swap3A_2463 = memref.load %arg8[%swap3A_2462] : memref<512xi32, #tpu.memory_space<smem>>
        memref.store %squeeze3A_2460, %arg8[%swap3A_2462] : memref<512xi32, #tpu.memory_space<smem>>
        %slice3A_2464 = vector.extract_strided_slice %get3A_2393 {offsets = [14], sizes = [1], strides = [1]} : vector<16xi32> to vector<1xi32>
        %squeeze3A_2465 = vector.extract %slice3A_2464[0] : i32 from vector<1xi32>
        %swap3A_2466 = arith.constant 318 : i32
        %swap3A_2467 = arith.index_cast %swap3A_2466 : i32 to index
        %swap3A_2468 = memref.load %arg8[%swap3A_2467] : memref<512xi32, #tpu.memory_space<smem>>
        memref.store %squeeze3A_2465, %arg8[%swap3A_2467] : memref<512xi32, #tpu.memory_space<smem>>
        %slice3A_2469 = vector.extract_strided_slice %get3A_2393 {offsets = [15], sizes = [1], strides = [1]} : vector<16xi32> to vector<1xi32>
        %squeeze3A_2470 = vector.extract %slice3A_2469[0] : i32 from vector<1xi32>
        %swap3A_2471 = arith.constant 319 : i32
        %swap3A_2472 = arith.index_cast %swap3A_2471 : i32 to index
        %swap3A_2473 = memref.load %arg8[%swap3A_2472] : memref<512xi32, #tpu.memory_space<smem>>
        memref.store %squeeze3A_2470, %arg8[%swap3A_2472] : memref<512xi32, #tpu.memory_space<smem>>
        %get3A_2474 = arith.constant 320 : index
        %get3A_2475 = tpu.vector_load %arg10[%get3A_2474] {strides = array<i32>} : memref<512xi32, #tpu.memory_space<vmem>>, vector<16xi32>,
        %get3A_2476 = vector.shape_cast %get3A_2475 : vector<16xi32> to vector<16xi32>
        %slice3A_2477 = vector.extract_strided_slice %get3A_2476 {offsets = [0], sizes = [1], strides = [1]} : vector<16xi32> to vector<1xi32>
        %squeeze3A_2478 = vector.extract %slice3A_2477[0] : i32 from vector<1xi32>
        %swap3A_2479 = arith.constant 320 : i32
        %swap3A_2480 = arith.index_cast %swap3A_2479 : i32 to index
        %swap3A_2481 = memref.load %arg8[%swap3A_2480] : memref<512xi32, #tpu.memory_space<smem>>
        memref.store %squeeze3A_2478, %arg8[%swap3A_2480] : memref<512xi32, #tpu.memory_space<smem>>
        %slice3A_2482 = vector.extract_strided_slice %get3A_2476 {offsets = [1], sizes = [1], strides = [1]} : vector<16xi32> to vector<1xi32>
        %squeeze3A_2483 = vector.extract %slice3A_2482[0] : i32 from vector<1xi32>
        %swap3A_2484 = arith.constant 321 : i32
        %swap3A_2485 = arith.index_cast %swap3A_2484 : i32 to index
        %swap3A_2486 = memref.load %arg8[%swap3A_2485] : memref<512xi32, #tpu.memory_space<smem>>
        memref.store %squeeze3A_2483, %arg8[%swap3A_2485] : memref<512xi32, #tpu.memory_space<smem>>
        %slice3A_2487 = vector.extract_strided_slice %get3A_2476 {offsets = [2], sizes = [1], strides = [1]} : vector<16xi32> to vector<1xi32>
        %squeeze3A_2488 = vector.extract %slice3A_2487[0] : i32 from vector<1xi32>
        %swap3A_2489 = arith.constant 322 : i32
        %swap3A_2490 = arith.index_cast %swap3A_2489 : i32 to index
        %swap3A_2491 = memref.load %arg8[%swap3A_2490] : memref<512xi32, #tpu.memory_space<smem>>
        memref.store %squeeze3A_2488, %arg8[%swap3A_2490] : memref<512xi32, #tpu.memory_space<smem>>
        %slice3A_2492 = vector.extract_strided_slice %get3A_2476 {offsets = [3], sizes = [1], strides = [1]} : vector<16xi32> to vector<1xi32>
        %squeeze3A_2493 = vector.extract %slice3A_2492[0] : i32 from vector<1xi32>
        %swap3A_2494 = arith.constant 323 : i32
        %swap3A_2495 = arith.index_cast %swap3A_2494 : i32 to index
        %swap3A_2496 = memref.load %arg8[%swap3A_2495] : memref<512xi32, #tpu.memory_space<smem>>
        memref.store %squeeze3A_2493, %arg8[%swap3A_2495] : memref<512xi32, #tpu.memory_space<smem>>
        %slice3A_2497 = vector.extract_strided_slice %get3A_2476 {offsets = [4], sizes = [1], strides = [1]} : vector<16xi32> to vector<1xi32>
        %squeeze3A_2498 = vector.extract %slice3A_2497[0] : i32 from vector<1xi32>
        %swap3A_2499 = arith.constant 324 : i32
        %swap3A_2500 = arith.index_cast %swap3A_2499 : i32 to index
        %swap3A_2501 = memref.load %arg8[%swap3A_2500] : memref<512xi32, #tpu.memory_space<smem>>
        memref.store %squeeze3A_2498, %arg8[%swap3A_2500] : memref<512xi32, #tpu.memory_space<smem>>
        %slice3A_2502 = vector.extract_strided_slice %get3A_2476 {offsets = [5], sizes = [1], strides = [1]} : vector<16xi32> to vector<1xi32>
        %squeeze3A_2503 = vector.extract %slice3A_2502[0] : i32 from vector<1xi32>
        %swap3A_2504 = arith.constant 325 : i32
        %swap3A_2505 = arith.index_cast %swap3A_2504 : i32 to index
        %swap3A_2506 = memref.load %arg8[%swap3A_2505] : memref<512xi32, #tpu.memory_space<smem>>
        memref.store %squeeze3A_2503, %arg8[%swap3A_2505] : memref<512xi32, #tpu.memory_space<smem>>
        %slice3A_2507 = vector.extract_strided_slice %get3A_2476 {offsets = [6], sizes = [1], strides = [1]} : vector<16xi32> to vector<1xi32>
        %squeeze3A_2508 = vector.extract %slice3A_2507[0] : i32 from vector<1xi32>
        %swap3A_2509 = arith.constant 326 : i32
        %swap3A_2510 = arith.index_cast %swap3A_2509 : i32 to index
        %swap3A_2511 = memref.load %arg8[%swap3A_2510] : memref<512xi32, #tpu.memory_space<smem>>
        memref.store %squeeze3A_2508, %arg8[%swap3A_2510] : memref<512xi32, #tpu.memory_space<smem>>
        %slice3A_2512 = vector.extract_strided_slice %get3A_2476 {offsets = [7], sizes = [1], strides = [1]} : vector<16xi32> to vector<1xi32>
        %squeeze3A_2513 = vector.extract %slice3A_2512[0] : i32 from vector<1xi32>
        %swap3A_2514 = arith.constant 327 : i32
        %swap3A_2515 = arith.index_cast %swap3A_2514 : i32 to index
        %swap3A_2516 = memref.load %arg8[%swap3A_2515] : memref<512xi32, #tpu.memory_space<smem>>
        memref.store %squeeze3A_2513, %arg8[%swap3A_2515] : memref<512xi32, #tpu.memory_space<smem>>
        %slice3A_2517 = vector.extract_strided_slice %get3A_2476 {offsets = [8], sizes = [1], strides = [1]} : vector<16xi32> to vector<1xi32>
        %squeeze3A_2518 = vector.extract %slice3A_2517[0] : i32 from vector<1xi32>
        %swap3A_2519 = arith.constant 328 : i32
        %swap3A_2520 = arith.index_cast %swap3A_2519 : i32 to index
        %swap3A_2521 = memref.load %arg8[%swap3A_2520] : memref<512xi32, #tpu.memory_space<smem>>
        memref.store %squeeze3A_2518, %arg8[%swap3A_2520] : memref<512xi32, #tpu.memory_space<smem>>
        %slice3A_2522 = vector.extract_strided_slice %get3A_2476 {offsets = [9], sizes = [1], strides = [1]} : vector<16xi32> to vector<1xi32>
        %squeeze3A_2523 = vector.extract %slice3A_2522[0] : i32 from vector<1xi32>
        %swap3A_2524 = arith.constant 329 : i32
        %swap3A_2525 = arith.index_cast %swap3A_2524 : i32 to index
        %swap3A_2526 = memref.load %arg8[%swap3A_2525] : memref<512xi32, #tpu.memory_space<smem>>
        memref.store %squeeze3A_2523, %arg8[%swap3A_2525] : memref<512xi32, #tpu.memory_space<smem>>
        %slice3A_2527 = vector.extract_strided_slice %get3A_2476 {offsets = [10], sizes = [1], strides = [1]} : vector<16xi32> to vector<1xi32>
        %squeeze3A_2528 = vector.extract %slice3A_2527[0] : i32 from vector<1xi32>
        %swap3A_2529 = arith.constant 330 : i32
        %swap3A_2530 = arith.index_cast %swap3A_2529 : i32 to index
        %swap3A_2531 = memref.load %arg8[%swap3A_2530] : memref<512xi32, #tpu.memory_space<smem>>
        memref.store %squeeze3A_2528, %arg8[%swap3A_2530] : memref<512xi32, #tpu.memory_space<smem>>
        %slice3A_2532 = vector.extract_strided_slice %get3A_2476 {offsets = [11], sizes = [1], strides = [1]} : vector<16xi32> to vector<1xi32>
        %squeeze3A_2533 = vector.extract %slice3A_2532[0] : i32 from vector<1xi32>
        %swap3A_2534 = arith.constant 331 : i32
        %swap3A_2535 = arith.index_cast %swap3A_2534 : i32 to index
        %swap3A_2536 = memref.load %arg8[%swap3A_2535] : memref<512xi32, #tpu.memory_space<smem>>
        memref.store %squeeze3A_2533, %arg8[%swap3A_2535] : memref<512xi32, #tpu.memory_space<smem>>
        %slice3A_2537 = vector.extract_strided_slice %get3A_2476 {offsets = [12], sizes = [1], strides = [1]} : vector<16xi32> to vector<1xi32>
        %squeeze3A_2538 = vector.extract %slice3A_2537[0] : i32 from vector<1xi32>
        %swap3A_2539 = arith.constant 332 : i32
        %swap3A_2540 = arith.index_cast %swap3A_2539 : i32 to index
        %swap3A_2541 = memref.load %arg8[%swap3A_2540] : memref<512xi32, #tpu.memory_space<smem>>
        memref.store %squeeze3A_2538, %arg8[%swap3A_2540] : memref<512xi32, #tpu.memory_space<smem>>
        %slice3A_2542 = vector.extract_strided_slice %get3A_2476 {offsets = [13], sizes = [1], strides = [1]} : vector<16xi32> to vector<1xi32>
        %squeeze3A_2543 = vector.extract %slice3A_2542[0] : i32 from vector<1xi32>
        %swap3A_2544 = arith.constant 333 : i32
        %swap3A_2545 = arith.index_cast %swap3A_2544 : i32 to index
        %swap3A_2546 = memref.load %arg8[%swap3A_2545] : memref<512xi32, #tpu.memory_space<smem>>
        memref.store %squeeze3A_2543, %arg8[%swap3A_2545] : memref<512xi32, #tpu.memory_space<smem>>
        %slice3A_2547 = vector.extract_strided_slice %get3A_2476 {offsets = [14], sizes = [1], strides = [1]} : vector<16xi32> to vector<1xi32>
        %squeeze3A_2548 = vector.extract %slice3A_2547[0] : i32 from vector<1xi32>
        %swap3A_2549 = arith.constant 334 : i32
        %swap3A_2550 = arith.index_cast %swap3A_2549 : i32 to index
        %swap3A_2551 = memref.load %arg8[%swap3A_2550] : memref<512xi32, #tpu.memory_space<smem>>
        memref.store %squeeze3A_2548, %arg8[%swap3A_2550] : memref<512xi32, #tpu.memory_space<smem>>
        %slice3A_2552 = vector.extract_strided_slice %get3A_2476 {offsets = [15], sizes = [1], strides = [1]} : vector<16xi32> to vector<1xi32>
        %squeeze3A_2553 = vector.extract %slice3A_2552[0] : i32 from vector<1xi32>
        %swap3A_2554 = arith.constant 335 : i32
        %swap3A_2555 = arith.index_cast %swap3A_2554 : i32 to index
        %swap3A_2556 = memref.load %arg8[%swap3A_2555] : memref<512xi32, #tpu.memory_space<smem>>
        memref.store %squeeze3A_2553, %arg8[%swap3A_2555] : memref<512xi32, #tpu.memory_space<smem>>
        %get3A_2557 = arith.constant 336 : index
        %get3A_2558 = tpu.vector_load %arg10[%get3A_2557] {strides = array<i32>} : memref<512xi32, #tpu.memory_space<vmem>>, vector<16xi32>,
        %get3A_2559 = vector.shape_cast %get3A_2558 : vector<16xi32> to vector<16xi32>
        %slice3A_2560 = vector.extract_strided_slice %get3A_2559 {offsets = [0], sizes = [1], strides = [1]} : vector<16xi32> to vector<1xi32>
        %squeeze3A_2561 = vector.extract %slice3A_2560[0] : i32 from vector<1xi32>
        %swap3A_2562 = arith.constant 336 : i32
        %swap3A_2563 = arith.index_cast %swap3A_2562 : i32 to index
        %swap3A_2564 = memref.load %arg8[%swap3A_2563] : memref<512xi32, #tpu.memory_space<smem>>
        memref.store %squeeze3A_2561, %arg8[%swap3A_2563] : memref<512xi32, #tpu.memory_space<smem>>
        %slice3A_2565 = vector.extract_strided_slice %get3A_2559 {offsets = [1], sizes = [1], strides = [1]} : vector<16xi32> to vector<1xi32>
        %squeeze3A_2566 = vector.extract %slice3A_2565[0] : i32 from vector<1xi32>
        %swap3A_2567 = arith.constant 337 : i32
        %swap3A_2568 = arith.index_cast %swap3A_2567 : i32 to index
        %swap3A_2569 = memref.load %arg8[%swap3A_2568] : memref<512xi32, #tpu.memory_space<smem>>
        memref.store %squeeze3A_2566, %arg8[%swap3A_2568] : memref<512xi32, #tpu.memory_space<smem>>
        %slice3A_2570 = vector.extract_strided_slice %get3A_2559 {offsets = [2], sizes = [1], strides = [1]} : vector<16xi32> to vector<1xi32>
        %squeeze3A_2571 = vector.extract %slice3A_2570[0] : i32 from vector<1xi32>
        %swap3A_2572 = arith.constant 338 : i32
        %swap3A_2573 = arith.index_cast %swap3A_2572 : i32 to index
        %swap3A_2574 = memref.load %arg8[%swap3A_2573] : memref<512xi32, #tpu.memory_space<smem>>
        memref.store %squeeze3A_2571, %arg8[%swap3A_2573] : memref<512xi32, #tpu.memory_space<smem>>
        %slice3A_2575 = vector.extract_strided_slice %get3A_2559 {offsets = [3], sizes = [1], strides = [1]} : vector<16xi32> to vector<1xi32>
        %squeeze3A_2576 = vector.extract %slice3A_2575[0] : i32 from vector<1xi32>
        %swap3A_2577 = arith.constant 339 : i32
        %swap3A_2578 = arith.index_cast %swap3A_2577 : i32 to index
        %swap3A_2579 = memref.load %arg8[%swap3A_2578] : memref<512xi32, #tpu.memory_space<smem>>
        memref.store %squeeze3A_2576, %arg8[%swap3A_2578] : memref<512xi32, #tpu.memory_space<smem>>
        %slice3A_2580 = vector.extract_strided_slice %get3A_2559 {offsets = [4], sizes = [1], strides = [1]} : vector<16xi32> to vector<1xi32>
        %squeeze3A_2581 = vector.extract %slice3A_2580[0] : i32 from vector<1xi32>
        %swap3A_2582 = arith.constant 340 : i32
        %swap3A_2583 = arith.index_cast %swap3A_2582 : i32 to index
        %swap3A_2584 = memref.load %arg8[%swap3A_2583] : memref<512xi32, #tpu.memory_space<smem>>
        memref.store %squeeze3A_2581, %arg8[%swap3A_2583] : memref<512xi32, #tpu.memory_space<smem>>
        %slice3A_2585 = vector.extract_strided_slice %get3A_2559 {offsets = [5], sizes = [1], strides = [1]} : vector<16xi32> to vector<1xi32>
        %squeeze3A_2586 = vector.extract %slice3A_2585[0] : i32 from vector<1xi32>
        %swap3A_2587 = arith.constant 341 : i32
        %swap3A_2588 = arith.index_cast %swap3A_2587 : i32 to index
        %swap3A_2589 = memref.load %arg8[%swap3A_2588] : memref<512xi32, #tpu.memory_space<smem>>
        memref.store %squeeze3A_2586, %arg8[%swap3A_2588] : memref<512xi32, #tpu.memory_space<smem>>
        %slice3A_2590 = vector.extract_strided_slice %get3A_2559 {offsets = [6], sizes = [1], strides = [1]} : vector<16xi32> to vector<1xi32>
        %squeeze3A_2591 = vector.extract %slice3A_2590[0] : i32 from vector<1xi32>
        %swap3A_2592 = arith.constant 342 : i32
        %swap3A_2593 = arith.index_cast %swap3A_2592 : i32 to index
        %swap3A_2594 = memref.load %arg8[%swap3A_2593] : memref<512xi32, #tpu.memory_space<smem>>
        memref.store %squeeze3A_2591, %arg8[%swap3A_2593] : memref<512xi32, #tpu.memory_space<smem>>
        %slice3A_2595 = vector.extract_strided_slice %get3A_2559 {offsets = [7], sizes = [1], strides = [1]} : vector<16xi32> to vector<1xi32>
        %squeeze3A_2596 = vector.extract %slice3A_2595[0] : i32 from vector<1xi32>
        %swap3A_2597 = arith.constant 343 : i32
        %swap3A_2598 = arith.index_cast %swap3A_2597 : i32 to index
        %swap3A_2599 = memref.load %arg8[%swap3A_2598] : memref<512xi32, #tpu.memory_space<smem>>
        memref.store %squeeze3A_2596, %arg8[%swap3A_2598] : memref<512xi32, #tpu.memory_space<smem>>
        %slice3A_2600 = vector.extract_strided_slice %get3A_2559 {offsets = [8], sizes = [1], strides = [1]} : vector<16xi32> to vector<1xi32>
        %squeeze3A_2601 = vector.extract %slice3A_2600[0] : i32 from vector<1xi32>
        %swap3A_2602 = arith.constant 344 : i32
        %swap3A_2603 = arith.index_cast %swap3A_2602 : i32 to index
        %swap3A_2604 = memref.load %arg8[%swap3A_2603] : memref<512xi32, #tpu.memory_space<smem>>
        memref.store %squeeze3A_2601, %arg8[%swap3A_2603] : memref<512xi32, #tpu.memory_space<smem>>
        %slice3A_2605 = vector.extract_strided_slice %get3A_2559 {offsets = [9], sizes = [1], strides = [1]} : vector<16xi32> to vector<1xi32>
        %squeeze3A_2606 = vector.extract %slice3A_2605[0] : i32 from vector<1xi32>
        %swap3A_2607 = arith.constant 345 : i32
        %swap3A_2608 = arith.index_cast %swap3A_2607 : i32 to index
        %swap3A_2609 = memref.load %arg8[%swap3A_2608] : memref<512xi32, #tpu.memory_space<smem>>
        memref.store %squeeze3A_2606, %arg8[%swap3A_2608] : memref<512xi32, #tpu.memory_space<smem>>
        %slice3A_2610 = vector.extract_strided_slice %get3A_2559 {offsets = [10], sizes = [1], strides = [1]} : vector<16xi32> to vector<1xi32>
        %squeeze3A_2611 = vector.extract %slice3A_2610[0] : i32 from vector<1xi32>
        %swap3A_2612 = arith.constant 346 : i32
        %swap3A_2613 = arith.index_cast %swap3A_2612 : i32 to index
        %swap3A_2614 = memref.load %arg8[%swap3A_2613] : memref<512xi32, #tpu.memory_space<smem>>
        memref.store %squeeze3A_2611, %arg8[%swap3A_2613] : memref<512xi32, #tpu.memory_space<smem>>
        %slice3A_2615 = vector.extract_strided_slice %get3A_2559 {offsets = [11], sizes = [1], strides = [1]} : vector<16xi32> to vector<1xi32>
        %squeeze3A_2616 = vector.extract %slice3A_2615[0] : i32 from vector<1xi32>
        %swap3A_2617 = arith.constant 347 : i32
        %swap3A_2618 = arith.index_cast %swap3A_2617 : i32 to index
        %swap3A_2619 = memref.load %arg8[%swap3A_2618] : memref<512xi32, #tpu.memory_space<smem>>
        memref.store %squeeze3A_2616, %arg8[%swap3A_2618] : memref<512xi32, #tpu.memory_space<smem>>
        %slice3A_2620 = vector.extract_strided_slice %get3A_2559 {offsets = [12], sizes = [1], strides = [1]} : vector<16xi32> to vector<1xi32>
        %squeeze3A_2621 = vector.extract %slice3A_2620[0] : i32 from vector<1xi32>
        %swap3A_2622 = arith.constant 348 : i32
        %swap3A_2623 = arith.index_cast %swap3A_2622 : i32 to index
        %swap3A_2624 = memref.load %arg8[%swap3A_2623] : memref<512xi32, #tpu.memory_space<smem>>
        memref.store %squeeze3A_2621, %arg8[%swap3A_2623] : memref<512xi32, #tpu.memory_space<smem>>
        %slice3A_2625 = vector.extract_strided_slice %get3A_2559 {offsets = [13], sizes = [1], strides = [1]} : vector<16xi32> to vector<1xi32>
        %squeeze3A_2626 = vector.extract %slice3A_2625[0] : i32 from vector<1xi32>
        %swap3A_2627 = arith.constant 349 : i32
        %swap3A_2628 = arith.index_cast %swap3A_2627 : i32 to index
        %swap3A_2629 = memref.load %arg8[%swap3A_2628] : memref<512xi32, #tpu.memory_space<smem>>
        memref.store %squeeze3A_2626, %arg8[%swap3A_2628] : memref<512xi32, #tpu.memory_space<smem>>
        %slice3A_2630 = vector.extract_strided_slice %get3A_2559 {offsets = [14], sizes = [1], strides = [1]} : vector<16xi32> to vector<1xi32>
        %squeeze3A_2631 = vector.extract %slice3A_2630[0] : i32 from vector<1xi32>
        %swap3A_2632 = arith.constant 350 : i32
        %swap3A_2633 = arith.index_cast %swap3A_2632 : i32 to index
        %swap3A_2634 = memref.load %arg8[%swap3A_2633] : memref<512xi32, #tpu.memory_space<smem>>
        memref.store %squeeze3A_2631, %arg8[%swap3A_2633] : memref<512xi32, #tpu.memory_space<smem>>
        %slice3A_2635 = vector.extract_strided_slice %get3A_2559 {offsets = [15], sizes = [1], strides = [1]} : vector<16xi32> to vector<1xi32>
        %squeeze3A_2636 = vector.extract %slice3A_2635[0] : i32 from vector<1xi32>
        %swap3A_2637 = arith.constant 351 : i32
        %swap3A_2638 = arith.index_cast %swap3A_2637 : i32 to index
        %swap3A_2639 = memref.load %arg8[%swap3A_2638] : memref<512xi32, #tpu.memory_space<smem>>
        memref.store %squeeze3A_2636, %arg8[%swap3A_2638] : memref<512xi32, #tpu.memory_space<smem>>
        %get3A_2640 = arith.constant 352 : index
        %get3A_2641 = tpu.vector_load %arg10[%get3A_2640] {strides = array<i32>} : memref<512xi32, #tpu.memory_space<vmem>>, vector<16xi32>,
        %get3A_2642 = vector.shape_cast %get3A_2641 : vector<16xi32> to vector<16xi32>
        %slice3A_2643 = vector.extract_strided_slice %get3A_2642 {offsets = [0], sizes = [1], strides = [1]} : vector<16xi32> to vector<1xi32>
        %squeeze3A_2644 = vector.extract %slice3A_2643[0] : i32 from vector<1xi32>
        %swap3A_2645 = arith.constant 352 : i32
        %swap3A_2646 = arith.index_cast %swap3A_2645 : i32 to index
        %swap3A_2647 = memref.load %arg8[%swap3A_2646] : memref<512xi32, #tpu.memory_space<smem>>
        memref.store %squeeze3A_2644, %arg8[%swap3A_2646] : memref<512xi32, #tpu.memory_space<smem>>
        %slice3A_2648 = vector.extract_strided_slice %get3A_2642 {offsets = [1], sizes = [1], strides = [1]} : vector<16xi32> to vector<1xi32>
        %squeeze3A_2649 = vector.extract %slice3A_2648[0] : i32 from vector<1xi32>
        %swap3A_2650 = arith.constant 353 : i32
        %swap3A_2651 = arith.index_cast %swap3A_2650 : i32 to index
        %swap3A_2652 = memref.load %arg8[%swap3A_2651] : memref<512xi32, #tpu.memory_space<smem>>
        memref.store %squeeze3A_2649, %arg8[%swap3A_2651] : memref<512xi32, #tpu.memory_space<smem>>
        %slice3A_2653 = vector.extract_strided_slice %get3A_2642 {offsets = [2], sizes = [1], strides = [1]} : vector<16xi32> to vector<1xi32>
        %squeeze3A_2654 = vector.extract %slice3A_2653[0] : i32 from vector<1xi32>
        %swap3A_2655 = arith.constant 354 : i32
        %swap3A_2656 = arith.index_cast %swap3A_2655 : i32 to index
        %swap3A_2657 = memref.load %arg8[%swap3A_2656] : memref<512xi32, #tpu.memory_space<smem>>
        memref.store %squeeze3A_2654, %arg8[%swap3A_2656] : memref<512xi32, #tpu.memory_space<smem>>
        %slice3A_2658 = vector.extract_strided_slice %get3A_2642 {offsets = [3], sizes = [1], strides = [1]} : vector<16xi32> to vector<1xi32>
        %squeeze3A_2659 = vector.extract %slice3A_2658[0] : i32 from vector<1xi32>
        %swap3A_2660 = arith.constant 355 : i32
        %swap3A_2661 = arith.index_cast %swap3A_2660 : i32 to index
        %swap3A_2662 = memref.load %arg8[%swap3A_2661] : memref<512xi32, #tpu.memory_space<smem>>
        memref.store %squeeze3A_2659, %arg8[%swap3A_2661] : memref<512xi32, #tpu.memory_space<smem>>
        %slice3A_2663 = vector.extract_strided_slice %get3A_2642 {offsets = [4], sizes = [1], strides = [1]} : vector<16xi32> to vector<1xi32>
        %squeeze3A_2664 = vector.extract %slice3A_2663[0] : i32 from vector<1xi32>
        %swap3A_2665 = arith.constant 356 : i32
        %swap3A_2666 = arith.index_cast %swap3A_2665 : i32 to index
        %swap3A_2667 = memref.load %arg8[%swap3A_2666] : memref<512xi32, #tpu.memory_space<smem>>
        memref.store %squeeze3A_2664, %arg8[%swap3A_2666] : memref<512xi32, #tpu.memory_space<smem>>
        %slice3A_2668 = vector.extract_strided_slice %get3A_2642 {offsets = [5], sizes = [1], strides = [1]} : vector<16xi32> to vector<1xi32>
        %squeeze3A_2669 = vector.extract %slice3A_2668[0] : i32 from vector<1xi32>
        %swap3A_2670 = arith.constant 357 : i32
        %swap3A_2671 = arith.index_cast %swap3A_2670 : i32 to index
        %swap3A_2672 = memref.load %arg8[%swap3A_2671] : memref<512xi32, #tpu.memory_space<smem>>
        memref.store %squeeze3A_2669, %arg8[%swap3A_2671] : memref<512xi32, #tpu.memory_space<smem>>
        %slice3A_2673 = vector.extract_strided_slice %get3A_2642 {offsets = [6], sizes = [1], strides = [1]} : vector<16xi32> to vector<1xi32>
        %squeeze3A_2674 = vector.extract %slice3A_2673[0] : i32 from vector<1xi32>
        %swap3A_2675 = arith.constant 358 : i32
        %swap3A_2676 = arith.index_cast %swap3A_2675 : i32 to index
        %swap3A_2677 = memref.load %arg8[%swap3A_2676] : memref<512xi32, #tpu.memory_space<smem>>
        memref.store %squeeze3A_2674, %arg8[%swap3A_2676] : memref<512xi32, #tpu.memory_space<smem>>
        %slice3A_2678 = vector.extract_strided_slice %get3A_2642 {offsets = [7], sizes = [1], strides = [1]} : vector<16xi32> to vector<1xi32>
        %squeeze3A_2679 = vector.extract %slice3A_2678[0] : i32 from vector<1xi32>
        %swap3A_2680 = arith.constant 359 : i32
        %swap3A_2681 = arith.index_cast %swap3A_2680 : i32 to index
        %swap3A_2682 = memref.load %arg8[%swap3A_2681] : memref<512xi32, #tpu.memory_space<smem>>
        memref.store %squeeze3A_2679, %arg8[%swap3A_2681] : memref<512xi32, #tpu.memory_space<smem>>
        %slice3A_2683 = vector.extract_strided_slice %get3A_2642 {offsets = [8], sizes = [1], strides = [1]} : vector<16xi32> to vector<1xi32>
        %squeeze3A_2684 = vector.extract %slice3A_2683[0] : i32 from vector<1xi32>
        %swap3A_2685 = arith.constant 360 : i32
        %swap3A_2686 = arith.index_cast %swap3A_2685 : i32 to index
        %swap3A_2687 = memref.load %arg8[%swap3A_2686] : memref<512xi32, #tpu.memory_space<smem>>
        memref.store %squeeze3A_2684, %arg8[%swap3A_2686] : memref<512xi32, #tpu.memory_space<smem>>
        %slice3A_2688 = vector.extract_strided_slice %get3A_2642 {offsets = [9], sizes = [1], strides = [1]} : vector<16xi32> to vector<1xi32>
        %squeeze3A_2689 = vector.extract %slice3A_2688[0] : i32 from vector<1xi32>
        %swap3A_2690 = arith.constant 361 : i32
        %swap3A_2691 = arith.index_cast %swap3A_2690 : i32 to index
        %swap3A_2692 = memref.load %arg8[%swap3A_2691] : memref<512xi32, #tpu.memory_space<smem>>
        memref.store %squeeze3A_2689, %arg8[%swap3A_2691] : memref<512xi32, #tpu.memory_space<smem>>
        %slice3A_2693 = vector.extract_strided_slice %get3A_2642 {offsets = [10], sizes = [1], strides = [1]} : vector<16xi32> to vector<1xi32>
        %squeeze3A_2694 = vector.extract %slice3A_2693[0] : i32 from vector<1xi32>
        %swap3A_2695 = arith.constant 362 : i32
        %swap3A_2696 = arith.index_cast %swap3A_2695 : i32 to index
        %swap3A_2697 = memref.load %arg8[%swap3A_2696] : memref<512xi32, #tpu.memory_space<smem>>
        memref.store %squeeze3A_2694, %arg8[%swap3A_2696] : memref<512xi32, #tpu.memory_space<smem>>
        %slice3A_2698 = vector.extract_strided_slice %get3A_2642 {offsets = [11], sizes = [1], strides = [1]} : vector<16xi32> to vector<1xi32>
        %squeeze3A_2699 = vector.extract %slice3A_2698[0] : i32 from vector<1xi32>
        %swap3A_2700 = arith.constant 363 : i32
        %swap3A_2701 = arith.index_cast %swap3A_2700 : i32 to index
        %swap3A_2702 = memref.load %arg8[%swap3A_2701] : memref<512xi32, #tpu.memory_space<smem>>
        memref.store %squeeze3A_2699, %arg8[%swap3A_2701] : memref<512xi32, #tpu.memory_space<smem>>
        %slice3A_2703 = vector.extract_strided_slice %get3A_2642 {offsets = [12], sizes = [1], strides = [1]} : vector<16xi32> to vector<1xi32>
        %squeeze3A_2704 = vector.extract %slice3A_2703[0] : i32 from vector<1xi32>
        %swap3A_2705 = arith.constant 364 : i32
        %swap3A_2706 = arith.index_cast %swap3A_2705 : i32 to index
        %swap3A_2707 = memref.load %arg8[%swap3A_2706] : memref<512xi32, #tpu.memory_space<smem>>
        memref.store %squeeze3A_2704, %arg8[%swap3A_2706] : memref<512xi32, #tpu.memory_space<smem>>
        %slice3A_2708 = vector.extract_strided_slice %get3A_2642 {offsets = [13], sizes = [1], strides = [1]} : vector<16xi32> to vector<1xi32>
        %squeeze3A_2709 = vector.extract %slice3A_2708[0] : i32 from vector<1xi32>
        %swap3A_2710 = arith.constant 365 : i32
        %swap3A_2711 = arith.index_cast %swap3A_2710 : i32 to index
        %swap3A_2712 = memref.load %arg8[%swap3A_2711] : memref<512xi32, #tpu.memory_space<smem>>
        memref.store %squeeze3A_2709, %arg8[%swap3A_2711] : memref<512xi32, #tpu.memory_space<smem>>
        %slice3A_2713 = vector.extract_strided_slice %get3A_2642 {offsets = [14], sizes = [1], strides = [1]} : vector<16xi32> to vector<1xi32>
        %squeeze3A_2714 = vector.extract %slice3A_2713[0] : i32 from vector<1xi32>
        %swap3A_2715 = arith.constant 366 : i32
        %swap3A_2716 = arith.index_cast %swap3A_2715 : i32 to index
        %swap3A_2717 = memref.load %arg8[%swap3A_2716] : memref<512xi32, #tpu.memory_space<smem>>
        memref.store %squeeze3A_2714, %arg8[%swap3A_2716] : memref<512xi32, #tpu.memory_space<smem>>
        %slice3A_2718 = vector.extract_strided_slice %get3A_2642 {offsets = [15], sizes = [1], strides = [1]} : vector<16xi32> to vector<1xi32>
        %squeeze3A_2719 = vector.extract %slice3A_2718[0] : i32 from vector<1xi32>
        %swap3A_2720 = arith.constant 367 : i32
        %swap3A_2721 = arith.index_cast %swap3A_2720 : i32 to index
        %swap3A_2722 = memref.load %arg8[%swap3A_2721] : memref<512xi32, #tpu.memory_space<smem>>
        memref.store %squeeze3A_2719, %arg8[%swap3A_2721] : memref<512xi32, #tpu.memory_space<smem>>
        %get3A_2723 = arith.constant 368 : index
        %get3A_2724 = tpu.vector_load %arg10[%get3A_2723] {strides = array<i32>} : memref<512xi32, #tpu.memory_space<vmem>>, vector<16xi32>,
        %get3A_2725 = vector.shape_cast %get3A_2724 : vector<16xi32> to vector<16xi32>
        %slice3A_2726 = vector.extract_strided_slice %get3A_2725 {offsets = [0], sizes = [1], strides = [1]} : vector<16xi32> to vector<1xi32>
        %squeeze3A_2727 = vector.extract %slice3A_2726[0] : i32 from vector<1xi32>
        %swap3A_2728 = arith.constant 368 : i32
        %swap3A_2729 = arith.index_cast %swap3A_2728 : i32 to index
        %swap3A_2730 = memref.load %arg8[%swap3A_2729] : memref<512xi32, #tpu.memory_space<smem>>
        memref.store %squeeze3A_2727, %arg8[%swap3A_2729] : memref<512xi32, #tpu.memory_space<smem>>
        %slice3A_2731 = vector.extract_strided_slice %get3A_2725 {offsets = [1], sizes = [1], strides = [1]} : vector<16xi32> to vector<1xi32>
        %squeeze3A_2732 = vector.extract %slice3A_2731[0] : i32 from vector<1xi32>
        %swap3A_2733 = arith.constant 369 : i32
        %swap3A_2734 = arith.index_cast %swap3A_2733 : i32 to index
        %swap3A_2735 = memref.load %arg8[%swap3A_2734] : memref<512xi32, #tpu.memory_space<smem>>
        memref.store %squeeze3A_2732, %arg8[%swap3A_2734] : memref<512xi32, #tpu.memory_space<smem>>
        %slice3A_2736 = vector.extract_strided_slice %get3A_2725 {offsets = [2], sizes = [1], strides = [1]} : vector<16xi32> to vector<1xi32>
        %squeeze3A_2737 = vector.extract %slice3A_2736[0] : i32 from vector<1xi32>
        %swap3A_2738 = arith.constant 370 : i32
        %swap3A_2739 = arith.index_cast %swap3A_2738 : i32 to index
        %swap3A_2740 = memref.load %arg8[%swap3A_2739] : memref<512xi32, #tpu.memory_space<smem>>
        memref.store %squeeze3A_2737, %arg8[%swap3A_2739] : memref<512xi32, #tpu.memory_space<smem>>
        %slice3A_2741 = vector.extract_strided_slice %get3A_2725 {offsets = [3], sizes = [1], strides = [1]} : vector<16xi32> to vector<1xi32>
        %squeeze3A_2742 = vector.extract %slice3A_2741[0] : i32 from vector<1xi32>
        %swap3A_2743 = arith.constant 371 : i32
        %swap3A_2744 = arith.index_cast %swap3A_2743 : i32 to index
        %swap3A_2745 = memref.load %arg8[%swap3A_2744] : memref<512xi32, #tpu.memory_space<smem>>
        memref.store %squeeze3A_2742, %arg8[%swap3A_2744] : memref<512xi32, #tpu.memory_space<smem>>
        %slice3A_2746 = vector.extract_strided_slice %get3A_2725 {offsets = [4], sizes = [1], strides = [1]} : vector<16xi32> to vector<1xi32>
        %squeeze3A_2747 = vector.extract %slice3A_2746[0] : i32 from vector<1xi32>
        %swap3A_2748 = arith.constant 372 : i32
        %swap3A_2749 = arith.index_cast %swap3A_2748 : i32 to index
        %swap3A_2750 = memref.load %arg8[%swap3A_2749] : memref<512xi32, #tpu.memory_space<smem>>
        memref.store %squeeze3A_2747, %arg8[%swap3A_2749] : memref<512xi32, #tpu.memory_space<smem>>
        %slice3A_2751 = vector.extract_strided_slice %get3A_2725 {offsets = [5], sizes = [1], strides = [1]} : vector<16xi32> to vector<1xi32>
        %squeeze3A_2752 = vector.extract %slice3A_2751[0] : i32 from vector<1xi32>
        %swap3A_2753 = arith.constant 373 : i32
        %swap3A_2754 = arith.index_cast %swap3A_2753 : i32 to index
        %swap3A_2755 = memref.load %arg8[%swap3A_2754] : memref<512xi32, #tpu.memory_space<smem>>
        memref.store %squeeze3A_2752, %arg8[%swap3A_2754] : memref<512xi32, #tpu.memory_space<smem>>
        %slice3A_2756 = vector.extract_strided_slice %get3A_2725 {offsets = [6], sizes = [1], strides = [1]} : vector<16xi32> to vector<1xi32>
        %squeeze3A_2757 = vector.extract %slice3A_2756[0] : i32 from vector<1xi32>
        %swap3A_2758 = arith.constant 374 : i32
        %swap3A_2759 = arith.index_cast %swap3A_2758 : i32 to index
        %swap3A_2760 = memref.load %arg8[%swap3A_2759] : memref<512xi32, #tpu.memory_space<smem>>
        memref.store %squeeze3A_2757, %arg8[%swap3A_2759] : memref<512xi32, #tpu.memory_space<smem>>
        %slice3A_2761 = vector.extract_strided_slice %get3A_2725 {offsets = [7], sizes = [1], strides = [1]} : vector<16xi32> to vector<1xi32>
        %squeeze3A_2762 = vector.extract %slice3A_2761[0] : i32 from vector<1xi32>
        %swap3A_2763 = arith.constant 375 : i32
        %swap3A_2764 = arith.index_cast %swap3A_2763 : i32 to index
        %swap3A_2765 = memref.load %arg8[%swap3A_2764] : memref<512xi32, #tpu.memory_space<smem>>
        memref.store %squeeze3A_2762, %arg8[%swap3A_2764] : memref<512xi32, #tpu.memory_space<smem>>
        %slice3A_2766 = vector.extract_strided_slice %get3A_2725 {offsets = [8], sizes = [1], strides = [1]} : vector<16xi32> to vector<1xi32>
        %squeeze3A_2767 = vector.extract %slice3A_2766[0] : i32 from vector<1xi32>
        %swap3A_2768 = arith.constant 376 : i32
        %swap3A_2769 = arith.index_cast %swap3A_2768 : i32 to index
        %swap3A_2770 = memref.load %arg8[%swap3A_2769] : memref<512xi32, #tpu.memory_space<smem>>
        memref.store %squeeze3A_2767, %arg8[%swap3A_2769] : memref<512xi32, #tpu.memory_space<smem>>
        %slice3A_2771 = vector.extract_strided_slice %get3A_2725 {offsets = [9], sizes = [1], strides = [1]} : vector<16xi32> to vector<1xi32>
        %squeeze3A_2772 = vector.extract %slice3A_2771[0] : i32 from vector<1xi32>
        %swap3A_2773 = arith.constant 377 : i32
        %swap3A_2774 = arith.index_cast %swap3A_2773 : i32 to index
        %swap3A_2775 = memref.load %arg8[%swap3A_2774] : memref<512xi32, #tpu.memory_space<smem>>
        memref.store %squeeze3A_2772, %arg8[%swap3A_2774] : memref<512xi32, #tpu.memory_space<smem>>
        %slice3A_2776 = vector.extract_strided_slice %get3A_2725 {offsets = [10], sizes = [1], strides = [1]} : vector<16xi32> to vector<1xi32>
        %squeeze3A_2777 = vector.extract %slice3A_2776[0] : i32 from vector<1xi32>
        %swap3A_2778 = arith.constant 378 : i32
        %swap3A_2779 = arith.index_cast %swap3A_2778 : i32 to index
        %swap3A_2780 = memref.load %arg8[%swap3A_2779] : memref<512xi32, #tpu.memory_space<smem>>
        memref.store %squeeze3A_2777, %arg8[%swap3A_2779] : memref<512xi32, #tpu.memory_space<smem>>
        %slice3A_2781 = vector.extract_strided_slice %get3A_2725 {offsets = [11], sizes = [1], strides = [1]} : vector<16xi32> to vector<1xi32>
        %squeeze3A_2782 = vector.extract %slice3A_2781[0] : i32 from vector<1xi32>
        %swap3A_2783 = arith.constant 379 : i32
        %swap3A_2784 = arith.index_cast %swap3A_2783 : i32 to index
        %swap3A_2785 = memref.load %arg8[%swap3A_2784] : memref<512xi32, #tpu.memory_space<smem>>
        memref.store %squeeze3A_2782, %arg8[%swap3A_2784] : memref<512xi32, #tpu.memory_space<smem>>
        %slice3A_2786 = vector.extract_strided_slice %get3A_2725 {offsets = [12], sizes = [1], strides = [1]} : vector<16xi32> to vector<1xi32>
        %squeeze3A_2787 = vector.extract %slice3A_2786[0] : i32 from vector<1xi32>
        %swap3A_2788 = arith.constant 380 : i32
        %swap3A_2789 = arith.index_cast %swap3A_2788 : i32 to index
        %swap3A_2790 = memref.load %arg8[%swap3A_2789] : memref<512xi32, #tpu.memory_space<smem>>
        memref.store %squeeze3A_2787, %arg8[%swap3A_2789] : memref<512xi32, #tpu.memory_space<smem>>
        %slice3A_2791 = vector.extract_strided_slice %get3A_2725 {offsets = [13], sizes = [1], strides = [1]} : vector<16xi32> to vector<1xi32>
        %squeeze3A_2792 = vector.extract %slice3A_2791[0] : i32 from vector<1xi32>
        %swap3A_2793 = arith.constant 381 : i32
        %swap3A_2794 = arith.index_cast %swap3A_2793 : i32 to index
        %swap3A_2795 = memref.load %arg8[%swap3A_2794] : memref<512xi32, #tpu.memory_space<smem>>
        memref.store %squeeze3A_2792, %arg8[%swap3A_2794] : memref<512xi32, #tpu.memory_space<smem>>
        %slice3A_2796 = vector.extract_strided_slice %get3A_2725 {offsets = [14], sizes = [1], strides = [1]} : vector<16xi32> to vector<1xi32>
        %squeeze3A_2797 = vector.extract %slice3A_2796[0] : i32 from vector<1xi32>
        %swap3A_2798 = arith.constant 382 : i32
        %swap3A_2799 = arith.index_cast %swap3A_2798 : i32 to index
        %swap3A_2800 = memref.load %arg8[%swap3A_2799] : memref<512xi32, #tpu.memory_space<smem>>
        memref.store %squeeze3A_2797, %arg8[%swap3A_2799] : memref<512xi32, #tpu.memory_space<smem>>
        %slice3A_2801 = vector.extract_strided_slice %get3A_2725 {offsets = [15], sizes = [1], strides = [1]} : vector<16xi32> to vector<1xi32>
        %squeeze3A_2802 = vector.extract %slice3A_2801[0] : i32 from vector<1xi32>
        %swap3A_2803 = arith.constant 383 : i32
        %swap3A_2804 = arith.index_cast %swap3A_2803 : i32 to index
        %swap3A_2805 = memref.load %arg8[%swap3A_2804] : memref<512xi32, #tpu.memory_space<smem>>
        memref.store %squeeze3A_2802, %arg8[%swap3A_2804] : memref<512xi32, #tpu.memory_space<smem>>
        %get3A_2806 = arith.constant 384 : index
        %get3A_2807 = tpu.vector_load %arg10[%get3A_2806] {strides = array<i32>} : memref<512xi32, #tpu.memory_space<vmem>>, vector<16xi32>,
        %get3A_2808 = vector.shape_cast %get3A_2807 : vector<16xi32> to vector<16xi32>
        %slice3A_2809 = vector.extract_strided_slice %get3A_2808 {offsets = [0], sizes = [1], strides = [1]} : vector<16xi32> to vector<1xi32>
        %squeeze3A_2810 = vector.extract %slice3A_2809[0] : i32 from vector<1xi32>
        %swap3A_2811 = arith.constant 384 : i32
        %swap3A_2812 = arith.index_cast %swap3A_2811 : i32 to index
        %swap3A_2813 = memref.load %arg8[%swap3A_2812] : memref<512xi32, #tpu.memory_space<smem>>
        memref.store %squeeze3A_2810, %arg8[%swap3A_2812] : memref<512xi32, #tpu.memory_space<smem>>
        %slice3A_2814 = vector.extract_strided_slice %get3A_2808 {offsets = [1], sizes = [1], strides = [1]} : vector<16xi32> to vector<1xi32>
        %squeeze3A_2815 = vector.extract %slice3A_2814[0] : i32 from vector<1xi32>
        %swap3A_2816 = arith.constant 385 : i32
        %swap3A_2817 = arith.index_cast %swap3A_2816 : i32 to index
        %swap3A_2818 = memref.load %arg8[%swap3A_2817] : memref<512xi32, #tpu.memory_space<smem>>
        memref.store %squeeze3A_2815, %arg8[%swap3A_2817] : memref<512xi32, #tpu.memory_space<smem>>
        %slice3A_2819 = vector.extract_strided_slice %get3A_2808 {offsets = [2], sizes = [1], strides = [1]} : vector<16xi32> to vector<1xi32>
        %squeeze3A_2820 = vector.extract %slice3A_2819[0] : i32 from vector<1xi32>
        %swap3A_2821 = arith.constant 386 : i32
        %swap3A_2822 = arith.index_cast %swap3A_2821 : i32 to index
        %swap3A_2823 = memref.load %arg8[%swap3A_2822] : memref<512xi32, #tpu.memory_space<smem>>
        memref.store %squeeze3A_2820, %arg8[%swap3A_2822] : memref<512xi32, #tpu.memory_space<smem>>
        %slice3A_2824 = vector.extract_strided_slice %get3A_2808 {offsets = [3], sizes = [1], strides = [1]} : vector<16xi32> to vector<1xi32>
        %squeeze3A_2825 = vector.extract %slice3A_2824[0] : i32 from vector<1xi32>
        %swap3A_2826 = arith.constant 387 : i32
        %swap3A_2827 = arith.index_cast %swap3A_2826 : i32 to index
        %swap3A_2828 = memref.load %arg8[%swap3A_2827] : memref<512xi32, #tpu.memory_space<smem>>
        memref.store %squeeze3A_2825, %arg8[%swap3A_2827] : memref<512xi32, #tpu.memory_space<smem>>
        %slice3A_2829 = vector.extract_strided_slice %get3A_2808 {offsets = [4], sizes = [1], strides = [1]} : vector<16xi32> to vector<1xi32>
        %squeeze3A_2830 = vector.extract %slice3A_2829[0] : i32 from vector<1xi32>
        %swap3A_2831 = arith.constant 388 : i32
        %swap3A_2832 = arith.index_cast %swap3A_2831 : i32 to index
        %swap3A_2833 = memref.load %arg8[%swap3A_2832] : memref<512xi32, #tpu.memory_space<smem>>
        memref.store %squeeze3A_2830, %arg8[%swap3A_2832] : memref<512xi32, #tpu.memory_space<smem>>
        %slice3A_2834 = vector.extract_strided_slice %get3A_2808 {offsets = [5], sizes = [1], strides = [1]} : vector<16xi32> to vector<1xi32>
        %squeeze3A_2835 = vector.extract %slice3A_2834[0] : i32 from vector<1xi32>
        %swap3A_2836 = arith.constant 389 : i32
        %swap3A_2837 = arith.index_cast %swap3A_2836 : i32 to index
        %swap3A_2838 = memref.load %arg8[%swap3A_2837] : memref<512xi32, #tpu.memory_space<smem>>
        memref.store %squeeze3A_2835, %arg8[%swap3A_2837] : memref<512xi32, #tpu.memory_space<smem>>
        %slice3A_2839 = vector.extract_strided_slice %get3A_2808 {offsets = [6], sizes = [1], strides = [1]} : vector<16xi32> to vector<1xi32>
        %squeeze3A_2840 = vector.extract %slice3A_2839[0] : i32 from vector<1xi32>
        %swap3A_2841 = arith.constant 390 : i32
        %swap3A_2842 = arith.index_cast %swap3A_2841 : i32 to index
        %swap3A_2843 = memref.load %arg8[%swap3A_2842] : memref<512xi32, #tpu.memory_space<smem>>
        memref.store %squeeze3A_2840, %arg8[%swap3A_2842] : memref<512xi32, #tpu.memory_space<smem>>
        %slice3A_2844 = vector.extract_strided_slice %get3A_2808 {offsets = [7], sizes = [1], strides = [1]} : vector<16xi32> to vector<1xi32>
        %squeeze3A_2845 = vector.extract %slice3A_2844[0] : i32 from vector<1xi32>
        %swap3A_2846 = arith.constant 391 : i32
        %swap3A_2847 = arith.index_cast %swap3A_2846 : i32 to index
        %swap3A_2848 = memref.load %arg8[%swap3A_2847] : memref<512xi32, #tpu.memory_space<smem>>
        memref.store %squeeze3A_2845, %arg8[%swap3A_2847] : memref<512xi32, #tpu.memory_space<smem>>
        %slice3A_2849 = vector.extract_strided_slice %get3A_2808 {offsets = [8], sizes = [1], strides = [1]} : vector<16xi32> to vector<1xi32>
        %squeeze3A_2850 = vector.extract %slice3A_2849[0] : i32 from vector<1xi32>
        %swap3A_2851 = arith.constant 392 : i32
        %swap3A_2852 = arith.index_cast %swap3A_2851 : i32 to index
        %swap3A_2853 = memref.load %arg8[%swap3A_2852] : memref<512xi32, #tpu.memory_space<smem>>
        memref.store %squeeze3A_2850, %arg8[%swap3A_2852] : memref<512xi32, #tpu.memory_space<smem>>
        %slice3A_2854 = vector.extract_strided_slice %get3A_2808 {offsets = [9], sizes = [1], strides = [1]} : vector<16xi32> to vector<1xi32>
        %squeeze3A_2855 = vector.extract %slice3A_2854[0] : i32 from vector<1xi32>
        %swap3A_2856 = arith.constant 393 : i32
        %swap3A_2857 = arith.index_cast %swap3A_2856 : i32 to index
        %swap3A_2858 = memref.load %arg8[%swap3A_2857] : memref<512xi32, #tpu.memory_space<smem>>
        memref.store %squeeze3A_2855, %arg8[%swap3A_2857] : memref<512xi32, #tpu.memory_space<smem>>
        %slice3A_2859 = vector.extract_strided_slice %get3A_2808 {offsets = [10], sizes = [1], strides = [1]} : vector<16xi32> to vector<1xi32>
        %squeeze3A_2860 = vector.extract %slice3A_2859[0] : i32 from vector<1xi32>
        %swap3A_2861 = arith.constant 394 : i32
        %swap3A_2862 = arith.index_cast %swap3A_2861 : i32 to index
        %swap3A_2863 = memref.load %arg8[%swap3A_2862] : memref<512xi32, #tpu.memory_space<smem>>
        memref.store %squeeze3A_2860, %arg8[%swap3A_2862] : memref<512xi32, #tpu.memory_space<smem>>
        %slice3A_2864 = vector.extract_strided_slice %get3A_2808 {offsets = [11], sizes = [1], strides = [1]} : vector<16xi32> to vector<1xi32>
        %squeeze3A_2865 = vector.extract %slice3A_2864[0] : i32 from vector<1xi32>
        %swap3A_2866 = arith.constant 395 : i32
        %swap3A_2867 = arith.index_cast %swap3A_2866 : i32 to index
        %swap3A_2868 = memref.load %arg8[%swap3A_2867] : memref<512xi32, #tpu.memory_space<smem>>
        memref.store %squeeze3A_2865, %arg8[%swap3A_2867] : memref<512xi32, #tpu.memory_space<smem>>
        %slice3A_2869 = vector.extract_strided_slice %get3A_2808 {offsets = [12], sizes = [1], strides = [1]} : vector<16xi32> to vector<1xi32>
        %squeeze3A_2870 = vector.extract %slice3A_2869[0] : i32 from vector<1xi32>
        %swap3A_2871 = arith.constant 396 : i32
        %swap3A_2872 = arith.index_cast %swap3A_2871 : i32 to index
        %swap3A_2873 = memref.load %arg8[%swap3A_2872] : memref<512xi32, #tpu.memory_space<smem>>
        memref.store %squeeze3A_2870, %arg8[%swap3A_2872] : memref<512xi32, #tpu.memory_space<smem>>
        %slice3A_2874 = vector.extract_strided_slice %get3A_2808 {offsets = [13], sizes = [1], strides = [1]} : vector<16xi32> to vector<1xi32>
        %squeeze3A_2875 = vector.extract %slice3A_2874[0] : i32 from vector<1xi32>
        %swap3A_2876 = arith.constant 397 : i32
        %swap3A_2877 = arith.index_cast %swap3A_2876 : i32 to index
        %swap3A_2878 = memref.load %arg8[%swap3A_2877] : memref<512xi32, #tpu.memory_space<smem>>
        memref.store %squeeze3A_2875, %arg8[%swap3A_2877] : memref<512xi32, #tpu.memory_space<smem>>
        %slice3A_2879 = vector.extract_strided_slice %get3A_2808 {offsets = [14], sizes = [1], strides = [1]} : vector<16xi32> to vector<1xi32>
        %squeeze3A_2880 = vector.extract %slice3A_2879[0] : i32 from vector<1xi32>
        %swap3A_2881 = arith.constant 398 : i32
        %swap3A_2882 = arith.index_cast %swap3A_2881 : i32 to index
        %swap3A_2883 = memref.load %arg8[%swap3A_2882] : memref<512xi32, #tpu.memory_space<smem>>
        memref.store %squeeze3A_2880, %arg8[%swap3A_2882] : memref<512xi32, #tpu.memory_space<smem>>
        %slice3A_2884 = vector.extract_strided_slice %get3A_2808 {offsets = [15], sizes = [1], strides = [1]} : vector<16xi32> to vector<1xi32>
        %squeeze3A_2885 = vector.extract %slice3A_2884[0] : i32 from vector<1xi32>
        %swap3A_2886 = arith.constant 399 : i32
        %swap3A_2887 = arith.index_cast %swap3A_2886 : i32 to index
        %swap3A_2888 = memref.load %arg8[%swap3A_2887] : memref<512xi32, #tpu.memory_space<smem>>
        memref.store %squeeze3A_2885, %arg8[%swap3A_2887] : memref<512xi32, #tpu.memory_space<smem>>
        %get3A_2889 = arith.constant 400 : index
        %get3A_2890 = tpu.vector_load %arg10[%get3A_2889] {strides = array<i32>} : memref<512xi32, #tpu.memory_space<vmem>>, vector<16xi32>,
        %get3A_2891 = vector.shape_cast %get3A_2890 : vector<16xi32> to vector<16xi32>
        %slice3A_2892 = vector.extract_strided_slice %get3A_2891 {offsets = [0], sizes = [1], strides = [1]} : vector<16xi32> to vector<1xi32>
        %squeeze3A_2893 = vector.extract %slice3A_2892[0] : i32 from vector<1xi32>
        %swap3A_2894 = arith.constant 400 : i32
        %swap3A_2895 = arith.index_cast %swap3A_2894 : i32 to index
        %swap3A_2896 = memref.load %arg8[%swap3A_2895] : memref<512xi32, #tpu.memory_space<smem>>
        memref.store %squeeze3A_2893, %arg8[%swap3A_2895] : memref<512xi32, #tpu.memory_space<smem>>
        %slice3A_2897 = vector.extract_strided_slice %get3A_2891 {offsets = [1], sizes = [1], strides = [1]} : vector<16xi32> to vector<1xi32>
        %squeeze3A_2898 = vector.extract %slice3A_2897[0] : i32 from vector<1xi32>
        %swap3A_2899 = arith.constant 401 : i32
        %swap3A_2900 = arith.index_cast %swap3A_2899 : i32 to index
        %swap3A_2901 = memref.load %arg8[%swap3A_2900] : memref<512xi32, #tpu.memory_space<smem>>
        memref.store %squeeze3A_2898, %arg8[%swap3A_2900] : memref<512xi32, #tpu.memory_space<smem>>
        %slice3A_2902 = vector.extract_strided_slice %get3A_2891 {offsets = [2], sizes = [1], strides = [1]} : vector<16xi32> to vector<1xi32>
        %squeeze3A_2903 = vector.extract %slice3A_2902[0] : i32 from vector<1xi32>
        %swap3A_2904 = arith.constant 402 : i32
        %swap3A_2905 = arith.index_cast %swap3A_2904 : i32 to index
        %swap3A_2906 = memref.load %arg8[%swap3A_2905] : memref<512xi32, #tpu.memory_space<smem>>
        memref.store %squeeze3A_2903, %arg8[%swap3A_2905] : memref<512xi32, #tpu.memory_space<smem>>
        %slice3A_2907 = vector.extract_strided_slice %get3A_2891 {offsets = [3], sizes = [1], strides = [1]} : vector<16xi32> to vector<1xi32>
        %squeeze3A_2908 = vector.extract %slice3A_2907[0] : i32 from vector<1xi32>
        %swap3A_2909 = arith.constant 403 : i32
        %swap3A_2910 = arith.index_cast %swap3A_2909 : i32 to index
        %swap3A_2911 = memref.load %arg8[%swap3A_2910] : memref<512xi32, #tpu.memory_space<smem>>
        memref.store %squeeze3A_2908, %arg8[%swap3A_2910] : memref<512xi32, #tpu.memory_space<smem>>
        %slice3A_2912 = vector.extract_strided_slice %get3A_2891 {offsets = [4], sizes = [1], strides = [1]} : vector<16xi32> to vector<1xi32>
        %squeeze3A_2913 = vector.extract %slice3A_2912[0] : i32 from vector<1xi32>
        %swap3A_2914 = arith.constant 404 : i32
        %swap3A_2915 = arith.index_cast %swap3A_2914 : i32 to index
        %swap3A_2916 = memref.load %arg8[%swap3A_2915] : memref<512xi32, #tpu.memory_space<smem>>
        memref.store %squeeze3A_2913, %arg8[%swap3A_2915] : memref<512xi32, #tpu.memory_space<smem>>
        %slice3A_2917 = vector.extract_strided_slice %get3A_2891 {offsets = [5], sizes = [1], strides = [1]} : vector<16xi32> to vector<1xi32>
        %squeeze3A_2918 = vector.extract %slice3A_2917[0] : i32 from vector<1xi32>
        %swap3A_2919 = arith.constant 405 : i32
        %swap3A_2920 = arith.index_cast %swap3A_2919 : i32 to index
        %swap3A_2921 = memref.load %arg8[%swap3A_2920] : memref<512xi32, #tpu.memory_space<smem>>
        memref.store %squeeze3A_2918, %arg8[%swap3A_2920] : memref<512xi32, #tpu.memory_space<smem>>
        %slice3A_2922 = vector.extract_strided_slice %get3A_2891 {offsets = [6], sizes = [1], strides = [1]} : vector<16xi32> to vector<1xi32>
        %squeeze3A_2923 = vector.extract %slice3A_2922[0] : i32 from vector<1xi32>
        %swap3A_2924 = arith.constant 406 : i32
        %swap3A_2925 = arith.index_cast %swap3A_2924 : i32 to index
        %swap3A_2926 = memref.load %arg8[%swap3A_2925] : memref<512xi32, #tpu.memory_space<smem>>
        memref.store %squeeze3A_2923, %arg8[%swap3A_2925] : memref<512xi32, #tpu.memory_space<smem>>
        %slice3A_2927 = vector.extract_strided_slice %get3A_2891 {offsets = [7], sizes = [1], strides = [1]} : vector<16xi32> to vector<1xi32>
        %squeeze3A_2928 = vector.extract %slice3A_2927[0] : i32 from vector<1xi32>
        %swap3A_2929 = arith.constant 407 : i32
        %swap3A_2930 = arith.index_cast %swap3A_2929 : i32 to index
        %swap3A_2931 = memref.load %arg8[%swap3A_2930] : memref<512xi32, #tpu.memory_space<smem>>
        memref.store %squeeze3A_2928, %arg8[%swap3A_2930] : memref<512xi32, #tpu.memory_space<smem>>
        %slice3A_2932 = vector.extract_strided_slice %get3A_2891 {offsets = [8], sizes = [1], strides = [1]} : vector<16xi32> to vector<1xi32>
        %squeeze3A_2933 = vector.extract %slice3A_2932[0] : i32 from vector<1xi32>
        %swap3A_2934 = arith.constant 408 : i32
        %swap3A_2935 = arith.index_cast %swap3A_2934 : i32 to index
        %swap3A_2936 = memref.load %arg8[%swap3A_2935] : memref<512xi32, #tpu.memory_space<smem>>
        memref.store %squeeze3A_2933, %arg8[%swap3A_2935] : memref<512xi32, #tpu.memory_space<smem>>
        %slice3A_2937 = vector.extract_strided_slice %get3A_2891 {offsets = [9], sizes = [1], strides = [1]} : vector<16xi32> to vector<1xi32>
        %squeeze3A_2938 = vector.extract %slice3A_2937[0] : i32 from vector<1xi32>
        %swap3A_2939 = arith.constant 409 : i32
        %swap3A_2940 = arith.index_cast %swap3A_2939 : i32 to index
        %swap3A_2941 = memref.load %arg8[%swap3A_2940] : memref<512xi32, #tpu.memory_space<smem>>
        memref.store %squeeze3A_2938, %arg8[%swap3A_2940] : memref<512xi32, #tpu.memory_space<smem>>
        %slice3A_2942 = vector.extract_strided_slice %get3A_2891 {offsets = [10], sizes = [1], strides = [1]} : vector<16xi32> to vector<1xi32>
        %squeeze3A_2943 = vector.extract %slice3A_2942[0] : i32 from vector<1xi32>
        %swap3A_2944 = arith.constant 410 : i32
        %swap3A_2945 = arith.index_cast %swap3A_2944 : i32 to index
        %swap3A_2946 = memref.load %arg8[%swap3A_2945] : memref<512xi32, #tpu.memory_space<smem>>
        memref.store %squeeze3A_2943, %arg8[%swap3A_2945] : memref<512xi32, #tpu.memory_space<smem>>
        %slice3A_2947 = vector.extract_strided_slice %get3A_2891 {offsets = [11], sizes = [1], strides = [1]} : vector<16xi32> to vector<1xi32>
        %squeeze3A_2948 = vector.extract %slice3A_2947[0] : i32 from vector<1xi32>
        %swap3A_2949 = arith.constant 411 : i32
        %swap3A_2950 = arith.index_cast %swap3A_2949 : i32 to index
        %swap3A_2951 = memref.load %arg8[%swap3A_2950] : memref<512xi32, #tpu.memory_space<smem>>
        memref.store %squeeze3A_2948, %arg8[%swap3A_2950] : memref<512xi32, #tpu.memory_space<smem>>
        %slice3A_2952 = vector.extract_strided_slice %get3A_2891 {offsets = [12], sizes = [1], strides = [1]} : vector<16xi32> to vector<1xi32>
        %squeeze3A_2953 = vector.extract %slice3A_2952[0] : i32 from vector<1xi32>
        %swap3A_2954 = arith.constant 412 : i32
        %swap3A_2955 = arith.index_cast %swap3A_2954 : i32 to index
        %swap3A_2956 = memref.load %arg8[%swap3A_2955] : memref<512xi32, #tpu.memory_space<smem>>
        memref.store %squeeze3A_2953, %arg8[%swap3A_2955] : memref<512xi32, #tpu.memory_space<smem>>
        %slice3A_2957 = vector.extract_strided_slice %get3A_2891 {offsets = [13], sizes = [1], strides = [1]} : vector<16xi32> to vector<1xi32>
        %squeeze3A_2958 = vector.extract %slice3A_2957[0] : i32 from vector<1xi32>
        %swap3A_2959 = arith.constant 413 : i32
        %swap3A_2960 = arith.index_cast %swap3A_2959 : i32 to index
        %swap3A_2961 = memref.load %arg8[%swap3A_2960] : memref<512xi32, #tpu.memory_space<smem>>
        memref.store %squeeze3A_2958, %arg8[%swap3A_2960] : memref<512xi32, #tpu.memory_space<smem>>
        %slice3A_2962 = vector.extract_strided_slice %get3A_2891 {offsets = [14], sizes = [1], strides = [1]} : vector<16xi32> to vector<1xi32>
        %squeeze3A_2963 = vector.extract %slice3A_2962[0] : i32 from vector<1xi32>
        %swap3A_2964 = arith.constant 414 : i32
        %swap3A_2965 = arith.index_cast %swap3A_2964 : i32 to index
        %swap3A_2966 = memref.load %arg8[%swap3A_2965] : memref<512xi32, #tpu.memory_space<smem>>
        memref.store %squeeze3A_2963, %arg8[%swap3A_2965] : memref<512xi32, #tpu.memory_space<smem>>
        %slice3A_2967 = vector.extract_strided_slice %get3A_2891 {offsets = [15], sizes = [1], strides = [1]} : vector<16xi32> to vector<1xi32>
        %squeeze3A_2968 = vector.extract %slice3A_2967[0] : i32 from vector<1xi32>
        %swap3A_2969 = arith.constant 415 : i32
        %swap3A_2970 = arith.index_cast %swap3A_2969 : i32 to index
        %swap3A_2971 = memref.load %arg8[%swap3A_2970] : memref<512xi32, #tpu.memory_space<smem>>
        memref.store %squeeze3A_2968, %arg8[%swap3A_2970] : memref<512xi32, #tpu.memory_space<smem>>
        %get3A_2972 = arith.constant 416 : index
        %get3A_2973 = tpu.vector_load %arg10[%get3A_2972] {strides = array<i32>} : memref<512xi32, #tpu.memory_space<vmem>>, vector<16xi32>,
        %get3A_2974 = vector.shape_cast %get3A_2973 : vector<16xi32> to vector<16xi32>
        %slice3A_2975 = vector.extract_strided_slice %get3A_2974 {offsets = [0], sizes = [1], strides = [1]} : vector<16xi32> to vector<1xi32>
        %squeeze3A_2976 = vector.extract %slice3A_2975[0] : i32 from vector<1xi32>
        %swap3A_2977 = arith.constant 416 : i32
        %swap3A_2978 = arith.index_cast %swap3A_2977 : i32 to index
        %swap3A_2979 = memref.load %arg8[%swap3A_2978] : memref<512xi32, #tpu.memory_space<smem>>
        memref.store %squeeze3A_2976, %arg8[%swap3A_2978] : memref<512xi32, #tpu.memory_space<smem>>
        %slice3A_2980 = vector.extract_strided_slice %get3A_2974 {offsets = [1], sizes = [1], strides = [1]} : vector<16xi32> to vector<1xi32>
        %squeeze3A_2981 = vector.extract %slice3A_2980[0] : i32 from vector<1xi32>
        %swap3A_2982 = arith.constant 417 : i32
        %swap3A_2983 = arith.index_cast %swap3A_2982 : i32 to index
        %swap3A_2984 = memref.load %arg8[%swap3A_2983] : memref<512xi32, #tpu.memory_space<smem>>
        memref.store %squeeze3A_2981, %arg8[%swap3A_2983] : memref<512xi32, #tpu.memory_space<smem>>
        %slice3A_2985 = vector.extract_strided_slice %get3A_2974 {offsets = [2], sizes = [1], strides = [1]} : vector<16xi32> to vector<1xi32>
        %squeeze3A_2986 = vector.extract %slice3A_2985[0] : i32 from vector<1xi32>
        %swap3A_2987 = arith.constant 418 : i32
        %swap3A_2988 = arith.index_cast %swap3A_2987 : i32 to index
        %swap3A_2989 = memref.load %arg8[%swap3A_2988] : memref<512xi32, #tpu.memory_space<smem>>
        memref.store %squeeze3A_2986, %arg8[%swap3A_2988] : memref<512xi32, #tpu.memory_space<smem>>
        %slice3A_2990 = vector.extract_strided_slice %get3A_2974 {offsets = [3], sizes = [1], strides = [1]} : vector<16xi32> to vector<1xi32>
        %squeeze3A_2991 = vector.extract %slice3A_2990[0] : i32 from vector<1xi32>
        %swap3A_2992 = arith.constant 419 : i32
        %swap3A_2993 = arith.index_cast %swap3A_2992 : i32 to index
        %swap3A_2994 = memref.load %arg8[%swap3A_2993] : memref<512xi32, #tpu.memory_space<smem>>
        memref.store %squeeze3A_2991, %arg8[%swap3A_2993] : memref<512xi32, #tpu.memory_space<smem>>
        %slice3A_2995 = vector.extract_strided_slice %get3A_2974 {offsets = [4], sizes = [1], strides = [1]} : vector<16xi32> to vector<1xi32>
        %squeeze3A_2996 = vector.extract %slice3A_2995[0] : i32 from vector<1xi32>
        %swap3A_2997 = arith.constant 420 : i32
        %swap3A_2998 = arith.index_cast %swap3A_2997 : i32 to index
        %swap3A_2999 = memref.load %arg8[%swap3A_2998] : memref<512xi32, #tpu.memory_space<smem>>
        memref.store %squeeze3A_2996, %arg8[%swap3A_2998] : memref<512xi32, #tpu.memory_space<smem>>
        %slice3A_3000 = vector.extract_strided_slice %get3A_2974 {offsets = [5], sizes = [1], strides = [1]} : vector<16xi32> to vector<1xi32>
        %squeeze3A_3001 = vector.extract %slice3A_3000[0] : i32 from vector<1xi32>
        %swap3A_3002 = arith.constant 421 : i32
        %swap3A_3003 = arith.index_cast %swap3A_3002 : i32 to index
        %swap3A_3004 = memref.load %arg8[%swap3A_3003] : memref<512xi32, #tpu.memory_space<smem>>
        memref.store %squeeze3A_3001, %arg8[%swap3A_3003] : memref<512xi32, #tpu.memory_space<smem>>
        %slice3A_3005 = vector.extract_strided_slice %get3A_2974 {offsets = [6], sizes = [1], strides = [1]} : vector<16xi32> to vector<1xi32>
        %squeeze3A_3006 = vector.extract %slice3A_3005[0] : i32 from vector<1xi32>
        %swap3A_3007 = arith.constant 422 : i32
        %swap3A_3008 = arith.index_cast %swap3A_3007 : i32 to index
        %swap3A_3009 = memref.load %arg8[%swap3A_3008] : memref<512xi32, #tpu.memory_space<smem>>
        memref.store %squeeze3A_3006, %arg8[%swap3A_3008] : memref<512xi32, #tpu.memory_space<smem>>
        %slice3A_3010 = vector.extract_strided_slice %get3A_2974 {offsets = [7], sizes = [1], strides = [1]} : vector<16xi32> to vector<1xi32>
        %squeeze3A_3011 = vector.extract %slice3A_3010[0] : i32 from vector<1xi32>
        %swap3A_3012 = arith.constant 423 : i32
        %swap3A_3013 = arith.index_cast %swap3A_3012 : i32 to index
        %swap3A_3014 = memref.load %arg8[%swap3A_3013] : memref<512xi32, #tpu.memory_space<smem>>
        memref.store %squeeze3A_3011, %arg8[%swap3A_3013] : memref<512xi32, #tpu.memory_space<smem>>
        %slice3A_3015 = vector.extract_strided_slice %get3A_2974 {offsets = [8], sizes = [1], strides = [1]} : vector<16xi32> to vector<1xi32>
        %squeeze3A_3016 = vector.extract %slice3A_3015[0] : i32 from vector<1xi32>
        %swap3A_3017 = arith.constant 424 : i32
        %swap3A_3018 = arith.index_cast %swap3A_3017 : i32 to index
        %swap3A_3019 = memref.load %arg8[%swap3A_3018] : memref<512xi32, #tpu.memory_space<smem>>
        memref.store %squeeze3A_3016, %arg8[%swap3A_3018] : memref<512xi32, #tpu.memory_space<smem>>
        %slice3A_3020 = vector.extract_strided_slice %get3A_2974 {offsets = [9], sizes = [1], strides = [1]} : vector<16xi32> to vector<1xi32>
        %squeeze3A_3021 = vector.extract %slice3A_3020[0] : i32 from vector<1xi32>
        %swap3A_3022 = arith.constant 425 : i32
        %swap3A_3023 = arith.index_cast %swap3A_3022 : i32 to index
        %swap3A_3024 = memref.load %arg8[%swap3A_3023] : memref<512xi32, #tpu.memory_space<smem>>
        memref.store %squeeze3A_3021, %arg8[%swap3A_3023] : memref<512xi32, #tpu.memory_space<smem>>
        %slice3A_3025 = vector.extract_strided_slice %get3A_2974 {offsets = [10], sizes = [1], strides = [1]} : vector<16xi32> to vector<1xi32>
        %squeeze3A_3026 = vector.extract %slice3A_3025[0] : i32 from vector<1xi32>
        %swap3A_3027 = arith.constant 426 : i32
        %swap3A_3028 = arith.index_cast %swap3A_3027 : i32 to index
        %swap3A_3029 = memref.load %arg8[%swap3A_3028] : memref<512xi32, #tpu.memory_space<smem>>
        memref.store %squeeze3A_3026, %arg8[%swap3A_3028] : memref<512xi32, #tpu.memory_space<smem>>
        %slice3A_3030 = vector.extract_strided_slice %get3A_2974 {offsets = [11], sizes = [1], strides = [1]} : vector<16xi32> to vector<1xi32>
        %squeeze3A_3031 = vector.extract %slice3A_3030[0] : i32 from vector<1xi32>
        %swap3A_3032 = arith.constant 427 : i32
        %swap3A_3033 = arith.index_cast %swap3A_3032 : i32 to index
        %swap3A_3034 = memref.load %arg8[%swap3A_3033] : memref<512xi32, #tpu.memory_space<smem>>
        memref.store %squeeze3A_3031, %arg8[%swap3A_3033] : memref<512xi32, #tpu.memory_space<smem>>
        %slice3A_3035 = vector.extract_strided_slice %get3A_2974 {offsets = [12], sizes = [1], strides = [1]} : vector<16xi32> to vector<1xi32>
        %squeeze3A_3036 = vector.extract %slice3A_3035[0] : i32 from vector<1xi32>
        %swap3A_3037 = arith.constant 428 : i32
        %swap3A_3038 = arith.index_cast %swap3A_3037 : i32 to index
        %swap3A_3039 = memref.load %arg8[%swap3A_3038] : memref<512xi32, #tpu.memory_space<smem>>
        memref.store %squeeze3A_3036, %arg8[%swap3A_3038] : memref<512xi32, #tpu.memory_space<smem>>
        %slice3A_3040 = vector.extract_strided_slice %get3A_2974 {offsets = [13], sizes = [1], strides = [1]} : vector<16xi32> to vector<1xi32>
        %squeeze3A_3041 = vector.extract %slice3A_3040[0] : i32 from vector<1xi32>
        %swap3A_3042 = arith.constant 429 : i32
        %swap3A_3043 = arith.index_cast %swap3A_3042 : i32 to index
        %swap3A_3044 = memref.load %arg8[%swap3A_3043] : memref<512xi32, #tpu.memory_space<smem>>
        memref.store %squeeze3A_3041, %arg8[%swap3A_3043] : memref<512xi32, #tpu.memory_space<smem>>
        %slice3A_3045 = vector.extract_strided_slice %get3A_2974 {offsets = [14], sizes = [1], strides = [1]} : vector<16xi32> to vector<1xi32>
        %squeeze3A_3046 = vector.extract %slice3A_3045[0] : i32 from vector<1xi32>
        %swap3A_3047 = arith.constant 430 : i32
        %swap3A_3048 = arith.index_cast %swap3A_3047 : i32 to index
        %swap3A_3049 = memref.load %arg8[%swap3A_3048] : memref<512xi32, #tpu.memory_space<smem>>
        memref.store %squeeze3A_3046, %arg8[%swap3A_3048] : memref<512xi32, #tpu.memory_space<smem>>
        %slice3A_3050 = vector.extract_strided_slice %get3A_2974 {offsets = [15], sizes = [1], strides = [1]} : vector<16xi32> to vector<1xi32>
        %squeeze3A_3051 = vector.extract %slice3A_3050[0] : i32 from vector<1xi32>
        %swap3A_3052 = arith.constant 431 : i32
        %swap3A_3053 = arith.index_cast %swap3A_3052 : i32 to index
        %swap3A_3054 = memref.load %arg8[%swap3A_3053] : memref<512xi32, #tpu.memory_space<smem>>
        memref.store %squeeze3A_3051, %arg8[%swap3A_3053] : memref<512xi32, #tpu.memory_space<smem>>
        %get3A_3055 = arith.constant 432 : index
        %get3A_3056 = tpu.vector_load %arg10[%get3A_3055] {strides = array<i32>} : memref<512xi32, #tpu.memory_space<vmem>>, vector<16xi32>,
        %get3A_3057 = vector.shape_cast %get3A_3056 : vector<16xi32> to vector<16xi32>
        %slice3A_3058 = vector.extract_strided_slice %get3A_3057 {offsets = [0], sizes = [1], strides = [1]} : vector<16xi32> to vector<1xi32>
        %squeeze3A_3059 = vector.extract %slice3A_3058[0] : i32 from vector<1xi32>
        %swap3A_3060 = arith.constant 432 : i32
        %swap3A_3061 = arith.index_cast %swap3A_3060 : i32 to index
        %swap3A_3062 = memref.load %arg8[%swap3A_3061] : memref<512xi32, #tpu.memory_space<smem>>
        memref.store %squeeze3A_3059, %arg8[%swap3A_3061] : memref<512xi32, #tpu.memory_space<smem>>
        %slice3A_3063 = vector.extract_strided_slice %get3A_3057 {offsets = [1], sizes = [1], strides = [1]} : vector<16xi32> to vector<1xi32>
        %squeeze3A_3064 = vector.extract %slice3A_3063[0] : i32 from vector<1xi32>
        %swap3A_3065 = arith.constant 433 : i32
        %swap3A_3066 = arith.index_cast %swap3A_3065 : i32 to index
        %swap3A_3067 = memref.load %arg8[%swap3A_3066] : memref<512xi32, #tpu.memory_space<smem>>
        memref.store %squeeze3A_3064, %arg8[%swap3A_3066] : memref<512xi32, #tpu.memory_space<smem>>
        %slice3A_3068 = vector.extract_strided_slice %get3A_3057 {offsets = [2], sizes = [1], strides = [1]} : vector<16xi32> to vector<1xi32>
        %squeeze3A_3069 = vector.extract %slice3A_3068[0] : i32 from vector<1xi32>
        %swap3A_3070 = arith.constant 434 : i32
        %swap3A_3071 = arith.index_cast %swap3A_3070 : i32 to index
        %swap3A_3072 = memref.load %arg8[%swap3A_3071] : memref<512xi32, #tpu.memory_space<smem>>
        memref.store %squeeze3A_3069, %arg8[%swap3A_3071] : memref<512xi32, #tpu.memory_space<smem>>
        %slice3A_3073 = vector.extract_strided_slice %get3A_3057 {offsets = [3], sizes = [1], strides = [1]} : vector<16xi32> to vector<1xi32>
        %squeeze3A_3074 = vector.extract %slice3A_3073[0] : i32 from vector<1xi32>
        %swap3A_3075 = arith.constant 435 : i32
        %swap3A_3076 = arith.index_cast %swap3A_3075 : i32 to index
        %swap3A_3077 = memref.load %arg8[%swap3A_3076] : memref<512xi32, #tpu.memory_space<smem>>
        memref.store %squeeze3A_3074, %arg8[%swap3A_3076] : memref<512xi32, #tpu.memory_space<smem>>
        %slice3A_3078 = vector.extract_strided_slice %get3A_3057 {offsets = [4], sizes = [1], strides = [1]} : vector<16xi32> to vector<1xi32>
        %squeeze3A_3079 = vector.extract %slice3A_3078[0] : i32 from vector<1xi32>
        %swap3A_3080 = arith.constant 436 : i32
        %swap3A_3081 = arith.index_cast %swap3A_3080 : i32 to index
        %swap3A_3082 = memref.load %arg8[%swap3A_3081] : memref<512xi32, #tpu.memory_space<smem>>
        memref.store %squeeze3A_3079, %arg8[%swap3A_3081] : memref<512xi32, #tpu.memory_space<smem>>
        %slice3A_3083 = vector.extract_strided_slice %get3A_3057 {offsets = [5], sizes = [1], strides = [1]} : vector<16xi32> to vector<1xi32>
        %squeeze3A_3084 = vector.extract %slice3A_3083[0] : i32 from vector<1xi32>
        %swap3A_3085 = arith.constant 437 : i32
        %swap3A_3086 = arith.index_cast %swap3A_3085 : i32 to index
        %swap3A_3087 = memref.load %arg8[%swap3A_3086] : memref<512xi32, #tpu.memory_space<smem>>
        memref.store %squeeze3A_3084, %arg8[%swap3A_3086] : memref<512xi32, #tpu.memory_space<smem>>
        %slice3A_3088 = vector.extract_strided_slice %get3A_3057 {offsets = [6], sizes = [1], strides = [1]} : vector<16xi32> to vector<1xi32>
        %squeeze3A_3089 = vector.extract %slice3A_3088[0] : i32 from vector<1xi32>
        %swap3A_3090 = arith.constant 438 : i32
        %swap3A_3091 = arith.index_cast %swap3A_3090 : i32 to index
        %swap3A_3092 = memref.load %arg8[%swap3A_3091] : memref<512xi32, #tpu.memory_space<smem>>
        memref.store %squeeze3A_3089, %arg8[%swap3A_3091] : memref<512xi32, #tpu.memory_space<smem>>
        %slice3A_3093 = vector.extract_strided_slice %get3A_3057 {offsets = [7], sizes = [1], strides = [1]} : vector<16xi32> to vector<1xi32>
        %squeeze3A_3094 = vector.extract %slice3A_3093[0] : i32 from vector<1xi32>
        %swap3A_3095 = arith.constant 439 : i32
        %swap3A_3096 = arith.index_cast %swap3A_3095 : i32 to index
        %swap3A_3097 = memref.load %arg8[%swap3A_3096] : memref<512xi32, #tpu.memory_space<smem>>
        memref.store %squeeze3A_3094, %arg8[%swap3A_3096] : memref<512xi32, #tpu.memory_space<smem>>
        %slice3A_3098 = vector.extract_strided_slice %get3A_3057 {offsets = [8], sizes = [1], strides = [1]} : vector<16xi32> to vector<1xi32>
        %squeeze3A_3099 = vector.extract %slice3A_3098[0] : i32 from vector<1xi32>
        %swap3A_3100 = arith.constant 440 : i32
        %swap3A_3101 = arith.index_cast %swap3A_3100 : i32 to index
        %swap3A_3102 = memref.load %arg8[%swap3A_3101] : memref<512xi32, #tpu.memory_space<smem>>
        memref.store %squeeze3A_3099, %arg8[%swap3A_3101] : memref<512xi32, #tpu.memory_space<smem>>
        %slice3A_3103 = vector.extract_strided_slice %get3A_3057 {offsets = [9], sizes = [1], strides = [1]} : vector<16xi32> to vector<1xi32>
        %squeeze3A_3104 = vector.extract %slice3A_3103[0] : i32 from vector<1xi32>
        %swap3A_3105 = arith.constant 441 : i32
        %swap3A_3106 = arith.index_cast %swap3A_3105 : i32 to index
        %swap3A_3107 = memref.load %arg8[%swap3A_3106] : memref<512xi32, #tpu.memory_space<smem>>
        memref.store %squeeze3A_3104, %arg8[%swap3A_3106] : memref<512xi32, #tpu.memory_space<smem>>
        %slice3A_3108 = vector.extract_strided_slice %get3A_3057 {offsets = [10], sizes = [1], strides = [1]} : vector<16xi32> to vector<1xi32>
        %squeeze3A_3109 = vector.extract %slice3A_3108[0] : i32 from vector<1xi32>
        %swap3A_3110 = arith.constant 442 : i32
        %swap3A_3111 = arith.index_cast %swap3A_3110 : i32 to index
        %swap3A_3112 = memref.load %arg8[%swap3A_3111] : memref<512xi32, #tpu.memory_space<smem>>
        memref.store %squeeze3A_3109, %arg8[%swap3A_3111] : memref<512xi32, #tpu.memory_space<smem>>
        %slice3A_3113 = vector.extract_strided_slice %get3A_3057 {offsets = [11], sizes = [1], strides = [1]} : vector<16xi32> to vector<1xi32>
        %squeeze3A_3114 = vector.extract %slice3A_3113[0] : i32 from vector<1xi32>
        %swap3A_3115 = arith.constant 443 : i32
        %swap3A_3116 = arith.index_cast %swap3A_3115 : i32 to index
        %swap3A_3117 = memref.load %arg8[%swap3A_3116] : memref<512xi32, #tpu.memory_space<smem>>
        memref.store %squeeze3A_3114, %arg8[%swap3A_3116] : memref<512xi32, #tpu.memory_space<smem>>
        %slice3A_3118 = vector.extract_strided_slice %get3A_3057 {offsets = [12], sizes = [1], strides = [1]} : vector<16xi32> to vector<1xi32>
        %squeeze3A_3119 = vector.extract %slice3A_3118[0] : i32 from vector<1xi32>
        %swap3A_3120 = arith.constant 444 : i32
        %swap3A_3121 = arith.index_cast %swap3A_3120 : i32 to index
        %swap3A_3122 = memref.load %arg8[%swap3A_3121] : memref<512xi32, #tpu.memory_space<smem>>
        memref.store %squeeze3A_3119, %arg8[%swap3A_3121] : memref<512xi32, #tpu.memory_space<smem>>
        %slice3A_3123 = vector.extract_strided_slice %get3A_3057 {offsets = [13], sizes = [1], strides = [1]} : vector<16xi32> to vector<1xi32>
        %squeeze3A_3124 = vector.extract %slice3A_3123[0] : i32 from vector<1xi32>
        %swap3A_3125 = arith.constant 445 : i32
        %swap3A_3126 = arith.index_cast %swap3A_3125 : i32 to index
        %swap3A_3127 = memref.load %arg8[%swap3A_3126] : memref<512xi32, #tpu.memory_space<smem>>
        memref.store %squeeze3A_3124, %arg8[%swap3A_3126] : memref<512xi32, #tpu.memory_space<smem>>
        %slice3A_3128 = vector.extract_strided_slice %get3A_3057 {offsets = [14], sizes = [1], strides = [1]} : vector<16xi32> to vector<1xi32>
        %squeeze3A_3129 = vector.extract %slice3A_3128[0] : i32 from vector<1xi32>
        %swap3A_3130 = arith.constant 446 : i32
        %swap3A_3131 = arith.index_cast %swap3A_3130 : i32 to index
        %swap3A_3132 = memref.load %arg8[%swap3A_3131] : memref<512xi32, #tpu.memory_space<smem>>
        memref.store %squeeze3A_3129, %arg8[%swap3A_3131] : memref<512xi32, #tpu.memory_space<smem>>
        %slice3A_3133 = vector.extract_strided_slice %get3A_3057 {offsets = [15], sizes = [1], strides = [1]} : vector<16xi32> to vector<1xi32>
        %squeeze3A_3134 = vector.extract %slice3A_3133[0] : i32 from vector<1xi32>
        %swap3A_3135 = arith.constant 447 : i32
        %swap3A_3136 = arith.index_cast %swap3A_3135 : i32 to index
        %swap3A_3137 = memref.load %arg8[%swap3A_3136] : memref<512xi32, #tpu.memory_space<smem>>
        memref.store %squeeze3A_3134, %arg8[%swap3A_3136] : memref<512xi32, #tpu.memory_space<smem>>
        %get3A_3138 = arith.constant 448 : index
        %get3A_3139 = tpu.vector_load %arg10[%get3A_3138] {strides = array<i32>} : memref<512xi32, #tpu.memory_space<vmem>>, vector<16xi32>,
        %get3A_3140 = vector.shape_cast %get3A_3139 : vector<16xi32> to vector<16xi32>
        %slice3A_3141 = vector.extract_strided_slice %get3A_3140 {offsets = [0], sizes = [1], strides = [1]} : vector<16xi32> to vector<1xi32>
        %squeeze3A_3142 = vector.extract %slice3A_3141[0] : i32 from vector<1xi32>
        %swap3A_3143 = arith.constant 448 : i32
        %swap3A_3144 = arith.index_cast %swap3A_3143 : i32 to index
        %swap3A_3145 = memref.load %arg8[%swap3A_3144] : memref<512xi32, #tpu.memory_space<smem>>
        memref.store %squeeze3A_3142, %arg8[%swap3A_3144] : memref<512xi32, #tpu.memory_space<smem>>
        %slice3A_3146 = vector.extract_strided_slice %get3A_3140 {offsets = [1], sizes = [1], strides = [1]} : vector<16xi32> to vector<1xi32>
        %squeeze3A_3147 = vector.extract %slice3A_3146[0] : i32 from vector<1xi32>
        %swap3A_3148 = arith.constant 449 : i32
        %swap3A_3149 = arith.index_cast %swap3A_3148 : i32 to index
        %swap3A_3150 = memref.load %arg8[%swap3A_3149] : memref<512xi32, #tpu.memory_space<smem>>
        memref.store %squeeze3A_3147, %arg8[%swap3A_3149] : memref<512xi32, #tpu.memory_space<smem>>
        %slice3A_3151 = vector.extract_strided_slice %get3A_3140 {offsets = [2], sizes = [1], strides = [1]} : vector<16xi32> to vector<1xi32>
        %squeeze3A_3152 = vector.extract %slice3A_3151[0] : i32 from vector<1xi32>
        %swap3A_3153 = arith.constant 450 : i32
        %swap3A_3154 = arith.index_cast %swap3A_3153 : i32 to index
        %swap3A_3155 = memref.load %arg8[%swap3A_3154] : memref<512xi32, #tpu.memory_space<smem>>
        memref.store %squeeze3A_3152, %arg8[%swap3A_3154] : memref<512xi32, #tpu.memory_space<smem>>
        %slice3A_3156 = vector.extract_strided_slice %get3A_3140 {offsets = [3], sizes = [1], strides = [1]} : vector<16xi32> to vector<1xi32>
        %squeeze3A_3157 = vector.extract %slice3A_3156[0] : i32 from vector<1xi32>
        %swap3A_3158 = arith.constant 451 : i32
        %swap3A_3159 = arith.index_cast %swap3A_3158 : i32 to index
        %swap3A_3160 = memref.load %arg8[%swap3A_3159] : memref<512xi32, #tpu.memory_space<smem>>
        memref.store %squeeze3A_3157, %arg8[%swap3A_3159] : memref<512xi32, #tpu.memory_space<smem>>
        %slice3A_3161 = vector.extract_strided_slice %get3A_3140 {offsets = [4], sizes = [1], strides = [1]} : vector<16xi32> to vector<1xi32>
        %squeeze3A_3162 = vector.extract %slice3A_3161[0] : i32 from vector<1xi32>
        %swap3A_3163 = arith.constant 452 : i32
        %swap3A_3164 = arith.index_cast %swap3A_3163 : i32 to index
        %swap3A_3165 = memref.load %arg8[%swap3A_3164] : memref<512xi32, #tpu.memory_space<smem>>
        memref.store %squeeze3A_3162, %arg8[%swap3A_3164] : memref<512xi32, #tpu.memory_space<smem>>
        %slice3A_3166 = vector.extract_strided_slice %get3A_3140 {offsets = [5], sizes = [1], strides = [1]} : vector<16xi32> to vector<1xi32>
        %squeeze3A_3167 = vector.extract %slice3A_3166[0] : i32 from vector<1xi32>
        %swap3A_3168 = arith.constant 453 : i32
        %swap3A_3169 = arith.index_cast %swap3A_3168 : i32 to index
        %swap3A_3170 = memref.load %arg8[%swap3A_3169] : memref<512xi32, #tpu.memory_space<smem>>
        memref.store %squeeze3A_3167, %arg8[%swap3A_3169] : memref<512xi32, #tpu.memory_space<smem>>
        %slice3A_3171 = vector.extract_strided_slice %get3A_3140 {offsets = [6], sizes = [1], strides = [1]} : vector<16xi32> to vector<1xi32>
        %squeeze3A_3172 = vector.extract %slice3A_3171[0] : i32 from vector<1xi32>
        %swap3A_3173 = arith.constant 454 : i32
        %swap3A_3174 = arith.index_cast %swap3A_3173 : i32 to index
        %swap3A_3175 = memref.load %arg8[%swap3A_3174] : memref<512xi32, #tpu.memory_space<smem>>
        memref.store %squeeze3A_3172, %arg8[%swap3A_3174] : memref<512xi32, #tpu.memory_space<smem>>
        %slice3A_3176 = vector.extract_strided_slice %get3A_3140 {offsets = [7], sizes = [1], strides = [1]} : vector<16xi32> to vector<1xi32>
        %squeeze3A_3177 = vector.extract %slice3A_3176[0] : i32 from vector<1xi32>
        %swap3A_3178 = arith.constant 455 : i32
        %swap3A_3179 = arith.index_cast %swap3A_3178 : i32 to index
        %swap3A_3180 = memref.load %arg8[%swap3A_3179] : memref<512xi32, #tpu.memory_space<smem>>
        memref.store %squeeze3A_3177, %arg8[%swap3A_3179] : memref<512xi32, #tpu.memory_space<smem>>
        %slice3A_3181 = vector.extract_strided_slice %get3A_3140 {offsets = [8], sizes = [1], strides = [1]} : vector<16xi32> to vector<1xi32>
        %squeeze3A_3182 = vector.extract %slice3A_3181[0] : i32 from vector<1xi32>
        %swap3A_3183 = arith.constant 456 : i32
        %swap3A_3184 = arith.index_cast %swap3A_3183 : i32 to index
        %swap3A_3185 = memref.load %arg8[%swap3A_3184] : memref<512xi32, #tpu.memory_space<smem>>
        memref.store %squeeze3A_3182, %arg8[%swap3A_3184] : memref<512xi32, #tpu.memory_space<smem>>
        %slice3A_3186 = vector.extract_strided_slice %get3A_3140 {offsets = [9], sizes = [1], strides = [1]} : vector<16xi32> to vector<1xi32>
        %squeeze3A_3187 = vector.extract %slice3A_3186[0] : i32 from vector<1xi32>
        %swap3A_3188 = arith.constant 457 : i32
        %swap3A_3189 = arith.index_cast %swap3A_3188 : i32 to index
        %swap3A_3190 = memref.load %arg8[%swap3A_3189] : memref<512xi32, #tpu.memory_space<smem>>
        memref.store %squeeze3A_3187, %arg8[%swap3A_3189] : memref<512xi32, #tpu.memory_space<smem>>
        %slice3A_3191 = vector.extract_strided_slice %get3A_3140 {offsets = [10], sizes = [1], strides = [1]} : vector<16xi32> to vector<1xi32>
        %squeeze3A_3192 = vector.extract %slice3A_3191[0] : i32 from vector<1xi32>
        %swap3A_3193 = arith.constant 458 : i32
        %swap3A_3194 = arith.index_cast %swap3A_3193 : i32 to index
        %swap3A_3195 = memref.load %arg8[%swap3A_3194] : memref<512xi32, #tpu.memory_space<smem>>
        memref.store %squeeze3A_3192, %arg8[%swap3A_3194] : memref<512xi32, #tpu.memory_space<smem>>
        %slice3A_3196 = vector.extract_strided_slice %get3A_3140 {offsets = [11], sizes = [1], strides = [1]} : vector<16xi32> to vector<1xi32>
        %squeeze3A_3197 = vector.extract %slice3A_3196[0] : i32 from vector<1xi32>
        %swap3A_3198 = arith.constant 459 : i32
        %swap3A_3199 = arith.index_cast %swap3A_3198 : i32 to index
        %swap3A_3200 = memref.load %arg8[%swap3A_3199] : memref<512xi32, #tpu.memory_space<smem>>
        memref.store %squeeze3A_3197, %arg8[%swap3A_3199] : memref<512xi32, #tpu.memory_space<smem>>
        %slice3A_3201 = vector.extract_strided_slice %get3A_3140 {offsets = [12], sizes = [1], strides = [1]} : vector<16xi32> to vector<1xi32>
        %squeeze3A_3202 = vector.extract %slice3A_3201[0] : i32 from vector<1xi32>
        %swap3A_3203 = arith.constant 460 : i32
        %swap3A_3204 = arith.index_cast %swap3A_3203 : i32 to index
        %swap3A_3205 = memref.load %arg8[%swap3A_3204] : memref<512xi32, #tpu.memory_space<smem>>
        memref.store %squeeze3A_3202, %arg8[%swap3A_3204] : memref<512xi32, #tpu.memory_space<smem>>
        %slice3A_3206 = vector.extract_strided_slice %get3A_3140 {offsets = [13], sizes = [1], strides = [1]} : vector<16xi32> to vector<1xi32>
        %squeeze3A_3207 = vector.extract %slice3A_3206[0] : i32 from vector<1xi32>
        %swap3A_3208 = arith.constant 461 : i32
        %swap3A_3209 = arith.index_cast %swap3A_3208 : i32 to index
        %swap3A_3210 = memref.load %arg8[%swap3A_3209] : memref<512xi32, #tpu.memory_space<smem>>
        memref.store %squeeze3A_3207, %arg8[%swap3A_3209] : memref<512xi32, #tpu.memory_space<smem>>
        %slice3A_3211 = vector.extract_strided_slice %get3A_3140 {offsets = [14], sizes = [1], strides = [1]} : vector<16xi32> to vector<1xi32>
        %squeeze3A_3212 = vector.extract %slice3A_3211[0] : i32 from vector<1xi32>
        %swap3A_3213 = arith.constant 462 : i32
        %swap3A_3214 = arith.index_cast %swap3A_3213 : i32 to index
        %swap3A_3215 = memref.load %arg8[%swap3A_3214] : memref<512xi32, #tpu.memory_space<smem>>
        memref.store %squeeze3A_3212, %arg8[%swap3A_3214] : memref<512xi32, #tpu.memory_space<smem>>
        %slice3A_3216 = vector.extract_strided_slice %get3A_3140 {offsets = [15], sizes = [1], strides = [1]} : vector<16xi32> to vector<1xi32>
        %squeeze3A_3217 = vector.extract %slice3A_3216[0] : i32 from vector<1xi32>
        %swap3A_3218 = arith.constant 463 : i32
        %swap3A_3219 = arith.index_cast %swap3A_3218 : i32 to index
        %swap3A_3220 = memref.load %arg8[%swap3A_3219] : memref<512xi32, #tpu.memory_space<smem>>
        memref.store %squeeze3A_3217, %arg8[%swap3A_3219] : memref<512xi32, #tpu.memory_space<smem>>
        %get3A_3221 = arith.constant 464 : index
        %get3A_3222 = tpu.vector_load %arg10[%get3A_3221] {strides = array<i32>} : memref<512xi32, #tpu.memory_space<vmem>>, vector<16xi32>,
        %get3A_3223 = vector.shape_cast %get3A_3222 : vector<16xi32> to vector<16xi32>
        %slice3A_3224 = vector.extract_strided_slice %get3A_3223 {offsets = [0], sizes = [1], strides = [1]} : vector<16xi32> to vector<1xi32>
        %squeeze3A_3225 = vector.extract %slice3A_3224[0] : i32 from vector<1xi32>
        %swap3A_3226 = arith.constant 464 : i32
        %swap3A_3227 = arith.index_cast %swap3A_3226 : i32 to index
        %swap3A_3228 = memref.load %arg8[%swap3A_3227] : memref<512xi32, #tpu.memory_space<smem>>
        memref.store %squeeze3A_3225, %arg8[%swap3A_3227] : memref<512xi32, #tpu.memory_space<smem>>
        %slice3A_3229 = vector.extract_strided_slice %get3A_3223 {offsets = [1], sizes = [1], strides = [1]} : vector<16xi32> to vector<1xi32>
        %squeeze3A_3230 = vector.extract %slice3A_3229[0] : i32 from vector<1xi32>
        %swap3A_3231 = arith.constant 465 : i32
        %swap3A_3232 = arith.index_cast %swap3A_3231 : i32 to index
        %swap3A_3233 = memref.load %arg8[%swap3A_3232] : memref<512xi32, #tpu.memory_space<smem>>
        memref.store %squeeze3A_3230, %arg8[%swap3A_3232] : memref<512xi32, #tpu.memory_space<smem>>
        %slice3A_3234 = vector.extract_strided_slice %get3A_3223 {offsets = [2], sizes = [1], strides = [1]} : vector<16xi32> to vector<1xi32>
        %squeeze3A_3235 = vector.extract %slice3A_3234[0] : i32 from vector<1xi32>
        %swap3A_3236 = arith.constant 466 : i32
        %swap3A_3237 = arith.index_cast %swap3A_3236 : i32 to index
        %swap3A_3238 = memref.load %arg8[%swap3A_3237] : memref<512xi32, #tpu.memory_space<smem>>
        memref.store %squeeze3A_3235, %arg8[%swap3A_3237] : memref<512xi32, #tpu.memory_space<smem>>
        %slice3A_3239 = vector.extract_strided_slice %get3A_3223 {offsets = [3], sizes = [1], strides = [1]} : vector<16xi32> to vector<1xi32>
        %squeeze3A_3240 = vector.extract %slice3A_3239[0] : i32 from vector<1xi32>
        %swap3A_3241 = arith.constant 467 : i32
        %swap3A_3242 = arith.index_cast %swap3A_3241 : i32 to index
        %swap3A_3243 = memref.load %arg8[%swap3A_3242] : memref<512xi32, #tpu.memory_space<smem>>
        memref.store %squeeze3A_3240, %arg8[%swap3A_3242] : memref<512xi32, #tpu.memory_space<smem>>
        %slice3A_3244 = vector.extract_strided_slice %get3A_3223 {offsets = [4], sizes = [1], strides = [1]} : vector<16xi32> to vector<1xi32>
        %squeeze3A_3245 = vector.extract %slice3A_3244[0] : i32 from vector<1xi32>
        %swap3A_3246 = arith.constant 468 : i32
        %swap3A_3247 = arith.index_cast %swap3A_3246 : i32 to index
        %swap3A_3248 = memref.load %arg8[%swap3A_3247] : memref<512xi32, #tpu.memory_space<smem>>
        memref.store %squeeze3A_3245, %arg8[%swap3A_3247] : memref<512xi32, #tpu.memory_space<smem>>
        %slice3A_3249 = vector.extract_strided_slice %get3A_3223 {offsets = [5], sizes = [1], strides = [1]} : vector<16xi32> to vector<1xi32>
        %squeeze3A_3250 = vector.extract %slice3A_3249[0] : i32 from vector<1xi32>
        %swap3A_3251 = arith.constant 469 : i32
        %swap3A_3252 = arith.index_cast %swap3A_3251 : i32 to index
        %swap3A_3253 = memref.load %arg8[%swap3A_3252] : memref<512xi32, #tpu.memory_space<smem>>
        memref.store %squeeze3A_3250, %arg8[%swap3A_3252] : memref<512xi32, #tpu.memory_space<smem>>
        %slice3A_3254 = vector.extract_strided_slice %get3A_3223 {offsets = [6], sizes = [1], strides = [1]} : vector<16xi32> to vector<1xi32>
        %squeeze3A_3255 = vector.extract %slice3A_3254[0] : i32 from vector<1xi32>
        %swap3A_3256 = arith.constant 470 : i32
        %swap3A_3257 = arith.index_cast %swap3A_3256 : i32 to index
        %swap3A_3258 = memref.load %arg8[%swap3A_3257] : memref<512xi32, #tpu.memory_space<smem>>
        memref.store %squeeze3A_3255, %arg8[%swap3A_3257] : memref<512xi32, #tpu.memory_space<smem>>
        %slice3A_3259 = vector.extract_strided_slice %get3A_3223 {offsets = [7], sizes = [1], strides = [1]} : vector<16xi32> to vector<1xi32>
        %squeeze3A_3260 = vector.extract %slice3A_3259[0] : i32 from vector<1xi32>
        %swap3A_3261 = arith.constant 471 : i32
        %swap3A_3262 = arith.index_cast %swap3A_3261 : i32 to index
        %swap3A_3263 = memref.load %arg8[%swap3A_3262] : memref<512xi32, #tpu.memory_space<smem>>
        memref.store %squeeze3A_3260, %arg8[%swap3A_3262] : memref<512xi32, #tpu.memory_space<smem>>
        %slice3A_3264 = vector.extract_strided_slice %get3A_3223 {offsets = [8], sizes = [1], strides = [1]} : vector<16xi32> to vector<1xi32>
        %squeeze3A_3265 = vector.extract %slice3A_3264[0] : i32 from vector<1xi32>
        %swap3A_3266 = arith.constant 472 : i32
        %swap3A_3267 = arith.index_cast %swap3A_3266 : i32 to index
        %swap3A_3268 = memref.load %arg8[%swap3A_3267] : memref<512xi32, #tpu.memory_space<smem>>
        memref.store %squeeze3A_3265, %arg8[%swap3A_3267] : memref<512xi32, #tpu.memory_space<smem>>
        %slice3A_3269 = vector.extract_strided_slice %get3A_3223 {offsets = [9], sizes = [1], strides = [1]} : vector<16xi32> to vector<1xi32>
        %squeeze3A_3270 = vector.extract %slice3A_3269[0] : i32 from vector<1xi32>
        %swap3A_3271 = arith.constant 473 : i32
        %swap3A_3272 = arith.index_cast %swap3A_3271 : i32 to index
        %swap3A_3273 = memref.load %arg8[%swap3A_3272] : memref<512xi32, #tpu.memory_space<smem>>
        memref.store %squeeze3A_3270, %arg8[%swap3A_3272] : memref<512xi32, #tpu.memory_space<smem>>
        %slice3A_3274 = vector.extract_strided_slice %get3A_3223 {offsets = [10], sizes = [1], strides = [1]} : vector<16xi32> to vector<1xi32>
        %squeeze3A_3275 = vector.extract %slice3A_3274[0] : i32 from vector<1xi32>
        %swap3A_3276 = arith.constant 474 : i32
        %swap3A_3277 = arith.index_cast %swap3A_3276 : i32 to index
        %swap3A_3278 = memref.load %arg8[%swap3A_3277] : memref<512xi32, #tpu.memory_space<smem>>
        memref.store %squeeze3A_3275, %arg8[%swap3A_3277] : memref<512xi32, #tpu.memory_space<smem>>
        %slice3A_3279 = vector.extract_strided_slice %get3A_3223 {offsets = [11], sizes = [1], strides = [1]} : vector<16xi32> to vector<1xi32>
        %squeeze3A_3280 = vector.extract %slice3A_3279[0] : i32 from vector<1xi32>
        %swap3A_3281 = arith.constant 475 : i32
        %swap3A_3282 = arith.index_cast %swap3A_3281 : i32 to index
        %swap3A_3283 = memref.load %arg8[%swap3A_3282] : memref<512xi32, #tpu.memory_space<smem>>
        memref.store %squeeze3A_3280, %arg8[%swap3A_3282] : memref<512xi32, #tpu.memory_space<smem>>
        %slice3A_3284 = vector.extract_strided_slice %get3A_3223 {offsets = [12], sizes = [1], strides = [1]} : vector<16xi32> to vector<1xi32>
        %squeeze3A_3285 = vector.extract %slice3A_3284[0] : i32 from vector<1xi32>
        %swap3A_3286 = arith.constant 476 : i32
        %swap3A_3287 = arith.index_cast %swap3A_3286 : i32 to index
        %swap3A_3288 = memref.load %arg8[%swap3A_3287] : memref<512xi32, #tpu.memory_space<smem>>
        memref.store %squeeze3A_3285, %arg8[%swap3A_3287] : memref<512xi32, #tpu.memory_space<smem>>
        %slice3A_3289 = vector.extract_strided_slice %get3A_3223 {offsets = [13], sizes = [1], strides = [1]} : vector<16xi32> to vector<1xi32>
        %squeeze3A_3290 = vector.extract %slice3A_3289[0] : i32 from vector<1xi32>
        %swap3A_3291 = arith.constant 477 : i32
        %swap3A_3292 = arith.index_cast %swap3A_3291 : i32 to index
        %swap3A_3293 = memref.load %arg8[%swap3A_3292] : memref<512xi32, #tpu.memory_space<smem>>
        memref.store %squeeze3A_3290, %arg8[%swap3A_3292] : memref<512xi32, #tpu.memory_space<smem>>
        %slice3A_3294 = vector.extract_strided_slice %get3A_3223 {offsets = [14], sizes = [1], strides = [1]} : vector<16xi32> to vector<1xi32>
        %squeeze3A_3295 = vector.extract %slice3A_3294[0] : i32 from vector<1xi32>
        %swap3A_3296 = arith.constant 478 : i32
        %swap3A_3297 = arith.index_cast %swap3A_3296 : i32 to index
        %swap3A_3298 = memref.load %arg8[%swap3A_3297] : memref<512xi32, #tpu.memory_space<smem>>
        memref.store %squeeze3A_3295, %arg8[%swap3A_3297] : memref<512xi32, #tpu.memory_space<smem>>
        %slice3A_3299 = vector.extract_strided_slice %get3A_3223 {offsets = [15], sizes = [1], strides = [1]} : vector<16xi32> to vector<1xi32>
        %squeeze3A_3300 = vector.extract %slice3A_3299[0] : i32 from vector<1xi32>
        %swap3A_3301 = arith.constant 479 : i32
        %swap3A_3302 = arith.index_cast %swap3A_3301 : i32 to index
        %swap3A_3303 = memref.load %arg8[%swap3A_3302] : memref<512xi32, #tpu.memory_space<smem>>
        memref.store %squeeze3A_3300, %arg8[%swap3A_3302] : memref<512xi32, #tpu.memory_space<smem>>
        %get3A_3304 = arith.constant 480 : index
        %get3A_3305 = tpu.vector_load %arg10[%get3A_3304] {strides = array<i32>} : memref<512xi32, #tpu.memory_space<vmem>>, vector<16xi32>,
        %get3A_3306 = vector.shape_cast %get3A_3305 : vector<16xi32> to vector<16xi32>
        %slice3A_3307 = vector.extract_strided_slice %get3A_3306 {offsets = [0], sizes = [1], strides = [1]} : vector<16xi32> to vector<1xi32>
        %squeeze3A_3308 = vector.extract %slice3A_3307[0] : i32 from vector<1xi32>
        %swap3A_3309 = arith.constant 480 : i32
        %swap3A_3310 = arith.index_cast %swap3A_3309 : i32 to index
        %swap3A_3311 = memref.load %arg8[%swap3A_3310] : memref<512xi32, #tpu.memory_space<smem>>
        memref.store %squeeze3A_3308, %arg8[%swap3A_3310] : memref<512xi32, #tpu.memory_space<smem>>
        %slice3A_3312 = vector.extract_strided_slice %get3A_3306 {offsets = [1], sizes = [1], strides = [1]} : vector<16xi32> to vector<1xi32>
        %squeeze3A_3313 = vector.extract %slice3A_3312[0] : i32 from vector<1xi32>
        %swap3A_3314 = arith.constant 481 : i32
        %swap3A_3315 = arith.index_cast %swap3A_3314 : i32 to index
        %swap3A_3316 = memref.load %arg8[%swap3A_3315] : memref<512xi32, #tpu.memory_space<smem>>
        memref.store %squeeze3A_3313, %arg8[%swap3A_3315] : memref<512xi32, #tpu.memory_space<smem>>
        %slice3A_3317 = vector.extract_strided_slice %get3A_3306 {offsets = [2], sizes = [1], strides = [1]} : vector<16xi32> to vector<1xi32>
        %squeeze3A_3318 = vector.extract %slice3A_3317[0] : i32 from vector<1xi32>
        %swap3A_3319 = arith.constant 482 : i32
        %swap3A_3320 = arith.index_cast %swap3A_3319 : i32 to index
        %swap3A_3321 = memref.load %arg8[%swap3A_3320] : memref<512xi32, #tpu.memory_space<smem>>
        memref.store %squeeze3A_3318, %arg8[%swap3A_3320] : memref<512xi32, #tpu.memory_space<smem>>
        %slice3A_3322 = vector.extract_strided_slice %get3A_3306 {offsets = [3], sizes = [1], strides = [1]} : vector<16xi32> to vector<1xi32>
        %squeeze3A_3323 = vector.extract %slice3A_3322[0] : i32 from vector<1xi32>
        %swap3A_3324 = arith.constant 483 : i32
        %swap3A_3325 = arith.index_cast %swap3A_3324 : i32 to index
        %swap3A_3326 = memref.load %arg8[%swap3A_3325] : memref<512xi32, #tpu.memory_space<smem>>
        memref.store %squeeze3A_3323, %arg8[%swap3A_3325] : memref<512xi32, #tpu.memory_space<smem>>
        %slice3A_3327 = vector.extract_strided_slice %get3A_3306 {offsets = [4], sizes = [1], strides = [1]} : vector<16xi32> to vector<1xi32>
        %squeeze3A_3328 = vector.extract %slice3A_3327[0] : i32 from vector<1xi32>
        %swap3A_3329 = arith.constant 484 : i32
        %swap3A_3330 = arith.index_cast %swap3A_3329 : i32 to index
        %swap3A_3331 = memref.load %arg8[%swap3A_3330] : memref<512xi32, #tpu.memory_space<smem>>
        memref.store %squeeze3A_3328, %arg8[%swap3A_3330] : memref<512xi32, #tpu.memory_space<smem>>
        %slice3A_3332 = vector.extract_strided_slice %get3A_3306 {offsets = [5], sizes = [1], strides = [1]} : vector<16xi32> to vector<1xi32>
        %squeeze3A_3333 = vector.extract %slice3A_3332[0] : i32 from vector<1xi32>
        %swap3A_3334 = arith.constant 485 : i32
        %swap3A_3335 = arith.index_cast %swap3A_3334 : i32 to index
        %swap3A_3336 = memref.load %arg8[%swap3A_3335] : memref<512xi32, #tpu.memory_space<smem>>
        memref.store %squeeze3A_3333, %arg8[%swap3A_3335] : memref<512xi32, #tpu.memory_space<smem>>
        %slice3A_3337 = vector.extract_strided_slice %get3A_3306 {offsets = [6], sizes = [1], strides = [1]} : vector<16xi32> to vector<1xi32>
        %squeeze3A_3338 = vector.extract %slice3A_3337[0] : i32 from vector<1xi32>
        %swap3A_3339 = arith.constant 486 : i32
        %swap3A_3340 = arith.index_cast %swap3A_3339 : i32 to index
        %swap3A_3341 = memref.load %arg8[%swap3A_3340] : memref<512xi32, #tpu.memory_space<smem>>
        memref.store %squeeze3A_3338, %arg8[%swap3A_3340] : memref<512xi32, #tpu.memory_space<smem>>
        %slice3A_3342 = vector.extract_strided_slice %get3A_3306 {offsets = [7], sizes = [1], strides = [1]} : vector<16xi32> to vector<1xi32>
        %squeeze3A_3343 = vector.extract %slice3A_3342[0] : i32 from vector<1xi32>
        %swap3A_3344 = arith.constant 487 : i32
        %swap3A_3345 = arith.index_cast %swap3A_3344 : i32 to index
        %swap3A_3346 = memref.load %arg8[%swap3A_3345] : memref<512xi32, #tpu.memory_space<smem>>
        memref.store %squeeze3A_3343, %arg8[%swap3A_3345] : memref<512xi32, #tpu.memory_space<smem>>
        %slice3A_3347 = vector.extract_strided_slice %get3A_3306 {offsets = [8], sizes = [1], strides = [1]} : vector<16xi32> to vector<1xi32>
        %squeeze3A_3348 = vector.extract %slice3A_3347[0] : i32 from vector<1xi32>
        %swap3A_3349 = arith.constant 488 : i32
        %swap3A_3350 = arith.index_cast %swap3A_3349 : i32 to index
        %swap3A_3351 = memref.load %arg8[%swap3A_3350] : memref<512xi32, #tpu.memory_space<smem>>
        memref.store %squeeze3A_3348, %arg8[%swap3A_3350] : memref<512xi32, #tpu.memory_space<smem>>
        %slice3A_3352 = vector.extract_strided_slice %get3A_3306 {offsets = [9], sizes = [1], strides = [1]} : vector<16xi32> to vector<1xi32>
        %squeeze3A_3353 = vector.extract %slice3A_3352[0] : i32 from vector<1xi32>
        %swap3A_3354 = arith.constant 489 : i32
        %swap3A_3355 = arith.index_cast %swap3A_3354 : i32 to index
        %swap3A_3356 = memref.load %arg8[%swap3A_3355] : memref<512xi32, #tpu.memory_space<smem>>
        memref.store %squeeze3A_3353, %arg8[%swap3A_3355] : memref<512xi32, #tpu.memory_space<smem>>
        %slice3A_3357 = vector.extract_strided_slice %get3A_3306 {offsets = [10], sizes = [1], strides = [1]} : vector<16xi32> to vector<1xi32>
        %squeeze3A_3358 = vector.extract %slice3A_3357[0] : i32 from vector<1xi32>
        %swap3A_3359 = arith.constant 490 : i32
        %swap3A_3360 = arith.index_cast %swap3A_3359 : i32 to index
        %swap3A_3361 = memref.load %arg8[%swap3A_3360] : memref<512xi32, #tpu.memory_space<smem>>
        memref.store %squeeze3A_3358, %arg8[%swap3A_3360] : memref<512xi32, #tpu.memory_space<smem>>
        %slice3A_3362 = vector.extract_strided_slice %get3A_3306 {offsets = [11], sizes = [1], strides = [1]} : vector<16xi32> to vector<1xi32>
        %squeeze3A_3363 = vector.extract %slice3A_3362[0] : i32 from vector<1xi32>
        %swap3A_3364 = arith.constant 491 : i32
        %swap3A_3365 = arith.index_cast %swap3A_3364 : i32 to index
        %swap3A_3366 = memref.load %arg8[%swap3A_3365] : memref<512xi32, #tpu.memory_space<smem>>
        memref.store %squeeze3A_3363, %arg8[%swap3A_3365] : memref<512xi32, #tpu.memory_space<smem>>
        %slice3A_3367 = vector.extract_strided_slice %get3A_3306 {offsets = [12], sizes = [1], strides = [1]} : vector<16xi32> to vector<1xi32>
        %squeeze3A_3368 = vector.extract %slice3A_3367[0] : i32 from vector<1xi32>
        %swap3A_3369 = arith.constant 492 : i32
        %swap3A_3370 = arith.index_cast %swap3A_3369 : i32 to index
        %swap3A_3371 = memref.load %arg8[%swap3A_3370] : memref<512xi32, #tpu.memory_space<smem>>
        memref.store %squeeze3A_3368, %arg8[%swap3A_3370] : memref<512xi32, #tpu.memory_space<smem>>
        %slice3A_3372 = vector.extract_strided_slice %get3A_3306 {offsets = [13], sizes = [1], strides = [1]} : vector<16xi32> to vector<1xi32>
        %squeeze3A_3373 = vector.extract %slice3A_3372[0] : i32 from vector<1xi32>
        %swap3A_3374 = arith.constant 493 : i32
        %swap3A_3375 = arith.index_cast %swap3A_3374 : i32 to index
        %swap3A_3376 = memref.load %arg8[%swap3A_3375] : memref<512xi32, #tpu.memory_space<smem>>
        memref.store %squeeze3A_3373, %arg8[%swap3A_3375] : memref<512xi32, #tpu.memory_space<smem>>
        %slice3A_3377 = vector.extract_strided_slice %get3A_3306 {offsets = [14], sizes = [1], strides = [1]} : vector<16xi32> to vector<1xi32>
        %squeeze3A_3378 = vector.extract %slice3A_3377[0] : i32 from vector<1xi32>
        %swap3A_3379 = arith.constant 494 : i32
        %swap3A_3380 = arith.index_cast %swap3A_3379 : i32 to index
        %swap3A_3381 = memref.load %arg8[%swap3A_3380] : memref<512xi32, #tpu.memory_space<smem>>
        memref.store %squeeze3A_3378, %arg8[%swap3A_3380] : memref<512xi32, #tpu.memory_space<smem>>
        %slice3A_3382 = vector.extract_strided_slice %get3A_3306 {offsets = [15], sizes = [1], strides = [1]} : vector<16xi32> to vector<1xi32>
        %squeeze3A_3383 = vector.extract %slice3A_3382[0] : i32 from vector<1xi32>
        %swap3A_3384 = arith.constant 495 : i32
        %swap3A_3385 = arith.index_cast %swap3A_3384 : i32 to index
        %swap3A_3386 = memref.load %arg8[%swap3A_3385] : memref<512xi32, #tpu.memory_space<smem>>
        memref.store %squeeze3A_3383, %arg8[%swap3A_3385] : memref<512xi32, #tpu.memory_space<smem>>
        %get3A_3387 = arith.constant 496 : index
        %get3A_3388 = tpu.vector_load %arg10[%get3A_3387] {strides = array<i32>} : memref<512xi32, #tpu.memory_space<vmem>>, vector<16xi32>,
        %get3A_3389 = vector.shape_cast %get3A_3388 : vector<16xi32> to vector<16xi32>
        %slice3A_3390 = vector.extract_strided_slice %get3A_3389 {offsets = [0], sizes = [1], strides = [1]} : vector<16xi32> to vector<1xi32>
        %squeeze3A_3391 = vector.extract %slice3A_3390[0] : i32 from vector<1xi32>
        %swap3A_3392 = arith.constant 496 : i32
        %swap3A_3393 = arith.index_cast %swap3A_3392 : i32 to index
        %swap3A_3394 = memref.load %arg8[%swap3A_3393] : memref<512xi32, #tpu.memory_space<smem>>
        memref.store %squeeze3A_3391, %arg8[%swap3A_3393] : memref<512xi32, #tpu.memory_space<smem>>
        %slice3A_3395 = vector.extract_strided_slice %get3A_3389 {offsets = [1], sizes = [1], strides = [1]} : vector<16xi32> to vector<1xi32>
        %squeeze3A_3396 = vector.extract %slice3A_3395[0] : i32 from vector<1xi32>
        %swap3A_3397 = arith.constant 497 : i32
        %swap3A_3398 = arith.index_cast %swap3A_3397 : i32 to index
        %swap3A_3399 = memref.load %arg8[%swap3A_3398] : memref<512xi32, #tpu.memory_space<smem>>
        memref.store %squeeze3A_3396, %arg8[%swap3A_3398] : memref<512xi32, #tpu.memory_space<smem>>
        %slice3A_3400 = vector.extract_strided_slice %get3A_3389 {offsets = [2], sizes = [1], strides = [1]} : vector<16xi32> to vector<1xi32>
        %squeeze3A_3401 = vector.extract %slice3A_3400[0] : i32 from vector<1xi32>
        %swap3A_3402 = arith.constant 498 : i32
        %swap3A_3403 = arith.index_cast %swap3A_3402 : i32 to index
        %swap3A_3404 = memref.load %arg8[%swap3A_3403] : memref<512xi32, #tpu.memory_space<smem>>
        memref.store %squeeze3A_3401, %arg8[%swap3A_3403] : memref<512xi32, #tpu.memory_space<smem>>
        %slice3A_3405 = vector.extract_strided_slice %get3A_3389 {offsets = [3], sizes = [1], strides = [1]} : vector<16xi32> to vector<1xi32>
        %squeeze3A_3406 = vector.extract %slice3A_3405[0] : i32 from vector<1xi32>
        %swap3A_3407 = arith.constant 499 : i32
        %swap3A_3408 = arith.index_cast %swap3A_3407 : i32 to index
        %swap3A_3409 = memref.load %arg8[%swap3A_3408] : memref<512xi32, #tpu.memory_space<smem>>
        memref.store %squeeze3A_3406, %arg8[%swap3A_3408] : memref<512xi32, #tpu.memory_space<smem>>
        %slice3A_3410 = vector.extract_strided_slice %get3A_3389 {offsets = [4], sizes = [1], strides = [1]} : vector<16xi32> to vector<1xi32>
        %squeeze3A_3411 = vector.extract %slice3A_3410[0] : i32 from vector<1xi32>
        %swap3A_3412 = arith.constant 500 : i32
        %swap3A_3413 = arith.index_cast %swap3A_3412 : i32 to index
        %swap3A_3414 = memref.load %arg8[%swap3A_3413] : memref<512xi32, #tpu.memory_space<smem>>
        memref.store %squeeze3A_3411, %arg8[%swap3A_3413] : memref<512xi32, #tpu.memory_space<smem>>
        %slice3A_3415 = vector.extract_strided_slice %get3A_3389 {offsets = [5], sizes = [1], strides = [1]} : vector<16xi32> to vector<1xi32>
        %squeeze3A_3416 = vector.extract %slice3A_3415[0] : i32 from vector<1xi32>
        %swap3A_3417 = arith.constant 501 : i32
        %swap3A_3418 = arith.index_cast %swap3A_3417 : i32 to index
        %swap3A_3419 = memref.load %arg8[%swap3A_3418] : memref<512xi32, #tpu.memory_space<smem>>
        memref.store %squeeze3A_3416, %arg8[%swap3A_3418] : memref<512xi32, #tpu.memory_space<smem>>
        %slice3A_3420 = vector.extract_strided_slice %get3A_3389 {offsets = [6], sizes = [1], strides = [1]} : vector<16xi32> to vector<1xi32>
        %squeeze3A_3421 = vector.extract %slice3A_3420[0] : i32 from vector<1xi32>
        %swap3A_3422 = arith.constant 502 : i32
        %swap3A_3423 = arith.index_cast %swap3A_3422 : i32 to index
        %swap3A_3424 = memref.load %arg8[%swap3A_3423] : memref<512xi32, #tpu.memory_space<smem>>
        memref.store %squeeze3A_3421, %arg8[%swap3A_3423] : memref<512xi32, #tpu.memory_space<smem>>
        %slice3A_3425 = vector.extract_strided_slice %get3A_3389 {offsets = [7], sizes = [1], strides = [1]} : vector<16xi32> to vector<1xi32>
        %squeeze3A_3426 = vector.extract %slice3A_3425[0] : i32 from vector<1xi32>
        %swap3A_3427 = arith.constant 503 : i32
        %swap3A_3428 = arith.index_cast %swap3A_3427 : i32 to index
        %swap3A_3429 = memref.load %arg8[%swap3A_3428] : memref<512xi32, #tpu.memory_space<smem>>
        memref.store %squeeze3A_3426, %arg8[%swap3A_3428] : memref<512xi32, #tpu.memory_space<smem>>
        %slice3A_3430 = vector.extract_strided_slice %get3A_3389 {offsets = [8], sizes = [1], strides = [1]} : vector<16xi32> to vector<1xi32>
        %squeeze3A_3431 = vector.extract %slice3A_3430[0] : i32 from vector<1xi32>
        %swap3A_3432 = arith.constant 504 : i32
        %swap3A_3433 = arith.index_cast %swap3A_3432 : i32 to index
        %swap3A_3434 = memref.load %arg8[%swap3A_3433] : memref<512xi32, #tpu.memory_space<smem>>
        memref.store %squeeze3A_3431, %arg8[%swap3A_3433] : memref<512xi32, #tpu.memory_space<smem>>
        %slice3A_3435 = vector.extract_strided_slice %get3A_3389 {offsets = [9], sizes = [1], strides = [1]} : vector<16xi32> to vector<1xi32>
        %squeeze3A_3436 = vector.extract %slice3A_3435[0] : i32 from vector<1xi32>
        %swap3A_3437 = arith.constant 505 : i32
        %swap3A_3438 = arith.index_cast %swap3A_3437 : i32 to index
        %swap3A_3439 = memref.load %arg8[%swap3A_3438] : memref<512xi32, #tpu.memory_space<smem>>
        memref.store %squeeze3A_3436, %arg8[%swap3A_3438] : memref<512xi32, #tpu.memory_space<smem>>
        %slice3A_3440 = vector.extract_strided_slice %get3A_3389 {offsets = [10], sizes = [1], strides = [1]} : vector<16xi32> to vector<1xi32>
        %squeeze3A_3441 = vector.extract %slice3A_3440[0] : i32 from vector<1xi32>
        %swap3A_3442 = arith.constant 506 : i32
        %swap3A_3443 = arith.index_cast %swap3A_3442 : i32 to index
        %swap3A_3444 = memref.load %arg8[%swap3A_3443] : memref<512xi32, #tpu.memory_space<smem>>
        memref.store %squeeze3A_3441, %arg8[%swap3A_3443] : memref<512xi32, #tpu.memory_space<smem>>
        %slice3A_3445 = vector.extract_strided_slice %get3A_3389 {offsets = [11], sizes = [1], strides = [1]} : vector<16xi32> to vector<1xi32>
        %squeeze3A_3446 = vector.extract %slice3A_3445[0] : i32 from vector<1xi32>
        %swap3A_3447 = arith.constant 507 : i32
        %swap3A_3448 = arith.index_cast %swap3A_3447 : i32 to index
        %swap3A_3449 = memref.load %arg8[%swap3A_3448] : memref<512xi32, #tpu.memory_space<smem>>
        memref.store %squeeze3A_3446, %arg8[%swap3A_3448] : memref<512xi32, #tpu.memory_space<smem>>
        %slice3A_3450 = vector.extract_strided_slice %get3A_3389 {offsets = [12], sizes = [1], strides = [1]} : vector<16xi32> to vector<1xi32>
        %squeeze3A_3451 = vector.extract %slice3A_3450[0] : i32 from vector<1xi32>
        %swap3A_3452 = arith.constant 508 : i32
        %swap3A_3453 = arith.index_cast %swap3A_3452 : i32 to index
        %swap3A_3454 = memref.load %arg8[%swap3A_3453] : memref<512xi32, #tpu.memory_space<smem>>
        memref.store %squeeze3A_3451, %arg8[%swap3A_3453] : memref<512xi32, #tpu.memory_space<smem>>
        %slice3A_3455 = vector.extract_strided_slice %get3A_3389 {offsets = [13], sizes = [1], strides = [1]} : vector<16xi32> to vector<1xi32>
        %squeeze3A_3456 = vector.extract %slice3A_3455[0] : i32 from vector<1xi32>
        %swap3A_3457 = arith.constant 509 : i32
        %swap3A_3458 = arith.index_cast %swap3A_3457 : i32 to index
        %swap3A_3459 = memref.load %arg8[%swap3A_3458] : memref<512xi32, #tpu.memory_space<smem>>
        memref.store %squeeze3A_3456, %arg8[%swap3A_3458] : memref<512xi32, #tpu.memory_space<smem>>
        %slice3A_3460 = vector.extract_strided_slice %get3A_3389 {offsets = [14], sizes = [1], strides = [1]} : vector<16xi32> to vector<1xi32>
        %squeeze3A_3461 = vector.extract %slice3A_3460[0] : i32 from vector<1xi32>
        %swap3A_3462 = arith.constant 510 : i32
        %swap3A_3463 = arith.index_cast %swap3A_3462 : i32 to index
        %swap3A_3464 = memref.load %arg8[%swap3A_3463] : memref<512xi32, #tpu.memory_space<smem>>
        memref.store %squeeze3A_3461, %arg8[%swap3A_3463] : memref<512xi32, #tpu.memory_space<smem>>
        %slice3A_3465 = vector.extract_strided_slice %get3A_3389 {offsets = [15], sizes = [1], strides = [1]} : vector<16xi32> to vector<1xi32>
        %squeeze3A_3466 = vector.extract %slice3A_3465[0] : i32 from vector<1xi32>
        %swap3A_3467 = arith.constant 511 : i32
        %swap3A_3468 = arith.index_cast %swap3A_3467 : i32 to index
        %swap3A_3469 = memref.load %arg8[%swap3A_3468] : memref<512xi32, #tpu.memory_space<smem>>
        memref.store %squeeze3A_3466, %arg8[%swap3A_3468] : memref<512xi32, #tpu.memory_space<smem>>
        %mul3A_3470 = arith.constant 8192 : i32
        %mul3A_3471 = arith.muli %scan3A_794, %mul3A_3470 : i32
        %scan3A_3472 = arith.constant 0 : i32
        %scan3A_3473 = arith.constant 0 : i32
        %scan3A_3474 = arith.constant 512 : i32
        %scan3A_3475 = arith.addi %scan3A_3473, %scan3A_3474 : i32
        %scan3A_3476 = arith.constant 1 : i32
        %scan3A_3477 = scf.for %scan3A_3479 = %scan3A_3473 to %scan3A_3475 step %scan3A_3476 iter_args(%scan3A_3480 = %scan3A_3472) -> (i32)  : i32 {
          %get3A_3481 = arith.index_cast %scan3A_3479 : i32 to index
          %get3A_3482 = memref.load %arg8[%get3A_3481] : memref<512xi32, #tpu.memory_space<smem>>
          %sub3A_3483 = arith.subi %get3A_3482, %mul3A_2 : i32
          %jit3A_3484 = arith.constant 0 : i32
          %max3A_3485 = arith.maxsi %jit3A_3484, %sub3A_3483 : i32
          %min3A_3486 = arith.minsi %min3A, %max3A_3485 : i32
          %sub3A_3487 = arith.subi %min3A_3486, %sub3A_3483 : i32
          %mul3A_3488 = arith.constant 16 : i32
          %mul3A_3489 = arith.muli %mul3A_3488, %scan3A_3479 : i32
          %get3A_3490 = arith.index_cast %mul3A_3489 : i32 to index
          %get3A_3491 = tpu.vector_load %arg9[%get3A_3490] {strides = array<i32>} : memref<8192xi32, #tpu.memory_space<vmem>>, vector<16xi32>,
          %get3A_3492 = vector.shape_cast %get3A_3491 : vector<16xi32> to vector<16xi32>
          %gt3A_3493 = arith.constant 0 : i32
          %gt3A_3494 = vector.broadcast %gt3A_3493 : i32 to vector<16xi32>
          %gt3A_3495 = arith.cmpi sgt, %get3A_3492, %gt3A_3494 : vector<16xi32>
          %jit3A_3496 = arith.constant 1 : i32
          %jit3A_3497 = arith.constant 0 : i32
          %broadcast_in_dim3A_3498 = vector.broadcast %jit3A_3496 : i32 to vector<16xi32>
          %broadcast_in_dim3A_3499 = vector.broadcast %jit3A_3497 : i32 to vector<16xi32>
          %select_n3A_3500 = arith.select %gt3A_3495, %broadcast_in_dim3A_3498, %broadcast_in_dim3A_3499 : vector<16xi1>, vector<16xi32>
          %sub3A_3501 = arith.constant 1 : i32
          %sub3A_3502 = vector.broadcast %sub3A_3501 : i32 to vector<16xi32>
          %sub3A_3503 = arith.subi %iota3A, %sub3A_3502 : vector<16xi32>
          %max3A_3504 = arith.constant 0 : i32
          %max3A_3505 = vector.broadcast %max3A_3504 : i32 to vector<16xi32>
          %max3A_3506 = arith.maxsi %sub3A_3503, %max3A_3505 : vector<16xi32>
          %lt3A_3507 = arith.constant 0 : i32
          %lt3A_3508 = vector.broadcast %lt3A_3507 : i32 to vector<16xi32>
          %lt3A_3509 = arith.cmpi slt, %max3A_3506, %lt3A_3508 : vector<16xi32>
          %add3A_3510 = arith.constant 16 : i32
          %add3A_3511 = vector.broadcast %add3A_3510 : i32 to vector<16xi32>
          %add3A_3512 = arith.addi %max3A_3506, %add3A_3511 : vector<16xi32>
          %select_n3A_3513 = arith.select %lt3A_3509, %add3A_3512, %max3A_3506 : vector<16xi1>, vector<16xi32>
          %broadcast_in_dim3A_3514 = vector.shape_cast %select_n3A_3513 : vector<16xi32> to vector<16x1xi32>
          %gather3A = vector.shape_cast %broadcast_in_dim3A_3514 : vector<16x1xi32> to vector<16xi32>
          %gather3A_3515 = tpu.dynamic_gather %select_n3A_3500[%gather3A] in [0] : vector<16xi32>, vector<16xi32> -> vector<16xi32>
          %ge3A = arith.constant 1 : i32
          %ge3A_3516 = vector.broadcast %ge3A : i32 to vector<16xi32>
          %ge3A_3517 = arith.cmpi sge, %iota3A, %ge3A_3516 : vector<16xi32>
          %jit3A_3518 = arith.constant 0 : i32
          %broadcast_in_dim3A_3519 = vector.broadcast %jit3A_3518 : i32 to vector<16xi32>
          %select_n3A_3520 = arith.select %ge3A_3517, %gather3A_3515, %broadcast_in_dim3A_3519 : vector<16xi1>, vector<16xi32>
          %add3A_3521 = arith.addi %select_n3A_3500, %select_n3A_3520 : vector<16xi32>
          %sub3A_3522 = arith.constant 2 : i32
          %sub3A_3523 = vector.broadcast %sub3A_3522 : i32 to vector<16xi32>
          %sub3A_3524 = arith.subi %iota3A, %sub3A_3523 : vector<16xi32>
          %max3A_3525 = arith.constant 0 : i32
          %max3A_3526 = vector.broadcast %max3A_3525 : i32 to vector<16xi32>
          %max3A_3527 = arith.maxsi %sub3A_3524, %max3A_3526 : vector<16xi32>
          %lt3A_3528 = arith.constant 0 : i32
          %lt3A_3529 = vector.broadcast %lt3A_3528 : i32 to vector<16xi32>
          %lt3A_3530 = arith.cmpi slt, %max3A_3527, %lt3A_3529 : vector<16xi32>
          %add3A_3531 = arith.constant 16 : i32
          %add3A_3532 = vector.broadcast %add3A_3531 : i32 to vector<16xi32>
          %add3A_3533 = arith.addi %max3A_3527, %add3A_3532 : vector<16xi32>
          %select_n3A_3534 = arith.select %lt3A_3530, %add3A_3533, %max3A_3527 : vector<16xi1>, vector<16xi32>
          %broadcast_in_dim3A_3535 = vector.shape_cast %select_n3A_3534 : vector<16xi32> to vector<16x1xi32>
          %gather3A_3536 = vector.shape_cast %broadcast_in_dim3A_3535 : vector<16x1xi32> to vector<16xi32>
          %gather3A_3537 = tpu.dynamic_gather %add3A_3521[%gather3A_3536] in [0] : vector<16xi32>, vector<16xi32> -> vector<16xi32>
          %ge3A_3538 = arith.constant 2 : i32
          %ge3A_3539 = vector.broadcast %ge3A_3538 : i32 to vector<16xi32>
          %ge3A_3540 = arith.cmpi sge, %iota3A, %ge3A_3539 : vector<16xi32>
          %jit3A_3541 = arith.constant 0 : i32
          %broadcast_in_dim3A_3542 = vector.broadcast %jit3A_3541 : i32 to vector<16xi32>
          %select_n3A_3543 = arith.select %ge3A_3540, %gather3A_3537, %broadcast_in_dim3A_3542 : vector<16xi1>, vector<16xi32>
          %add3A_3544 = arith.addi %add3A_3521, %select_n3A_3543 : vector<16xi32>
          %sub3A_3545 = arith.constant 4 : i32
          %sub3A_3546 = vector.broadcast %sub3A_3545 : i32 to vector<16xi32>
          %sub3A_3547 = arith.subi %iota3A, %sub3A_3546 : vector<16xi32>
          %max3A_3548 = arith.constant 0 : i32
          %max3A_3549 = vector.broadcast %max3A_3548 : i32 to vector<16xi32>
          %max3A_3550 = arith.maxsi %sub3A_3547, %max3A_3549 : vector<16xi32>
          %lt3A_3551 = arith.constant 0 : i32
          %lt3A_3552 = vector.broadcast %lt3A_3551 : i32 to vector<16xi32>
          %lt3A_3553 = arith.cmpi slt, %max3A_3550, %lt3A_3552 : vector<16xi32>
          %add3A_3554 = arith.constant 16 : i32
          %add3A_3555 = vector.broadcast %add3A_3554 : i32 to vector<16xi32>
          %add3A_3556 = arith.addi %max3A_3550, %add3A_3555 : vector<16xi32>
          %select_n3A_3557 = arith.select %lt3A_3553, %add3A_3556, %max3A_3550 : vector<16xi1>, vector<16xi32>
          %broadcast_in_dim3A_3558 = vector.shape_cast %select_n3A_3557 : vector<16xi32> to vector<16x1xi32>
          %gather3A_3559 = vector.shape_cast %broadcast_in_dim3A_3558 : vector<16x1xi32> to vector<16xi32>
          %gather3A_3560 = tpu.dynamic_gather %add3A_3544[%gather3A_3559] in [0] : vector<16xi32>, vector<16xi32> -> vector<16xi32>
          %ge3A_3561 = arith.constant 4 : i32
          %ge3A_3562 = vector.broadcast %ge3A_3561 : i32 to vector<16xi32>
          %ge3A_3563 = arith.cmpi sge, %iota3A, %ge3A_3562 : vector<16xi32>
          %jit3A_3564 = arith.constant 0 : i32
          %broadcast_in_dim3A_3565 = vector.broadcast %jit3A_3564 : i32 to vector<16xi32>
          %select_n3A_3566 = arith.select %ge3A_3563, %gather3A_3560, %broadcast_in_dim3A_3565 : vector<16xi1>, vector<16xi32>
          %add3A_3567 = arith.addi %add3A_3544, %select_n3A_3566 : vector<16xi32>
          %sub3A_3568 = arith.constant 8 : i32
          %sub3A_3569 = vector.broadcast %sub3A_3568 : i32 to vector<16xi32>
          %sub3A_3570 = arith.subi %iota3A, %sub3A_3569 : vector<16xi32>
          %max3A_3571 = arith.constant 0 : i32
          %max3A_3572 = vector.broadcast %max3A_3571 : i32 to vector<16xi32>
          %max3A_3573 = arith.maxsi %sub3A_3570, %max3A_3572 : vector<16xi32>
          %lt3A_3574 = arith.constant 0 : i32
          %lt3A_3575 = vector.broadcast %lt3A_3574 : i32 to vector<16xi32>
          %lt3A_3576 = arith.cmpi slt, %max3A_3573, %lt3A_3575 : vector<16xi32>
          %add3A_3577 = arith.constant 16 : i32
          %add3A_3578 = vector.broadcast %add3A_3577 : i32 to vector<16xi32>
          %add3A_3579 = arith.addi %max3A_3573, %add3A_3578 : vector<16xi32>
          %select_n3A_3580 = arith.select %lt3A_3576, %add3A_3579, %max3A_3573 : vector<16xi1>, vector<16xi32>
          %broadcast_in_dim3A_3581 = vector.shape_cast %select_n3A_3580 : vector<16xi32> to vector<16x1xi32>
          %gather3A_3582 = vector.shape_cast %broadcast_in_dim3A_3581 : vector<16x1xi32> to vector<16xi32>
          %gather3A_3583 = tpu.dynamic_gather %add3A_3567[%gather3A_3582] in [0] : vector<16xi32>, vector<16xi32> -> vector<16xi32>
          %ge3A_3584 = arith.constant 8 : i32
          %ge3A_3585 = vector.broadcast %ge3A_3584 : i32 to vector<16xi32>
          %ge3A_3586 = arith.cmpi sge, %iota3A, %ge3A_3585 : vector<16xi32>
          %jit3A_3587 = arith.constant 0 : i32
          %broadcast_in_dim3A_3588 = vector.broadcast %jit3A_3587 : i32 to vector<16xi32>
          %select_n3A_3589 = arith.select %ge3A_3586, %gather3A_3583, %broadcast_in_dim3A_3588 : vector<16xi1>, vector<16xi32>
          %add3A_3590 = arith.addi %add3A_3567, %select_n3A_3589 : vector<16xi32>
          %add3A_3591 = arith.constant 1 : i32
          %add3A_3592 = vector.broadcast %add3A_3591 : i32 to vector<16xi32>
          %add3A_3593 = arith.addi %iota3A, %add3A_3592 : vector<16xi32>
          %add3A_3594 = vector.broadcast %sub3A_3487 : i32 to vector<16xi32>
          %add3A_3595 = arith.addi %add3A_3593, %add3A_3594 : vector<16xi32>
          %broadcast_in_dim3A_3596 = arith.constant 0 : i32
          %broadcast_in_dim3A_3597 = vector.broadcast %broadcast_in_dim3A_3596 : i32 to vector<16xi32>
          %add3A_3598 = arith.constant 7 : i32
          %add3A_3599 = vector.broadcast %add3A_3598 : i32 to vector<16xi32>
          %add3A_3600 = arith.addi %broadcast_in_dim3A_3597, %add3A_3599 : vector<16xi32>
          %lt3A_3601 = arith.constant 0 : i32
          %lt3A_3602 = vector.broadcast %lt3A_3601 : i32 to vector<16xi32>
          %lt3A_3603 = arith.cmpi slt, %add3A_3600, %lt3A_3602 : vector<16xi32>
          %add3A_3604 = arith.constant 16 : i32
          %add3A_3605 = vector.broadcast %add3A_3604 : i32 to vector<16xi32>
          %add3A_3606 = arith.addi %add3A_3600, %add3A_3605 : vector<16xi32>
          %select_n3A_3607 = arith.select %lt3A_3603, %add3A_3606, %add3A_3600 : vector<16xi1>, vector<16xi32>
          %broadcast_in_dim3A_3608 = vector.shape_cast %select_n3A_3607 : vector<16xi32> to vector<16x1xi32>
          %gather3A_3609 = vector.shape_cast %broadcast_in_dim3A_3608 : vector<16x1xi32> to vector<16xi32>
          %gather3A_3610 = tpu.dynamic_gather %add3A_3590[%gather3A_3609] in [0] : vector<16xi32>, vector<16xi32> -> vector<16xi32>
          %lt3A_3611 = arith.cmpi slt, %gather3A_3610, %add3A_3595 : vector<16xi32>
          %jit3A_3612 = arith.constant 8 : i32
          %jit3A_3613 = arith.constant 0 : i32
          %broadcast_in_dim3A_3614 = vector.broadcast %jit3A_3612 : i32 to vector<16xi32>
          %broadcast_in_dim3A_3615 = vector.broadcast %jit3A_3613 : i32 to vector<16xi32>
          %select_n3A_3616 = arith.select %lt3A_3611, %broadcast_in_dim3A_3614, %broadcast_in_dim3A_3615 : vector<16xi1>, vector<16xi32>
          %add3A_3617 = arith.addi %broadcast_in_dim3A_3597, %select_n3A_3616 : vector<16xi32>
          %add3A_3618 = arith.constant 3 : i32
          %add3A_3619 = vector.broadcast %add3A_3618 : i32 to vector<16xi32>
          %add3A_3620 = arith.addi %add3A_3617, %add3A_3619 : vector<16xi32>
          %lt3A_3621 = arith.constant 0 : i32
          %lt3A_3622 = vector.broadcast %lt3A_3621 : i32 to vector<16xi32>
          %lt3A_3623 = arith.cmpi slt, %add3A_3620, %lt3A_3622 : vector<16xi32>
          %add3A_3624 = arith.constant 16 : i32
          %add3A_3625 = vector.broadcast %add3A_3624 : i32 to vector<16xi32>
          %add3A_3626 = arith.addi %add3A_3620, %add3A_3625 : vector<16xi32>
          %select_n3A_3627 = arith.select %lt3A_3623, %add3A_3626, %add3A_3620 : vector<16xi1>, vector<16xi32>
          %broadcast_in_dim3A_3628 = vector.shape_cast %select_n3A_3627 : vector<16xi32> to vector<16x1xi32>
          %gather3A_3629 = vector.shape_cast %broadcast_in_dim3A_3628 : vector<16x1xi32> to vector<16xi32>
          %gather3A_3630 = tpu.dynamic_gather %add3A_3590[%gather3A_3629] in [0] : vector<16xi32>, vector<16xi32> -> vector<16xi32>
          %lt3A_3631 = arith.cmpi slt, %gather3A_3630, %add3A_3595 : vector<16xi32>
          %jit3A_3632 = arith.constant 4 : i32
          %jit3A_3633 = arith.constant 0 : i32
          %broadcast_in_dim3A_3634 = vector.broadcast %jit3A_3632 : i32 to vector<16xi32>
          %broadcast_in_dim3A_3635 = vector.broadcast %jit3A_3633 : i32 to vector<16xi32>
          %select_n3A_3636 = arith.select %lt3A_3631, %broadcast_in_dim3A_3634, %broadcast_in_dim3A_3635 : vector<16xi1>, vector<16xi32>
          %add3A_3637 = arith.addi %add3A_3617, %select_n3A_3636 : vector<16xi32>
          %add3A_3638 = arith.constant 1 : i32
          %add3A_3639 = vector.broadcast %add3A_3638 : i32 to vector<16xi32>
          %add3A_3640 = arith.addi %add3A_3637, %add3A_3639 : vector<16xi32>
          %lt3A_3641 = arith.constant 0 : i32
          %lt3A_3642 = vector.broadcast %lt3A_3641 : i32 to vector<16xi32>
          %lt3A_3643 = arith.cmpi slt, %add3A_3640, %lt3A_3642 : vector<16xi32>
          %add3A_3644 = arith.constant 16 : i32
          %add3A_3645 = vector.broadcast %add3A_3644 : i32 to vector<16xi32>
          %add3A_3646 = arith.addi %add3A_3640, %add3A_3645 : vector<16xi32>
          %select_n3A_3647 = arith.select %lt3A_3643, %add3A_3646, %add3A_3640 : vector<16xi1>, vector<16xi32>
          %broadcast_in_dim3A_3648 = vector.shape_cast %select_n3A_3647 : vector<16xi32> to vector<16x1xi32>
          %gather3A_3649 = vector.shape_cast %broadcast_in_dim3A_3648 : vector<16x1xi32> to vector<16xi32>
          %gather3A_3650 = tpu.dynamic_gather %add3A_3590[%gather3A_3649] in [0] : vector<16xi32>, vector<16xi32> -> vector<16xi32>
          %lt3A_3651 = arith.cmpi slt, %gather3A_3650, %add3A_3595 : vector<16xi32>
          %jit3A_3652 = arith.constant 2 : i32
          %jit3A_3653 = arith.constant 0 : i32
          %broadcast_in_dim3A_3654 = vector.broadcast %jit3A_3652 : i32 to vector<16xi32>
          %broadcast_in_dim3A_3655 = vector.broadcast %jit3A_3653 : i32 to vector<16xi32>
          %select_n3A_3656 = arith.select %lt3A_3651, %broadcast_in_dim3A_3654, %broadcast_in_dim3A_3655 : vector<16xi1>, vector<16xi32>
          %add3A_3657 = arith.addi %add3A_3637, %select_n3A_3656 : vector<16xi32>
          %add3A_3658 = arith.constant 0 : i32
          %add3A_3659 = vector.broadcast %add3A_3658 : i32 to vector<16xi32>
          %add3A_3660 = arith.addi %add3A_3657, %add3A_3659 : vector<16xi32>
          %lt3A_3661 = arith.constant 0 : i32
          %lt3A_3662 = vector.broadcast %lt3A_3661 : i32 to vector<16xi32>
          %lt3A_3663 = arith.cmpi slt, %add3A_3660, %lt3A_3662 : vector<16xi32>
          %add3A_3664 = arith.constant 16 : i32
          %add3A_3665 = vector.broadcast %add3A_3664 : i32 to vector<16xi32>
          %add3A_3666 = arith.addi %add3A_3660, %add3A_3665 : vector<16xi32>
          %select_n3A_3667 = arith.select %lt3A_3663, %add3A_3666, %add3A_3660 : vector<16xi1>, vector<16xi32>
          %broadcast_in_dim3A_3668 = vector.shape_cast %select_n3A_3667 : vector<16xi32> to vector<16x1xi32>
          %gather3A_3669 = vector.shape_cast %broadcast_in_dim3A_3668 : vector<16x1xi32> to vector<16xi32>
          %gather3A_3670 = tpu.dynamic_gather %add3A_3590[%gather3A_3669] in [0] : vector<16xi32>, vector<16xi32> -> vector<16xi32>
          %lt3A_3671 = arith.cmpi slt, %gather3A_3670, %add3A_3595 : vector<16xi32>
          %jit3A_3672 = arith.constant 1 : i32
          %jit3A_3673 = arith.constant 0 : i32
          %broadcast_in_dim3A_3674 = vector.broadcast %jit3A_3672 : i32 to vector<16xi32>
          %broadcast_in_dim3A_3675 = vector.broadcast %jit3A_3673 : i32 to vector<16xi32>
          %select_n3A_3676 = arith.select %lt3A_3671, %broadcast_in_dim3A_3674, %broadcast_in_dim3A_3675 : vector<16xi1>, vector<16xi32>
          %add3A_3677 = arith.addi %add3A_3657, %select_n3A_3676 : vector<16xi32>
          %mul3A_3678 = arith.constant 16 : i32
          %mul3A_3679 = arith.muli %mul3A_3678, %scan3A_3479 : i32
          %add3A_3680 = arith.addi %mul3A_3471, %mul3A_3679 : i32
          %add3A_3681 = vector.broadcast %add3A_3680 : i32 to vector<16xi32>
          %add3A_3682 = arith.addi %add3A_3681, %add3A_3677 : vector<16xi32>
          %and3A_3683 = arith.constant 15 : i32
          %and3A_3684 = arith.andi %min3A_3486, %and3A_3683 : i32
          %sub3A_3685 = arith.subi %min3A_3486, %and3A_3684 : i32
          %sub3A_3686 = vector.broadcast %and3A_3684 : i32 to vector<16xi32>
          %sub3A_3687 = arith.subi %iota3A, %sub3A_3686 : vector<16xi32>
          %and3A_3688 = arith.constant 15 : i32
          %and3A_3689 = vector.broadcast %and3A_3688 : i32 to vector<16xi32>
          %and3A_3690 = arith.andi %sub3A_3687, %and3A_3689 : vector<16xi32>
          %lt3A_3691 = arith.constant 0 : i32
          %lt3A_3692 = vector.broadcast %lt3A_3691 : i32 to vector<16xi32>
          %lt3A_3693 = arith.cmpi slt, %and3A_3690, %lt3A_3692 : vector<16xi32>
          %add3A_3694 = arith.constant 16 : i32
          %add3A_3695 = vector.broadcast %add3A_3694 : i32 to vector<16xi32>
          %add3A_3696 = arith.addi %and3A_3690, %add3A_3695 : vector<16xi32>
          %select_n3A_3697 = arith.select %lt3A_3693, %add3A_3696, %and3A_3690 : vector<16xi1>, vector<16xi32>
          %broadcast_in_dim3A_3698 = vector.shape_cast %select_n3A_3697 : vector<16xi32> to vector<16x1xi32>
          %gather3A_3699 = vector.shape_cast %broadcast_in_dim3A_3698 : vector<16x1xi32> to vector<16xi32>
          %gather3A_3700 = tpu.dynamic_gather %add3A_3682[%gather3A_3699] in [0] : vector<16xi32>, vector<16xi32> -> vector<16xi32>
          %get3A_3701 = arith.index_cast %sub3A_3685 : i32 to index
          %get3A_3702 = tpu.vector_load %arg11[%get3A_3701] {strides = array<i32>} : memref<32800xi32, #tpu.memory_space<vmem>>, vector<16xi32>,
          %get3A_3703 = vector.shape_cast %get3A_3702 : vector<16xi32> to vector<16xi32>
          %ge3A_3704 = vector.broadcast %and3A_3684 : i32 to vector<16xi32>
          %ge3A_3705 = arith.cmpi sge, %iota3A, %ge3A_3704 : vector<16xi32>
          %select_n3A_3706 = arith.select %ge3A_3705, %gather3A_3700, %get3A_3703 : vector<16xi1>, vector<16xi32>
          %swap3A_3707 = arith.index_cast %sub3A_3685 : i32 to index
          %swap3A_3708 = tpu.vector_load %arg11[%swap3A_3707] {strides = array<i32>} : memref<32800xi32, #tpu.memory_space<vmem>>, vector<16xi32>,
          %swap3A_3709 = vector.shape_cast %swap3A_3708 : vector<16xi32> to vector<16xi32>
          %swap3A_3710 = vector.shape_cast %select_n3A_3706 : vector<16xi32> to vector<16xi32>
          tpu.vector_store %arg11[%swap3A_3707], %swap3A_3710 {strides = array<i32>} : memref<32800xi32, #tpu.memory_space<vmem>>, vector<16xi32>,
          %add3A_3711 = arith.constant 16 : i32
          %add3A_3712 = arith.addi %sub3A_3685, %add3A_3711 : i32
          %swap3A_3713 = arith.index_cast %add3A_3712 : i32 to index
          %swap3A_3714 = tpu.vector_load %arg11[%swap3A_3713] {strides = array<i32>} : memref<32800xi32, #tpu.memory_space<vmem>>, vector<16xi32>,
          %swap3A_3715 = vector.shape_cast %swap3A_3714 : vector<16xi32> to vector<16xi32>
          %swap3A_3716 = vector.shape_cast %gather3A_3700 : vector<16xi32> to vector<16xi32>
          tpu.vector_store %arg11[%swap3A_3713], %swap3A_3716 {strides = array<i32>} : memref<32800xi32, #tpu.memory_space<vmem>>, vector<16xi32>,
          %scan3A_3717 = arith.constant 0 : i32
          scf.yield %scan3A_3717 : i32
        }
        %scan3A_3478 = arith.constant 512 : i32
      } else {
      }
      %scan3A_809 = arith.constant 0 : i32
      scf.yield %scan3A_809 : i32
    }
    %scan3A_763 = arith.constant 128 : i32
    %and3A = arith.constant 15 : i32
    %and3A_764 = arith.andi %min3A, %and3A : i32
    %sub3A_765 = arith.subi %min3A, %and3A_764 : i32
    %get3A_766 = arith.index_cast %sub3A_765 : i32 to index
    %get3A_767 = tpu.vector_load %arg11[%get3A_766] {strides = array<i32>} : memref<32800xi32, #tpu.memory_space<vmem>>, vector<16xi32>,
    %get3A_768 = vector.shape_cast %get3A_767 : vector<16xi32> to vector<16xi32>
    %lt3A = vector.broadcast %and3A_764 : i32 to vector<16xi32>
    %lt3A_769 = arith.cmpi slt, %iota3A, %lt3A : vector<16xi32>
    %select_n3A = arith.select %lt3A_769, %get3A_768, %broadcast_in_dim3A_3 : vector<16xi1>, vector<16xi32>
    %swap3A_770 = arith.index_cast %sub3A_765 : i32 to index
    %swap3A_771 = tpu.vector_load %arg11[%swap3A_770] {strides = array<i32>} : memref<32800xi32, #tpu.memory_space<vmem>>, vector<16xi32>,
    %swap3A_772 = vector.shape_cast %swap3A_771 : vector<16xi32> to vector<16xi32>
    %swap3A_773 = vector.shape_cast %select_n3A : vector<16xi32> to vector<16xi32>
    tpu.vector_store %arg11[%swap3A_770], %swap3A_773 {strides = array<i32>} : memref<32800xi32, #tpu.memory_space<vmem>>, vector<16xi32>,
    %add3A_774 = arith.constant 16 : i32
    %add3A_775 = arith.addi %sub3A_765, %add3A_774 : i32
    %swap3A_776 = arith.index_cast %add3A_775 : i32 to index
    %swap3A_777 = tpu.vector_load %arg11[%swap3A_776] {strides = array<i32>} : memref<32800xi32, #tpu.memory_space<vmem>>, vector<16xi32>,
    %swap3A_778 = vector.shape_cast %swap3A_777 : vector<16xi32> to vector<16xi32>
    %swap3A_779 = vector.shape_cast %broadcast_in_dim3A_3 : vector<16xi32> to vector<16xi32>
    tpu.vector_store %arg11[%swap3A_776], %swap3A_779 {strides = array<i32>} : memref<32800xi32, #tpu.memory_space<vmem>>, vector<16xi32>,
    %scan3A_780 = arith.constant 0 : i32
    %scan3A_781 = arith.constant 0 : i32
    %scan3A_782 = arith.constant 64 : i32
    %scan3A_783 = arith.addi %scan3A_781, %scan3A_782 : i32
    %scan3A_784 = arith.constant 1 : i32
    %scan3A_785 = scf.for %scan3A_794 = %scan3A_781 to %scan3A_783 step %scan3A_784 iter_args(%scan3A_795 = %scan3A_780) -> (i32)  : i32 {
      %mul3A_796 = arith.constant 512 : i32
      %mul3A_797 = arith.muli %scan3A_794, %mul3A_796 : i32
      %lt3A_798 = arith.cmpi slt, %mul3A_797, %min3A : i32
      %convert_element_type3A = arith.extui %lt3A_798 : i1 to i32
      %cond3A = arith.constant 0 : i32
      %cond3A_799 = arith.cmpi ne, %convert_element_type3A, %cond3A : i32
      scf.if %cond3A_799 {
        %scan3A_801 = arith.constant 0 : i32
        %scan3A_802 = arith.constant 0 : i32
        %scan3A_803 = arith.constant 4 : i32
        %scan3A_804 = arith.addi %scan3A_802, %scan3A_803 : i32
        %scan3A_805 = arith.constant 1 : i32
        %scan3A_806 = scf.for %scan3A_818 = %scan3A_802 to %scan3A_804 step %scan3A_805 iter_args(%scan3A_819 = %scan3A_801) -> (i32)  : i32 {
          %mul3A_820 = arith.constant 4 : i32
          %mul3A_821 = arith.muli %scan3A_794, %mul3A_820 : i32
          %add3A_822 = arith.addi %mul3A_821, %scan3A_818 : i32
          %mul3A_823 = arith.constant 128 : i32
          %mul3A_824 = arith.muli %add3A_822, %mul3A_823 : i32
          %mul3A_825 = arith.constant 128 : i32
          %mul3A_826 = arith.muli %scan3A_818, %mul3A_825 : i32
          %dma_start3A = arith.constant 0 : i32
          %dma_start3A_827 = tpu.memref_slice %arg12[%mul3A_826, %dma_start3A] : memref<512x128xf32, #tpu.memory_space<vmem>> -> memref<128x128xf32, #tpu.memory_space<vmem>>
          %dma_start3A_828 = tpu.memref_slice %arg11[%mul3A_824] : memref<32800xi32, #tpu.memory_space<vmem>> -> memref<128xi32, #tpu.memory_space<vmem>>
          %dma_start3A_829 = arith.constant 0 : i32
          %dma_start3A_830 = arith.constant 0 : i32
          %dma_start3A_831 = tpu.memref_slice %arg2[%dma_start3A_829, %dma_start3A_830] : memref<1056768x128xf32, #tpu.memory_space<hbm>> -> memref<1056768x128xf32, #tpu.memory_space<hbm>>
          tpu.enqueue_indirect_dma source(%dma_start3A_831 : memref<1056768x128xf32, #tpu.memory_space<hbm>>) target(%dma_start3A_827 : memref<128x128xf32, #tpu.memory_space<vmem>>) offsets(%dma_start3A_828 : memref<128xi32, #tpu.memory_space<vmem>>) semaphore(%arg13 : memref<!tpu.dma_semaphore, #tpu.memory_space<semaphore_mem>>)
          %scan3A_832 = arith.constant 0 : i32
          scf.yield %scan3A_832 : i32
        }
        %scan3A_807 = arith.constant 4 : i32
        %scan3A_808 = arith.constant 0 : i32
        %scan3A_809 = arith.constant 0 : i32
        %scan3A_810 = arith.constant 4 : i32
        %scan3A_811 = arith.addi %scan3A_809, %scan3A_810 : i32
        %scan3A_812 = arith.constant 1 : i32
        %scan3A_813 = scf.for %scan3A_818 = %scan3A_809 to %scan3A_811 step %scan3A_812 iter_args(%scan3A_819 = %scan3A_808) -> (i32)  : i32 {
          %mul3A_820 = arith.constant 128 : i32
          %mul3A_821 = arith.muli %scan3A_818, %mul3A_820 : i32
          %dma_wait3A = arith.constant 0 : i32
          %dma_wait3A_822 = tpu.memref_slice %arg12[%mul3A_821, %dma_wait3A] : memref<512x128xf32, #tpu.memory_space<vmem>> -> memref<128x128xf32, #tpu.memory_space<vmem>>
          %dma_wait3A_823 = arith.constant 0 : i32
          %dma_wait3A_824 = tpu.memref_slice %arg11[%dma_wait3A_823] : memref<32800xi32, #tpu.memory_space<vmem>> -> memref<128xi32, #tpu.memory_space<vmem>>
          %dma_wait3A_825 = arith.constant 0 : i32
          %dma_wait3A_826 = arith.constant 0 : i32
          %dma_wait3A_827 = tpu.memref_slice %arg2[%dma_wait3A_825, %dma_wait3A_826] : memref<1056768x128xf32, #tpu.memory_space<hbm>> -> memref<1056768x128xf32, #tpu.memory_space<hbm>>
          tpu.wait_indirect_dma semaphore(%arg13 : memref<!tpu.dma_semaphore, #tpu.memory_space<semaphore_mem>>) src(%dma_wait3A_827 : memref<1056768x128xf32, #tpu.memory_space<hbm>>) dst(%dma_wait3A_822 : memref<128x128xf32, #tpu.memory_space<vmem>>)
          %scan3A_828 = arith.constant 0 : i32
          scf.yield %scan3A_828 : i32
        }
        %scan3A_814 = arith.constant 4 : i32
        %mul3A_815 = arith.constant 512 : i32
        %mul3A_816 = arith.muli %scan3A_794, %mul3A_815 : i32
        %add3A_817 = arith.addi %mul3A_2, %mul3A_816 : i32
        "tpu.region"() ({
          %run_scoped3A = tpu.sem_alloc : memref<!tpu.dma_semaphore, #tpu.memory_space<semaphore_mem>>
          %dma_start3A = arith.constant 0 : i32
          %dma_start3A_818 = tpu.memref_slice %arg6[%add3A_817, %dma_start3A] : memref<1048576x128xf32, #tpu.memory_space<hbm>> -> memref<512x128xf32, #tpu.memory_space<hbm>>
          %dma_start3A_819 = arith.constant 0 : i32
          %dma_start3A_820 = tpu.memref_slice %arg6[%add3A_817, %dma_start3A_819] : memref<1048576x128xf32, #tpu.memory_space<hbm>> -> memref<512x128xf32, #tpu.memory_space<hbm>>
          tpu.enqueue_dma source(%arg12 : memref<512x128xf32, #tpu.memory_space<vmem>>) target(%dma_start3A_820 : memref<512x128xf32, #tpu.memory_space<hbm>>) target_semaphore(%run_scoped3A : memref<!tpu.dma_semaphore, #tpu.memory_space<semaphore_mem>>)
          %dma_wait3A = arith.constant 0 : i32
          %dma_wait3A_821 = tpu.memref_slice %arg6[%add3A_817, %dma_wait3A] : memref<1048576x128xf32, #tpu.memory_space<hbm>> -> memref<512x128xf32, #tpu.memory_space<hbm>>
          %dma_wait3A_822 = arith.constant 0 : i32
          %dma_wait3A_823 = tpu.memref_slice %arg6[%add3A_817, %dma_wait3A_822] : memref<1048576x128xf32, #tpu.memory_space<hbm>> -> memref<512x128xf32, #tpu.memory_space<hbm>>
          tpu.wait_dma2 semaphore(%run_scoped3A : memref<!tpu.dma_semaphore, #tpu.memory_space<semaphore_mem>>) src(%arg12 : memref<512x128xf32, #tpu.memory_space<vmem>>) dst(%dma_wait3A_823 : memref<512x128xf32, #tpu.memory_space<hbm>>)
          tpu.yield
        }) : () -> ()
      } else {
      }
      %scan3A_800 = arith.constant 0 : i32
      scf.yield %scan3A_800 : i32
    }
    %scan3A_786 = arith.constant 64 : i32
    "tpu.region"() ({
      %run_scoped3A = tpu.sem_alloc : memref<!tpu.dma_semaphore, #tpu.memory_space<semaphore_mem>>
      %dma_start3A = arith.constant 1048576 : i32
      %dma_start3A_794 = arith.constant 0 : i32
      %dma_start3A_795 = tpu.memref_slice %arg2[%dma_start3A, %dma_start3A_794] : memref<1056768x128xf32, #tpu.memory_space<hbm>> -> memref<512x128xf32, #tpu.memory_space<hbm>>
      %dma_start3A_796 = arith.constant 1048576 : i32
      %dma_start3A_797 = arith.constant 0 : i32
      %dma_start3A_798 = tpu.memref_slice %arg2[%dma_start3A_796, %dma_start3A_797] : memref<1056768x128xf32, #tpu.memory_space<hbm>> -> memref<512x128xf32, #tpu.memory_space<hbm>>
      tpu.enqueue_dma source(%dma_start3A_798 : memref<512x128xf32, #tpu.memory_space<hbm>>) target(%arg12 : memref<512x128xf32, #tpu.memory_space<vmem>>) target_semaphore(%run_scoped3A : memref<!tpu.dma_semaphore, #tpu.memory_space<semaphore_mem>>)
      %dma_wait3A = arith.constant 1048576 : i32
      %dma_wait3A_799 = arith.constant 0 : i32
      %dma_wait3A_800 = tpu.memref_slice %arg2[%dma_wait3A, %dma_wait3A_799] : memref<1056768x128xf32, #tpu.memory_space<hbm>> -> memref<512x128xf32, #tpu.memory_space<hbm>>
      %dma_wait3A_801 = arith.constant 1048576 : i32
      %dma_wait3A_802 = arith.constant 0 : i32
      %dma_wait3A_803 = tpu.memref_slice %arg2[%dma_wait3A_801, %dma_wait3A_802] : memref<1056768x128xf32, #tpu.memory_space<hbm>> -> memref<512x128xf32, #tpu.memory_space<hbm>>
      tpu.wait_dma2 semaphore(%run_scoped3A : memref<!tpu.dma_semaphore, #tpu.memory_space<semaphore_mem>>) src(%dma_wait3A_803 : memref<512x128xf32, #tpu.memory_space<hbm>>) dst(%arg12 : memref<512x128xf32, #tpu.memory_space<vmem>>)
      tpu.yield
    }) : () -> ()
    %scan3A_787 = arith.constant 0 : i32
    %scan3A_788 = arith.constant 0 : i32
    %scan3A_789 = arith.constant 64 : i32
    %scan3A_790 = arith.addi %scan3A_788, %scan3A_789 : i32
    %scan3A_791 = arith.constant 1 : i32
    %scan3A_792 = scf.for %scan3A_794 = %scan3A_788 to %scan3A_790 step %scan3A_791 iter_args(%scan3A_795 = %scan3A_787) -> (i32)  : i32 {
      %mul3A_796 = arith.constant 512 : i32
      %mul3A_797 = arith.muli %scan3A_794, %mul3A_796 : i32
      %ge3A = arith.cmpi sge, %mul3A_797, %min3A : i32
      %convert_element_type3A = arith.extui %ge3A : i1 to i32
      %cond3A = arith.constant 0 : i32
      %cond3A_798 = arith.cmpi ne, %convert_element_type3A, %cond3A : i32
      scf.if %cond3A_798 {
        %mul3A_800 = arith.constant 512 : i32
        %mul3A_801 = arith.muli %scan3A_794, %mul3A_800 : i32
        %add3A_802 = arith.addi %mul3A_2, %mul3A_801 : i32
        "tpu.region"() ({
          %run_scoped3A = tpu.sem_alloc : memref<!tpu.dma_semaphore, #tpu.memory_space<semaphore_mem>>
          %dma_start3A = arith.constant 0 : i32
          %dma_start3A_803 = tpu.memref_slice %arg6[%add3A_802, %dma_start3A] : memref<1048576x128xf32, #tpu.memory_space<hbm>> -> memref<512x128xf32, #tpu.memory_space<hbm>>
          %dma_start3A_804 = arith.constant 0 : i32
          %dma_start3A_805 = tpu.memref_slice %arg6[%add3A_802, %dma_start3A_804] : memref<1048576x128xf32, #tpu.memory_space<hbm>> -> memref<512x128xf32, #tpu.memory_space<hbm>>
          tpu.enqueue_dma source(%arg12 : memref<512x128xf32, #tpu.memory_space<vmem>>) target(%dma_start3A_805 : memref<512x128xf32, #tpu.memory_space<hbm>>) target_semaphore(%run_scoped3A : memref<!tpu.dma_semaphore, #tpu.memory_space<semaphore_mem>>)
          %dma_wait3A = arith.constant 0 : i32
          %dma_wait3A_806 = tpu.memref_slice %arg6[%add3A_802, %dma_wait3A] : memref<1048576x128xf32, #tpu.memory_space<hbm>> -> memref<512x128xf32, #tpu.memory_space<hbm>>
          %dma_wait3A_807 = arith.constant 0 : i32
          %dma_wait3A_808 = tpu.memref_slice %arg6[%add3A_802, %dma_wait3A_807] : memref<1048576x128xf32, #tpu.memory_space<hbm>> -> memref<512x128xf32, #tpu.memory_space<hbm>>
          tpu.wait_dma2 semaphore(%run_scoped3A : memref<!tpu.dma_semaphore, #tpu.memory_space<semaphore_mem>>) src(%arg12 : memref<512x128xf32, #tpu.memory_space<vmem>>) dst(%dma_wait3A_808 : memref<512x128xf32, #tpu.memory_space<hbm>>)
          tpu.yield
        }) : () -> ()
      } else {
      }
      %scan3A_799 = arith.constant 0 : i32
      scf.yield %scan3A_799 : i32
    }
    %scan3A_793 = arith.constant 64 : i32
    return
  }
}

module attributes {stable_mosaic.version = 14 : i64} {
  func.func @tc_entropy_body(%arg0: i32, %arg1: memref<1xf32, #tpu.memory_space<smem>>, %arg2: memref<1x19x8192xf32, #tpu.memory_space<vmem>>, %arg3: memref<1x8192x128xf32, #tpu.memory_space<vmem>>, %arg4: memref<1x1x8192xi32, #tpu.memory_space<vmem>>, %arg5: memref<1x1x1xi32, #tpu.memory_space<vmem>>, %arg6: memref<1x64x8xi32, #tpu.memory_space<vmem>>, %arg7: memref<1xi32, #tpu.memory_space<smem>>) attributes {dimension_semantics = [#tpu.dimension_semantics<arbitrary>], iteration_bounds = array<i64: 129>, scalar_prefetch = 0 : i64, scratch_operands = 1 : i64, tpu.core_type = #tpu.core_type<tc>, window_params = [{transform_indices = @transform_0, window_bounds = array<i64: 1>}, {transform_indices = @transform_1, window_bounds = array<i64: 1, 19, 8192>}, {transform_indices = @transform_2, window_bounds = array<i64: 1, 8192, 128>}, {transform_indices = @transform_3, window_bounds = array<i64: 1, 1, 8192>}, {transform_indices = @transform_4, window_bounds = array<i64: 1, 1, 1>}, {transform_indices = @transform_5, window_bounds = array<i64: 1, 64, 8>}]} {
    %eq3A = arith.constant 0 : i32
    %eq3A_0 = arith.cmpi eq, %arg0, %eq3A : i32
    %convert_element_type3A = arith.extui %eq3A_0 : i1 to i32
    %cond3A = arith.constant 0 : i32
    %cond3A_1 = arith.cmpi ne, %convert_element_type3A, %cond3A : i32
    scf.if %cond3A_1 {
      %swap3A_274 = arith.constant 0 : i32
      %swap3A_275 = arith.constant 0 : index
      %swap3A_276 = memref.load %arg7[%swap3A_275] : memref<1xi32, #tpu.memory_space<smem>>
      memref.store %swap3A_274, %arg7[%swap3A_275] : memref<1xi32, #tpu.memory_space<smem>>
    } else {
    }
    %get3A = arith.constant 0 : index
    %get3A_2 = arith.constant 0 : index
    %get3A_3 = arith.constant 0 : index
    %get3A_4 = vector.load %arg2[%get3A, %get3A_2, %get3A_3] : memref<1x19x8192xf32, #tpu.memory_space<vmem>>, vector<1x19x8192xf32>
    %get3A_5 = vector.shape_cast %get3A_4 : vector<1x19x8192xf32> to vector<19x8192xf32>
    %slice3A = vector.extract_strided_slice %get3A_5 {offsets = [0, 0], sizes = [1, 8192], strides = [1, 1]} : vector<19x8192xf32> to vector<1x8192xf32>
    %squeeze3A = vector.shape_cast %slice3A : vector<1x8192xf32> to vector<8192xf32>
    %slice3A_6 = vector.extract_strided_slice %get3A_5 {offsets = [1, 0], sizes = [1, 8192], strides = [1, 1]} : vector<19x8192xf32> to vector<1x8192xf32>
    %squeeze3A_7 = vector.shape_cast %slice3A_6 : vector<1x8192xf32> to vector<8192xf32>
    %slice3A_8 = vector.extract_strided_slice %get3A_5 {offsets = [2, 0], sizes = [1, 8192], strides = [1, 1]} : vector<19x8192xf32> to vector<1x8192xf32>
    %squeeze3A_9 = vector.shape_cast %slice3A_8 : vector<1x8192xf32> to vector<8192xf32>
    %slice3A_10 = vector.extract_strided_slice %get3A_5 {offsets = [3, 0], sizes = [1, 8192], strides = [1, 1]} : vector<19x8192xf32> to vector<1x8192xf32>
    %squeeze3A_11 = vector.shape_cast %slice3A_10 : vector<1x8192xf32> to vector<8192xf32>
    %slice3A_12 = vector.extract_strided_slice %get3A_5 {offsets = [4, 0], sizes = [1, 8192], strides = [1, 1]} : vector<19x8192xf32> to vector<1x8192xf32>
    %squeeze3A_13 = vector.shape_cast %slice3A_12 : vector<1x8192xf32> to vector<8192xf32>
    %slice3A_14 = vector.extract_strided_slice %get3A_5 {offsets = [5, 0], sizes = [1, 8192], strides = [1, 1]} : vector<19x8192xf32> to vector<1x8192xf32>
    %squeeze3A_15 = vector.shape_cast %slice3A_14 : vector<1x8192xf32> to vector<8192xf32>
    %slice3A_16 = vector.extract_strided_slice %get3A_5 {offsets = [6, 0], sizes = [1, 8192], strides = [1, 1]} : vector<19x8192xf32> to vector<1x8192xf32>
    %squeeze3A_17 = vector.shape_cast %slice3A_16 : vector<1x8192xf32> to vector<8192xf32>
    %slice3A_18 = vector.extract_strided_slice %get3A_5 {offsets = [7, 0], sizes = [1, 8192], strides = [1, 1]} : vector<19x8192xf32> to vector<1x8192xf32>
    %squeeze3A_19 = vector.shape_cast %slice3A_18 : vector<1x8192xf32> to vector<8192xf32>
    %slice3A_20 = vector.extract_strided_slice %get3A_5 {offsets = [8, 0], sizes = [1, 8192], strides = [1, 1]} : vector<19x8192xf32> to vector<1x8192xf32>
    %squeeze3A_21 = vector.shape_cast %slice3A_20 : vector<1x8192xf32> to vector<8192xf32>
    %slice3A_22 = vector.extract_strided_slice %get3A_5 {offsets = [9, 0], sizes = [1, 8192], strides = [1, 1]} : vector<19x8192xf32> to vector<1x8192xf32>
    %squeeze3A_23 = vector.shape_cast %slice3A_22 : vector<1x8192xf32> to vector<8192xf32>
    %slice3A_24 = vector.extract_strided_slice %get3A_5 {offsets = [10, 0], sizes = [1, 8192], strides = [1, 1]} : vector<19x8192xf32> to vector<1x8192xf32>
    %squeeze3A_25 = vector.shape_cast %slice3A_24 : vector<1x8192xf32> to vector<8192xf32>
    %slice3A_26 = vector.extract_strided_slice %get3A_5 {offsets = [11, 0], sizes = [1, 8192], strides = [1, 1]} : vector<19x8192xf32> to vector<1x8192xf32>
    %squeeze3A_27 = vector.shape_cast %slice3A_26 : vector<1x8192xf32> to vector<8192xf32>
    %slice3A_28 = vector.extract_strided_slice %get3A_5 {offsets = [12, 0], sizes = [1, 8192], strides = [1, 1]} : vector<19x8192xf32> to vector<1x8192xf32>
    %squeeze3A_29 = vector.shape_cast %slice3A_28 : vector<1x8192xf32> to vector<8192xf32>
    %slice3A_30 = vector.extract_strided_slice %get3A_5 {offsets = [13, 0], sizes = [1, 8192], strides = [1, 1]} : vector<19x8192xf32> to vector<1x8192xf32>
    %squeeze3A_31 = vector.shape_cast %slice3A_30 : vector<1x8192xf32> to vector<8192xf32>
    %slice3A_32 = vector.extract_strided_slice %get3A_5 {offsets = [14, 0], sizes = [1, 8192], strides = [1, 1]} : vector<19x8192xf32> to vector<1x8192xf32>
    %squeeze3A_33 = vector.shape_cast %slice3A_32 : vector<1x8192xf32> to vector<8192xf32>
    %slice3A_34 = vector.extract_strided_slice %get3A_5 {offsets = [15, 0], sizes = [1, 8192], strides = [1, 1]} : vector<19x8192xf32> to vector<1x8192xf32>
    %squeeze3A_35 = vector.shape_cast %slice3A_34 : vector<1x8192xf32> to vector<8192xf32>
    %slice3A_36 = vector.extract_strided_slice %get3A_5 {offsets = [16, 0], sizes = [1, 8192], strides = [1, 1]} : vector<19x8192xf32> to vector<1x8192xf32>
    %squeeze3A_37 = vector.shape_cast %slice3A_36 : vector<1x8192xf32> to vector<8192xf32>
    %slice3A_38 = vector.extract_strided_slice %get3A_5 {offsets = [17, 0], sizes = [1, 8192], strides = [1, 1]} : vector<19x8192xf32> to vector<1x8192xf32>
    %squeeze3A_39 = vector.shape_cast %slice3A_38 : vector<1x8192xf32> to vector<8192xf32>
    %slice3A_40 = vector.extract_strided_slice %get3A_5 {offsets = [18, 0], sizes = [1, 8192], strides = [1, 1]} : vector<19x8192xf32> to vector<1x8192xf32>
    %squeeze3A_41 = vector.shape_cast %slice3A_40 : vector<1x8192xf32> to vector<8192xf32>
    %max3A = arith.maximumf %squeeze3A, %squeeze3A_37 : vector<8192xf32>
    %max3A_42 = arith.maximumf %squeeze3A_7, %squeeze3A_39 : vector<8192xf32>
    %max3A_43 = arith.maximumf %squeeze3A_9, %squeeze3A_41 : vector<8192xf32>
    %max3A_44 = arith.maximumf %max3A, %squeeze3A_21 : vector<8192xf32>
    %max3A_45 = arith.maximumf %max3A_42, %squeeze3A_23 : vector<8192xf32>
    %max3A_46 = arith.maximumf %max3A_43, %squeeze3A_25 : vector<8192xf32>
    %max3A_47 = arith.maximumf %squeeze3A_11, %squeeze3A_27 : vector<8192xf32>
    %max3A_48 = arith.maximumf %squeeze3A_13, %squeeze3A_29 : vector<8192xf32>
    %max3A_49 = arith.maximumf %squeeze3A_15, %squeeze3A_31 : vector<8192xf32>
    %max3A_50 = arith.maximumf %squeeze3A_17, %squeeze3A_33 : vector<8192xf32>
    %max3A_51 = arith.maximumf %squeeze3A_19, %squeeze3A_35 : vector<8192xf32>
    %max3A_52 = arith.maximumf %max3A_44, %max3A_48 : vector<8192xf32>
    %max3A_53 = arith.maximumf %max3A_45, %max3A_49 : vector<8192xf32>
    %max3A_54 = arith.maximumf %max3A_46, %max3A_50 : vector<8192xf32>
    %max3A_55 = arith.maximumf %max3A_47, %max3A_51 : vector<8192xf32>
    %max3A_56 = arith.maximumf %max3A_52, %max3A_54 : vector<8192xf32>
    %max3A_57 = arith.maximumf %max3A_53, %max3A_55 : vector<8192xf32>
    %max3A_58 = arith.maximumf %max3A_56, %max3A_57 : vector<8192xf32>
    %broadcast_in_dim3A = vector.shape_cast %max3A_58 : vector<8192xf32> to vector<1x8192xf32>
    %sub3A = vector.broadcast %broadcast_in_dim3A : vector<1x8192xf32> to vector<19x8192xf32>
    %sub3A_59 = arith.subf %get3A_5, %sub3A : vector<19x8192xf32>
    %exp3A = math.exp %sub3A_59 : vector<19x8192xf32>
    %slice3A_60 = vector.extract_strided_slice %exp3A {offsets = [0, 0], sizes = [1, 8192], strides = [1, 1]} : vector<19x8192xf32> to vector<1x8192xf32>
    %squeeze3A_61 = vector.shape_cast %slice3A_60 : vector<1x8192xf32> to vector<8192xf32>
    %slice3A_62 = vector.extract_strided_slice %exp3A {offsets = [1, 0], sizes = [1, 8192], strides = [1, 1]} : vector<19x8192xf32> to vector<1x8192xf32>
    %squeeze3A_63 = vector.shape_cast %slice3A_62 : vector<1x8192xf32> to vector<8192xf32>
    %slice3A_64 = vector.extract_strided_slice %exp3A {offsets = [2, 0], sizes = [1, 8192], strides = [1, 1]} : vector<19x8192xf32> to vector<1x8192xf32>
    %squeeze3A_65 = vector.shape_cast %slice3A_64 : vector<1x8192xf32> to vector<8192xf32>
    %slice3A_66 = vector.extract_strided_slice %exp3A {offsets = [3, 0], sizes = [1, 8192], strides = [1, 1]} : vector<19x8192xf32> to vector<1x8192xf32>
    %squeeze3A_67 = vector.shape_cast %slice3A_66 : vector<1x8192xf32> to vector<8192xf32>
    %slice3A_68 = vector.extract_strided_slice %exp3A {offsets = [4, 0], sizes = [1, 8192], strides = [1, 1]} : vector<19x8192xf32> to vector<1x8192xf32>
    %squeeze3A_69 = vector.shape_cast %slice3A_68 : vector<1x8192xf32> to vector<8192xf32>
    %slice3A_70 = vector.extract_strided_slice %exp3A {offsets = [5, 0], sizes = [1, 8192], strides = [1, 1]} : vector<19x8192xf32> to vector<1x8192xf32>
    %squeeze3A_71 = vector.shape_cast %slice3A_70 : vector<1x8192xf32> to vector<8192xf32>
    %slice3A_72 = vector.extract_strided_slice %exp3A {offsets = [6, 0], sizes = [1, 8192], strides = [1, 1]} : vector<19x8192xf32> to vector<1x8192xf32>
    %squeeze3A_73 = vector.shape_cast %slice3A_72 : vector<1x8192xf32> to vector<8192xf32>
    %slice3A_74 = vector.extract_strided_slice %exp3A {offsets = [7, 0], sizes = [1, 8192], strides = [1, 1]} : vector<19x8192xf32> to vector<1x8192xf32>
    %squeeze3A_75 = vector.shape_cast %slice3A_74 : vector<1x8192xf32> to vector<8192xf32>
    %slice3A_76 = vector.extract_strided_slice %exp3A {offsets = [8, 0], sizes = [1, 8192], strides = [1, 1]} : vector<19x8192xf32> to vector<1x8192xf32>
    %squeeze3A_77 = vector.shape_cast %slice3A_76 : vector<1x8192xf32> to vector<8192xf32>
    %slice3A_78 = vector.extract_strided_slice %exp3A {offsets = [9, 0], sizes = [1, 8192], strides = [1, 1]} : vector<19x8192xf32> to vector<1x8192xf32>
    %squeeze3A_79 = vector.shape_cast %slice3A_78 : vector<1x8192xf32> to vector<8192xf32>
    %slice3A_80 = vector.extract_strided_slice %exp3A {offsets = [10, 0], sizes = [1, 8192], strides = [1, 1]} : vector<19x8192xf32> to vector<1x8192xf32>
    %squeeze3A_81 = vector.shape_cast %slice3A_80 : vector<1x8192xf32> to vector<8192xf32>
    %slice3A_82 = vector.extract_strided_slice %exp3A {offsets = [11, 0], sizes = [1, 8192], strides = [1, 1]} : vector<19x8192xf32> to vector<1x8192xf32>
    %squeeze3A_83 = vector.shape_cast %slice3A_82 : vector<1x8192xf32> to vector<8192xf32>
    %slice3A_84 = vector.extract_strided_slice %exp3A {offsets = [12, 0], sizes = [1, 8192], strides = [1, 1]} : vector<19x8192xf32> to vector<1x8192xf32>
    %squeeze3A_85 = vector.shape_cast %slice3A_84 : vector<1x8192xf32> to vector<8192xf32>
    %slice3A_86 = vector.extract_strided_slice %exp3A {offsets = [13, 0], sizes = [1, 8192], strides = [1, 1]} : vector<19x8192xf32> to vector<1x8192xf32>
    %squeeze3A_87 = vector.shape_cast %slice3A_86 : vector<1x8192xf32> to vector<8192xf32>
    %slice3A_88 = vector.extract_strided_slice %exp3A {offsets = [14, 0], sizes = [1, 8192], strides = [1, 1]} : vector<19x8192xf32> to vector<1x8192xf32>
    %squeeze3A_89 = vector.shape_cast %slice3A_88 : vector<1x8192xf32> to vector<8192xf32>
    %slice3A_90 = vector.extract_strided_slice %exp3A {offsets = [15, 0], sizes = [1, 8192], strides = [1, 1]} : vector<19x8192xf32> to vector<1x8192xf32>
    %squeeze3A_91 = vector.shape_cast %slice3A_90 : vector<1x8192xf32> to vector<8192xf32>
    %slice3A_92 = vector.extract_strided_slice %exp3A {offsets = [16, 0], sizes = [1, 8192], strides = [1, 1]} : vector<19x8192xf32> to vector<1x8192xf32>
    %squeeze3A_93 = vector.shape_cast %slice3A_92 : vector<1x8192xf32> to vector<8192xf32>
    %slice3A_94 = vector.extract_strided_slice %exp3A {offsets = [17, 0], sizes = [1, 8192], strides = [1, 1]} : vector<19x8192xf32> to vector<1x8192xf32>
    %squeeze3A_95 = vector.shape_cast %slice3A_94 : vector<1x8192xf32> to vector<8192xf32>
    %slice3A_96 = vector.extract_strided_slice %exp3A {offsets = [18, 0], sizes = [1, 8192], strides = [1, 1]} : vector<19x8192xf32> to vector<1x8192xf32>
    %squeeze3A_97 = vector.shape_cast %slice3A_96 : vector<1x8192xf32> to vector<8192xf32>
    %add3A = arith.addf %squeeze3A_61, %squeeze3A_93 : vector<8192xf32>
    %add3A_98 = arith.addf %squeeze3A_63, %squeeze3A_95 : vector<8192xf32>
    %add3A_99 = arith.addf %squeeze3A_65, %squeeze3A_97 : vector<8192xf32>
    %add3A_100 = arith.addf %add3A, %squeeze3A_77 : vector<8192xf32>
    %add3A_101 = arith.addf %add3A_98, %squeeze3A_79 : vector<8192xf32>
    %add3A_102 = arith.addf %add3A_99, %squeeze3A_81 : vector<8192xf32>
    %add3A_103 = arith.addf %squeeze3A_67, %squeeze3A_83 : vector<8192xf32>
    %add3A_104 = arith.addf %squeeze3A_69, %squeeze3A_85 : vector<8192xf32>
    %add3A_105 = arith.addf %squeeze3A_71, %squeeze3A_87 : vector<8192xf32>
    %add3A_106 = arith.addf %squeeze3A_73, %squeeze3A_89 : vector<8192xf32>
    %add3A_107 = arith.addf %squeeze3A_75, %squeeze3A_91 : vector<8192xf32>
    %add3A_108 = arith.addf %add3A_100, %add3A_104 : vector<8192xf32>
    %add3A_109 = arith.addf %add3A_101, %add3A_105 : vector<8192xf32>
    %add3A_110 = arith.addf %add3A_102, %add3A_106 : vector<8192xf32>
    %add3A_111 = arith.addf %add3A_103, %add3A_107 : vector<8192xf32>
    %add3A_112 = arith.addf %add3A_108, %add3A_110 : vector<8192xf32>
    %add3A_113 = arith.addf %add3A_109, %add3A_111 : vector<8192xf32>
    %add3A_114 = arith.addf %add3A_112, %add3A_113 : vector<8192xf32>
    %broadcast_in_dim3A_115 = vector.shape_cast %add3A_114 : vector<8192xf32> to vector<1x8192xf32>
    %div3A = vector.broadcast %broadcast_in_dim3A_115 : vector<1x8192xf32> to vector<19x8192xf32>
    %div3A_116 = arith.divf %exp3A, %div3A : vector<19x8192xf32>
    %neg3A = arith.constant 0.000000e+00 : f32
    %neg3A_117 = vector.broadcast %neg3A : f32 to vector<19x8192xf32>
    %neg3A_118 = arith.subf %neg3A_117, %div3A_116 : vector<19x8192xf32>
    %log3A = math.log %div3A_116 : vector<19x8192xf32>
    %mul3A = arith.mulf %neg3A_118, %log3A : vector<19x8192xf32>
    %slice3A_119 = vector.extract_strided_slice %mul3A {offsets = [0, 0], sizes = [1, 8192], strides = [1, 1]} : vector<19x8192xf32> to vector<1x8192xf32>
    %squeeze3A_120 = vector.shape_cast %slice3A_119 : vector<1x8192xf32> to vector<8192xf32>
    %slice3A_121 = vector.extract_strided_slice %mul3A {offsets = [1, 0], sizes = [1, 8192], strides = [1, 1]} : vector<19x8192xf32> to vector<1x8192xf32>
    %squeeze3A_122 = vector.shape_cast %slice3A_121 : vector<1x8192xf32> to vector<8192xf32>
    %slice3A_123 = vector.extract_strided_slice %mul3A {offsets = [2, 0], sizes = [1, 8192], strides = [1, 1]} : vector<19x8192xf32> to vector<1x8192xf32>
    %squeeze3A_124 = vector.shape_cast %slice3A_123 : vector<1x8192xf32> to vector<8192xf32>
    %slice3A_125 = vector.extract_strided_slice %mul3A {offsets = [3, 0], sizes = [1, 8192], strides = [1, 1]} : vector<19x8192xf32> to vector<1x8192xf32>
    %squeeze3A_126 = vector.shape_cast %slice3A_125 : vector<1x8192xf32> to vector<8192xf32>
    %slice3A_127 = vector.extract_strided_slice %mul3A {offsets = [4, 0], sizes = [1, 8192], strides = [1, 1]} : vector<19x8192xf32> to vector<1x8192xf32>
    %squeeze3A_128 = vector.shape_cast %slice3A_127 : vector<1x8192xf32> to vector<8192xf32>
    %slice3A_129 = vector.extract_strided_slice %mul3A {offsets = [5, 0], sizes = [1, 8192], strides = [1, 1]} : vector<19x8192xf32> to vector<1x8192xf32>
    %squeeze3A_130 = vector.shape_cast %slice3A_129 : vector<1x8192xf32> to vector<8192xf32>
    %slice3A_131 = vector.extract_strided_slice %mul3A {offsets = [6, 0], sizes = [1, 8192], strides = [1, 1]} : vector<19x8192xf32> to vector<1x8192xf32>
    %squeeze3A_132 = vector.shape_cast %slice3A_131 : vector<1x8192xf32> to vector<8192xf32>
    %slice3A_133 = vector.extract_strided_slice %mul3A {offsets = [7, 0], sizes = [1, 8192], strides = [1, 1]} : vector<19x8192xf32> to vector<1x8192xf32>
    %squeeze3A_134 = vector.shape_cast %slice3A_133 : vector<1x8192xf32> to vector<8192xf32>
    %slice3A_135 = vector.extract_strided_slice %mul3A {offsets = [8, 0], sizes = [1, 8192], strides = [1, 1]} : vector<19x8192xf32> to vector<1x8192xf32>
    %squeeze3A_136 = vector.shape_cast %slice3A_135 : vector<1x8192xf32> to vector<8192xf32>
    %slice3A_137 = vector.extract_strided_slice %mul3A {offsets = [9, 0], sizes = [1, 8192], strides = [1, 1]} : vector<19x8192xf32> to vector<1x8192xf32>
    %squeeze3A_138 = vector.shape_cast %slice3A_137 : vector<1x8192xf32> to vector<8192xf32>
    %slice3A_139 = vector.extract_strided_slice %mul3A {offsets = [10, 0], sizes = [1, 8192], strides = [1, 1]} : vector<19x8192xf32> to vector<1x8192xf32>
    %squeeze3A_140 = vector.shape_cast %slice3A_139 : vector<1x8192xf32> to vector<8192xf32>
    %slice3A_141 = vector.extract_strided_slice %mul3A {offsets = [11, 0], sizes = [1, 8192], strides = [1, 1]} : vector<19x8192xf32> to vector<1x8192xf32>
    %squeeze3A_142 = vector.shape_cast %slice3A_141 : vector<1x8192xf32> to vector<8192xf32>
    %slice3A_143 = vector.extract_strided_slice %mul3A {offsets = [12, 0], sizes = [1, 8192], strides = [1, 1]} : vector<19x8192xf32> to vector<1x8192xf32>
    %squeeze3A_144 = vector.shape_cast %slice3A_143 : vector<1x8192xf32> to vector<8192xf32>
    %slice3A_145 = vector.extract_strided_slice %mul3A {offsets = [13, 0], sizes = [1, 8192], strides = [1, 1]} : vector<19x8192xf32> to vector<1x8192xf32>
    %squeeze3A_146 = vector.shape_cast %slice3A_145 : vector<1x8192xf32> to vector<8192xf32>
    %slice3A_147 = vector.extract_strided_slice %mul3A {offsets = [14, 0], sizes = [1, 8192], strides = [1, 1]} : vector<19x8192xf32> to vector<1x8192xf32>
    %squeeze3A_148 = vector.shape_cast %slice3A_147 : vector<1x8192xf32> to vector<8192xf32>
    %slice3A_149 = vector.extract_strided_slice %mul3A {offsets = [15, 0], sizes = [1, 8192], strides = [1, 1]} : vector<19x8192xf32> to vector<1x8192xf32>
    %squeeze3A_150 = vector.shape_cast %slice3A_149 : vector<1x8192xf32> to vector<8192xf32>
    %slice3A_151 = vector.extract_strided_slice %mul3A {offsets = [16, 0], sizes = [1, 8192], strides = [1, 1]} : vector<19x8192xf32> to vector<1x8192xf32>
    %squeeze3A_152 = vector.shape_cast %slice3A_151 : vector<1x8192xf32> to vector<8192xf32>
    %slice3A_153 = vector.extract_strided_slice %mul3A {offsets = [17, 0], sizes = [1, 8192], strides = [1, 1]} : vector<19x8192xf32> to vector<1x8192xf32>
    %squeeze3A_154 = vector.shape_cast %slice3A_153 : vector<1x8192xf32> to vector<8192xf32>
    %slice3A_155 = vector.extract_strided_slice %mul3A {offsets = [18, 0], sizes = [1, 8192], strides = [1, 1]} : vector<19x8192xf32> to vector<1x8192xf32>
    %squeeze3A_156 = vector.shape_cast %slice3A_155 : vector<1x8192xf32> to vector<8192xf32>
    %add3A_157 = arith.addf %squeeze3A_120, %squeeze3A_152 : vector<8192xf32>
    %add3A_158 = arith.addf %squeeze3A_122, %squeeze3A_154 : vector<8192xf32>
    %add3A_159 = arith.addf %squeeze3A_124, %squeeze3A_156 : vector<8192xf32>
    %add3A_160 = arith.addf %add3A_157, %squeeze3A_136 : vector<8192xf32>
    %add3A_161 = arith.addf %add3A_158, %squeeze3A_138 : vector<8192xf32>
    %add3A_162 = arith.addf %add3A_159, %squeeze3A_140 : vector<8192xf32>
    %add3A_163 = arith.addf %squeeze3A_126, %squeeze3A_142 : vector<8192xf32>
    %add3A_164 = arith.addf %squeeze3A_128, %squeeze3A_144 : vector<8192xf32>
    %add3A_165 = arith.addf %squeeze3A_130, %squeeze3A_146 : vector<8192xf32>
    %add3A_166 = arith.addf %squeeze3A_132, %squeeze3A_148 : vector<8192xf32>
    %add3A_167 = arith.addf %squeeze3A_134, %squeeze3A_150 : vector<8192xf32>
    %add3A_168 = arith.addf %add3A_160, %add3A_164 : vector<8192xf32>
    %add3A_169 = arith.addf %add3A_161, %add3A_165 : vector<8192xf32>
    %add3A_170 = arith.addf %add3A_162, %add3A_166 : vector<8192xf32>
    %add3A_171 = arith.addf %add3A_163, %add3A_167 : vector<8192xf32>
    %add3A_172 = arith.addf %add3A_168, %add3A_170 : vector<8192xf32>
    %add3A_173 = arith.addf %add3A_169, %add3A_171 : vector<8192xf32>
    %add3A_174 = arith.addf %add3A_172, %add3A_173 : vector<8192xf32>
    %lt3A = arith.constant 2.300000e+00 : f32
    %lt3A_175 = vector.broadcast %lt3A : f32 to vector<8192xf32>
    %lt3A_176 = arith.cmpf olt, %add3A_174, %lt3A_175 : vector<8192xf32>
    %convert_element_type3A_177 = arith.extui %lt3A_176 : vector<8192xi1> to vector<8192xi32>
    %get3A_178 = arith.constant 0 : index
    %get3A_179 = memref.load %arg1[%get3A_178] : memref<1xf32, #tpu.memory_space<smem>>
    %div3A_180 = vector.broadcast %get3A_179 : f32 to vector<19x8192xf32>
    %div3A_181 = arith.divf %get3A_5, %div3A_180 : vector<19x8192xf32>
    %get3A_182 = arith.constant 0 : index
    %get3A_183 = memref.load %arg7[%get3A_182] : memref<1xi32, #tpu.memory_space<smem>>
    %reshape3A = vector.broadcast %get3A_183 : i32 to vector<1x1xi32>
    %swap3A = arith.constant 0 : index
    %swap3A_184 = arith.constant 0 : index
    %swap3A_185 = arith.constant 0 : index
    %swap3A_186 = vector.load %arg5[%swap3A, %swap3A_184, %swap3A_185] : memref<1x1x1xi32, #tpu.memory_space<vmem>>, vector<1x1x1xi32>
    %swap3A_187 = vector.shape_cast %swap3A_186 : vector<1x1x1xi32> to vector<1x1xi32>
    %swap3A_188 = vector.shape_cast %reshape3A : vector<1x1xi32> to vector<1x1x1xi32>
    tpu.vector_store %arg5[%swap3A, %swap3A_184, %swap3A_185], %swap3A_188 {strides = array<i32>} : memref<1x1x1xi32, #tpu.memory_space<vmem>>, vector<1x1x1xi32>,
    %lt3A_189 = arith.constant 2.300000e+00 : f32
    %lt3A_190 = vector.broadcast %lt3A_189 : f32 to vector<8192xf32>
    %lt3A_191 = arith.cmpf olt, %add3A_174, %lt3A_190 : vector<8192xf32>
    %convert_element_type3A_192 = arith.extui %lt3A_191 : vector<8192xi1> to vector<8192xi32>
    %convert_element_type3A_193 = arith.sitofp %convert_element_type3A_192 : vector<8192xi32> to vector<8192xf32>
    %reshape3A_194 = vector.shape_cast %convert_element_type3A_193 : vector<8192xf32> to vector<64x128xf32>
    %iota3A = tpu.iota {dimensions = array<i32: 0>} : vector<128x8xi32>
    %iota3A_195 = tpu.iota {dimensions = array<i32: 1>} : vector<128x8xi32>
    %jit3A = arith.constant 16 : i32
    %div3A_196 = vector.broadcast %jit3A : i32 to vector<128x8xi32>
    %div3A_197 = arith.divsi %iota3A, %div3A_196 : vector<128x8xi32>
    %sign3A = arith.constant 0 : i32
    %sign3A_198 = vector.broadcast %sign3A : i32 to vector<128x8xi32>
    %sign3A_199 = arith.cmpi sgt, %iota3A, %sign3A_198 : vector<128x8xi32>
    %sign3A_200 = arith.extui %sign3A_199 : vector<128x8xi1> to vector<128x8xi32>
    %sign3A_201 = arith.constant 0 : i32
    %sign3A_202 = vector.broadcast %sign3A_201 : i32 to vector<128x8xi32>
    %sign3A_203 = arith.cmpi slt, %iota3A, %sign3A_202 : vector<128x8xi32>
    %sign3A_204 = arith.extui %sign3A_203 : vector<128x8xi1> to vector<128x8xi32>
    %sign3A_205 = arith.subi %sign3A_200, %sign3A_204 : vector<128x8xi32>
    %sign3A_206 = arith.constant 0 : i32
    %sign3A_207 = arith.cmpi sgt, %jit3A, %sign3A_206 : i32
    %sign3A_208 = arith.extui %sign3A_207 : i1 to i32
    %sign3A_209 = arith.constant 0 : i32
    %sign3A_210 = arith.cmpi slt, %jit3A, %sign3A_209 : i32
    %sign3A_211 = arith.extui %sign3A_210 : i1 to i32
    %sign3A_212 = arith.subi %sign3A_208, %sign3A_211 : i32
    %ne3A = vector.broadcast %sign3A_212 : i32 to vector<128x8xi32>
    %ne3A_213 = arith.cmpi ne, %sign3A_205, %ne3A : vector<128x8xi32>
    %rem3A = vector.broadcast %jit3A : i32 to vector<128x8xi32>
    %rem3A_214 = arith.remsi %iota3A, %rem3A : vector<128x8xi32>
    %ne3A_215 = arith.constant 0 : i32
    %ne3A_216 = vector.broadcast %ne3A_215 : i32 to vector<128x8xi32>
    %ne3A_217 = arith.cmpi ne, %rem3A_214, %ne3A_216 : vector<128x8xi32>
    %and3A = arith.andi %ne3A_213, %ne3A_217 : vector<128x8xi1>
    %sub3A_218 = arith.constant 1 : i32
    %sub3A_219 = vector.broadcast %sub3A_218 : i32 to vector<128x8xi32>
    %sub3A_220 = arith.subi %div3A_197, %sub3A_219 : vector<128x8xi32>
    %select_n3A = arith.select %and3A, %sub3A_220, %div3A_197 : vector<128x8xi1>, vector<128x8xi32>
    %eq3A_221 = arith.cmpi eq, %select_n3A, %iota3A_195 : vector<128x8xi32>
    %jit3A_222 = arith.constant 1.000000e+00 : f32
    %jit3A_223 = arith.constant 0.000000e+00 : f32
    %broadcast_in_dim3A_224 = vector.broadcast %jit3A_222 : f32 to vector<128x8xf32>
    %broadcast_in_dim3A_225 = vector.broadcast %jit3A_223 : f32 to vector<128x8xf32>
    %select_n3A_226 = arith.select %eq3A_221, %broadcast_in_dim3A_224, %broadcast_in_dim3A_225 : vector<128x8xi1>, vector<128x8xf32>
    %dot_general3A = arith.constant dense<0.000000e+00> : vector<64x8xf32>
    %dot_general3A_227 = tpu.matmul %reshape3A_194, %select_n3A_226, %dot_general3A {dimension_numbers = #tpu.dot_dimension_numbers<[1], [0], [0], [1], [0, 0, 1, 1], [], []>, transpose_lhs_hint = false} : vector<64x128xf32>, vector<128x8xf32>, vector<64x8xf32> -> vector<64x8xf32>
    %iota3A_228 = tpu.iota {dimensions = array<i32: 0>} : vector<8x8xi32>
    %iota3A_229 = tpu.iota {dimensions = array<i32: 1>} : vector<8x8xi32>
    %lt3A_230 = arith.cmpi slt, %iota3A_228, %iota3A_229 : vector<8x8xi32>
    %jit3A_231 = arith.constant 1.000000e+00 : f32
    %jit3A_232 = arith.constant 0.000000e+00 : f32
    %broadcast_in_dim3A_233 = vector.broadcast %jit3A_231 : f32 to vector<8x8xf32>
    %broadcast_in_dim3A_234 = vector.broadcast %jit3A_232 : f32 to vector<8x8xf32>
    %select_n3A_235 = arith.select %lt3A_230, %broadcast_in_dim3A_233, %broadcast_in_dim3A_234 : vector<8x8xi1>, vector<8x8xf32>
    %dot_general3A_236 = arith.constant dense<0.000000e+00> : vector<64x8xf32>
    %dot_general3A_237 = tpu.matmul %dot_general3A_227, %select_n3A_235, %dot_general3A_236 {dimension_numbers = #tpu.dot_dimension_numbers<[1], [0], [0], [1], [0, 0, 1, 1], [], []>, transpose_lhs_hint = false} : vector<64x8xf32>, vector<8x8xf32>, vector<64x8xf32> -> vector<64x8xf32>
    %reduce_sum3A = arith.constant dense<0.000000e+00> : vector<64xf32>
    %reduce_sum3A_238 = vector.multi_reduction <add>, %dot_general3A_227, %reduce_sum3A [1] : vector<64x8xf32> to vector<64xf32>
    %broadcast_in_dim3A_239 = vector.shape_cast %reduce_sum3A_238 : vector<64xf32> to vector<64x1xf32>
    %iota3A_240 = tpu.iota {dimensions = array<i32: 0>} : vector<64x64xi32>
    %iota3A_241 = tpu.iota {dimensions = array<i32: 1>} : vector<64x64xi32>
    %lt3A_242 = arith.cmpi slt, %iota3A_241, %iota3A_240 : vector<64x64xi32>
    %jit3A_243 = arith.constant 1.000000e+00 : f32
    %jit3A_244 = arith.constant 0.000000e+00 : f32
    %broadcast_in_dim3A_245 = vector.broadcast %jit3A_243 : f32 to vector<64x64xf32>
    %broadcast_in_dim3A_246 = vector.broadcast %jit3A_244 : f32 to vector<64x64xf32>
    %select_n3A_247 = arith.select %lt3A_242, %broadcast_in_dim3A_245, %broadcast_in_dim3A_246 : vector<64x64xi1>, vector<64x64xf32>
    %dot_general3A_248 = arith.constant dense<0.000000e+00> : vector<64x1xf32>
    %dot_general3A_249 = tpu.matmul %select_n3A_247, %broadcast_in_dim3A_239, %dot_general3A_248 {dimension_numbers = #tpu.dot_dimension_numbers<[1], [0], [0], [1], [0, 0, 1, 1], [], []>, transpose_lhs_hint = false} : vector<64x64xf32>, vector<64x1xf32>, vector<64x1xf32> -> vector<64x1xf32>
    %get3A_250 = arith.constant 0 : index
    %get3A_251 = memref.load %arg7[%get3A_250] : memref<1xi32, #tpu.memory_space<smem>>
    %convert_element_type3A_252 = arith.sitofp %get3A_251 : i32 to f32
    %add3A_253 = vector.broadcast %dot_general3A_249 : vector<64x1xf32> to vector<64x8xf32>
    %add3A_254 = arith.addf %dot_general3A_237, %add3A_253 : vector<64x8xf32>
    %add3A_255 = vector.broadcast %convert_element_type3A_252 : f32 to vector<64x8xf32>
    %add3A_256 = arith.addf %add3A_254, %add3A_255 : vector<64x8xf32>
    %convert_element_type3A_257 = arith.fptosi %add3A_256 : vector<64x8xf32> to vector<64x8xi32>
    %swap3A_258 = arith.constant 0 : index
    %swap3A_259 = arith.constant 0 : index
    %swap3A_260 = arith.constant 0 : index
    %swap3A_261 = vector.load %arg6[%swap3A_258, %swap3A_259, %swap3A_260] : memref<1x64x8xi32, #tpu.memory_space<vmem>>, vector<1x64x8xi32>
    %swap3A_262 = vector.shape_cast %swap3A_261 : vector<1x64x8xi32> to vector<64x8xi32>
    %swap3A_263 = vector.shape_cast %convert_element_type3A_257 : vector<64x8xi32> to vector<1x64x8xi32>
    tpu.vector_store %arg6[%swap3A_258, %swap3A_259, %swap3A_260], %swap3A_263 {strides = array<i32>} : memref<1x64x8xi32, #tpu.memory_space<vmem>>, vector<1x64x8xi32>,
    %lt3A_264 = arith.constant 128 : i32
    %lt3A_265 = arith.cmpi slt, %arg0, %lt3A_264 : i32
    %convert_element_type3A_266 = arith.extui %lt3A_265 : i1 to i32
    %cond3A_267 = arith.constant 0 : i32
    %cond3A_268 = arith.cmpi ne, %convert_element_type3A_266, %cond3A_267 : i32
    scf.if %cond3A_268 {
      %transpose3A = tpu.transpose %div3A_181, [1, 0] : vector<19x8192xf32> -> vector<8192x19xf32>
      %broadcast_in_dim3A_274 = arith.constant 1.000000e+00 : f32
      %broadcast_in_dim3A_275 = vector.broadcast %broadcast_in_dim3A_274 : f32 to vector<8192x109xf32>
      %concatenate3A = tpu.concatenate %transpose3A, %broadcast_in_dim3A_275 in 1 : vector<8192x19xf32>, vector<8192x109xf32> -> vector<8192x128xf32>
      %swap3A_276 = arith.constant 0 : index
      %swap3A_277 = arith.constant 0 : index
      %swap3A_278 = arith.constant 0 : index
      %swap3A_279 = vector.load %arg3[%swap3A_276, %swap3A_277, %swap3A_278] : memref<1x8192x128xf32, #tpu.memory_space<vmem>>, vector<1x8192x128xf32>
      %swap3A_280 = vector.shape_cast %swap3A_279 : vector<1x8192x128xf32> to vector<8192x128xf32>
      %swap3A_281 = vector.shape_cast %concatenate3A : vector<8192x128xf32> to vector<1x8192x128xf32>
      tpu.vector_store %arg3[%swap3A_276, %swap3A_277, %swap3A_278], %swap3A_281 {strides = array<i32>} : memref<1x8192x128xf32, #tpu.memory_space<vmem>>, vector<1x8192x128xf32>,
      %swap3A_282 = arith.constant 0 : index
      %swap3A_283 = arith.constant 0 : index
      %swap3A_284 = arith.constant 0 : index
      %swap3A_285 = vector.load %arg4[%swap3A_282, %swap3A_283, %swap3A_284] : memref<1x1x8192xi32, #tpu.memory_space<vmem>>, vector<1x1x8192xi32>
      %swap3A_286 = vector.shape_cast %swap3A_285 : vector<1x1x8192xi32> to vector<8192xi32>
      %swap3A_287 = vector.shape_cast %convert_element_type3A_177 : vector<8192xi32> to vector<1x1x8192xi32>
      tpu.vector_store %arg4[%swap3A_282, %swap3A_283, %swap3A_284], %swap3A_287 {strides = array<i32>} : memref<1x1x8192xi32, #tpu.memory_space<vmem>>, vector<1x1x8192xi32>,
      %get3A_288 = arith.constant 0 : index
      %get3A_289 = memref.load %arg7[%get3A_288] : memref<1xi32, #tpu.memory_space<smem>>
      %reduce_sum3A_290 = vector.shape_cast %convert_element_type3A_177 : vector<8192xi32> to vector<1x8192xi32>
      %reduce_sum3A_291 = arith.constant dense<0> : vector<1xi32>
      %reduce_sum3A_292 = vector.multi_reduction <add>, %reduce_sum3A_290, %reduce_sum3A_291 [1] : vector<1x8192xi32> to vector<1xi32>
      %reduce_sum3A_293 = vector.shape_cast %reduce_sum3A_292 : vector<1xi32> to vector<1x1xi32>
      %reduce_sum3A_294 = vector.extract %reduce_sum3A_293[0, 0] : i32 from vector<1x1xi32>
      %add3A_295 = arith.addi %get3A_289, %reduce_sum3A_294 : i32
      %swap3A_296 = arith.constant 0 : index
      %swap3A_297 = memref.load %arg7[%swap3A_296] : memref<1xi32, #tpu.memory_space<smem>>
      memref.store %add3A_295, %arg7[%swap3A_296] : memref<1xi32, #tpu.memory_space<smem>>
    } else {
    }
    %eq3A_269 = arith.constant 128 : i32
    %eq3A_270 = arith.cmpi eq, %arg0, %eq3A_269 : i32
    %convert_element_type3A_271 = arith.extui %eq3A_270 : i1 to i32
    %cond3A_272 = arith.constant 0 : i32
    %cond3A_273 = arith.cmpi ne, %convert_element_type3A_271, %cond3A_272 : i32
    scf.if %cond3A_273 {
      %broadcast_in_dim3A_274 = arith.constant 1.000000e+00 : f32
      %broadcast_in_dim3A_275 = vector.broadcast %broadcast_in_dim3A_274 : f32 to vector<8192x128xf32>
      %swap3A_276 = arith.constant 0 : index
      %swap3A_277 = arith.constant 0 : index
      %swap3A_278 = arith.constant 0 : index
      %swap3A_279 = vector.load %arg3[%swap3A_276, %swap3A_277, %swap3A_278] : memref<1x8192x128xf32, #tpu.memory_space<vmem>>, vector<1x8192x128xf32>
      %swap3A_280 = vector.shape_cast %swap3A_279 : vector<1x8192x128xf32> to vector<8192x128xf32>
      %swap3A_281 = vector.shape_cast %broadcast_in_dim3A_275 : vector<8192x128xf32> to vector<1x8192x128xf32>
      tpu.vector_store %arg3[%swap3A_276, %swap3A_277, %swap3A_278], %swap3A_281 {strides = array<i32>} : memref<1x8192x128xf32, #tpu.memory_space<vmem>>, vector<1x8192x128xf32>,
      %broadcast_in_dim3A_282 = arith.constant 0 : i32
      %broadcast_in_dim3A_283 = vector.broadcast %broadcast_in_dim3A_282 : i32 to vector<8192xi32>
      %swap3A_284 = arith.constant 0 : index
      %swap3A_285 = arith.constant 0 : index
      %swap3A_286 = arith.constant 0 : index
      %swap3A_287 = vector.load %arg4[%swap3A_284, %swap3A_285, %swap3A_286] : memref<1x1x8192xi32, #tpu.memory_space<vmem>>, vector<1x1x8192xi32>
      %swap3A_288 = vector.shape_cast %swap3A_287 : vector<1x1x8192xi32> to vector<8192xi32>
      %swap3A_289 = vector.shape_cast %broadcast_in_dim3A_283 : vector<8192xi32> to vector<1x1x8192xi32>
      tpu.vector_store %arg4[%swap3A_284, %swap3A_285, %swap3A_286], %swap3A_289 {strides = array<i32>} : memref<1x1x8192xi32, #tpu.memory_space<vmem>>, vector<1x1x8192xi32>,
    } else {
    }
    return
  }
  func.func @transform_0(%arg0: i32) -> i32 {
    %c0_i32 = arith.constant 0 : i32
    %c0_i32_0 = arith.constant 0 : i32
    return %c0_i32 : i32
  }
  func.func @transform_1(%arg0: i32) -> (i32, i32, i32) {
    %min3A = arith.constant 127 : i32
    %min3A_0 = arith.minsi %arg0, %min3A : i32
    %jit3A = arith.constant 32 : i32
    %div3A = arith.divsi %min3A_0, %jit3A : i32
    %sign3A = arith.constant 0 : i32
    %sign3A_1 = arith.cmpi sgt, %min3A_0, %sign3A : i32
    %sign3A_2 = arith.extui %sign3A_1 : i1 to i32
    %sign3A_3 = arith.constant 0 : i32
    %sign3A_4 = arith.cmpi slt, %min3A_0, %sign3A_3 : i32
    %sign3A_5 = arith.extui %sign3A_4 : i1 to i32
    %sign3A_6 = arith.subi %sign3A_2, %sign3A_5 : i32
    %sign3A_7 = arith.constant 0 : i32
    %sign3A_8 = arith.cmpi sgt, %jit3A, %sign3A_7 : i32
    %sign3A_9 = arith.extui %sign3A_8 : i1 to i32
    %sign3A_10 = arith.constant 0 : i32
    %sign3A_11 = arith.cmpi slt, %jit3A, %sign3A_10 : i32
    %sign3A_12 = arith.extui %sign3A_11 : i1 to i32
    %sign3A_13 = arith.subi %sign3A_9, %sign3A_12 : i32
    %ne3A = arith.cmpi ne, %sign3A_6, %sign3A_13 : i32
    %rem3A = arith.remsi %min3A_0, %jit3A : i32
    %ne3A_14 = arith.constant 0 : i32
    %ne3A_15 = arith.cmpi ne, %rem3A, %ne3A_14 : i32
    %and3A = arith.andi %ne3A, %ne3A_15 : i1
    %sub3A = arith.constant 1 : i32
    %sub3A_16 = arith.subi %div3A, %sub3A : i32
    %select_n3A = arith.select %and3A, %sub3A_16, %div3A : i32
    %min3A_17 = arith.constant 127 : i32
    %min3A_18 = arith.minsi %arg0, %min3A_17 : i32
    %jit3A_19 = arith.constant 32 : i32
    %eq3A = arith.constant 0 : i32
    %eq3A_20 = arith.cmpi eq, %jit3A_19, %eq3A : i32
    %jit3A_21 = arith.constant 1 : i32
    %select_n3A_22 = arith.select %eq3A_20, %jit3A_21, %jit3A_19 : i32
    %rem3A_23 = arith.remsi %min3A_18, %select_n3A_22 : i32
    %ne3A_24 = arith.constant 0 : i32
    %ne3A_25 = arith.cmpi ne, %rem3A_23, %ne3A_24 : i32
    %lt3A = arith.constant 0 : i32
    %lt3A_26 = arith.cmpi slt, %rem3A_23, %lt3A : i32
    %lt3A_27 = arith.constant 0 : i32
    %lt3A_28 = arith.cmpi slt, %select_n3A_22, %lt3A_27 : i32
    %ne3A_29 = arith.xori %lt3A_26, %lt3A_28 : i1
    %and3A_30 = arith.andi %ne3A_29, %ne3A_25 : i1
    %add3A = arith.addi %rem3A_23, %select_n3A_22 : i32
    %select_n3A_31 = arith.select %and3A_30, %add3A, %rem3A_23 : i32
    %c0_i32 = arith.constant 0 : i32
    %c0_i32_32 = arith.constant 0 : i32
    return %select_n3A, %c0_i32, %select_n3A_31 : i32, i32, i32
  }
  func.func @transform_2(%arg0: i32) -> (i32, i32, i32) {
    %c0_i32 = arith.constant 0 : i32
    %c0_i32_0 = arith.constant 0 : i32
    %c0_i32_1 = arith.constant 0 : i32
    return %arg0, %c0_i32, %c0_i32_0 : i32, i32, i32
  }
  func.func @transform_3(%arg0: i32) -> (i32, i32, i32) {
    %c0_i32 = arith.constant 0 : i32
    %c0_i32_0 = arith.constant 0 : i32
    %c0_i32_1 = arith.constant 0 : i32
    return %arg0, %c0_i32, %c0_i32_0 : i32, i32, i32
  }
  func.func @transform_4(%arg0: i32) -> (i32, i32, i32) {
    %c0_i32 = arith.constant 0 : i32
    %c0_i32_0 = arith.constant 0 : i32
    %c0_i32_1 = arith.constant 0 : i32
    return %arg0, %c0_i32, %c0_i32_0 : i32, i32, i32
  }
  func.func @transform_5(%arg0: i32) -> (i32, i32, i32) {
    %c0_i32 = arith.constant 0 : i32
    %c0_i32_0 = arith.constant 0 : i32
    %c0_i32_1 = arith.constant 0 : i32
    return %arg0, %c0_i32, %c0_i32_0 : i32, i32, i32
  }
}

</mosaic_0001>

<sc_bundles>
// kernel: kernel.4.cloned.1.call-start
scs
__scs_entry_jumppad:
0x0: {  	(pc) =	sbr.rel $0x88, $3  }
0x1: {  	(tag) =	ssettag $0x0;
	lr =	simm.s32 $0x1  }
0x2: {  	[smem:$0x3F9F] =	sst lr;
	_ =	strace $0xD0000000  }
0x3: {  	_ = 	snop  }
0x4: {  	_ = 	snop  }
0x5: {  	_ = 	snop  }
0x6: {  	_ = 	snop  }
0x7: {  	_ = 	snop  }
__scs_overlays_trampoline_lowered:
0x8: {  	[smem:$0x3FAE] =	sst s0  }
0x9: {  	[smem:$0x3FAF] =	sst s1  }
0xa: {  	[smem:$0x3FB0] =	sst s2  }
0xb: {  	[smem:$0x3FB1] =	sst s3  }
0xc: {  	[smem:$0x3FB2] =	sst s4  }
0xd: {  	[smem:$0x3FB3] =	sst s5  }
0xe: {  	[smem:$0x3FB4] =	sst s6  }
0xf: {  	[smem:$0x3FB5] =	sst s7  }
0x10: {  	[smem:$0x3FB6] =	sst s8  }
0x11: {  	[smem:$0x3FB7] =	sst s9;
	s0 =	simm.s32 @!p0 $0x0  }
0x12: {  	s1 =	sld [smem:$0x3F9D];
	s0 =	simm.s32 @p0 $0x1  }
0x13: {  	[smem:$0x3FB8] =	sst s0;
	s0 =	simm.s32 @!p1 $0x0  }
0x14: {  	s2 =	sld [smem:$0x3F9C];
	s0 =	simm.s32 @p1 $0x1  }
0x15: {  	[smem:$0x3FB9] =	sst s0;
	s0 =	simm.s32 @!p2 $0x0  }
0x16: {  	s3 =	sld [smem:$0x3FDB];
	s0 =	simm.s32 @p2 $0x1  }
0x17: {  	s4 =	simm.s32 $0x1BF5;
	[smem:$0x3FBB] =	sst s0  }
0x18: {  	s0 =	sld [smem:$0x3F9E];
	_ =	swait.ge [sflag:s4], $0x0  }
0x19: {  	s7 =	sld [smem:$0x3F9F]  }
0x1a: {  	s8 =	sadd.s32 $0xFFFFE003, lr  }
0x1b: {  	s9 =	sadd.s32 $0xFFFFFEF7, lr;
	s5 =	simm.s32 $0xFFFFFFFF;
	p2 =	slt.u32 s8, $0xFFFFF086  }
0x1c: {  	p1 =	slt.u32 s9, $0xF7A;
	s5 =	simm.s32 @!p2 $0x0  }
0x1d: {  	s5 =	simm.s32 @p1 $0x1;
	p0 =	seq.s32 s7, s2  }
0x1e: {  	s7 =	smul.u32 @!p0 $0xF7A, s2;
	p2 =	seq.s32 @!p0 s5, $0x0  }
0x1f: {  	s9 =	smul.u32 $0xF7A, s1;
	s8 =	simm.s32 @!p0 $0x1BF5;
	p2 =	por !p2, p0  }
0x20: {  	[sflag:s8] =	ssyncset.s32 @!p0 $0xFFFFF086;
	s6 =	sadd.s32 @!p0 s3, s7;
	s7 =	simm.s32 @!p0 $0x108  }
0x21: {  	s3 =	sadd.s32 s3, s9;
	s6 =	sadd.s32 @!p0 $0x88, s6;
	s7 =	simm.s32 @p2 $0x1082  }
0x22: {  	[simem:s7], [sflag:s8] =	dma.local @!p0 [hbm:s6], $0xF7A  }
0x23: {  	s9 =	sor.u32 $0xD0000000, s2;
	s6 =	simm.s32 $0x108;
	_ =	swait.ge @!p0 [sflag:s8], $0x0  }
0x24: {  	s3 =	sadd.s32 $0x88, s3;
	s6 =	simm.s32 @!p1 $0x1082;
	[sflag:s4] =	ssyncset.s32 $0xFFFFF086  }
0x25: {  	[simem:s6], [sflag:s4] =	dma.local [hbm:s3], $0xF7A  }
0x26: {  	[smem:$0x3F9F] =	sst s1;
	(tag) =	ssettag s2;
	_ =	strace s9  }
0x27: {  	s1 =	sld [smem:$0x3FAF]  }
0x28: {  	s2 =	sld [smem:$0x3FB0]  }
0x29: {  	s4 =	sld [smem:$0x3FB2]  }
0x2a: {  	p0 =	seq.s32 s5, $0x0;
	s5 =	sld [smem:$0x3FB3]  }
0x2b: {  	s6 =	sld [smem:$0x3FB4]  }
0x2c: {  	s7 =	sld [smem:$0x3FB5]  }
0x2d: {  	s3 =	simm.s32 $0x108;
	s8 =	sld [smem:$0x3FB6]  }
0x2e: {  	s3 =	simm.s32 @!p0 $0x1082;
	s9 =	sld [smem:$0x3FB7]  }
0x2f: {  	lr =	sadd.s32 s0, s3;
	s0 =	sld [smem:$0x3FAE]  }
0x30: {  	s3 =	sld [smem:$0x3FB1]  }
0x31: {  	[smem:$0x3FBA] =	sst s10  }
0x32: {  	s10 =	sld [smem:$0x3FB8];
	_ =	sdelay $0x3  }
0x33: {  	p0 =	seq.s32 s10, $0x1;
	s10 =	sld [smem:$0x3FBA];
	_ =	sdelay $0x3  }
0x34: {  	[smem:$0x3FBA] =	sst s10  }
0x35: {  	s10 =	sld [smem:$0x3FB9];
	_ =	sdelay $0x3  }
0x36: {  	p1 =	seq.s32 s10, $0x1;
	s10 =	sld [smem:$0x3FBA];
	_ =	sdelay $0x3  }
0x37: {  	[smem:$0x3FBA] =	sst s10  }
0x38: {  	s10 =	sld [smem:$0x3FBB]  }
0x39: {  	_ = 	snop;
	(pc) =	sbr.ind lr, $3  }
0x3a: {  	_ = 	snop  }
0x3b: {  	_ = 	snop  }
0x3c: {  	p2 =	seq.s32 s10, $0x1;
	s10 =	sld [smem:$0x3FBA]  }
0x3d: {  	_ =	shalt  }
0x3e: {  	_ =	shalt  }
0x3f: {  	_ =	shalt  }
0x40: {  	_ =	shalt  }
0x41: {  	_ =	shalt  }
0x42: {  	_ =	shalt  }
0x43: {  	_ =	shalt  }
0x44: {  	_ =	shalt  }
0x45: {  	_ =	shalt  }
0x46: {  	_ =	shalt  }
0x47: {  	_ =	shalt  }
0x48: {  	_ =	shalt  }
0x49: {  	_ =	shalt  }
0x4a: {  	_ =	shalt  }
0x4b: {  	_ =	shalt  }
0x4c: {  	_ =	shalt  }
0x4d: {  	_ =	shalt  }
0x4e: {  	_ =	shalt  }
0x4f: {  	_ =	shalt  }
0x50: {  	_ =	shalt  }
0x51: {  	_ =	shalt  }
0x52: {  	_ =	shalt  }
0x53: {  	_ =	shalt  }
0x54: {  	_ =	shalt  }
0x55: {  	_ =	shalt  }
0x56: {  	_ =	shalt  }
0x57: {  	_ =	shalt  }
0x58: {  	_ =	shalt  }
0x59: {  	_ =	shalt  }
0x5a: {  	_ =	shalt  }
0x5b: {  	_ =	shalt  }
0x5c: {  	_ =	shalt  }
0x5d: {  	_ =	shalt  }
0x5e: {  	_ =	shalt  }
0x5f: {  	_ =	shalt  }
0x60: {  	_ =	shalt  }
0x61: {  	_ =	shalt  }
0x62: {  	_ =	shalt  }
0x63: {  	_ =	shalt  }
0x64: {  	_ =	shalt  }
0x65: {  	_ =	shalt  }
0x66: {  	_ =	shalt  }
0x67: {  	_ =	shalt  }
0x68: {  	_ =	shalt  }
0x69: {  	_ =	shalt  }
0x6a: {  	_ =	shalt  }
0x6b: {  	_ =	shalt  }
0x6c: {  	_ =	shalt  }
0x6d: {  	_ =	shalt  }
0x6e: {  	_ =	shalt  }
0x6f: {  	_ =	shalt  }
0x70: {  	_ =	shalt  }
0x71: {  	_ =	shalt  }
0x72: {  	_ =	shalt  }
0x73: {  	_ =	shalt  }
0x74: {  	_ =	shalt  }
0x75: {  	_ =	shalt  }
0x76: {  	_ =	shalt  }
0x77: {  	_ =	shalt  }
0x78: {  	_ =	shalt  }
0x79: {  	_ =	shalt  }
0x7a: {  	_ =	shalt  }
0x7b: {  	_ =	shalt  }
0x7c: {  	_ =	shalt  }
0x7d: {  	_ =	shalt  }
0x7e: {  	_ =	shalt  }
0x7f: {  	_ =	shalt  }
0x80: {  	_ =	shalt  }
0x81: {  	_ =	shalt  }
0x82: {  	_ =	shalt  }
0x83: {  	_ =	shalt  }
0x84: {  	_ =	shalt  }
0x85: {  	_ =	shalt  }
0x86: {  	_ =	shalt  }
0x87: {  	_ =	shalt  }
.Lfunc_end0:
.L_simem_size_0:
called_computation.1_lowered:
.L_overlay_start_0:
0x88: {  	s2 =	sld [smem:$0x3FD9]  }
0x89: {  	s3 =	sld [smem:$0x3FFE];
	_ =	sdelay $0x1  }
0x8a: {  	s1 =	srdreg.scid  }
0x8b: {  	s0 =	sand.u32 $0x1, s1  }
0x8c: {  	s17 =	sshll.u32 s0, $0xA;
	s2 =	sadd.s32 s3, s2  }
0x8d: {  	s2 =	sadd.s32 s2, s17  }
0x8e: {  	[smem:$0x3FC6] =	sst s2  }
0x8f: {  	_ = 	snop  }
0x90: {  	s2 =	sld [smem:$0x3FD0];
	(tm) =	ssettm $0x1  }
0x91: {  	s18 =	sld [smem:$0x3FFB];
	_ =	sdelay $0x3  }
0x92: {  	_ =	strace s18  }
0x93: {  	s3 =	sld [smem:$0x3FFC];
	_ =	sdelay $0x3  }
0x94: {  	_ =	strace s3  }
0x95: {  	s3 =	sld [smem:$0x3FFD];
	_ =	sdelay $0x3  }
0x96: {  	_ =	strace s3  }
0x97: {  	_ =	strace $0x8FFFFFFF  }
0x98: {  	s19 =	sld [smem:$0x3FDB];
	_ =	sdelay $0x1  }
0x99: {  	s4 =	simm.s32 $_scs_section_size  }
0x9a: {  	s5 =	simm.s32 $_size__tile_overlayer_lowered;
	s6 =	simm.s32 $_tile_overlayer_lowered  }
0x9b: {  	s22 =	simm.s32 $0x1BFF;
	s21 =	sshll.u32 s6, $0x1;
	s3 =	sadd.s32 s4, s19  }
0x9c: {  	s7 =	simm.s32 $0x0;
	s20 =	sshll.u32 s5, $0x1;
	s5 =	sadd.s32 s21, s3  }
0x9d: {  	[timem:s7], [sflag:s22] =	dma.local [hbm:s5], s20  }
0x9e: {  	_ =	swait.ge [sflag:s22], s20  }
0x9f: {  	s4 =	ssub.s32 $0x0, s20;
	[sflag:s22] =	ssyncset.done $0x0  }
0xa0: {  	[sflag:s22] =	ssyncadd.s32 s4;
	_ =	sdelay $0x1  }
0xa1: {  	s23 =	simm.s32 $0x1B8B  }
0xa2: {  	_ =	swait.ge [sflag:s23], $0x1  }
0xa3: {  	[sflag:s23] =	ssyncset.done $0x0  }
0xa4: {  	s25 =	simm.s32 $0x1B8E;
	s24 =	sld [smem:$0x3FFE];
	[sflag:s23] =	ssyncadd.s32 $0xFFFFFFFF  }
0xa5: {  	s26 =	simm.s32 $execute0_lowered;
	[smem:$0x3FD2] =	sst s25  }
0xa6: {  	s5 =	sshll.u32 s26, $0x1;
	_ =	strace $0x80000046;
	[dreg:$0x1] =	wrdreg $0xFFFFFFFF  }
0xa7: {  	s28 =	simm.s32 $_size_execute0_lowered;
	s3 =	sadd.s32 s3, s5;
	[dreg:$0x0] =	wrdreg $0x0  }
0xa8: {  	s5 =	sshll.u32 s28, $0x1;
	[dreg:$0x2] =	wrdreg s3  }
0xa9: {  	[dreg:$0x3] =	wrdreg s5  }
0xaa: {  	[dreg:$0x4] =	wrdreg $0xC0  }
0xab: {  	_ =	task [dreg:s7], $0x5FFFF  }
0xac: {  	[dreg:$0x1] =	wrdreg $0xFFFFFFFF  }
0xad: {  	[dreg:$0x0] =	wrdreg $0x60  }
0xae: {  	[dreg:$0x2] =	wrdreg s24  }
0xaf: {  	[dreg:$0x3] =	wrdreg s2  }
0xb0: {  	[dreg:$0x4] =	wrdreg $0x9  }
0xb1: {  	_ =	task.clear_ibuf [dreg:s7], $0x5FFFF;
	_ =	strace $0x90000046  }
0xb2: {  	s29 =	simm.s32 $0x9;
	_ =	strace $0x80000048  }
0xb3: {  	_ =	swait.ge [sflag:s29], $0x1  }
0xb4: {  	[sflag:s29] =	ssyncadd.s32 $0xFFFFFFFF  }
0xb5: {  	_ =	strace $0x90000048  }
0xb6: {  	_ =	sfence  }
0xb7: {  	s30 =	sld [smem:$0x0];
	_ =	sdelay $0x2  }
0xb8: {  	s31 =	sshll.u32 s1, $0xD;
	s1 =	sshrl.u32 s1, $0x2  }
0xb9: {  	s3 =	sand.u32 $0x4000, s31;
	s1 =	sadd.s32 s1, s30  }
0xba: {  	s0 =	sor.u32 s3, s0;
	s1 =	sshll.u32 s1, $0x11  }
0xbb: {  	s0 =	sor.u32 s1, s0  }
0xbc: {  	s0 =	sadd.s32 $0x8F2B, s0  }
0xbd: {  	[sflag:s0] =	ssyncadd.remote.s32 $0x1  }
0xbe: {  	_ =	sfence.sel $0xFFFF  }
0xbf: {  	[dreg:$0x0] =	wrdreg $0xFFFFFFFF;
	(pc) =	sbr.abs _section_cstart, $3  }
0xc0: {  	[dreg:$0x1] =	wrdreg $0xFFFFFFFF  }
0xc1: {  	_ =	task.clear_ibuf [dreg:s7], $0x2FFFF;
	_ =	strace $0x9FFFFFFF  }
0xc2: {  	(tm) =	ssettm $0x7FFFFFFF  }
0xc3: {  	_ =	shalt  }
tec
execute0_lowered:
.L_overlay_start_1:
0x0: {  	(tag) =	ssettag $0x1  }
0x1: {  	v0 =	vimm.s32 $0xEDCBA987  }
0x2: {  	v1 =	vimm.s32 $0x65432100;
	v0 =	vunpack.c.l.s4.s8 v0  }
0x3: {  	v3 =	vimm.s32 $0xDCBA9876;
	v1 =	vunpack.c.l.s4.s8 v1  }
0x4: {  	s9 =	rddreg [dreg:$0x0];
	v6 =	vimm.s32 $0xE40000;
	v3 =	vunpack.c.l.s4.s8 v3;
	v2 =	vunpack.c.0.s8.s32 v0  }
0x5: {  	s1 =	rddreg [dreg:$0x1];
	v7 =	vimm.s32 $0x32100000;
	v4 =	vunpack.c.0.s8.s32 v1;
	v1 =	vimm.s32 $0x54321000  }
0x6: {  	s0 =	rddreg [dreg:$0x2];
	v3 =	vunpack.c.0.s8.s32 v3;
	v5 =	vunpack.c.l.s4.s8 v1;
	v2 =	vand.u32 $0xF, v2  }
0x7: {  	s2 =	simm.s32 $0x0;
	s3 =	stileid.u32;
	s6 =	srdreg.scid;
	vm0 =	vmmov $0x3;
	v2 =	vcombine.low v4, v2;
	v4 =	vunpack.c.l.s2.s4 v6  }
0x8: {  	s14 =	simm.s32 $0xA280;
	s15 =	simm.s32 $0x0;
	[smem:$0x7FF] =	sst s2;
	v5 =	vunpack.c.0.s8.s32 v5;
	v6 =	vand.u32 $0xF, v3;
	v3 =	vimm.s32 $0xBA987654  }
0x9: {  	vm2 =	vcmask $0x3F30;
	s4 =	sadd.s32 $0x600, s9;
	s5 =	sadd.s32 $0x1020600, s9;
	s7 =	sshll.u32 s3, $0x14;
	v8 =	vunpack.c.l.s4.s8 v3;
	v9 =	vunpack.c.l.s4.s8 v4  }
0xa: {  	vm1 =	vmmov $0xf;
	s8 =	sand.u32 $0x1, s6;
	s6 =	sadd.s32 $0x1020800, s9;
	s12 =	sshll.u32 s3, $0x10;
	v4 =	vcombine.low v5, v6;
	v5 =	vunpack.c.l.s4.s8 v7  }
0xb: {  	_ =	strace $0x80000047;
	s10 =	sadd.s32 s7, s9;
	s30 =	ssub.s32 $0x2, s8;
	v7 =	vimm.s32 $0x7060504;
	v6 =	vunpack.c.0.s8.s32 v8;
	v8 =	vunpack.c.0.s8.s32 v9  }
0xc: {  	s13 =	sshll.u32 s8, $0xF;
	s31 =	sshll.u32 s8, $0x13;
	s9 =	sadd.s32 $0x1000600, s9;
	v0 =	vimm.s32 $0x100000;
	v7 =	vunpack.c.0.s8.s32 v7;
	v5 =	vunpack.c.0.s8.s32 v5  }
0xd: {  	s11 =	sshrl.u32 s30, $0x1;
	s7 =	sor.u32 s13, s12;
	s12 =	sadd.s32 s31, s10;
	v1 =	vimm.s32 $0x0;
	v6 =	vand.u32 $0xF, v6;
	v8 =	vand.u32 $0x3, v8  }
0xe: {  	s13 =	simm.s32 $0x2000;
	s11 =	ssub.s32 s30, s11;
	s8 =	sadd.s32 $0x8000, s7;
	v3 =	vlaneseq.u32;
	v5 =	vcombine.low v5, v6;
	v6 =	vsel vm2, v7, v8  }
0xf: {  	s10 =	smax.u32 s11, $0x1;
	s11 =	sadd.s32 $0x1022A00, s12;
	s12 =	simm.s32 $0x2;
	vm2 =	vmmov $0xff;
	v7 =	vadd.s32 $0x1, v3;
	v8 =	vimm.s32 $0x7  }
.LBB2_1:
0x10: {  	[tilespmem:s2], [sflag:$0x2] =	stream.linear.gather [hbm4b:s5+s2], $0x90, $0x38;
	[tilespmem:$0x1A280] =	vst v63  }
0x11: {  	_ =	swait.ge [sflag:s12], $0x90  }
0x12: {  	[sflag:s12] =	ssyncset.done $0x0  }
0x13: {  	[sflag:s12] =	ssyncadd.s32 $0xFFFFFF70  }
0x14: {  	v9 =	vld [tilespmem:$0x0];
	_ =	sdelay $0x4  }
0x15: {  	(v2sf) =	vpush v9, $0x0  }
0x16: {  	(v2sf) =	vpush v9, $0x1  }
0x17: {  	(v2sf) =	vpush v9, $0x2  }
0x18: {  	(v2sf) =	vpush v9, $0x3  }
0x19: {  	(v2sf) =	vpush v9, $0x4  }
0x1a: {  	(v2sf) =	vpush v9, $0x5  }
0x1b: {  	(v2sf) =	vpush v9, $0x6  }
0x1c: {  	(v2sf) =	vpush v9, $0x7  }
0x1d: {  	(v2sf) =	vpush v9, $0x8  }
0x1e: {  	(v2sf) =	vpush v9, $0x9  }
0x1f: {  	(v2sf) =	vpush v9, $0xA  }
0x20: {  	v10 =	vld [tilespmem:$0x10];
	(v2sf) =	vpush v9, $0xB  }
0x21: {  	(v2sf) =	vpush v9, $0xC  }
0x22: {  	(v2sf) =	vpush v9, $0xD  }
0x23: {  	(v2sf) =	vpush v9, $0xE  }
0x24: {  	s16 =	spop (v2sf);
	(v2sf) =	vpush v9, $0xF  }
0x25: {  	[smem:$0x0] =	sst s16;
	s30 =	spop (v2sf);
	(v2sf) =	vpush v10, $0x0  }
0x26: {  	[smem:$0x1] =	sst s30;
	s31 =	spop (v2sf);
	(v2sf) =	vpush v10, $0x1  }
0x27: {  	[smem:$0x2] =	sst s31;
	s17 =	spop (v2sf);
	(v2sf) =	vpush v10, $0x2  }
0x28: {  	[smem:$0x3] =	sst s17;
	s18 =	spop (v2sf);
	(v2sf) =	vpush v10, $0x3  }
0x29: {  	[smem:$0x4] =	sst s18;
	s19 =	spop (v2sf);
	(v2sf) =	vpush v10, $0x4  }
0x2a: {  	[smem:$0x5] =	sst s19;
	s20 =	spop (v2sf);
	(v2sf) =	vpush v10, $0x5  }
0x2b: {  	[smem:$0x6] =	sst s20;
	s21 =	spop (v2sf);
	(v2sf) =	vpush v10, $0x6  }
0x2c: {  	[smem:$0x7] =	sst s21;
	s22 =	spop (v2sf);
	(v2sf) =	vpush v10, $0x7  }
0x2d: {  	[smem:$0x8] =	sst s22;
	s23 =	spop (v2sf);
	(v2sf) =	vpush v10, $0x8  }
0x2e: {  	[smem:$0x9] =	sst s23;
	s24 =	spop (v2sf);
	(v2sf) =	vpush v10, $0x9  }
0x2f: {  	[smem:$0xA] =	sst s24;
	s25 =	spop (v2sf);
	(v2sf) =	vpush v10, $0xA  }
0x30: {  	v9 =	vld [tilespmem:$0x20];
	[smem:$0xB] =	sst s25;
	s26 =	spop (v2sf);
	(v2sf) =	vpush v10, $0xB  }
0x31: {  	[smem:$0xC] =	sst s26;
	s28 =	spop (v2sf);
	(v2sf) =	vpush v10, $0xC  }
0x32: {  	[smem:$0xD] =	sst s28;
	s29 =	spop (v2sf);
	(v2sf) =	vpush v10, $0xD  }
0x33: {  	[smem:$0xE] =	sst s29;
	s30 =	spop (v2sf);
	(v2sf) =	vpush v10, $0xE  }
0x34: {  	[smem:$0xF] =	sst s30;
	s31 =	spop (v2sf);
	(v2sf) =	vpush v10, $0xF  }
0x35: {  	[smem:$0x10] =	sst s31;
	s17 =	spop (v2sf);
	(v2sf) =	vpush v9, $0x0  }
0x36: {  	[smem:$0x11] =	sst s17;
	s18 =	spop (v2sf);
	(v2sf) =	vpush v9, $0x1  }
0x37: {  	[smem:$0x12] =	sst s18;
	s19 =	spop (v2sf);
	(v2sf) =	vpush v9, $0x2  }
0x38: {  	[smem:$0x13] =	sst s19;
	s20 =	spop (v2sf);
	(v2sf) =	vpush v9, $0x3  }
0x39: {  	[smem:$0x14] =	sst s20;
	s21 =	spop (v2sf);
	(v2sf) =	vpush v9, $0x4  }
0x3a: {  	[smem:$0x15] =	sst s21;
	s22 =	spop (v2sf);
	(v2sf) =	vpush v9, $0x5  }
0x3b: {  	[smem:$0x16] =	sst s22;
	s23 =	spop (v2sf);
	(v2sf) =	vpush v9, $0x6  }
0x3c: {  	[smem:$0x17] =	sst s23;
	s24 =	spop (v2sf);
	(v2sf) =	vpush v9, $0x7  }
0x3d: {  	[smem:$0x18] =	sst s24;
	s25 =	spop (v2sf);
	(v2sf) =	vpush v9, $0x8  }
0x3e: {  	[smem:$0x19] =	sst s25;
	s26 =	spop (v2sf);
	(v2sf) =	vpush v9, $0x9  }
0x3f: {  	[smem:$0x1A] =	sst s26;
	s28 =	spop (v2sf);
	(v2sf) =	vpush v9, $0xA  }
0x40: {  	v10 =	vld [tilespmem:$0x30];
	[smem:$0x1B] =	sst s28;
	s29 =	spop (v2sf);
	(v2sf) =	vpush v9, $0xB  }
0x41: {  	[smem:$0x1C] =	sst s29;
	s30 =	spop (v2sf);
	(v2sf) =	vpush v9, $0xC  }
0x42: {  	[smem:$0x1D] =	sst s30;
	s31 =	spop (v2sf);
	(v2sf) =	vpush v9, $0xD  }
0x43: {  	[smem:$0x1E] =	sst s31;
	s17 =	spop (v2sf);
	(v2sf) =	vpush v9, $0xE  }
0x44: {  	[smem:$0x1F] =	sst s17;
	s18 =	spop (v2sf);
	(v2sf) =	vpush v9, $0xF  }
0x45: {  	[smem:$0x20] =	sst s18;
	s19 =	spop (v2sf);
	(v2sf) =	vpush v10, $0x0  }
0x46: {  	[smem:$0x21] =	sst s19;
	s20 =	spop (v2sf);
	(v2sf) =	vpush v10, $0x1  }
0x47: {  	[smem:$0x22] =	sst s20;
	s21 =	spop (v2sf);
	(v2sf) =	vpush v10, $0x2  }
0x48: {  	[smem:$0x23] =	sst s21;
	s22 =	spop (v2sf);
	(v2sf) =	vpush v10, $0x3  }
0x49: {  	[smem:$0x24] =	sst s22;
	s23 =	spop (v2sf);
	(v2sf) =	vpush v10, $0x4  }
0x4a: {  	[smem:$0x25] =	sst s23;
	s24 =	spop (v2sf);
	(v2sf) =	vpush v10, $0x5  }
0x4b: {  	[smem:$0x26] =	sst s24;
	s25 =	spop (v2sf);
	(v2sf) =	vpush v10, $0x6  }
0x4c: {  	[smem:$0x27] =	sst s25;
	s26 =	spop (v2sf);
	(v2sf) =	vpush v10, $0x7  }
0x4d: {  	[smem:$0x28] =	sst s26;
	s28 =	spop (v2sf);
	(v2sf) =	vpush v10, $0x8  }
0x4e: {  	[smem:$0x29] =	sst s28;
	s29 =	spop (v2sf);
	(v2sf) =	vpush v10, $0x9  }
0x4f: {  	[smem:$0x2A] =	sst s29;
	s30 =	spop (v2sf);
	(v2sf) =	vpush v10, $0xA  }
0x50: {  	v9 =	vld [tilespmem:$0x40];
	[smem:$0x2B] =	sst s30;
	s31 =	spop (v2sf);
	(v2sf) =	vpush v10, $0xB  }
0x51: {  	[smem:$0x2C] =	sst s31;
	s17 =	spop (v2sf);
	(v2sf) =	vpush v10, $0xC  }
0x52: {  	[smem:$0x2D] =	sst s17;
	s18 =	spop (v2sf);
	(v2sf) =	vpush v10, $0xD  }
0x53: {  	[smem:$0x2E] =	sst s18;
	s19 =	spop (v2sf);
	(v2sf) =	vpush v10, $0xE  }
0x54: {  	[smem:$0x2F] =	sst s19;
	s20 =	spop (v2sf);
	(v2sf) =	vpush v10, $0xF  }
0x55: {  	[smem:$0x30] =	sst s20;
	s21 =	spop (v2sf);
	(v2sf) =	vpush v9, $0x0  }
0x56: {  	[smem:$0x31] =	sst s21;
	s22 =	spop (v2sf);
	(v2sf) =	vpush v9, $0x1  }
0x57: {  	[smem:$0x32] =	sst s22;
	s23 =	spop (v2sf);
	(v2sf) =	vpush v9, $0x2  }
0x58: {  	[smem:$0x33] =	sst s23;
	s24 =	spop (v2sf);
	(v2sf) =	vpush v9, $0x3  }
0x59: {  	[smem:$0x34] =	sst s24;
	s25 =	spop (v2sf);
	(v2sf) =	vpush v9, $0x4  }
0x5a: {  	[smem:$0x35] =	sst s25;
	s26 =	spop (v2sf);
	(v2sf) =	vpush v9, $0x5  }
0x5b: {  	[smem:$0x36] =	sst s26;
	s28 =	spop (v2sf);
	(v2sf) =	vpush v9, $0x6  }
0x5c: {  	[smem:$0x37] =	sst s28;
	s29 =	spop (v2sf);
	(v2sf) =	vpush v9, $0x7  }
0x5d: {  	[smem:$0x38] =	sst s29;
	s30 =	spop (v2sf);
	(v2sf) =	vpush v9, $0x8  }
0x5e: {  	[smem:$0x39] =	sst s30;
	s31 =	spop (v2sf);
	(v2sf) =	vpush v9, $0x9  }
0x5f: {  	[smem:$0x3A] =	sst s31;
	s17 =	spop (v2sf);
	(v2sf) =	vpush v9, $0xA  }
0x60: {  	v10 =	vld [tilespmem:$0x50];
	[smem:$0x3B] =	sst s17;
	s18 =	spop (v2sf);
	(v2sf) =	vpush v9, $0xB  }
0x61: {  	[smem:$0x3C] =	sst s18;
	s19 =	spop (v2sf);
	(v2sf) =	vpush v9, $0xC  }
0x62: {  	[smem:$0x3D] =	sst s19;
	s20 =	spop (v2sf);
	(v2sf) =	vpush v9, $0xD  }
0x63: {  	[smem:$0x3E] =	sst s20;
	s21 =	spop (v2sf);
	(v2sf) =	vpush v9, $0xE  }
0x64: {  	[smem:$0x3F] =	sst s21;
	s22 =	spop (v2sf);
	(v2sf) =	vpush v9, $0xF  }
0x65: {  	[smem:$0x40] =	sst s22;
	s23 =	spop (v2sf);
	(v2sf) =	vpush v10, $0x0  }
0x66: {  	[smem:$0x41] =	sst s23;
	s24 =	spop (v2sf);
	(v2sf) =	vpush v10, $0x1  }
0x67: {  	[smem:$0x42] =	sst s24;
	s25 =	spop (v2sf);
	(v2sf) =	vpush v10, $0x2  }
0x68: {  	[smem:$0x43] =	sst s25;
	s26 =	spop (v2sf);
	(v2sf) =	vpush v10, $0x3  }
0x69: {  	[smem:$0x44] =	sst s26;
	s28 =	spop (v2sf);
	(v2sf) =	vpush v10, $0x4  }
0x6a: {  	[smem:$0x45] =	sst s28;
	s29 =	spop (v2sf);
	(v2sf) =	vpush v10, $0x5  }
0x6b: {  	[smem:$0x46] =	sst s29;
	s30 =	spop (v2sf);
	(v2sf) =	vpush v10, $0x6  }
0x6c: {  	[smem:$0x47] =	sst s30;
	s31 =	spop (v2sf);
	(v2sf) =	vpush v10, $0x7  }
0x6d: {  	[smem:$0x48] =	sst s31;
	s17 =	spop (v2sf);
	(v2sf) =	vpush v10, $0x8  }
0x6e: {  	[smem:$0x49] =	sst s17;
	s18 =	spop (v2sf);
	(v2sf) =	vpush v10, $0x9  }
0x6f: {  	[smem:$0x4A] =	sst s18;
	s19 =	spop (v2sf);
	(v2sf) =	vpush v10, $0xA  }
0x70: {  	v9 =	vld [tilespmem:$0x60];
	[smem:$0x4B] =	sst s19;
	s20 =	spop (v2sf);
	(v2sf) =	vpush v10, $0xB  }
0x71: {  	[smem:$0x4C] =	sst s20;
	s21 =	spop (v2sf);
	(v2sf) =	vpush v10, $0xC  }
0x72: {  	[smem:$0x4D] =	sst s21;
	s22 =	spop (v2sf);
	(v2sf) =	vpush v10, $0xD  }
0x73: {  	[smem:$0x4E] =	sst s22;
	s23 =	spop (v2sf);
	(v2sf) =	vpush v10, $0xE  }
0x74: {  	[smem:$0x4F] =	sst s23;
	s24 =	spop (v2sf);
	(v2sf) =	vpush v10, $0xF  }
0x75: {  	[smem:$0x50] =	sst s24;
	s25 =	spop (v2sf);
	(v2sf) =	vpush v9, $0x0  }
0x76: {  	[smem:$0x51] =	sst s25;
	s26 =	spop (v2sf);
	(v2sf) =	vpush v9, $0x1  }
0x77: {  	[smem:$0x52] =	sst s26;
	s28 =	spop (v2sf);
	(v2sf) =	vpush v9, $0x2  }
0x78: {  	[smem:$0x53] =	sst s28;
	s29 =	spop (v2sf);
	(v2sf) =	vpush v9, $0x3  }
0x79: {  	[smem:$0x54] =	sst s29;
	s30 =	spop (v2sf);
	(v2sf) =	vpush v9, $0x4  }
0x7a: {  	[smem:$0x55] =	sst s30;
	s31 =	spop (v2sf);
	(v2sf) =	vpush v9, $0x5  }
0x7b: {  	[smem:$0x56] =	sst s31;
	s17 =	spop (v2sf);
	(v2sf) =	vpush v9, $0x6  }
0x7c: {  	[smem:$0x57] =	sst s17;
	s18 =	spop (v2sf);
	(v2sf) =	vpush v9, $0x7  }
0x7d: {  	[smem:$0x58] =	sst s18;
	s19 =	spop (v2sf);
	(v2sf) =	vpush v9, $0x8  }
0x7e: {  	[smem:$0x59] =	sst s19;
	s20 =	spop (v2sf);
	(v2sf) =	vpush v9, $0x9  }
0x7f: {  	[smem:$0x5A] =	sst s20;
	s21 =	spop (v2sf);
	(v2sf) =	vpush v9, $0xA  }
0x80: {  	v10 =	vld [tilespmem:$0x70];
	[smem:$0x5B] =	sst s21;
	s22 =	spop (v2sf);
	(v2sf) =	vpush v9, $0xB  }
0x81: {  	[smem:$0x5C] =	sst s22;
	s23 =	spop (v2sf);
	(v2sf) =	vpush v9, $0xC  }
0x82: {  	[smem:$0x5D] =	sst s23;
	s24 =	spop (v2sf);
	(v2sf) =	vpush v9, $0xD  }
0x83: {  	[smem:$0x5E] =	sst s24;
	s25 =	spop (v2sf);
	(v2sf) =	vpush v9, $0xE  }
0x84: {  	[smem:$0x5F] =	sst s25;
	s26 =	spop (v2sf);
	(v2sf) =	vpush v9, $0xF  }
0x85: {  	[smem:$0x60] =	sst s26;
	s28 =	spop (v2sf);
	(v2sf) =	vpush v10, $0x0  }
0x86: {  	[smem:$0x61] =	sst s28;
	s29 =	spop (v2sf);
	(v2sf) =	vpush v10, $0x1  }
0x87: {  	[smem:$0x62] =	sst s29;
	s30 =	spop (v2sf);
	(v2sf) =	vpush v10, $0x2  }
0x88: {  	[smem:$0x63] =	sst s30;
	s31 =	spop (v2sf);
	(v2sf) =	vpush v10, $0x3  }
0x89: {  	[smem:$0x64] =	sst s31;
	s17 =	spop (v2sf);
	(v2sf) =	vpush v10, $0x4  }
0x8a: {  	[smem:$0x65] =	sst s17;
	s18 =	spop (v2sf);
	(v2sf) =	vpush v10, $0x5  }
0x8b: {  	[smem:$0x66] =	sst s18;
	s19 =	spop (v2sf);
	(v2sf) =	vpush v10, $0x6  }
0x8c: {  	[smem:$0x67] =	sst s19;
	s20 =	spop (v2sf);
	(v2sf) =	vpush v10, $0x7  }
0x8d: {  	[smem:$0x68] =	sst s20;
	s21 =	spop (v2sf);
	(v2sf) =	vpush v10, $0x8  }
0x8e: {  	[smem:$0x69] =	sst s21;
	s22 =	spop (v2sf);
	(v2sf) =	vpush v10, $0x9  }
0x8f: {  	[smem:$0x6A] =	sst s22;
	s23 =	spop (v2sf);
	(v2sf) =	vpush v10, $0xA  }
0x90: {  	v9 =	vld [tilespmem:$0x80];
	[smem:$0x6B] =	sst s23;
	s24 =	spop (v2sf);
	(v2sf) =	vpush v10, $0xB  }
0x91: {  	[smem:$0x6C] =	sst s24;
	s25 =	spop (v2sf);
	(v2sf) =	vpush v10, $0xC  }
0x92: {  	[smem:$0x6D] =	sst s25;
	s26 =	spop (v2sf);
	(v2sf) =	vpush v10, $0xD  }
0x93: {  	[smem:$0x6E] =	sst s26;
	s28 =	spop (v2sf);
	(v2sf) =	vpush v10, $0xE  }
0x94: {  	(v2sf) =	vpush v10, $0xF;
	s17 =	spop (v2sf);
	[smem:$0x6F] =	sst s28  }
0x95: {  	[smem:$0x70] =	sst s17;
	s29 =	spop (v2sf);
	(v2sf) =	vpush v9, $0x0  }
0x96: {  	[smem:$0x71] =	sst s29;
	s30 =	spop (v2sf);
	(v2sf) =	vpush v9, $0x1  }
0x97: {  	[smem:$0x72] =	sst s30;
	s31 =	spop (v2sf);
	(v2sf) =	vpush v9, $0x2  }
0x98: {  	[smem:$0x73] =	sst s31;
	s17 =	spop (v2sf);
	(v2sf) =	vpush v9, $0x3  }
0x99: {  	[smem:$0x74] =	sst s17;
	s18 =	spop (v2sf);
	(v2sf) =	vpush v9, $0x4  }
0x9a: {  	[smem:$0x75] =	sst s18;
	s19 =	spop (v2sf);
	(v2sf) =	vpush v9, $0x5  }
0x9b: {  	[smem:$0x76] =	sst s19;
	s20 =	spop (v2sf);
	(v2sf) =	vpush v9, $0x6  }
0x9c: {  	[smem:$0x77] =	sst s20;
	s21 =	spop (v2sf);
	(v2sf) =	vpush v9, $0x7  }
0x9d: {  	[smem:$0x78] =	sst s21;
	s22 =	spop (v2sf);
	(v2sf) =	vpush v9, $0x8  }
0x9e: {  	[smem:$0x79] =	sst s22;
	s23 =	spop (v2sf);
	(v2sf) =	vpush v9, $0x9  }
0x9f: {  	[smem:$0x7A] =	sst s23;
	s24 =	spop (v2sf);
	(v2sf) =	vpush v9, $0xA  }
0xa0: {  	[smem:$0x7B] =	sst s24;
	s25 =	spop (v2sf);
	(v2sf) =	vpush v9, $0xB  }
0xa1: {  	[smem:$0x7C] =	sst s25;
	s26 =	spop (v2sf);
	(v2sf) =	vpush v9, $0xC  }
0xa2: {  	[smem:$0x7D] =	sst s26;
	s28 =	spop (v2sf);
	(v2sf) =	vpush v9, $0xD  }
0xa3: {  	[smem:$0x7E] =	sst s28;
	s29 =	spop (v2sf);
	(v2sf) =	vpush v9, $0xE  }
0xa4: {  	[smem:$0x7F] =	sst s29;
	s16 =	spop (v2sf);
	(v2sf) =	vpush v9, $0xF  }
0xa5: {  	s30 =	spop (v2sf);
	[smem:$0x80] =	sst s16  }
0xa6: {  	s18 =	spop (v2sf);
	[smem:$0x81] =	sst s30  }
0xa7: {  	s31 =	spop (v2sf);
	[smem:$0x82] =	sst s18  }
0xa8: {  	s19 =	spop (v2sf);
	[smem:$0x83] =	sst s31  }
0xa9: {  	s20 =	spop (v2sf);
	[smem:$0x84] =	sst s19  }
0xaa: {  	s21 =	spop (v2sf);
	[smem:$0x85] =	sst s20  }
0xab: {  	s22 =	spop (v2sf);
	[smem:$0x86] =	sst s21  }
0xac: {  	s23 =	spop (v2sf);
	[smem:$0x87] =	sst s22  }
0xad: {  	s24 =	spop (v2sf);
	[smem:$0x88] =	sst s23  }
0xae: {  	s25 =	spop (v2sf);
	[smem:$0x89] =	sst s24  }
0xaf: {  	s26 =	spop (v2sf);
	[smem:$0x8A] =	sst s25  }
0xb0: {  	s28 =	spop (v2sf);
	[smem:$0x8B] =	sst s26  }
0xb1: {  	s29 =	spop (v2sf);
	[smem:$0x8C] =	sst s28  }
0xb2: {  	s30 =	spop (v2sf);
	[smem:$0x8D] =	sst s29  }
0xb3: {  	[smem:$0x8E] =	sst s30;
	s31 =	spop (v2sf)  }
0xb4: {  	s17 =	simm.s32 $0x40;
	s18 =	simm.s32 $0x0;
	[smem:$0x8F] =	sst s31  }
.LBB2_2:
0xb5: {  	p0 =	sne.s32 s17, $0x20040;
	[tilespmem:s18+$0x2200] =	vst v0;
	s18 =	smov.u32 s17;
	s17 =	sadd.s32 $0x40, s17  }
.Ltmp0:
0xb6: {  	(pc) =	sbr.rel @p0 .LBB2_2-.Ltmp0, $2  }
0xb7: {  	_ =	sdelay $0x2  }
0xb8: {  	s18 =	sshra.s32 s18, $0x2  }
.Ltmp1:
0xb9: {  	(pc) =	sbr.rel .LBB2_4-.Ltmp1, $4  }
0xba: {  	s16 =	ssub.s32 s16, s7  }
0xbb: {  	p0 =	sgt.s32 s16, $0x0  }
0xbc: {  	s16 =	simm.s32 @!p0 $0x0  }
0xbd: {  	[tilespmem:s18+$0x2200] =	vst v0;
	s17 =	simm.s32 $0x0;
	s18 =	simm.s32 $0x0;
	s16 =	smin.u32 s16, $0x8000  }
.LBB2_8:
0xbe: {  	s18 =	sadd.s32 $0x1, s18  }
0xbf: {  	p0 =	sne.s32 s18, $0x80  }
.Ltmp2:
0xc0: {  	_ = 	snop;
	(pc) =	sbr.rel @!p0 .LBB2_9-.Ltmp2, $2  }
0xc1: {  	_ =	sdelay $0x2  }
0xc2: {  	s17 =	sadd.s32 $0x2000, s17  }
.LBB2_4:
0xc3: {  	s19 =	sld [smem:s18+$0x0]  }
0xc4: {  	s20 =	sld [smem:s18+$0x1];
	_ =	sdelay $0x2  }
0xc5: {  	p0 =	sle.s32 s20, s19  }
0xc6: {  	p1 =	sge.s32 @!p0 s19, s8  }
0xc7: {  	p0 =	por p0, p1  }
0xc8: {  	p1 =	sle.s32 @!p0 s20, s7  }
0xc9: {  	p0 =	por p0, p1  }
.Ltmp3:
0xca: {  	_ = 	snop;
	(pc) =	sbr.rel @p0 .LBB2_8-.Ltmp3, $1  }
0xcb: {  	_ =	sdelay $0x3  }
0xcc: {  	s19 =	sshll.u32 s18, $0xA  }
0xcd: {  	s20 =	sadd.s32 s1, s19;
	s19 =	simm.s32 $0x0  }
0xce: {  	[tilespmem:s19], [sflag:$0x2] =	stream.linear.gather [hbm4b:s20+s19], $0x2000, $0x38;
	[tilespmem:$0x1A280] =	vst v63  }
0xcf: {  	_ =	swait.ge [sflag:s12], $0x2000  }
0xd0: {  	s29 =	sshll.u32 s18, $0x6;
	[sflag:s12] =	ssyncset.done $0x0  }
0xd1: {  	s20 =	sadd.s32 s6, s29;
	[sflag:s12] =	ssyncadd.s32 $0xFFFFE000  }
0xd2: {  	[tilespmem:s13], [sflag:$0x2] =	stream.linear.gather [hbm4b:s20+s19], $0x200, $0x38;
	[tilespmem:$0x1A280] =	vst v63  }
0xd3: {  	_ =	swait.ge [sflag:s12], $0x200  }
0xd4: {  	[sflag:s12] =	ssyncset.done $0x0  }
0xd5: {  	[sflag:s12] =	ssyncadd.s32 $0xFFFFFE00  }
0xd6: {  	v9 =	vld [tilespmem:$0x2000];
	_ =	sdelay $0x4  }
0xd7: {  	(v2sf) =	vpush v9, $0x0  }
0xd8: {  	(v2sf) =	vpush v9, $0x1  }
0xd9: {  	(v2sf) =	vpush v9, $0x2  }
0xda: {  	(v2sf) =	vpush v9, $0x3  }
0xdb: {  	(v2sf) =	vpush v9, $0x4  }
0xdc: {  	(v2sf) =	vpush v9, $0x5  }
0xdd: {  	(v2sf) =	vpush v9, $0x6  }
0xde: {  	(v2sf) =	vpush v9, $0x7  }
0xdf: {  	(v2sf) =	vpush v9, $0x8  }
0xe0: {  	(v2sf) =	vpush v9, $0x9  }
0xe1: {  	(v2sf) =	vpush v9, $0xA  }
0xe2: {  	v10 =	vld [tilespmem:$0x2010];
	(v2sf) =	vpush v9, $0xB  }
0xe3: {  	(v2sf) =	vpush v9, $0xC  }
0xe4: {  	(v2sf) =	vpush v9, $0xD  }
0xe5: {  	(v2sf) =	vpush v9, $0xE  }
0xe6: {  	s30 =	spop (v2sf);
	(v2sf) =	vpush v9, $0xF  }
0xe7: {  	[smem:$0x100] =	sst s30;
	s31 =	spop (v2sf);
	(v2sf) =	vpush v10, $0x0  }
0xe8: {  	[smem:$0x101] =	sst s31;
	s21 =	spop (v2sf);
	(v2sf) =	vpush v10, $0x1  }
0xe9: {  	[smem:$0x102] =	sst s21;
	s22 =	spop (v2sf);
	(v2sf) =	vpush v10, $0x2  }
0xea: {  	[smem:$0x103] =	sst s22;
	s23 =	spop (v2sf);
	(v2sf) =	vpush v10, $0x3  }
0xeb: {  	[smem:$0x104] =	sst s23;
	s24 =	spop (v2sf);
	(v2sf) =	vpush v10, $0x4  }
0xec: {  	[smem:$0x105] =	sst s24;
	s25 =	spop (v2sf);
	(v2sf) =	vpush v10, $0x5  }
0xed: {  	[smem:$0x106] =	sst s25;
	s26 =	spop (v2sf);
	(v2sf) =	vpush v10, $0x6  }
0xee: {  	[smem:$0x107] =	sst s26;
	s28 =	spop (v2sf);
	(v2sf) =	vpush v10, $0x7  }
0xef: {  	[smem:$0x108] =	sst s28;
	s29 =	spop (v2sf)  }
0xf0: {  	[smem:$0x109] =	sst s29;
	s30 =	spop (v2sf)  }
0xf1: {  	[smem:$0x10A] =	sst s30;
	s31 =	spop (v2sf)  }
0xf2: {  	[smem:$0x10B] =	sst s31;
	s21 =	spop (v2sf)  }
0xf3: {  	[smem:$0x10C] =	sst s21;
	s22 =	spop (v2sf)  }
0xf4: {  	[smem:$0x10D] =	sst s22;
	s23 =	spop (v2sf)  }
0xf5: {  	[smem:$0x10E] =	sst s23;
	s24 =	spop (v2sf)  }
0xf6: {  	[smem:$0x10F] =	sst s24;
	s25 =	spop (v2sf)  }
0xf7: {  	[smem:$0x110] =	sst s25;
	s26 =	spop (v2sf)  }
0xf8: {  	[smem:$0x111] =	sst s26;
	s28 =	spop (v2sf)  }
0xf9: {  	[smem:$0x112] =	sst s28;
	s29 =	spop (v2sf)  }
0xfa: {  	[smem:$0x113] =	sst s29;
	s30 =	spop (v2sf)  }
0xfb: {  	[smem:$0x114] =	sst s30;
	s31 =	spop (v2sf)  }
0xfc: {  	[smem:$0x115] =	sst s31;
	s21 =	spop (v2sf)  }
0xfd: {  	[smem:$0x116] =	sst s21;
	s22 =	spop (v2sf)  }
0xfe: {  	[smem:$0x117] =	sst s22  }
0xff: {  	(v2sf) =	vpush v10, $0x8  }
0x100: {  	(v2sf) =	vpush v10, $0x9  }
0x101: {  	(v2sf) =	vpush v10, $0xA  }
0x102: {  	v9 =	vld [tilespmem:$0x2020];
	(v2sf) =	vpush v10, $0xB  }
0x103: {  	(v2sf) =	vpush v10, $0xC  }
0x104: {  	(v2sf) =	vpush v10, $0xD  }
0x105: {  	(v2sf) =	vpush v10, $0xE  }
0x106: {  	(v2sf) =	vpush v10, $0xF  }
0x107: {  	(v2sf) =	vpush v9, $0x0  }
0x108: {  	(v2sf) =	vpush v9, $0x1  }
0x109: {  	(v2sf) =	vpush v9, $0x2  }
0x10a: {  	(v2sf) =	vpush v9, $0x3  }
0x10b: {  	(v2sf) =	vpush v9, $0x4  }
0x10c: {  	(v2sf) =	vpush v9, $0x5  }
0x10d: {  	(v2sf) =	vpush v9, $0x6  }
0x10e: {  	s20 =	spop (v2sf);
	(v2sf) =	vpush v9, $0x7  }
0x10f: {  	[smem:$0x118] =	sst s20;
	s23 =	spop (v2sf);
	(v2sf) =	vpush v9, $0x8  }
0x110: {  	[smem:$0x119] =	sst s23;
	s24 =	spop (v2sf);
	(v2sf) =	vpush v9, $0x9  }
0x111: {  	[smem:$0x11A] =	sst s24;
	s25 =	spop (v2sf);
	(v2sf) =	vpush v9, $0xA  }
0x112: {  	v10 =	vld [tilespmem:$0x2030];
	[smem:$0x11B] =	sst s25;
	s26 =	spop (v2sf);
	(v2sf) =	vpush v9, $0xB  }
0x113: {  	[smem:$0x11C] =	sst s26;
	s28 =	spop (v2sf);
	(v2sf) =	vpush v9, $0xC  }
0x114: {  	[smem:$0x11D] =	sst s28;
	s29 =	spop (v2sf);
	(v2sf) =	vpush v9, $0xD  }
0x115: {  	[smem:$0x11E] =	sst s29;
	s30 =	spop (v2sf);
	(v2sf) =	vpush v9, $0xE  }
0x116: {  	[smem:$0x11F] =	sst s30;
	s31 =	spop (v2sf);
	(v2sf) =	vpush v9, $0xF  }
0x117: {  	[smem:$0x120] =	sst s31;
	s21 =	spop (v2sf);
	(v2sf) =	vpush v10, $0x0  }
0x118: {  	[smem:$0x121] =	sst s21;
	s22 =	spop (v2sf);
	(v2sf) =	vpush v10, $0x1  }
0x119: {  	[smem:$0x122] =	sst s22;
	s23 =	spop (v2sf);
	(v2sf) =	vpush v10, $0x2  }
0x11a: {  	[smem:$0x123] =	sst s23;
	s24 =	spop (v2sf);
	(v2sf) =	vpush v10, $0x3  }
0x11b: {  	[smem:$0x124] =	sst s24;
	s25 =	spop (v2sf);
	(v2sf) =	vpush v10, $0x4  }
0x11c: {  	[smem:$0x125] =	sst s25;
	s26 =	spop (v2sf);
	(v2sf) =	vpush v10, $0x5  }
0x11d: {  	[smem:$0x126] =	sst s26;
	s28 =	spop (v2sf);
	(v2sf) =	vpush v10, $0x6  }
0x11e: {  	[smem:$0x127] =	sst s28;
	s29 =	spop (v2sf);
	(v2sf) =	vpush v10, $0x7  }
0x11f: {  	[smem:$0x128] =	sst s29;
	s30 =	spop (v2sf);
	(v2sf) =	vpush v10, $0x8  }
0x120: {  	[smem:$0x129] =	sst s30;
	s31 =	spop (v2sf);
	(v2sf) =	vpush v10, $0x9  }
0x121: {  	[smem:$0x12A] =	sst s31;
	s21 =	spop (v2sf);
	(v2sf) =	vpush v10, $0xA  }
0x122: {  	v9 =	vld [tilespmem:$0x2040];
	[smem:$0x12B] =	sst s21;
	s22 =	spop (v2sf);
	(v2sf) =	vpush v10, $0xB  }
0x123: {  	[smem:$0x12C] =	sst s22;
	s23 =	spop (v2sf);
	(v2sf) =	vpush v10, $0xC  }
0x124: {  	[smem:$0x12D] =	sst s23;
	s24 =	spop (v2sf);
	(v2sf) =	vpush v10, $0xD  }
0x125: {  	[smem:$0x12E] =	sst s24;
	s25 =	spop (v2sf);
	(v2sf) =	vpush v10, $0xE  }
0x126: {  	[smem:$0x12F] =	sst s25;
	s26 =	spop (v2sf);
	(v2sf) =	vpush v10, $0xF  }
0x127: {  	[smem:$0x130] =	sst s26;
	s28 =	spop (v2sf);
	(v2sf) =	vpush v9, $0x0  }
0x128: {  	[smem:$0x131] =	sst s28;
	s29 =	spop (v2sf);
	(v2sf) =	vpush v9, $0x1  }
0x129: {  	[smem:$0x132] =	sst s29;
	s30 =	spop (v2sf);
	(v2sf) =	vpush v9, $0x2  }
0x12a: {  	[smem:$0x133] =	sst s30;
	s31 =	spop (v2sf);
	(v2sf) =	vpush v9, $0x3  }
0x12b: {  	[smem:$0x134] =	sst s31;
	s21 =	spop (v2sf);
	(v2sf) =	vpush v9, $0x4  }
0x12c: {  	[smem:$0x135] =	sst s21;
	s22 =	spop (v2sf);
	(v2sf) =	vpush v9, $0x5  }
0x12d: {  	[smem:$0x136] =	sst s22;
	s23 =	spop (v2sf);
	(v2sf) =	vpush v9, $0x6  }
0x12e: {  	[smem:$0x137] =	sst s23;
	s24 =	spop (v2sf);
	(v2sf) =	vpush v9, $0x7  }
0x12f: {  	[smem:$0x138] =	sst s24;
	s25 =	spop (v2sf);
	(v2sf) =	vpush v9, $0x8  }
0x130: {  	[smem:$0x139] =	sst s25;
	s26 =	spop (v2sf);
	(v2sf) =	vpush v9, $0x9  }
0x131: {  	[smem:$0x13A] =	sst s26;
	s28 =	spop (v2sf);
	(v2sf) =	vpush v9, $0xA  }
0x132: {  	v10 =	vld [tilespmem:$0x2050];
	[smem:$0x13B] =	sst s28;
	s29 =	spop (v2sf);
	(v2sf) =	vpush v9, $0xB  }
0x133: {  	[smem:$0x13C] =	sst s29;
	s30 =	spop (v2sf);
	(v2sf) =	vpush v9, $0xC  }
0x134: {  	[smem:$0x13D] =	sst s30;
	s31 =	spop (v2sf);
	(v2sf) =	vpush v9, $0xD  }
0x135: {  	[smem:$0x13E] =	sst s31;
	s21 =	spop (v2sf);
	(v2sf) =	vpush v9, $0xE  }
0x136: {  	[smem:$0x13F] =	sst s21;
	s22 =	spop (v2sf);
	(v2sf) =	vpush v9, $0xF  }
0x137: {  	[smem:$0x140] =	sst s22;
	s23 =	spop (v2sf);
	(v2sf) =	vpush v10, $0x0  }
0x138: {  	[smem:$0x141] =	sst s23;
	s24 =	spop (v2sf);
	(v2sf) =	vpush v10, $0x1  }
0x139: {  	[smem:$0x142] =	sst s24;
	s25 =	spop (v2sf);
	(v2sf) =	vpush v10, $0x2  }
0x13a: {  	[smem:$0x143] =	sst s25;
	s26 =	spop (v2sf);
	(v2sf) =	vpush v10, $0x3  }
0x13b: {  	[smem:$0x144] =	sst s26;
	s28 =	spop (v2sf);
	(v2sf) =	vpush v10, $0x4  }
0x13c: {  	[smem:$0x145] =	sst s28;
	s29 =	spop (v2sf);
	(v2sf) =	vpush v10, $0x5  }
0x13d: {  	[smem:$0x146] =	sst s29;
	s30 =	spop (v2sf);
	(v2sf) =	vpush v10, $0x6  }
0x13e: {  	[smem:$0x147] =	sst s30;
	s31 =	spop (v2sf);
	(v2sf) =	vpush v10, $0x7  }
0x13f: {  	[smem:$0x148] =	sst s31;
	s21 =	spop (v2sf);
	(v2sf) =	vpush v10, $0x8  }
0x140: {  	[smem:$0x149] =	sst s21;
	s22 =	spop (v2sf);
	(v2sf) =	vpush v10, $0x9  }
0x141: {  	[smem:$0x14A] =	sst s22;
	s23 =	spop (v2sf);
	(v2sf) =	vpush v10, $0xA  }
0x142: {  	v9 =	vld [tilespmem:$0x2060];
	[smem:$0x14B] =	sst s23;
	s24 =	spop (v2sf);
	(v2sf) =	vpush v10, $0xB  }
0x143: {  	[smem:$0x14C] =	sst s24;
	s25 =	spop (v2sf);
	(v2sf) =	vpush v10, $0xC  }
0x144: {  	[smem:$0x14D] =	sst s25;
	s26 =	spop (v2sf);
	(v2sf) =	vpush v10, $0xD  }
0x145: {  	[smem:$0x14E] =	sst s26;
	s28 =	spop (v2sf);
	(v2sf) =	vpush v10, $0xE  }
0x146: {  	[smem:$0x14F] =	sst s28;
	s29 =	spop (v2sf);
	(v2sf) =	vpush v10, $0xF  }
0x147: {  	[smem:$0x150] =	sst s29;
	s30 =	spop (v2sf);
	(v2sf) =	vpush v9, $0x0  }
0x148: {  	[smem:$0x151] =	sst s30;
	s31 =	spop (v2sf);
	(v2sf) =	vpush v9, $0x1  }
0x149: {  	[smem:$0x152] =	sst s31;
	s21 =	spop (v2sf);
	(v2sf) =	vpush v9, $0x2  }
0x14a: {  	[smem:$0x153] =	sst s21;
	s22 =	spop (v2sf);
	(v2sf) =	vpush v9, $0x3  }
0x14b: {  	[smem:$0x154] =	sst s22;
	s23 =	spop (v2sf);
	(v2sf) =	vpush v9, $0x4  }
0x14c: {  	[smem:$0x155] =	sst s23;
	s24 =	spop (v2sf);
	(v2sf) =	vpush v9, $0x5  }
0x14d: {  	[smem:$0x156] =	sst s24;
	s25 =	spop (v2sf);
	(v2sf) =	vpush v9, $0x6  }
0x14e: {  	[smem:$0x157] =	sst s25;
	s26 =	spop (v2sf);
	(v2sf) =	vpush v9, $0x7  }
0x14f: {  	[smem:$0x158] =	sst s26;
	s28 =	spop (v2sf);
	(v2sf) =	vpush v9, $0x8  }
0x150: {  	[smem:$0x159] =	sst s28;
	s29 =	spop (v2sf);
	(v2sf) =	vpush v9, $0x9  }
0x151: {  	[smem:$0x15A] =	sst s29;
	s30 =	spop (v2sf);
	(v2sf) =	vpush v9, $0xA  }
0x152: {  	v10 =	vld [tilespmem:$0x2070];
	[smem:$0x15B] =	sst s30;
	s31 =	spop (v2sf);
	(v2sf) =	vpush v9, $0xB  }
0x153: {  	[smem:$0x15C] =	sst s31;
	s21 =	spop (v2sf);
	(v2sf) =	vpush v9, $0xC  }
0x154: {  	[smem:$0x15D] =	sst s21;
	s22 =	spop (v2sf);
	(v2sf) =	vpush v9, $0xD  }
0x155: {  	[smem:$0x15E] =	sst s22;
	s23 =	spop (v2sf);
	(v2sf) =	vpush v9, $0xE  }
0x156: {  	[smem:$0x15F] =	sst s23;
	s24 =	spop (v2sf);
	(v2sf) =	vpush v9, $0xF  }
0x157: {  	[smem:$0x160] =	sst s24;
	s25 =	spop (v2sf);
	(v2sf) =	vpush v10, $0x0  }
0x158: {  	[smem:$0x161] =	sst s25;
	s26 =	spop (v2sf);
	(v2sf) =	vpush v10, $0x1  }
0x159: {  	[smem:$0x162] =	sst s26;
	s28 =	spop (v2sf);
	(v2sf) =	vpush v10, $0x2  }
0x15a: {  	[smem:$0x163] =	sst s28;
	s29 =	spop (v2sf);
	(v2sf) =	vpush v10, $0x3  }
0x15b: {  	[smem:$0x164] =	sst s29;
	s30 =	spop (v2sf);
	(v2sf) =	vpush v10, $0x4  }
0x15c: {  	[smem:$0x165] =	sst s30;
	s31 =	spop (v2sf);
	(v2sf) =	vpush v10, $0x5  }
0x15d: {  	[smem:$0x166] =	sst s31;
	s21 =	spop (v2sf);
	(v2sf) =	vpush v10, $0x6  }
0x15e: {  	[smem:$0x167] =	sst s21;
	s22 =	spop (v2sf);
	(v2sf) =	vpush v10, $0x7  }
0x15f: {  	[smem:$0x168] =	sst s22;
	s23 =	spop (v2sf);
	(v2sf) =	vpush v10, $0x8  }
0x160: {  	[smem:$0x169] =	sst s23;
	s24 =	spop (v2sf);
	(v2sf) =	vpush v10, $0x9  }
0x161: {  	[smem:$0x16A] =	sst s24;
	s25 =	spop (v2sf);
	(v2sf) =	vpush v10, $0xA  }
0x162: {  	v9 =	vld [tilespmem:$0x2080];
	[smem:$0x16B] =	sst s25;
	s26 =	spop (v2sf);
	(v2sf) =	vpush v10, $0xB  }
0x163: {  	[smem:$0x16C] =	sst s26;
	s28 =	spop (v2sf);
	(v2sf) =	vpush v10, $0xC  }
0x164: {  	[smem:$0x16D] =	sst s28;
	s29 =	spop (v2sf);
	(v2sf) =	vpush v10, $0xD  }
0x165: {  	[smem:$0x16E] =	sst s29;
	s30 =	spop (v2sf);
	(v2sf) =	vpush v10, $0xE  }
0x166: {  	[smem:$0x16F] =	sst s30;
	s31 =	spop (v2sf);
	(v2sf) =	vpush v10, $0xF  }
0x167: {  	[smem:$0x170] =	sst s31;
	s21 =	spop (v2sf);
	(v2sf) =	vpush v9, $0x0  }
0x168: {  	[smem:$0x171] =	sst s21;
	s22 =	spop (v2sf);
	(v2sf) =	vpush v9, $0x1  }
0x169: {  	[smem:$0x172] =	sst s22;
	s23 =	spop (v2sf);
	(v2sf) =	vpush v9, $0x2  }
0x16a: {  	[smem:$0x173] =	sst s23;
	s24 =	spop (v2sf);
	(v2sf) =	vpush v9, $0x3  }
0x16b: {  	[smem:$0x174] =	sst s24;
	s25 =	spop (v2sf);
	(v2sf) =	vpush v9, $0x4  }
0x16c: {  	[smem:$0x175] =	sst s25;
	s26 =	spop (v2sf);
	(v2sf) =	vpush v9, $0x5  }
0x16d: {  	[smem:$0x176] =	sst s26;
	s28 =	spop (v2sf);
	(v2sf) =	vpush v9, $0x6  }
0x16e: {  	[smem:$0x177] =	sst s28;
	s29 =	spop (v2sf);
	(v2sf) =	vpush v9, $0x7  }
0x16f: {  	[smem:$0x178] =	sst s29;
	s30 =	spop (v2sf);
	(v2sf) =	vpush v9, $0x8  }
0x170: {  	[smem:$0x179] =	sst s30;
	s31 =	spop (v2sf);
	(v2sf) =	vpush v9, $0x9  }
0x171: {  	[smem:$0x17A] =	sst s31;
	s21 =	spop (v2sf);
	(v2sf) =	vpush v9, $0xA  }
0x172: {  	v10 =	vld [tilespmem:$0x2090];
	[smem:$0x17B] =	sst s21;
	s22 =	spop (v2sf);
	(v2sf) =	vpush v9, $0xB  }
0x173: {  	[smem:$0x17C] =	sst s22;
	s23 =	spop (v2sf);
	(v2sf) =	vpush v9, $0xC  }
0x174: {  	[smem:$0x17D] =	sst s23;
	s24 =	spop (v2sf);
	(v2sf) =	vpush v9, $0xD  }
0x175: {  	[smem:$0x17E] =	sst s24;
	s25 =	spop (v2sf);
	(v2sf) =	vpush v9, $0xE  }
0x176: {  	[smem:$0x17F] =	sst s25;
	s26 =	spop (v2sf);
	(v2sf) =	vpush v9, $0xF  }
0x177: {  	[smem:$0x180] =	sst s26;
	s28 =	spop (v2sf);
	(v2sf) =	vpush v10, $0x0  }
0x178: {  	[smem:$0x181] =	sst s28;
	s29 =	spop (v2sf);
	(v2sf) =	vpush v10, $0x1  }
0x179: {  	[smem:$0x182] =	sst s29;
	s30 =	spop (v2sf);
	(v2sf) =	vpush v10, $0x2  }
0x17a: {  	[smem:$0x183] =	sst s30;
	s31 =	spop (v2sf);
	(v2sf) =	vpush v10, $0x3  }
0x17b: {  	[smem:$0x184] =	sst s31;
	s21 =	spop (v2sf);
	(v2sf) =	vpush v10, $0x4  }
0x17c: {  	[smem:$0x185] =	sst s21;
	s22 =	spop (v2sf);
	(v2sf) =	vpush v10, $0x5  }
0x17d: {  	[smem:$0x186] =	sst s22;
	s23 =	spop (v2sf);
	(v2sf) =	vpush v10, $0x6  }
0x17e: {  	[smem:$0x187] =	sst s23;
	s24 =	spop (v2sf);
	(v2sf) =	vpush v10, $0x7  }
0x17f: {  	[smem:$0x188] =	sst s24;
	s25 =	spop (v2sf);
	(v2sf) =	vpush v10, $0x8  }
0x180: {  	[smem:$0x189] =	sst s25;
	s26 =	spop (v2sf);
	(v2sf) =	vpush v10, $0x9  }
0x181: {  	[smem:$0x18A] =	sst s26;
	s28 =	spop (v2sf);
	(v2sf) =	vpush v10, $0xA  }
0x182: {  	v9 =	vld [tilespmem:$0x20A0];
	[smem:$0x18B] =	sst s28;
	s29 =	spop (v2sf);
	(v2sf) =	vpush v10, $0xB  }
0x183: {  	[smem:$0x18C] =	sst s29;
	s30 =	spop (v2sf);
	(v2sf) =	vpush v10, $0xC  }
0x184: {  	[smem:$0x18D] =	sst s30;
	s31 =	spop (v2sf);
	(v2sf) =	vpush v10, $0xD  }
0x185: {  	[smem:$0x18E] =	sst s31;
	s21 =	spop (v2sf);
	(v2sf) =	vpush v10, $0xE  }
0x186: {  	[smem:$0x18F] =	sst s21;
	s22 =	spop (v2sf);
	(v2sf) =	vpush v10, $0xF  }
0x187: {  	[smem:$0x190] =	sst s22;
	s23 =	spop (v2sf);
	(v2sf) =	vpush v9, $0x0  }
0x188: {  	[smem:$0x191] =	sst s23;
	s24 =	spop (v2sf);
	(v2sf) =	vpush v9, $0x1  }
0x189: {  	[smem:$0x192] =	sst s24;
	s25 =	spop (v2sf);
	(v2sf) =	vpush v9, $0x2  }
0x18a: {  	[smem:$0x193] =	sst s25;
	s26 =	spop (v2sf);
	(v2sf) =	vpush v9, $0x3  }
0x18b: {  	[smem:$0x194] =	sst s26;
	s28 =	spop (v2sf);
	(v2sf) =	vpush v9, $0x4  }
0x18c: {  	[smem:$0x195] =	sst s28;
	s29 =	spop (v2sf);
	(v2sf) =	vpush v9, $0x5  }
0x18d: {  	[smem:$0x196] =	sst s29;
	s30 =	spop (v2sf);
	(v2sf) =	vpush v9, $0x6  }
0x18e: {  	[smem:$0x197] =	sst s30;
	s31 =	spop (v2sf);
	(v2sf) =	vpush v9, $0x7  }
0x18f: {  	[smem:$0x198] =	sst s31;
	s21 =	spop (v2sf);
	(v2sf) =	vpush v9, $0x8  }
0x190: {  	[smem:$0x199] =	sst s21;
	s22 =	spop (v2sf);
	(v2sf) =	vpush v9, $0x9  }
0x191: {  	[smem:$0x19A] =	sst s22;
	s23 =	spop (v2sf);
	(v2sf) =	vpush v9, $0xA  }
0x192: {  	v10 =	vld [tilespmem:$0x20B0];
	[smem:$0x19B] =	sst s23;
	s24 =	spop (v2sf);
	(v2sf) =	vpush v9, $0xB  }
0x193: {  	[smem:$0x19C] =	sst s24;
	s25 =	spop (v2sf);
	(v2sf) =	vpush v9, $0xC  }
0x194: {  	[smem:$0x19D] =	sst s25;
	s26 =	spop (v2sf);
	(v2sf) =	vpush v9, $0xD  }
0x195: {  	[smem:$0x19E] =	sst s26;
	s28 =	spop (v2sf);
	(v2sf) =	vpush v9, $0xE  }
0x196: {  	[smem:$0x19F] =	sst s28;
	s29 =	spop (v2sf);
	(v2sf) =	vpush v9, $0xF  }
0x197: {  	[smem:$0x1A0] =	sst s29;
	s30 =	spop (v2sf);
	(v2sf) =	vpush v10, $0x0  }
0x198: {  	[smem:$0x1A1] =	sst s30;
	s31 =	spop (v2sf);
	(v2sf) =	vpush v10, $0x1  }
0x199: {  	[smem:$0x1A2] =	sst s31;
	s21 =	spop (v2sf);
	(v2sf) =	vpush v10, $0x2  }
0x19a: {  	[smem:$0x1A3] =	sst s21;
	s22 =	spop (v2sf);
	(v2sf) =	vpush v10, $0x3  }
0x19b: {  	[smem:$0x1A4] =	sst s22;
	s23 =	spop (v2sf);
	(v2sf) =	vpush v10, $0x4  }
0x19c: {  	[smem:$0x1A5] =	sst s23;
	s24 =	spop (v2sf);
	(v2sf) =	vpush v10, $0x5  }
0x19d: {  	[smem:$0x1A6] =	sst s24;
	s25 =	spop (v2sf);
	(v2sf) =	vpush v10, $0x6  }
0x19e: {  	[smem:$0x1A7] =	sst s25;
	s26 =	spop (v2sf);
	(v2sf) =	vpush v10, $0x7  }
0x19f: {  	[smem:$0x1A8] =	sst s26;
	s28 =	spop (v2sf);
	(v2sf) =	vpush v10, $0x8  }
0x1a0: {  	[smem:$0x1A9] =	sst s28;
	s29 =	spop (v2sf);
	(v2sf) =	vpush v10, $0x9  }
0x1a1: {  	[smem:$0x1AA] =	sst s29;
	s30 =	spop (v2sf);
	(v2sf) =	vpush v10, $0xA  }
0x1a2: {  	[smem:$0x1AB] =	sst s30;
	s31 =	spop (v2sf)  }
0x1a3: {  	[smem:$0x1AC] =	sst s31;
	s21 =	spop (v2sf)  }
0x1a4: {  	[smem:$0x1AD] =	sst s21;
	s22 =	spop (v2sf)  }
0x1a5: {  	[smem:$0x1AE] =	sst s22;
	s23 =	spop (v2sf)  }
0x1a6: {  	[smem:$0x1AF] =	sst s23;
	s24 =	spop (v2sf)  }
0x1a7: {  	[smem:$0x1B0] =	sst s24;
	s25 =	spop (v2sf)  }
0x1a8: {  	[smem:$0x1B1] =	sst s25;
	s26 =	spop (v2sf)  }
0x1a9: {  	[smem:$0x1B2] =	sst s26;
	s28 =	spop (v2sf)  }
0x1aa: {  	[smem:$0x1B3] =	sst s28;
	s29 =	spop (v2sf)  }
0x1ab: {  	[smem:$0x1B4] =	sst s29;
	s30 =	spop (v2sf)  }
0x1ac: {  	[smem:$0x1B5] =	sst s30;
	s31 =	spop (v2sf)  }
0x1ad: {  	[smem:$0x1B6] =	sst s31;
	s21 =	spop (v2sf)  }
0x1ae: {  	[smem:$0x1B7] =	sst s21;
	s22 =	spop (v2sf)  }
0x1af: {  	[smem:$0x1B8] =	sst s22;
	s23 =	spop (v2sf)  }
0x1b0: {  	[smem:$0x1B9] =	sst s23;
	s24 =	spop (v2sf)  }
0x1b1: {  	[smem:$0x1BA] =	sst s24  }
0x1b2: {  	(v2sf) =	vpush v10, $0xB  }
0x1b3: {  	v9 =	vld [tilespmem:$0x20C0]  }
0x1b4: {  	(v2sf) =	vpush v10, $0xC  }
0x1b5: {  	(v2sf) =	vpush v10, $0xD  }
0x1b6: {  	(v2sf) =	vpush v10, $0xE  }
0x1b7: {  	(v2sf) =	vpush v10, $0xF  }
0x1b8: {  	(v2sf) =	vpush v9, $0x0  }
0x1b9: {  	(v2sf) =	vpush v9, $0x1  }
0x1ba: {  	(v2sf) =	vpush v9, $0x2  }
0x1bb: {  	(v2sf) =	vpush v9, $0x3  }
0x1bc: {  	(v2sf) =	vpush v9, $0x4  }
0x1bd: {  	(v2sf) =	vpush v9, $0x5  }
0x1be: {  	(v2sf) =	vpush v9, $0x6  }
0x1bf: {  	(v2sf) =	vpush v9, $0x7  }
0x1c0: {  	(v2sf) =	vpush v9, $0x8  }
0x1c1: {  	(v2sf) =	vpush v9, $0x9  }
0x1c2: {  	s25 =	spop (v2sf);
	(v2sf) =	vpush v9, $0xA  }
0x1c3: {  	v10 =	vld [tilespmem:$0x20D0];
	[smem:$0x1BB] =	sst s25;
	s26 =	spop (v2sf);
	(v2sf) =	vpush v9, $0xB  }
0x1c4: {  	[smem:$0x1BC] =	sst s26;
	s28 =	spop (v2sf);
	(v2sf) =	vpush v9, $0xC  }
0x1c5: {  	[smem:$0x1BD] =	sst s28;
	s29 =	spop (v2sf);
	(v2sf) =	vpush v9, $0xD  }
0x1c6: {  	[smem:$0x1BE] =	sst s29;
	s30 =	spop (v2sf);
	(v2sf) =	vpush v9, $0xE  }
0x1c7: {  	[smem:$0x1BF] =	sst s30;
	s31 =	spop (v2sf);
	(v2sf) =	vpush v9, $0xF  }
0x1c8: {  	[smem:$0x1C0] =	sst s31;
	s21 =	spop (v2sf);
	(v2sf) =	vpush v10, $0x0  }
0x1c9: {  	[smem:$0x1C1] =	sst s21;
	s22 =	spop (v2sf);
	(v2sf) =	vpush v10, $0x1  }
0x1ca: {  	[smem:$0x1C2] =	sst s22;
	s23 =	spop (v2sf);
	(v2sf) =	vpush v10, $0x2  }
0x1cb: {  	[smem:$0x1C3] =	sst s23;
	s24 =	spop (v2sf);
	(v2sf) =	vpush v10, $0x3  }
0x1cc: {  	[smem:$0x1C4] =	sst s24;
	s25 =	spop (v2sf);
	(v2sf) =	vpush v10, $0x4  }
0x1cd: {  	[smem:$0x1C5] =	sst s25;
	s26 =	spop (v2sf);
	(v2sf) =	vpush v10, $0x5  }
0x1ce: {  	[smem:$0x1C6] =	sst s26;
	s28 =	spop (v2sf);
	(v2sf) =	vpush v10, $0x6  }
0x1cf: {  	[smem:$0x1C7] =	sst s28;
	s29 =	spop (v2sf);
	(v2sf) =	vpush v10, $0x7  }
0x1d0: {  	[smem:$0x1C8] =	sst s29;
	s30 =	spop (v2sf);
	(v2sf) =	vpush v10, $0x8  }
0x1d1: {  	[smem:$0x1C9] =	sst s30;
	s31 =	spop (v2sf);
	(v2sf) =	vpush v10, $0x9  }
0x1d2: {  	[smem:$0x1CA] =	sst s31;
	s21 =	spop (v2sf);
	(v2sf) =	vpush v10, $0xA  }
0x1d3: {  	v9 =	vld [tilespmem:$0x20E0];
	[smem:$0x1CB] =	sst s21;
	s22 =	spop (v2sf);
	(v2sf) =	vpush v10, $0xB  }
0x1d4: {  	[smem:$0x1CC] =	sst s22;
	s23 =	spop (v2sf);
	(v2sf) =	vpush v10, $0xC  }
0x1d5: {  	[smem:$0x1CD] =	sst s23;
	s24 =	spop (v2sf);
	(v2sf) =	vpush v10, $0xD  }
0x1d6: {  	[smem:$0x1CE] =	sst s24;
	s25 =	spop (v2sf);
	(v2sf) =	vpush v10, $0xE  }
0x1d7: {  	[smem:$0x1CF] =	sst s25;
	s26 =	spop (v2sf);
	(v2sf) =	vpush v10, $0xF  }
0x1d8: {  	[smem:$0x1D0] =	sst s26;
	s28 =	spop (v2sf);
	(v2sf) =	vpush v9, $0x0  }
0x1d9: {  	[smem:$0x1D1] =	sst s28;
	s29 =	spop (v2sf);
	(v2sf) =	vpush v9, $0x1  }
0x1da: {  	[smem:$0x1D2] =	sst s29;
	s30 =	spop (v2sf);
	(v2sf) =	vpush v9, $0x2  }
0x1db: {  	[smem:$0x1D3] =	sst s30;
	s31 =	spop (v2sf);
	(v2sf) =	vpush v9, $0x3  }
0x1dc: {  	[smem:$0x1D4] =	sst s31;
	s21 =	spop (v2sf);
	(v2sf) =	vpush v9, $0x4  }
0x1dd: {  	[smem:$0x1D5] =	sst s21;
	s22 =	spop (v2sf);
	(v2sf) =	vpush v9, $0x5  }
0x1de: {  	[smem:$0x1D6] =	sst s22;
	s23 =	spop (v2sf);
	(v2sf) =	vpush v9, $0x6  }
0x1df: {  	[smem:$0x1D7] =	sst s23;
	s24 =	spop (v2sf);
	(v2sf) =	vpush v9, $0x7  }
0x1e0: {  	[smem:$0x1D8] =	sst s24;
	s25 =	spop (v2sf);
	(v2sf) =	vpush v9, $0x8  }
0x1e1: {  	[smem:$0x1D9] =	sst s25;
	s26 =	spop (v2sf);
	(v2sf) =	vpush v9, $0x9  }
0x1e2: {  	[smem:$0x1DA] =	sst s26;
	s28 =	spop (v2sf);
	(v2sf) =	vpush v9, $0xA  }
0x1e3: {  	v10 =	vld [tilespmem:$0x20F0];
	[smem:$0x1DB] =	sst s28;
	s29 =	spop (v2sf);
	(v2sf) =	vpush v9, $0xB  }
0x1e4: {  	[smem:$0x1DC] =	sst s29;
	s30 =	spop (v2sf);
	(v2sf) =	vpush v9, $0xC  }
0x1e5: {  	[smem:$0x1DD] =	sst s30;
	s31 =	spop (v2sf);
	(v2sf) =	vpush v9, $0xD  }
0x1e6: {  	[smem:$0x1DE] =	sst s31;
	s21 =	spop (v2sf);
	(v2sf) =	vpush v9, $0xE  }
0x1e7: {  	[smem:$0x1DF] =	sst s21;
	s22 =	spop (v2sf);
	(v2sf) =	vpush v9, $0xF  }
0x1e8: {  	[smem:$0x1E0] =	sst s22;
	s23 =	spop (v2sf);
	(v2sf) =	vpush v10, $0x0  }
0x1e9: {  	[smem:$0x1E1] =	sst s23;
	s24 =	spop (v2sf);
	(v2sf) =	vpush v10, $0x1  }
0x1ea: {  	[smem:$0x1E2] =	sst s24;
	s25 =	spop (v2sf);
	(v2sf) =	vpush v10, $0x2  }
0x1eb: {  	[smem:$0x1E3] =	sst s25;
	s26 =	spop (v2sf);
	(v2sf) =	vpush v10, $0x3  }
0x1ec: {  	[smem:$0x1E4] =	sst s26;
	s28 =	spop (v2sf);
	(v2sf) =	vpush v10, $0x4  }
0x1ed: {  	[smem:$0x1E5] =	sst s28;
	s29 =	spop (v2sf);
	(v2sf) =	vpush v10, $0x5  }
0x1ee: {  	[smem:$0x1E6] =	sst s29;
	s30 =	spop (v2sf);
	(v2sf) =	vpush v10, $0x6  }
0x1ef: {  	[smem:$0x1E7] =	sst s30;
	s31 =	spop (v2sf);
	(v2sf) =	vpush v10, $0x7  }
0x1f0: {  	[smem:$0x1E8] =	sst s31;
	s21 =	spop (v2sf);
	(v2sf) =	vpush v10, $0x8  }
0x1f1: {  	[smem:$0x1E9] =	sst s21;
	s22 =	spop (v2sf);
	(v2sf) =	vpush v10, $0x9  }
0x1f2: {  	[smem:$0x1EA] =	sst s22;
	s23 =	spop (v2sf);
	(v2sf) =	vpush v10, $0xA  }
0x1f3: {  	v9 =	vld [tilespmem:$0x2100];
	[smem:$0x1EB] =	sst s23;
	s24 =	spop (v2sf);
	(v2sf) =	vpush v10, $0xB  }
0x1f4: {  	[smem:$0x1EC] =	sst s24;
	s25 =	spop (v2sf);
	(v2sf) =	vpush v10, $0xC  }
0x1f5: {  	[smem:$0x1ED] =	sst s25;
	s26 =	spop (v2sf);
	(v2sf) =	vpush v10, $0xD  }
0x1f6: {  	[smem:$0x1EE] =	sst s26;
	s28 =	spop (v2sf);
	(v2sf) =	vpush v10, $0xE  }
0x1f7: {  	[smem:$0x1EF] =	sst s28;
	s29 =	spop (v2sf);
	(v2sf) =	vpush v10, $0xF  }
0x1f8: {  	[smem:$0x1F0] =	sst s29;
	s30 =	spop (v2sf);
	(v2sf) =	vpush v9, $0x0  }
0x1f9: {  	[smem:$0x1F1] =	sst s30;
	s31 =	spop (v2sf);
	(v2sf) =	vpush v9, $0x1  }
0x1fa: {  	[smem:$0x1F2] =	sst s31;
	s21 =	spop (v2sf);
	(v2sf) =	vpush v9, $0x2  }
0x1fb: {  	[smem:$0x1F3] =	sst s21;
	s22 =	spop (v2sf);
	(v2sf) =	vpush v9, $0x3  }
0x1fc: {  	[smem:$0x1F4] =	sst s22;
	s23 =	spop (v2sf);
	(v2sf) =	vpush v9, $0x4  }
0x1fd: {  	[smem:$0x1F5] =	sst s23;
	s24 =	spop (v2sf);
	(v2sf) =	vpush v9, $0x5  }
0x1fe: {  	[smem:$0x1F6] =	sst s24;
	s25 =	spop (v2sf);
	(v2sf) =	vpush v9, $0x6  }
0x1ff: {  	[smem:$0x1F7] =	sst s25;
	s26 =	spop (v2sf);
	(v2sf) =	vpush v9, $0x7  }
0x200: {  	[smem:$0x1F8] =	sst s26;
	s28 =	spop (v2sf);
	(v2sf) =	vpush v9, $0x8  }
0x201: {  	[smem:$0x1F9] =	sst s28;
	s29 =	spop (v2sf);
	(v2sf) =	vpush v9, $0x9  }
0x202: {  	[smem:$0x1FA] =	sst s29;
	s30 =	spop (v2sf);
	(v2sf) =	vpush v9, $0xA  }
0x203: {  	v10 =	vld [tilespmem:$0x2110];
	[smem:$0x1FB] =	sst s30;
	s31 =	spop (v2sf);
	(v2sf) =	vpush v9, $0xB  }
0x204: {  	[smem:$0x1FC] =	sst s31;
	s21 =	spop (v2sf);
	(v2sf) =	vpush v9, $0xC  }
0x205: {  	[smem:$0x1FD] =	sst s21;
	s22 =	spop (v2sf);
	(v2sf) =	vpush v9, $0xD  }
0x206: {  	[smem:$0x1FE] =	sst s22;
	s23 =	spop (v2sf);
	(v2sf) =	vpush v9, $0xE  }
0x207: {  	[smem:$0x1FF] =	sst s23;
	s24 =	spop (v2sf);
	(v2sf) =	vpush v9, $0xF  }
0x208: {  	[smem:$0x200] =	sst s24;
	s25 =	spop (v2sf);
	(v2sf) =	vpush v10, $0x0  }
0x209: {  	[smem:$0x201] =	sst s25;
	s26 =	spop (v2sf);
	(v2sf) =	vpush v10, $0x1  }
0x20a: {  	[smem:$0x202] =	sst s26;
	s28 =	spop (v2sf);
	(v2sf) =	vpush v10, $0x2  }
0x20b: {  	[smem:$0x203] =	sst s28;
	s29 =	spop (v2sf);
	(v2sf) =	vpush v10, $0x3  }
0x20c: {  	[smem:$0x204] =	sst s29;
	s30 =	spop (v2sf);
	(v2sf) =	vpush v10, $0x4  }
0x20d: {  	[smem:$0x205] =	sst s30;
	s31 =	spop (v2sf);
	(v2sf) =	vpush v10, $0x5  }
0x20e: {  	[smem:$0x206] =	sst s31;
	s21 =	spop (v2sf);
	(v2sf) =	vpush v10, $0x6  }
0x20f: {  	[smem:$0x207] =	sst s21;
	s22 =	spop (v2sf);
	(v2sf) =	vpush v10, $0x7  }
0x210: {  	[smem:$0x208] =	sst s22;
	s23 =	spop (v2sf);
	(v2sf) =	vpush v10, $0x8  }
0x211: {  	[smem:$0x209] =	sst s23;
	s24 =	spop (v2sf);
	(v2sf) =	vpush v10, $0x9  }
0x212: {  	[smem:$0x20A] =	sst s24;
	s25 =	spop (v2sf);
	(v2sf) =	vpush v10, $0xA  }
0x213: {  	v9 =	vld [tilespmem:$0x2120];
	[smem:$0x20B] =	sst s25;
	s26 =	spop (v2sf);
	(v2sf) =	vpush v10, $0xB  }
0x214: {  	[smem:$0x20C] =	sst s26;
	s28 =	spop (v2sf);
	(v2sf) =	vpush v10, $0xC  }
0x215: {  	[smem:$0x20D] =	sst s28;
	s29 =	spop (v2sf);
	(v2sf) =	vpush v10, $0xD  }
0x216: {  	[smem:$0x20E] =	sst s29;
	s30 =	spop (v2sf);
	(v2sf) =	vpush v10, $0xE  }
0x217: {  	[smem:$0x20F] =	sst s30;
	s31 =	spop (v2sf);
	(v2sf) =	vpush v10, $0xF  }
0x218: {  	[smem:$0x210] =	sst s31;
	s21 =	spop (v2sf);
	(v2sf) =	vpush v9, $0x0  }
0x219: {  	[smem:$0x211] =	sst s21;
	s22 =	spop (v2sf);
	(v2sf) =	vpush v9, $0x1  }
0x21a: {  	[smem:$0x212] =	sst s22;
	s23 =	spop (v2sf);
	(v2sf) =	vpush v9, $0x2  }
0x21b: {  	[smem:$0x213] =	sst s23;
	s24 =	spop (v2sf);
	(v2sf) =	vpush v9, $0x3  }
0x21c: {  	[smem:$0x214] =	sst s24;
	s25 =	spop (v2sf);
	(v2sf) =	vpush v9, $0x4  }
0x21d: {  	[smem:$0x215] =	sst s25;
	s26 =	spop (v2sf);
	(v2sf) =	vpush v9, $0x5  }
0x21e: {  	[smem:$0x216] =	sst s26;
	s28 =	spop (v2sf);
	(v2sf) =	vpush v9, $0x6  }
0x21f: {  	[smem:$0x217] =	sst s28;
	s29 =	spop (v2sf);
	(v2sf) =	vpush v9, $0x7  }
0x220: {  	[smem:$0x218] =	sst s29;
	s30 =	spop (v2sf);
	(v2sf) =	vpush v9, $0x8  }
0x221: {  	[smem:$0x219] =	sst s30;
	s31 =	spop (v2sf);
	(v2sf) =	vpush v9, $0x9  }
0x222: {  	[smem:$0x21A] =	sst s31;
	s21 =	spop (v2sf);
	(v2sf) =	vpush v9, $0xA  }
0x223: {  	v10 =	vld [tilespmem:$0x2130];
	[smem:$0x21B] =	sst s21;
	s22 =	spop (v2sf);
	(v2sf) =	vpush v9, $0xB  }
0x224: {  	[smem:$0x21C] =	sst s22;
	s23 =	spop (v2sf);
	(v2sf) =	vpush v9, $0xC  }
0x225: {  	[smem:$0x21D] =	sst s23;
	s24 =	spop (v2sf);
	(v2sf) =	vpush v9, $0xD  }
0x226: {  	[smem:$0x21E] =	sst s24;
	s25 =	spop (v2sf);
	(v2sf) =	vpush v9, $0xE  }
0x227: {  	[smem:$0x21F] =	sst s25;
	s26 =	spop (v2sf);
	(v2sf) =	vpush v9, $0xF  }
0x228: {  	[smem:$0x220] =	sst s26;
	s28 =	spop (v2sf);
	(v2sf) =	vpush v10, $0x0  }
0x229: {  	[smem:$0x221] =	sst s28;
	s29 =	spop (v2sf);
	(v2sf) =	vpush v10, $0x1  }
0x22a: {  	[smem:$0x222] =	sst s29;
	s30 =	spop (v2sf);
	(v2sf) =	vpush v10, $0x2  }
0x22b: {  	[smem:$0x223] =	sst s30;
	s31 =	spop (v2sf);
	(v2sf) =	vpush v10, $0x3  }
0x22c: {  	[smem:$0x224] =	sst s31;
	s21 =	spop (v2sf);
	(v2sf) =	vpush v10, $0x4  }
0x22d: {  	[smem:$0x225] =	sst s21;
	s22 =	spop (v2sf);
	(v2sf) =	vpush v10, $0x5  }
0x22e: {  	[smem:$0x226] =	sst s22;
	s23 =	spop (v2sf);
	(v2sf) =	vpush v10, $0x6  }
0x22f: {  	[smem:$0x227] =	sst s23;
	s24 =	spop (v2sf);
	(v2sf) =	vpush v10, $0x7  }
0x230: {  	[smem:$0x228] =	sst s24;
	s25 =	spop (v2sf);
	(v2sf) =	vpush v10, $0x8  }
0x231: {  	[smem:$0x229] =	sst s25;
	s26 =	spop (v2sf);
	(v2sf) =	vpush v10, $0x9  }
0x232: {  	[smem:$0x22A] =	sst s26;
	s28 =	spop (v2sf);
	(v2sf) =	vpush v10, $0xA  }
0x233: {  	v9 =	vld [tilespmem:$0x2140];
	[smem:$0x22B] =	sst s28;
	s29 =	spop (v2sf);
	(v2sf) =	vpush v10, $0xB  }
0x234: {  	[smem:$0x22C] =	sst s29;
	s30 =	spop (v2sf);
	(v2sf) =	vpush v10, $0xC  }
0x235: {  	[smem:$0x22D] =	sst s30;
	s31 =	spop (v2sf);
	(v2sf) =	vpush v10, $0xD  }
0x236: {  	[smem:$0x22E] =	sst s31;
	s21 =	spop (v2sf);
	(v2sf) =	vpush v10, $0xE  }
0x237: {  	[smem:$0x22F] =	sst s21;
	s22 =	spop (v2sf);
	(v2sf) =	vpush v10, $0xF  }
0x238: {  	[smem:$0x230] =	sst s22;
	s23 =	spop (v2sf);
	(v2sf) =	vpush v9, $0x0  }
0x239: {  	[smem:$0x231] =	sst s23;
	s24 =	spop (v2sf);
	(v2sf) =	vpush v9, $0x1  }
0x23a: {  	[smem:$0x232] =	sst s24;
	s25 =	spop (v2sf);
	(v2sf) =	vpush v9, $0x2  }
0x23b: {  	[smem:$0x233] =	sst s25;
	s26 =	spop (v2sf);
	(v2sf) =	vpush v9, $0x3  }
0x23c: {  	[smem:$0x234] =	sst s26;
	s28 =	spop (v2sf);
	(v2sf) =	vpush v9, $0x4  }
0x23d: {  	[smem:$0x235] =	sst s28;
	s29 =	spop (v2sf);
	(v2sf) =	vpush v9, $0x5  }
0x23e: {  	[smem:$0x236] =	sst s29;
	s30 =	spop (v2sf);
	(v2sf) =	vpush v9, $0x6  }
0x23f: {  	[smem:$0x237] =	sst s30;
	s31 =	spop (v2sf);
	(v2sf) =	vpush v9, $0x7  }
0x240: {  	[smem:$0x238] =	sst s31;
	s21 =	spop (v2sf);
	(v2sf) =	vpush v9, $0x8  }
0x241: {  	[smem:$0x239] =	sst s21;
	s22 =	spop (v2sf);
	(v2sf) =	vpush v9, $0x9  }
0x242: {  	[smem:$0x23A] =	sst s22;
	s23 =	spop (v2sf);
	(v2sf) =	vpush v9, $0xA  }
0x243: {  	v10 =	vld [tilespmem:$0x2150];
	[smem:$0x23B] =	sst s23;
	s24 =	spop (v2sf);
	(v2sf) =	vpush v9, $0xB  }
0x244: {  	[smem:$0x23C] =	sst s24;
	s25 =	spop (v2sf);
	(v2sf) =	vpush v9, $0xC  }
0x245: {  	[smem:$0x23D] =	sst s25;
	s26 =	spop (v2sf);
	(v2sf) =	vpush v9, $0xD  }
0x246: {  	[smem:$0x23E] =	sst s26;
	s28 =	spop (v2sf);
	(v2sf) =	vpush v9, $0xE  }
0x247: {  	[smem:$0x23F] =	sst s28;
	s29 =	spop (v2sf);
	(v2sf) =	vpush v9, $0xF  }
0x248: {  	[smem:$0x240] =	sst s29;
	s30 =	spop (v2sf);
	(v2sf) =	vpush v10, $0x0  }
0x249: {  	[smem:$0x241] =	sst s30;
	s31 =	spop (v2sf);
	(v2sf) =	vpush v10, $0x1  }
0x24a: {  	[smem:$0x242] =	sst s31;
	s21 =	spop (v2sf);
	(v2sf) =	vpush v10, $0x2  }
0x24b: {  	[smem:$0x243] =	sst s21;
	s22 =	spop (v2sf);
	(v2sf) =	vpush v10, $0x3  }
0x24c: {  	[smem:$0x244] =	sst s22;
	s23 =	spop (v2sf);
	(v2sf) =	vpush v10, $0x4  }
0x24d: {  	[smem:$0x245] =	sst s23;
	s24 =	spop (v2sf);
	(v2sf) =	vpush v10, $0x5  }
0x24e: {  	[smem:$0x246] =	sst s24;
	s25 =	spop (v2sf);
	(v2sf) =	vpush v10, $0x6  }
0x24f: {  	[smem:$0x247] =	sst s25;
	s26 =	spop (v2sf);
	(v2sf) =	vpush v10, $0x7  }
0x250: {  	[smem:$0x248] =	sst s26;
	s28 =	spop (v2sf);
	(v2sf) =	vpush v10, $0x8  }
0x251: {  	[smem:$0x249] =	sst s28;
	s29 =	spop (v2sf);
	(v2sf) =	vpush v10, $0x9  }
0x252: {  	[smem:$0x24A] =	sst s29;
	s30 =	spop (v2sf);
	(v2sf) =	vpush v10, $0xA  }
0x253: {  	[smem:$0x24B] =	sst s30;
	s31 =	spop (v2sf);
	(v2sf) =	vpush v10, $0xB  }
0x254: {  	[smem:$0x24C] =	sst s31;
	s21 =	spop (v2sf);
	(v2sf) =	vpush v10, $0xC  }
0x255: {  	[smem:$0x24D] =	sst s21;
	s22 =	spop (v2sf);
	(v2sf) =	vpush v10, $0xD  }
0x256: {  	[smem:$0x24E] =	sst s22;
	s23 =	spop (v2sf)  }
0x257: {  	[smem:$0x24F] =	sst s23;
	s24 =	spop (v2sf);
	(v2sf) =	vpush v10, $0xE  }
0x258: {  	[smem:$0x250] =	sst s24;
	s25 =	spop (v2sf)  }
0x259: {  	[smem:$0x251] =	sst s25;
	s26 =	spop (v2sf)  }
0x25a: {  	[smem:$0x252] =	sst s26;
	s28 =	spop (v2sf)  }
0x25b: {  	[smem:$0x253] =	sst s28;
	s29 =	spop (v2sf)  }
0x25c: {  	[smem:$0x254] =	sst s29;
	s30 =	spop (v2sf)  }
0x25d: {  	[smem:$0x255] =	sst s30;
	s31 =	spop (v2sf)  }
0x25e: {  	[smem:$0x256] =	sst s31;
	s21 =	spop (v2sf)  }
0x25f: {  	[smem:$0x257] =	sst s21;
	s22 =	spop (v2sf)  }
0x260: {  	[smem:$0x258] =	sst s22;
	s23 =	spop (v2sf)  }
0x261: {  	[smem:$0x259] =	sst s23;
	s24 =	spop (v2sf)  }
0x262: {  	[smem:$0x25A] =	sst s24;
	s25 =	spop (v2sf)  }
0x263: {  	[smem:$0x25B] =	sst s25;
	s26 =	spop (v2sf)  }
0x264: {  	[smem:$0x25C] =	sst s26;
	s28 =	spop (v2sf)  }
0x265: {  	[smem:$0x25D] =	sst s28  }
0x266: {  	s20 =	spop (v2sf)  }
0x267: {  	v9 =	vld [tilespmem:$0x2160];
	_ =	sdelay $0x3  }
0x268: {  	(v2sf) =	vpush v10, $0xF  }
0x269: {  	(v2sf) =	vpush v9, $0x0  }
0x26a: {  	(v2sf) =	vpush v9, $0x1  }
0x26b: {  	(v2sf) =	vpush v9, $0x2  }
0x26c: {  	(v2sf) =	vpush v9, $0x3  }
0x26d: {  	(v2sf) =	vpush v9, $0x4  }
0x26e: {  	(v2sf) =	vpush v9, $0x5  }
0x26f: {  	(v2sf) =	vpush v9, $0x6  }
0x270: {  	(v2sf) =	vpush v9, $0x7  }
0x271: {  	(v2sf) =	vpush v9, $0x8  }
0x272: {  	(v2sf) =	vpush v9, $0x9  }
0x273: {  	(v2sf) =	vpush v9, $0xA  }
0x274: {  	v10 =	vld [tilespmem:$0x2170];
	(v2sf) =	vpush v9, $0xB  }
0x275: {  	(v2sf) =	vpush v9, $0xC  }
0x276: {  	(v2sf) =	vpush v9, $0xD  }
0x277: {  	[smem:$0x25E] =	sst s20;
	s29 =	spop (v2sf);
	(v2sf) =	vpush v9, $0xE  }
0x278: {  	[smem:$0x25F] =	sst s29;
	s30 =	spop (v2sf);
	(v2sf) =	vpush v9, $0xF  }
0x279: {  	[smem:$0x260] =	sst s30;
	s31 =	spop (v2sf);
	(v2sf) =	vpush v10, $0x0  }
0x27a: {  	[smem:$0x261] =	sst s31;
	s21 =	spop (v2sf);
	(v2sf) =	vpush v10, $0x1  }
0x27b: {  	[smem:$0x262] =	sst s21;
	s22 =	spop (v2sf);
	(v2sf) =	vpush v10, $0x2  }
0x27c: {  	[smem:$0x263] =	sst s22;
	s23 =	spop (v2sf);
	(v2sf) =	vpush v10, $0x3  }
0x27d: {  	[smem:$0x264] =	sst s23;
	s24 =	spop (v2sf);
	(v2sf) =	vpush v10, $0x4  }
0x27e: {  	[smem:$0x265] =	sst s24;
	s25 =	spop (v2sf);
	(v2sf) =	vpush v10, $0x5  }
0x27f: {  	[smem:$0x266] =	sst s25;
	s26 =	spop (v2sf);
	(v2sf) =	vpush v10, $0x6  }
0x280: {  	[smem:$0x267] =	sst s26;
	s28 =	spop (v2sf);
	(v2sf) =	vpush v10, $0x7  }
0x281: {  	[smem:$0x268] =	sst s28;
	s29 =	spop (v2sf);
	(v2sf) =	vpush v10, $0x8  }
0x282: {  	[smem:$0x269] =	sst s29;
	s30 =	spop (v2sf);
	(v2sf) =	vpush v10, $0x9  }
0x283: {  	[smem:$0x26A] =	sst s30;
	s31 =	spop (v2sf);
	(v2sf) =	vpush v10, $0xA  }
0x284: {  	v9 =	vld [tilespmem:$0x2180];
	[smem:$0x26B] =	sst s31;
	s21 =	spop (v2sf);
	(v2sf) =	vpush v10, $0xB  }
0x285: {  	[smem:$0x26C] =	sst s21;
	s22 =	spop (v2sf);
	(v2sf) =	vpush v10, $0xC  }
0x286: {  	[smem:$0x26D] =	sst s22;
	s23 =	spop (v2sf);
	(v2sf) =	vpush v10, $0xD  }
0x287: {  	[smem:$0x26E] =	sst s23;
	s24 =	spop (v2sf);
	(v2sf) =	vpush v10, $0xE  }
0x288: {  	[smem:$0x26F] =	sst s24;
	s25 =	spop (v2sf);
	(v2sf) =	vpush v10, $0xF  }
0x289: {  	[smem:$0x270] =	sst s25;
	s26 =	spop (v2sf);
	(v2sf) =	vpush v9, $0x0  }
0x28a: {  	[smem:$0x271] =	sst s26;
	s28 =	spop (v2sf);
	(v2sf) =	vpush v9, $0x1  }
0x28b: {  	[smem:$0x272] =	sst s28;
	s29 =	spop (v2sf);
	(v2sf) =	vpush v9, $0x2  }
0x28c: {  	[smem:$0x273] =	sst s29;
	s30 =	spop (v2sf);
	(v2sf) =	vpush v9, $0x3  }
0x28d: {  	[smem:$0x274] =	sst s30;
	s31 =	spop (v2sf);
	(v2sf) =	vpush v9, $0x4  }
0x28e: {  	[smem:$0x275] =	sst s31;
	s21 =	spop (v2sf);
	(v2sf) =	vpush v9, $0x5  }
0x28f: {  	[smem:$0x276] =	sst s21;
	s22 =	spop (v2sf);
	(v2sf) =	vpush v9, $0x6  }
0x290: {  	[smem:$0x277] =	sst s22;
	s23 =	spop (v2sf);
	(v2sf) =	vpush v9, $0x7  }
0x291: {  	[smem:$0x278] =	sst s23;
	s24 =	spop (v2sf);
	(v2sf) =	vpush v9, $0x8  }
0x292: {  	[smem:$0x279] =	sst s24;
	s25 =	spop (v2sf);
	(v2sf) =	vpush v9, $0x9  }
0x293: {  	[smem:$0x27A] =	sst s25;
	s26 =	spop (v2sf);
	(v2sf) =	vpush v9, $0xA  }
0x294: {  	v10 =	vld [tilespmem:$0x2190];
	[smem:$0x27B] =	sst s26;
	s28 =	spop (v2sf);
	(v2sf) =	vpush v9, $0xB  }
0x295: {  	[smem:$0x27C] =	sst s28;
	s29 =	spop (v2sf);
	(v2sf) =	vpush v9, $0xC  }
0x296: {  	[smem:$0x27D] =	sst s29;
	s30 =	spop (v2sf);
	(v2sf) =	vpush v9, $0xD  }
0x297: {  	[smem:$0x27E] =	sst s30;
	s31 =	spop (v2sf);
	(v2sf) =	vpush v9, $0xE  }
0x298: {  	[smem:$0x27F] =	sst s31;
	s21 =	spop (v2sf);
	(v2sf) =	vpush v9, $0xF  }
0x299: {  	[smem:$0x280] =	sst s21;
	s22 =	spop (v2sf);
	(v2sf) =	vpush v10, $0x0  }
0x29a: {  	[smem:$0x281] =	sst s22;
	s23 =	spop (v2sf);
	(v2sf) =	vpush v10, $0x1  }
0x29b: {  	[smem:$0x282] =	sst s23;
	s24 =	spop (v2sf);
	(v2sf) =	vpush v10, $0x2  }
0x29c: {  	[smem:$0x283] =	sst s24;
	s25 =	spop (v2sf);
	(v2sf) =	vpush v10, $0x3  }
0x29d: {  	[smem:$0x284] =	sst s25;
	s26 =	spop (v2sf);
	(v2sf) =	vpush v10, $0x4  }
0x29e: {  	[smem:$0x285] =	sst s26;
	s28 =	spop (v2sf);
	(v2sf) =	vpush v10, $0x5  }
0x29f: {  	[smem:$0x286] =	sst s28;
	s29 =	spop (v2sf);
	(v2sf) =	vpush v10, $0x6  }
0x2a0: {  	[smem:$0x287] =	sst s29;
	s30 =	spop (v2sf);
	(v2sf) =	vpush v10, $0x7  }
0x2a1: {  	[smem:$0x288] =	sst s30;
	s31 =	spop (v2sf);
	(v2sf) =	vpush v10, $0x8  }
0x2a2: {  	[smem:$0x289] =	sst s31;
	s21 =	spop (v2sf);
	(v2sf) =	vpush v10, $0x9  }
0x2a3: {  	[smem:$0x28A] =	sst s21;
	s22 =	spop (v2sf);
	(v2sf) =	vpush v10, $0xA  }
0x2a4: {  	v9 =	vld [tilespmem:$0x21A0];
	[smem:$0x28B] =	sst s22;
	s23 =	spop (v2sf);
	(v2sf) =	vpush v10, $0xB  }
0x2a5: {  	[smem:$0x28C] =	sst s23;
	s24 =	spop (v2sf);
	(v2sf) =	vpush v10, $0xC  }
0x2a6: {  	[smem:$0x28D] =	sst s24;
	s25 =	spop (v2sf);
	(v2sf) =	vpush v10, $0xD  }
0x2a7: {  	[smem:$0x28E] =	sst s25;
	s26 =	spop (v2sf);
	(v2sf) =	vpush v10, $0xE  }
0x2a8: {  	[smem:$0x28F] =	sst s26;
	s28 =	spop (v2sf);
	(v2sf) =	vpush v10, $0xF  }
0x2a9: {  	[smem:$0x290] =	sst s28;
	s29 =	spop (v2sf);
	(v2sf) =	vpush v9, $0x0  }
0x2aa: {  	[smem:$0x291] =	sst s29;
	s30 =	spop (v2sf);
	(v2sf) =	vpush v9, $0x1  }
0x2ab: {  	[smem:$0x292] =	sst s30;
	s31 =	spop (v2sf);
	(v2sf) =	vpush v9, $0x2  }
0x2ac: {  	[smem:$0x293] =	sst s31;
	s21 =	spop (v2sf);
	(v2sf) =	vpush v9, $0x3  }
0x2ad: {  	[smem:$0x294] =	sst s21;
	s22 =	spop (v2sf);
	(v2sf) =	vpush v9, $0x4  }
0x2ae: {  	[smem:$0x295] =	sst s22;
	s23 =	spop (v2sf);
	(v2sf) =	vpush v9, $0x5  }
0x2af: {  	[smem:$0x296] =	sst s23;
	s24 =	spop (v2sf);
	(v2sf) =	vpush v9, $0x6  }
0x2b0: {  	[smem:$0x297] =	sst s24;
	s25 =	spop (v2sf);
	(v2sf) =	vpush v9, $0x7  }
0x2b1: {  	[smem:$0x298] =	sst s25;
	s26 =	spop (v2sf);
	(v2sf) =	vpush v9, $0x8  }
0x2b2: {  	[smem:$0x299] =	sst s26;
	s28 =	spop (v2sf);
	(v2sf) =	vpush v9, $0x9  }
0x2b3: {  	[smem:$0x29A] =	sst s28;
	s29 =	spop (v2sf);
	(v2sf) =	vpush v9, $0xA  }
0x2b4: {  	v10 =	vld [tilespmem:$0x21B0];
	[smem:$0x29B] =	sst s29;
	s30 =	spop (v2sf);
	(v2sf) =	vpush v9, $0xB  }
0x2b5: {  	[smem:$0x29C] =	sst s30;
	s31 =	spop (v2sf);
	(v2sf) =	vpush v9, $0xC  }
0x2b6: {  	[smem:$0x29D] =	sst s31;
	s21 =	spop (v2sf);
	(v2sf) =	vpush v9, $0xD  }
0x2b7: {  	[smem:$0x29E] =	sst s21;
	s22 =	spop (v2sf);
	(v2sf) =	vpush v9, $0xE  }
0x2b8: {  	[smem:$0x29F] =	sst s22;
	s23 =	spop (v2sf);
	(v2sf) =	vpush v9, $0xF  }
0x2b9: {  	[smem:$0x2A0] =	sst s23;
	s24 =	spop (v2sf);
	(v2sf) =	vpush v10, $0x0  }
0x2ba: {  	[smem:$0x2A1] =	sst s24;
	s25 =	spop (v2sf);
	(v2sf) =	vpush v10, $0x1  }
0x2bb: {  	[smem:$0x2A2] =	sst s25;
	s26 =	spop (v2sf);
	(v2sf) =	vpush v10, $0x2  }
0x2bc: {  	[smem:$0x2A3] =	sst s26;
	s28 =	spop (v2sf);
	(v2sf) =	vpush v10, $0x3  }
0x2bd: {  	[smem:$0x2A4] =	sst s28;
	s29 =	spop (v2sf);
	(v2sf) =	vpush v10, $0x4  }
0x2be: {  	[smem:$0x2A5] =	sst s29;
	s30 =	spop (v2sf);
	(v2sf) =	vpush v10, $0x5  }
0x2bf: {  	[smem:$0x2A6] =	sst s30;
	s31 =	spop (v2sf);
	(v2sf) =	vpush v10, $0x6  }
0x2c0: {  	[smem:$0x2A7] =	sst s31;
	s21 =	spop (v2sf);
	(v2sf) =	vpush v10, $0x7  }
0x2c1: {  	[smem:$0x2A8] =	sst s21;
	s22 =	spop (v2sf);
	(v2sf) =	vpush v10, $0x8  }
0x2c2: {  	[smem:$0x2A9] =	sst s22;
	s23 =	spop (v2sf);
	(v2sf) =	vpush v10, $0x9  }
0x2c3: {  	[smem:$0x2AA] =	sst s23;
	s24 =	spop (v2sf);
	(v2sf) =	vpush v10, $0xA  }
0x2c4: {  	v9 =	vld [tilespmem:$0x21C0];
	[smem:$0x2AB] =	sst s24;
	s25 =	spop (v2sf);
	(v2sf) =	vpush v10, $0xB  }
0x2c5: {  	[smem:$0x2AC] =	sst s25;
	s26 =	spop (v2sf);
	(v2sf) =	vpush v10, $0xC  }
0x2c6: {  	[smem:$0x2AD] =	sst s26;
	s28 =	spop (v2sf);
	(v2sf) =	vpush v10, $0xD  }
0x2c7: {  	[smem:$0x2AE] =	sst s28;
	s29 =	spop (v2sf);
	(v2sf) =	vpush v10, $0xE  }
0x2c8: {  	[smem:$0x2AF] =	sst s29;
	s30 =	spop (v2sf);
	(v2sf) =	vpush v10, $0xF  }
0x2c9: {  	[smem:$0x2B0] =	sst s30;
	s31 =	spop (v2sf);
	(v2sf) =	vpush v9, $0x0  }
0x2ca: {  	[smem:$0x2B1] =	sst s31;
	s21 =	spop (v2sf);
	(v2sf) =	vpush v9, $0x1  }
0x2cb: {  	[smem:$0x2B2] =	sst s21;
	s22 =	spop (v2sf);
	(v2sf) =	vpush v9, $0x2  }
0x2cc: {  	[smem:$0x2B3] =	sst s22;
	s23 =	spop (v2sf);
	(v2sf) =	vpush v9, $0x3  }
0x2cd: {  	[smem:$0x2B4] =	sst s23;
	s24 =	spop (v2sf);
	(v2sf) =	vpush v9, $0x4  }
0x2ce: {  	[smem:$0x2B5] =	sst s24;
	s25 =	spop (v2sf);
	(v2sf) =	vpush v9, $0x5  }
0x2cf: {  	[smem:$0x2B6] =	sst s25;
	s26 =	spop (v2sf);
	(v2sf) =	vpush v9, $0x6  }
0x2d0: {  	[smem:$0x2B7] =	sst s26;
	s28 =	spop (v2sf);
	(v2sf) =	vpush v9, $0x7  }
0x2d1: {  	[smem:$0x2B8] =	sst s28;
	s29 =	spop (v2sf);
	(v2sf) =	vpush v9, $0x8  }
0x2d2: {  	[smem:$0x2B9] =	sst s29;
	s30 =	spop (v2sf);
	(v2sf) =	vpush v9, $0x9  }
0x2d3: {  	[smem:$0x2BA] =	sst s30;
	s31 =	spop (v2sf);
	(v2sf) =	vpush v9, $0xA  }
0x2d4: {  	v10 =	vld [tilespmem:$0x21D0];
	[smem:$0x2BB] =	sst s31;
	s21 =	spop (v2sf);
	(v2sf) =	vpush v9, $0xB  }
0x2d5: {  	[smem:$0x2BC] =	sst s21;
	s22 =	spop (v2sf);
	(v2sf) =	vpush v9, $0xC  }
0x2d6: {  	[smem:$0x2BD] =	sst s22;
	s23 =	spop (v2sf);
	(v2sf) =	vpush v9, $0xD  }
0x2d7: {  	[smem:$0x2BE] =	sst s23;
	s24 =	spop (v2sf);
	(v2sf) =	vpush v9, $0xE  }
0x2d8: {  	[smem:$0x2BF] =	sst s24;
	s25 =	spop (v2sf);
	(v2sf) =	vpush v9, $0xF  }
0x2d9: {  	[smem:$0x2C0] =	sst s25;
	s26 =	spop (v2sf);
	(v2sf) =	vpush v10, $0x0  }
0x2da: {  	[smem:$0x2C1] =	sst s26;
	s28 =	spop (v2sf);
	(v2sf) =	vpush v10, $0x1  }
0x2db: {  	[smem:$0x2C2] =	sst s28;
	s29 =	spop (v2sf);
	(v2sf) =	vpush v10, $0x2  }
0x2dc: {  	[smem:$0x2C3] =	sst s29;
	s30 =	spop (v2sf);
	(v2sf) =	vpush v10, $0x3  }
0x2dd: {  	[smem:$0x2C4] =	sst s30;
	s31 =	spop (v2sf);
	(v2sf) =	vpush v10, $0x4  }
0x2de: {  	[smem:$0x2C5] =	sst s31;
	s21 =	spop (v2sf);
	(v2sf) =	vpush v10, $0x5  }
0x2df: {  	[smem:$0x2C6] =	sst s21;
	s22 =	spop (v2sf);
	(v2sf) =	vpush v10, $0x6  }
0x2e0: {  	[smem:$0x2C7] =	sst s22;
	s23 =	spop (v2sf);
	(v2sf) =	vpush v10, $0x7  }
0x2e1: {  	[smem:$0x2C8] =	sst s23;
	s24 =	spop (v2sf);
	(v2sf) =	vpush v10, $0x8  }
0x2e2: {  	[smem:$0x2C9] =	sst s24;
	s25 =	spop (v2sf);
	(v2sf) =	vpush v10, $0x9  }
0x2e3: {  	[smem:$0x2CA] =	sst s25;
	s26 =	spop (v2sf);
	(v2sf) =	vpush v10, $0xA  }
0x2e4: {  	v9 =	vld [tilespmem:$0x21E0];
	[smem:$0x2CB] =	sst s26;
	s28 =	spop (v2sf);
	(v2sf) =	vpush v10, $0xB  }
0x2e5: {  	[smem:$0x2CC] =	sst s28;
	s29 =	spop (v2sf);
	(v2sf) =	vpush v10, $0xC  }
0x2e6: {  	[smem:$0x2CD] =	sst s29;
	s30 =	spop (v2sf);
	(v2sf) =	vpush v10, $0xD  }
0x2e7: {  	[smem:$0x2CE] =	sst s30;
	s31 =	spop (v2sf);
	(v2sf) =	vpush v10, $0xE  }
0x2e8: {  	[smem:$0x2CF] =	sst s31;
	s21 =	spop (v2sf);
	(v2sf) =	vpush v10, $0xF  }
0x2e9: {  	[smem:$0x2D0] =	sst s21;
	s22 =	spop (v2sf);
	(v2sf) =	vpush v9, $0x0  }
0x2ea: {  	[smem:$0x2D1] =	sst s22;
	s23 =	spop (v2sf);
	(v2sf) =	vpush v9, $0x1  }
0x2eb: {  	[smem:$0x2D2] =	sst s23;
	s24 =	spop (v2sf);
	(v2sf) =	vpush v9, $0x2  }
0x2ec: {  	[smem:$0x2D3] =	sst s24;
	s25 =	spop (v2sf);
	(v2sf) =	vpush v9, $0x3  }
0x2ed: {  	[smem:$0x2D4] =	sst s25;
	s26 =	spop (v2sf);
	(v2sf) =	vpush v9, $0x4  }
0x2ee: {  	[smem:$0x2D5] =	sst s26;
	s28 =	spop (v2sf);
	(v2sf) =	vpush v9, $0x5  }
0x2ef: {  	[smem:$0x2D6] =	sst s28;
	s29 =	spop (v2sf);
	(v2sf) =	vpush v9, $0x6  }
0x2f0: {  	[smem:$0x2D7] =	sst s29;
	s30 =	spop (v2sf);
	(v2sf) =	vpush v9, $0x7  }
0x2f1: {  	[smem:$0x2D8] =	sst s30;
	s31 =	spop (v2sf);
	(v2sf) =	vpush v9, $0x8  }
0x2f2: {  	[smem:$0x2D9] =	sst s31;
	s21 =	spop (v2sf);
	(v2sf) =	vpush v9, $0x9  }
0x2f3: {  	[smem:$0x2DA] =	sst s21;
	s22 =	spop (v2sf);
	(v2sf) =	vpush v9, $0xA  }
0x2f4: {  	v10 =	vld [tilespmem:$0x21F0];
	[smem:$0x2DB] =	sst s22;
	s23 =	spop (v2sf);
	(v2sf) =	vpush v9, $0xB  }
0x2f5: {  	[smem:$0x2DC] =	sst s23;
	s24 =	spop (v2sf);
	(v2sf) =	vpush v9, $0xC  }
0x2f6: {  	[smem:$0x2DD] =	sst s24;
	s25 =	spop (v2sf);
	(v2sf) =	vpush v9, $0xD  }
0x2f7: {  	[smem:$0x2DE] =	sst s25;
	s26 =	spop (v2sf);
	(v2sf) =	vpush v9, $0xE  }
0x2f8: {  	[smem:$0x2DF] =	sst s26;
	s28 =	spop (v2sf);
	(v2sf) =	vpush v9, $0xF  }
0x2f9: {  	[smem:$0x2E0] =	sst s28;
	s29 =	spop (v2sf);
	(v2sf) =	vpush v10, $0x0  }
0x2fa: {  	[smem:$0x2E1] =	sst s29;
	s30 =	spop (v2sf);
	(v2sf) =	vpush v10, $0x1  }
0x2fb: {  	[smem:$0x2E2] =	sst s30;
	s31 =	spop (v2sf);
	(v2sf) =	vpush v10, $0x2  }
0x2fc: {  	[smem:$0x2E3] =	sst s31;
	s21 =	spop (v2sf);
	(v2sf) =	vpush v10, $0x3  }
0x2fd: {  	[smem:$0x2E4] =	sst s21;
	s22 =	spop (v2sf);
	(v2sf) =	vpush v10, $0x4  }
0x2fe: {  	[smem:$0x2E5] =	sst s22;
	s23 =	spop (v2sf);
	(v2sf) =	vpush v10, $0x5  }
0x2ff: {  	[smem:$0x2E6] =	sst s23;
	s24 =	spop (v2sf);
	(v2sf) =	vpush v10, $0x6  }
0x300: {  	[smem:$0x2E7] =	sst s24;
	s25 =	spop (v2sf);
	(v2sf) =	vpush v10, $0x7  }
0x301: {  	[smem:$0x2E8] =	sst s25;
	s26 =	spop (v2sf);
	(v2sf) =	vpush v10, $0x8  }
0x302: {  	[smem:$0x2E9] =	sst s26;
	s28 =	spop (v2sf);
	(v2sf) =	vpush v10, $0x9  }
0x303: {  	[smem:$0x2EA] =	sst s28;
	s29 =	spop (v2sf);
	(v2sf) =	vpush v10, $0xA  }
0x304: {  	[smem:$0x2EB] =	sst s29;
	s30 =	spop (v2sf);
	(v2sf) =	vpush v10, $0xB  }
0x305: {  	[smem:$0x2EC] =	sst s30;
	s31 =	spop (v2sf);
	(v2sf) =	vpush v10, $0xC  }
0x306: {  	[smem:$0x2ED] =	sst s31;
	s21 =	spop (v2sf);
	(v2sf) =	vpush v10, $0xD  }
0x307: {  	[smem:$0x2EE] =	sst s21;
	s22 =	spop (v2sf);
	(v2sf) =	vpush v10, $0xE  }
0x308: {  	[smem:$0x2EF] =	sst s22;
	s23 =	spop (v2sf);
	(v2sf) =	vpush v10, $0xF  }
0x309: {  	v9 =	vld [tilespmem:s19+$0x0];
	s21 =	spop (v2sf);
	[smem:$0x2F0] =	sst s23  }
0x30a: {  	s24 =	spop (v2sf);
	[smem:$0x2F1] =	sst s21  }
0x30b: {  	s25 =	spop (v2sf);
	[smem:$0x2F2] =	sst s24  }
0x30c: {  	s26 =	spop (v2sf);
	[smem:$0x2F3] =	sst s25  }
0x30d: {  	s28 =	spop (v2sf);
	[smem:$0x2F4] =	sst s26  }
0x30e: {  	vm3 =	vgt.s32 v9, $0x0;
	s29 =	spop (v2sf);
	[smem:$0x2F5] =	sst s28  }
0x30f: {  	v9 =	vsel vm3, $0x1, v1;
	s30 =	spop (v2sf);
	[smem:$0x2F6] =	sst s29  }
0x310: {  	v10 =	vperm.xlane v9, v2;
	s31 =	spop (v2sf);
	[smem:$0x2F7] =	sst s30  }
0x311: {  	vm3 =	veq.s32 v3, $0x0;
	s21 =	spop (v2sf);
	[smem:$0x2F8] =	sst s31  }
0x312: {  	v10 =	vsel vm3, $0x0, v10;
	s22 =	spop (v2sf);
	[smem:$0x2F9] =	sst s21  }
0x313: {  	v9 =	vadd.s32 v9, v10;
	s23 =	spop (v2sf);
	[smem:$0x2FA] =	sst s22  }
0x314: {  	v10 =	vperm.xlane v9, v4;
	s24 =	spop (v2sf);
	[smem:$0x2FB] =	sst s23  }
0x315: {  	s25 =	spop (v2sf);
	[smem:$0x2FC] =	sst s24  }
0x316: {  	v10 =	vsel vm0, $0x0, v10;
	s26 =	spop (v2sf);
	[smem:$0x2FD] =	sst s25  }
0x317: {  	v9 =	vadd.s32 v10, v9;
	[smem:$0x2FE] =	sst s26;
	s28 =	spop (v2sf)  }
0x318: {  	v10 =	vperm.xlane v9, v5;
	[smem:$0x2FF] =	sst s28  }
0x319: {  	s19 =	sld [smem:$0x100]  }
0x31a: {  	v10 =	vsel vm1, $0x0, v10  }
0x31b: {  	v9 =	vadd.s32 v10, v9  }
0x31c: {  	v10 =	vperm.xlane v9, v6;
	s19 =	ssub.s32 s19, s7  }
0x31d: {  	p0 =	sgt.s32 s19, $0x0;
	s20 =	smov.u32 s19  }
0x31e: {  	v10 =	vsel vm2, $0x0, v10;
	s20 =	simm.s32 @!p0 $0x0  }
0x31f: {  	v9 =	vadd.s32 v10, v9;
	s20 =	smin.u32 s16, s20  }
0x320: {  	v10 =	vperm.xlane v9, v8;
	s19 =	ssub.s32 s20, s19  }
0x321: {  	v11 =	vadd.s32 s19, v7  }
0x322: {  	vm4 =	vlt.s32 v10, v11  }
0x323: {  	v10 =	vsel vm4, $0x8, v1  }
0x324: {  	v12 =	vor.u32 $0x3, v10  }
0x325: {  	v12 =	vperm.xlane v9, v12;
	_ =	sdelay $0x1  }
0x326: {  	vm4 =	vlt.s32 v12, v11  }
0x327: {  	v12 =	vsel vm4, $0x4, v1  }
0x328: {  	v10 =	vor.u32 v12, v10  }
0x329: {  	v12 =	vor.u32 $0x1, v10  }
0x32a: {  	v12 =	vperm.xlane v9, v12;
	_ =	sdelay $0x1  }
0x32b: {  	vm4 =	vlt.s32 v12, v11  }
0x32c: {  	v12 =	vsel vm4, $0x2, v1  }
0x32d: {  	v10 =	vor.u32 v12, v10  }
0x32e: {  	v9 =	vperm.xlane v9, v10;
	_ =	sdelay $0x1  }
0x32f: {  	s29 =	sand.u32 $0xFFF0, s20;
	vm4 =	vlt.s32 v9, v11  }
0x330: {  	s30 =	sand.u32 $0xF, s20;
	v11 =	vld [tilespmem:s29+$0x2200];
	v9 =	vsel vm4, $0x1, v1  }
0x331: {  	v63 =	vmov s30;
	v9 =	vor.u32 s17, v9  }
0x332: {  	v9 =	vor.u32 v10, v9;
	v10 =	vsub.s32 v3, v63  }
0x333: {  	v9 =	vperm.xlane v9, v10  }
0x334: {  	vm4 =	vlt.u32 v63, v7  }
0x335: {  	s20 =	sadd.s32 $0x10, s20;
	v10 =	vsel vm4, v9, v11  }
0x336: {  	s31 =	sand.u32 $0x1FFF0, s20;
	[tilespmem:s29+$0x2200] =	vst v10  }
0x337: {  	s21 =	simm.s32 $0x10;
	[tilespmem:s31+$0x2200] =	vst v9  }
0x338: {  	v9 =	vld [tilespmem:s21+$0x0]  }
0x339: {  	s22 =	simm.s32 $0x8;
	s20 =	simm.s32 $0x4;
	s19 =	smov.u32 s17  }
.LBB2_6:
0x33a: {  	p0 =	sne.s32 s22, $0x7FC;
	_ =	sdelay $0x2  }
0x33b: {  	vm4 =	vgt.s32 v9, $0x0  }
0x33c: {  	v9 =	vsel vm4, $0x1, v1  }
0x33d: {  	v10 =	vperm.xlane v9, v2;
	_ =	sdelay $0x1  }
0x33e: {  	v10 =	vsel vm3, $0x0, v10  }
0x33f: {  	v9 =	vadd.s32 v9, v10  }
0x340: {  	v10 =	vperm.xlane v9, v4;
	_ =	sdelay $0x1  }
0x341: {  	v10 =	vsel vm0, $0x0, v10  }
0x342: {  	v9 =	vadd.s32 v10, v9  }
0x343: {  	s23 =	sshra.s32 s20, $0x2;
	s20 =	smov.u32 s22;
	v10 =	vperm.xlane v9, v5  }
0x344: {  	s23 =	sld [smem:s23+$0x100]  }
0x345: {  	v10 =	vsel vm1, $0x0, v10  }
0x346: {  	v9 =	vadd.s32 v10, v9  }
0x347: {  	s23 =	ssub.s32 s23, s7;
	v10 =	vperm.xlane v9, v6  }
0x348: {  	p1 =	sgt.s32 s23, $0x0;
	s24 =	smov.u32 s23  }
0x349: {  	s24 =	simm.s32 @!p1 $0x0;
	v10 =	vsel vm2, $0x0, v10  }
0x34a: {  	s24 =	smin.u32 s16, s24;
	v9 =	vadd.s32 v10, v9  }
0x34b: {  	s23 =	ssub.s32 s24, s23;
	v10 =	vperm.xlane v9, v8  }
0x34c: {  	v11 =	vadd.s32 s23, v7  }
0x34d: {  	vm4 =	vlt.s32 v10, v11  }
0x34e: {  	v10 =	vsel vm4, $0x8, v1  }
0x34f: {  	v12 =	vor.u32 $0x3, v10  }
0x350: {  	v12 =	vperm.xlane v9, v12;
	_ =	sdelay $0x1  }
0x351: {  	vm4 =	vlt.s32 v12, v11  }
0x352: {  	v12 =	vsel vm4, $0x4, v1  }
0x353: {  	v10 =	vor.u32 v12, v10  }
0x354: {  	v12 =	vor.u32 $0x1, v10  }
0x355: {  	v12 =	vperm.xlane v9, v12;
	_ =	sdelay $0x1  }
0x356: {  	vm4 =	vlt.s32 v12, v11  }
0x357: {  	v12 =	vsel vm4, $0x2, v1  }
0x358: {  	v10 =	vor.u32 v12, v10  }
0x359: {  	v9 =	vperm.xlane v9, v10;
	_ =	sdelay $0x1  }
0x35a: {  	s23 =	sand.u32 $0xFFF0, s24;
	vm4 =	vlt.s32 v9, v11  }
0x35b: {  	s19 =	sadd.s32 $0x10, s19;
	s25 =	sand.u32 $0xF, s24;
	v9 =	vsel vm4, $0x1, v1;
	v11 =	vld [tilespmem:s23+$0x2200]  }
0x35c: {  	v12 =	vmov s25;
	v9 =	vor.u32 s19, v9  }
0x35d: {  	v9 =	vor.u32 v10, v9;
	v10 =	vsub.s32 v3, v12  }
0x35e: {  	v9 =	vperm.xlane v9, v10  }
0x35f: {  	vm4 =	vlt.u32 v12, v7  }
.Ltmp4:
0x360: {  	s24 =	sadd.s32 $0x10, s24;
	v10 =	vsel vm4, v9, v11;
	(pc) =	sbr.rel @p0 .LBB2_6-.Ltmp4, $4  }
0x361: {  	[tilespmem:s23+$0x2200] =	vst v10;
	s23 =	sand.u32 $0x1FFF0, s24  }
0x362: {  	s21 =	sadd.s32 $0x10, s21;
	[tilespmem:s23+$0x2200] =	vst v9  }
0x363: {  	v9 =	vld [tilespmem:s21+$0x0]  }
0x364: {  	s22 =	sadd.s32 $0x4, s22  }
0x365: {  	_ =	sdelay $0x2  }
0x366: {  	vm3 =	vgt.s32 v9, $0x0  }
0x367: {  	v9 =	vsel vm3, $0x1, v1  }
0x368: {  	v10 =	vperm.xlane v9, v2  }
0x369: {  	vm3 =	veq.s32 v3, $0x0  }
0x36a: {  	v10 =	vsel vm3, $0x0, v10  }
0x36b: {  	v9 =	vadd.s32 v9, v10  }
0x36c: {  	v10 =	vperm.xlane v9, v4;
	_ =	sdelay $0x1  }
0x36d: {  	v10 =	vsel vm0, $0x0, v10  }
0x36e: {  	v9 =	vadd.s32 v10, v9  }
0x36f: {  	s20 =	sshra.s32 s20, $0x2;
	v10 =	vperm.xlane v9, v5  }
0x370: {  	s20 =	sld [smem:s20+$0x100]  }
0x371: {  	v10 =	vsel vm1, $0x0, v10  }
0x372: {  	v9 =	vadd.s32 v10, v9  }
0x373: {  	s20 =	ssub.s32 s20, s7;
	v10 =	vperm.xlane v9, v6  }
0x374: {  	p0 =	sgt.s32 s20, $0x0;
	s21 =	smov.u32 s20  }
0x375: {  	s21 =	simm.s32 @!p0 $0x0;
	v10 =	vsel vm2, $0x0, v10  }
0x376: {  	s21 =	smin.u32 s16, s21;
	v9 =	vadd.s32 v10, v9  }
0x377: {  	s20 =	ssub.s32 s21, s20;
	v10 =	vperm.xlane v9, v8  }
0x378: {  	v11 =	vadd.s32 s20, v7  }
0x379: {  	vm3 =	vlt.s32 v10, v11  }
0x37a: {  	v10 =	vsel vm3, $0x8, v1  }
0x37b: {  	v12 =	vor.u32 $0x3, v10  }
0x37c: {  	v12 =	vperm.xlane v9, v12;
	_ =	sdelay $0x1  }
0x37d: {  	vm3 =	vlt.s32 v12, v11  }
0x37e: {  	v12 =	vsel vm3, $0x4, v1  }
0x37f: {  	v10 =	vor.u32 v12, v10  }
0x380: {  	v12 =	vor.u32 $0x1, v10  }
0x381: {  	v12 =	vperm.xlane v9, v12;
	_ =	sdelay $0x1  }
0x382: {  	vm3 =	vlt.s32 v12, v11  }
0x383: {  	v12 =	vsel vm3, $0x2, v1  }
0x384: {  	v10 =	vor.u32 v12, v10  }
0x385: {  	v9 =	vperm.xlane v9, v10;
	_ =	sdelay $0x1  }
0x386: {  	s30 =	sand.u32 $0xFFF0, s21;
	vm3 =	vlt.s32 v9, v11  }
0x387: {  	s19 =	sadd.s32 $0x10, s19;
	s22 =	sand.u32 $0xF, s21;
	v11 =	vld [tilespmem:s30+$0x2200];
	v9 =	vsel vm3, $0x1, v1  }
0x388: {  	v63 =	vmov s22;
	v9 =	vor.u32 s19, v9  }
0x389: {  	v9 =	vor.u32 v10, v9;
	v10 =	vsub.s32 v3, v63  }
.Ltmp5:
0x38a: {  	v9 =	vperm.xlane v9, v10;
	(pc) =	sbr.rel .LBB2_8-.Ltmp5, $4  }
0x38b: {  	vm3 =	vlt.u32 v63, v7  }
0x38c: {  	s31 =	sadd.s32 $0x10, s21;
	v10 =	vsel vm3, v9, v11  }
0x38d: {  	s19 =	sand.u32 $0x1FFF0, s31;
	[tilespmem:s30+$0x2200] =	vst v10  }
0x38e: {  	[tilespmem:s19+$0x2200] =	vst v9  }
.LBB2_9:
0x38f: {  	s17 =	sand.u32 $0xFFF0, s16  }
0x390: {  	v9 =	vld [tilespmem:s17+$0x2200];
	_ =	sdelay $0x1  }
0x391: {  	s18 =	sand.u32 $0xF, s16  }
0x392: {  	v10 =	vmov s18  }
0x393: {  	vm3 =	vgt.u32 v10, v3  }
0x394: {  	s30 =	sadd.s32 $0x10, s16;
	v9 =	vnsel vm3, $0x100000, v9  }
0x395: {  	p0 =	sle.u32 s16, $0x0;
	s31 =	sand.u32 $0x1FFF0, s30;
	s18 =	simm.s32 $0x2200;
	[tilespmem:s17+$0x2200] =	vst v9  }
0x396: {  	s19 =	simm.s32 @!p0 $0xA280;
	s17 =	simm.s32 @!p0 $0x80;
	p0 =	por p0, p0;
	[tilespmem:s31+$0x2200] =	vst v0  }
0x397: {  	[tilespmem:s19], [sflag:$0x1] =	stream.indirect.gather @!p0 [hbm4b:s4+s17], $0x80, s18, s17, $0xb8;
	[tilespmem:$0x1A280] =	vst v63  }
0x398: {  	s20 =	simm.s32 @!p0 $0xE280;
	s18 =	simm.s32 @!p0 $0x2280  }
0x399: {  	[tilespmem:s20], [sflag:$0x1] =	stream.indirect.gather @!p0 [hbm4b:s4+s17], $0x80, s18, s17, $0xb8;
	[tilespmem:$0x1A280] =	vst v63  }
0x39a: {  	s18 =	simm.s32 @!p0 $0x2300;
	s20 =	simm.s32 @!p0 $0x12280  }
0x39b: {  	[tilespmem:s20], [sflag:$0x1] =	stream.indirect.gather @!p0 [hbm4b:s4+s17], $0x80, s18, s17, $0xb8;
	[tilespmem:$0x1A280] =	vst v63  }
0x39c: {  	s21 =	simm.s32 @!p0 $0x1;
	s18 =	simm.s32 @!p0 $0x2380;
	s20 =	simm.s32 @!p0 $0x16280  }
0x39d: {  	[tilespmem:s20], [sflag:$0x1] =	stream.indirect.gather @!p0 [hbm4b:s4+s17], $0x80, s18, s17, $0xb8;
	[tilespmem:$0x1A280] =	vst v63  }
0x39e: {  	_ =	swait.ge @!p0 [sflag:s21], $0x4000  }
0x39f: {  	[sflag:s21] =	ssyncset.done @!p0 $0x0  }
0x3a0: {  	[sflag:s21] =	ssyncadd.s32 @!p0 $0xFFFFC000  }
0x3a1: {  	_ =	swait.ge @!p0 [sflag:s21], $0x4000  }
0x3a2: {  	[sflag:s21] =	ssyncset.done @!p0 $0x0  }
0x3a3: {  	[sflag:s21] =	ssyncadd.s32 @!p0 $0xFFFFC000  }
0x3a4: {  	_ =	swait.ge @!p0 [sflag:s21], $0x4000  }
0x3a5: {  	[sflag:s21] =	ssyncset.done @!p0 $0x0  }
0x3a6: {  	[sflag:s21] =	ssyncadd.s32 @!p0 $0xFFFFC000  }
0x3a7: {  	_ =	swait.ge @!p0 [sflag:s21], $0x4000  }
0x3a8: {  	[sflag:s21] =	ssyncset.done @!p0 $0x0  }
0x3a9: {  	s17 =	simm.s32 @!p0 $0x0;
	s20 =	simm.s32 @!p0 $0x2;
	[sflag:s21] =	ssyncadd.s32 @!p0 $0xFFFFC000  }
0x3aa: {  	[hbm4b:s11+s17] =	stream.linear.scatter @!p0 [tilespmem:s19], [sflag:$0x2], $0x10000, $0x38;
	[tilespmem:$0x1A280] =	vst v63  }
0x3ab: {  	p2 =	sle.u32 s16, $0x200;
	s18 =	simm.s32 $0x2400;
	_ =	swait.ge @!p0 [sflag:s20], $0x10000  }
0x3ac: {  	s19 =	simm.s32 $0x400;
	s17 =	sadd.s32 $0x2000, s11;
	[sflag:s20] =	ssyncset.done @!p0 $0x0  }
.LBB2_10:
0x3ad: {  	s21 =	simm.s32 @!p2 $0x80;
	s22 =	simm.s32 @!p2 $0xA280  }
0x3ae: {  	[sflag:s20] =	ssyncadd.s32 @!p0 $0xFFFF0000;
	s23 =	smov.u32 s19;
	p0 =	por p2, p2  }
0x3af: {  	[tilespmem:s22], [sflag:$0x1] =	stream.indirect.gather @!p0 [hbm4b:s4+s21], $0x80, s18, s21, $0xb8;
	[tilespmem:$0x1A280] =	vst v63  }
0x3b0: {  	s19 =	sadd.s32 $0x200, s19;
	s20 =	sadd.s32 @!p0 $0x80, s18;
	s24 =	simm.s32 @!p0 $0xE280  }
0x3b1: {  	[tilespmem:s24], [sflag:$0x1] =	stream.indirect.gather @!p0 [hbm4b:s4+s21], $0x80, s20, s21, $0xb8;
	[tilespmem:$0x1A280] =	vst v63  }
0x3b2: {  	p1 =	sne.s32 s19, $0x8000;
	s20 =	sadd.s32 @!p0 $0x100, s18;
	s24 =	simm.s32 @!p0 $0x12280  }
0x3b3: {  	[tilespmem:s24], [sflag:$0x1] =	stream.indirect.gather @!p0 [hbm4b:s4+s21], $0x80, s20, s21, $0xb8;
	[tilespmem:$0x1A280] =	vst v63  }
0x3b4: {  	s25 =	simm.s32 @!p0 $0x1;
	s20 =	sadd.s32 @!p0 $0x180, s18;
	s24 =	simm.s32 @!p0 $0x16280  }
0x3b5: {  	[tilespmem:s24], [sflag:$0x1] =	stream.indirect.gather @!p0 [hbm4b:s4+s21], $0x80, s20, s21, $0xb8;
	[tilespmem:$0x1A280] =	vst v63  }
0x3b6: {  	_ =	swait.ge @!p0 [sflag:s25], $0x4000  }
0x3b7: {  	[sflag:s25] =	ssyncset.done @!p0 $0x0  }
0x3b8: {  	[sflag:s25] =	ssyncadd.s32 @!p0 $0xFFFFC000  }
0x3b9: {  	_ =	swait.ge @!p0 [sflag:s25], $0x4000  }
0x3ba: {  	[sflag:s25] =	ssyncset.done @!p0 $0x0  }
0x3bb: {  	[sflag:s25] =	ssyncadd.s32 @!p0 $0xFFFFC000  }
0x3bc: {  	_ =	swait.ge @!p0 [sflag:s25], $0x4000  }
0x3bd: {  	[sflag:s25] =	ssyncset.done @!p0 $0x0  }
0x3be: {  	[sflag:s25] =	ssyncadd.s32 @!p0 $0xFFFFC000  }
0x3bf: {  	_ =	swait.ge @!p0 [sflag:s25], $0x4000  }
.Ltmp6:
0x3c0: {  	[sflag:s25] =	ssyncset.done @!p0 $0x0;
	(pc) =	sbr.rel @p1 .LBB2_10-.Ltmp6, $4  }
0x3c1: {  	s21 =	simm.s32 @!p0 $0x0;
	s20 =	simm.s32 @!p0 $0x2;
	[sflag:s25] =	ssyncadd.s32 @!p0 $0xFFFFC000  }
0x3c2: {  	[hbm4b:s17+s21] =	stream.linear.scatter @!p0 [tilespmem:s22], [sflag:$0x2], $0x10000, $0x38;
	[tilespmem:$0x1A280] =	vst v63  }
0x3c3: {  	s17 =	sadd.s32 $0x2000, s17;
	_ =	swait.ge @!p0 [sflag:s20], $0x10000  }
0x3c4: {  	p2 =	sge.u32 s23, s16;
	s18 =	sadd.s32 $0x200, s18;
	[sflag:s20] =	ssyncset.done @!p0 $0x0  }
0x3c5: {  	s19 =	simm.s32 @!p2 $0x80  }
0x3c6: {  	s21 =	simm.s32 @!p2 $0xA280;
	[sflag:s20] =	ssyncadd.s32 @!p0 $0xFFFF0000;
	p0 =	por p2, p2  }
0x3c7: {  	[tilespmem:s21], [sflag:$0x1] =	stream.indirect.gather @!p0 [hbm4b:s4+s19], $0x80, s18, s19, $0xb8;
	[tilespmem:$0x1A280] =	vst v63  }
0x3c8: {  	s20 =	sadd.s32 @!p0 $0x80, s18;
	s22 =	simm.s32 @!p0 $0xE280  }
0x3c9: {  	[tilespmem:s22], [sflag:$0x1] =	stream.indirect.gather @!p0 [hbm4b:s4+s19], $0x80, s20, s19, $0xb8;
	[tilespmem:$0x1A280] =	vst v63  }
0x3ca: {  	s20 =	sadd.s32 @!p0 $0x100, s18;
	s22 =	simm.s32 @!p0 $0x12280  }
0x3cb: {  	[tilespmem:s22], [sflag:$0x1] =	stream.indirect.gather @!p0 [hbm4b:s4+s19], $0x80, s20, s19, $0xb8;
	[tilespmem:$0x1A280] =	vst v63  }
0x3cc: {  	s18 =	sadd.s32 @!p0 $0x180, s18;
	s20 =	simm.s32 @!p0 $0x16280;
	s22 =	simm.s32 @!p0 $0x1  }
0x3cd: {  	[tilespmem:s20], [sflag:$0x1] =	stream.indirect.gather @!p0 [hbm4b:s4+s19], $0x80, s18, s19, $0xb8;
	[tilespmem:$0x1A280] =	vst v63  }
0x3ce: {  	_ =	swait.ge @!p0 [sflag:s22], $0x4000  }
0x3cf: {  	[sflag:s22] =	ssyncset.done @!p0 $0x0  }
0x3d0: {  	[sflag:s22] =	ssyncadd.s32 @!p0 $0xFFFFC000  }
0x3d1: {  	_ =	swait.ge @!p0 [sflag:s22], $0x4000  }
0x3d2: {  	[sflag:s22] =	ssyncset.done @!p0 $0x0  }
0x3d3: {  	[sflag:s22] =	ssyncadd.s32 @!p0 $0xFFFFC000  }
0x3d4: {  	_ =	swait.ge @!p0 [sflag:s22], $0x4000  }
0x3d5: {  	[sflag:s22] =	ssyncset.done @!p0 $0x0  }
0x3d6: {  	[sflag:s22] =	ssyncadd.s32 @!p0 $0xFFFFC000  }
0x3d7: {  	_ =	swait.ge @!p0 [sflag:s22], $0x4000  }
0x3d8: {  	[sflag:s22] =	ssyncset.done @!p0 $0x0  }
0x3d9: {  	s18 =	simm.s32 @!p0 $0x0;
	s19 =	simm.s32 @!p0 $0x2;
	[sflag:s22] =	ssyncadd.s32 @!p0 $0xFFFFC000  }
0x3da: {  	[hbm4b:s17+s18] =	stream.linear.scatter @!p0 [tilespmem:s21], [sflag:$0x2], $0x10000, $0x38;
	[tilespmem:$0x1A280] =	vst v63  }
0x3db: {  	_ =	swait.ge @!p0 [sflag:s19], $0x10000  }
0x3dc: {  	[sflag:s19] =	ssyncset.done @!p0 $0x0  }
0x3dd: {  	s31 =	simm.s32 $0x0;
	[sflag:s19] =	ssyncadd.s32 @!p0 $0xFFFF0000  }
0x3de: {  	[tilespmem:s14], [sflag:$0x2] =	stream.linear.gather [hbm4b:s9+s31], $0x10000, $0x38;
	[tilespmem:$0x1A280] =	vst v63  }
0x3df: {  	p0 =	sgt.u32 s16, $0x0;
	_ =	swait.ge [sflag:s12], $0x10000  }
0x3e0: {  	s17 =	simm.s32 @!p0 $0x0;
	[sflag:s12] =	ssyncset.done $0x0  }
0x3e1: {  	s18 =	simm.s32 @!p0 $0xA280;
	s19 =	simm.s32 @!p0 $0x2;
	[sflag:s12] =	ssyncadd.s32 $0xFFFF0000  }
0x3e2: {  	[hbm4b:s11+s17] =	stream.linear.scatter @!p0 [tilespmem:s18], [sflag:$0x2], $0x10000, $0x38;
	[tilespmem:$0x1A280] =	vst v63  }
0x3e3: {  	_ =	swait.ge @!p0 [sflag:s19], $0x10000  }
0x3e4: {  	s17 =	simm.s32 $0x200;
	s18 =	smov.u32 s11;
	[sflag:s19] =	ssyncset.done @!p0 $0x0  }
.LBB2_12:
0x3e5: {  	[sflag:s19] =	ssyncadd.s32 @!p0 $0xFFFF0000;
	s19 =	smov.u32 s17;
	s17 =	sadd.s32 $0x200, s17  }
0x3e6: {  	s18 =	sadd.s32 $0x2000, s18;
	p1 =	sne.s32 s17, $0x8000  }
.Ltmp7:
0x3e7: {  	p0 =	slt.u32 s19, s16;
	(pc) =	sbr.rel @p1 .LBB2_12-.Ltmp7, $4  }
0x3e8: {  	s20 =	simm.s32 @!p0 $0x0;
	s21 =	simm.s32 @!p0 $0xA280;
	s19 =	simm.s32 @!p0 $0x2  }
0x3e9: {  	[hbm4b:s18+s20] =	stream.linear.scatter @!p0 [tilespmem:s21], [sflag:$0x2], $0x10000, $0x38;
	[tilespmem:$0x1A280] =	vst v63  }
0x3ea: {  	_ =	swait.ge @!p0 [sflag:s19], $0x10000  }
0x3eb: {  	[sflag:s19] =	ssyncset.done @!p0 $0x0  }
0x3ec: {  	s15 =	sadd.s32 $0x1, s15  }
0x3ed: {  	p1 =	sne.s32 s15, s10  }
.Ltmp8:
0x3ee: {  	_ = 	snop;
	(pc) =	sbr.rel @p1 .LBB2_1-.Ltmp8, $2  }
0x3ef: {  	_ =	sdelay $0x2  }
0x3f0: {  	[sflag:s19] =	ssyncadd.s32 @!p0 $0xFFFF0000  }
0x3f1: {  	_ =	sfence.sel $0x180000  }
0x3f2: {  	[bflag:$0x0] =	sbarrier.arrive $0xFFFF  }
0x3f3: {  	p0 =	sne.s32 s3, $0x0;
	_ =	strace $0x90000047  }
0x3f4: {  	s0 =	sadd.s32 @!p0 $0x100000, s0;
	[bflag:$0x2] =	sbarrier.arrive $0xFFFF  }
0x3f5: {  	[sflag:s0] =	ssyncadd.tile.s32 @!p0 $0x1;
	_ =	shalt  }
.Lfunc_end2:
_tile_overlayer_lowered:
.L_overlay_start_2:
0x3f6: {  	(tag) =	ssettag $0x2  }
0x3f7: {  	s0 =	rddreg [dreg:$0x0];
	s2 =	stileid.u32  }
0x3f8: {  	s1 =	rddreg [dreg:$0x1];
	p0 =	sne.s32 s2, $0x0  }
0x3f9: {  	s3 =	rddreg [dreg:$0x2];
	[bflag:$0x3] =	sbarrier.arrive $0xFFFF;
	s2 =	simm.s32 @!p0 $0x1C02  }
0x3fa: {  	[timem:s3], [sflag:s2] =	dma.local @!p0 [hbm:s0], s1  }
0x3fb: {  	s0 =	simm.s32 @!p0 $0x2  }
0x3fc: {  	_ =	swait.ge @!p0 [sflag:s0], s1  }
0x3fd: {  	s1 =	ssub.s32 @!p0 $0x0, s1;
	[sflag:s0] =	ssyncset.done @!p0 $0x0  }
0x3fe: {  	[sflag:s0] =	ssyncadd.s32 @!p0 s1  }
0x3ff: {  	[bflag:$0x3] =	sbarrier.arrive $0xFFFF  }
0x400: {  	_ =	shalt  }

// kernel: sparse-core-data-format-call.cloned.1.call-start
scs
called_computation_lowered:
.L_overlay_start_0:
0x0: {  	s2 =	sld [smem:$0x3FD9]  }
0x1: {  	s3 =	sld [smem:$0x3FFE];
	_ =	sdelay $0x1  }
0x2: {  	s1 =	srdreg.scid  }
0x3: {  	s0 =	sand.u32 $0x1, s1  }
0x4: {  	s18 =	sshll.u32 s0, $0xA;
	s2 =	sadd.s32 s3, s2  }
0x5: {  	s2 =	sadd.s32 s2, s18  }
0x6: {  	[smem:$0x3FC6] =	sst s2  }
0x7: {  	_ = 	snop  }
0x8: {  	s2 =	sld [smem:$0x3FD0];
	(tm) =	ssettm $0x1  }
0x9: {  	s19 =	sld [smem:$0x3FFB];
	_ =	sdelay $0x3  }
0xa: {  	_ =	strace s19  }
0xb: {  	s3 =	sld [smem:$0x3FFC];
	_ =	sdelay $0x3  }
0xc: {  	_ =	strace s3  }
0xd: {  	s3 =	sld [smem:$0x3FFD];
	_ =	sdelay $0x3  }
0xe: {  	_ =	strace s3  }
0xf: {  	_ =	strace $0x8FFFFFFF  }
0x10: {  	s20 =	sld [smem:$0x3FDB];
	_ =	sdelay $0x1  }
0x11: {  	s4 =	simm.s32 $_scs_section_size  }
0x12: {  	s5 =	simm.s32 $_size__tile_overlayer_lowered;
	s6 =	simm.s32 $_tile_overlayer_lowered  }
0x13: {  	s23 =	simm.s32 $0x1BFF;
	s22 =	sshll.u32 s6, $0x1;
	s3 =	sadd.s32 s4, s20  }
0x14: {  	s7 =	simm.s32 $0x0;
	s21 =	sshll.u32 s5, $0x1;
	s5 =	sadd.s32 s22, s3  }
0x15: {  	[timem:s7], [sflag:s23] =	dma.local [hbm:s5], s21  }
0x16: {  	_ =	swait.ge [sflag:s23], s21  }
0x17: {  	s4 =	ssub.s32 $0x0, s21;
	[sflag:s23] =	ssyncset.done $0x0  }
0x18: {  	[sflag:s23] =	ssyncadd.s32 s4;
	_ =	sdelay $0x1  }
0x19: {  	s24 =	simm.s32 $0x1B8B  }
0x1a: {  	_ =	swait.ge [sflag:s24], $0x1  }
0x1b: {  	[sflag:s24] =	ssyncset.done $0x0  }
0x1c: {  	s26 =	simm.s32 $0x1B8E;
	s25 =	sld [smem:$0x3FFE];
	[sflag:s24] =	ssyncadd.s32 $0xFFFFFFFF  }
0x1d: {  	s27 =	simm.s32 $execute0_lowered;
	[smem:$0x3FD2] =	sst s26  }
0x1e: {  	s5 =	sshll.u32 s27, $0x1;
	_ =	strace $0x80000049;
	[dreg:$0x1] =	wrdreg $0xFFFFFFFF  }
0x1f: {  	s28 =	simm.s32 $_size_execute0_lowered;
	s3 =	sadd.s32 s3, s5;
	[dreg:$0x0] =	wrdreg $0x0  }
0x20: {  	s5 =	sshll.u32 s28, $0x1;
	[dreg:$0x2] =	wrdreg s3  }
0x21: {  	[dreg:$0x3] =	wrdreg s5  }
0x22: {  	[dreg:$0x4] =	wrdreg $0xC0  }
0x23: {  	_ =	task [dreg:s7], $0x5FFFF  }
0x24: {  	[dreg:$0x1] =	wrdreg $0xFFFFFFFF  }
0x25: {  	[dreg:$0x0] =	wrdreg $0x60  }
0x26: {  	[dreg:$0x2] =	wrdreg s25  }
0x27: {  	[dreg:$0x3] =	wrdreg s2  }
0x28: {  	[dreg:$0x4] =	wrdreg $0x9  }
0x29: {  	_ =	task.clear_ibuf [dreg:s7], $0x5FFFF;
	_ =	strace $0x90000049  }
0x2a: {  	s29 =	simm.s32 $0x9;
	_ =	strace $0x8000004B  }
0x2b: {  	_ =	swait.ge [sflag:s29], $0x1  }
0x2c: {  	[sflag:s29] =	ssyncadd.s32 $0xFFFFFFFF  }
0x2d: {  	_ =	strace $0x9000004B  }
0x2e: {  	_ =	sfence  }
0x2f: {  	s30 =	sld [smem:$0x0];
	_ =	sdelay $0x2  }
0x30: {  	s31 =	sshll.u32 s1, $0xD;
	s1 =	sshrl.u32 s1, $0x2  }
0x31: {  	s3 =	sand.u32 $0x4000, s31;
	s1 =	sadd.s32 s1, s30  }
0x32: {  	s0 =	sor.u32 s3, s0;
	s1 =	sshll.u32 s1, $0x11  }
0x33: {  	s0 =	sor.u32 s1, s0  }
0x34: {  	s0 =	sadd.s32 $0x8F2B, s0  }
0x35: {  	[sflag:s0] =	ssyncadd.remote.s32 $0x1  }
0x36: {  	_ =	sfence.sel $0xFFFF  }
0x37: {  	[dreg:$0x0] =	wrdreg $0xFFFFFFFF;
	(pc) =	sbr.abs _section_cstart, $3  }
0x38: {  	[dreg:$0x1] =	wrdreg $0xFFFFFFFF  }
0x39: {  	_ =	task.clear_ibuf [dreg:s7], $0x2FFFF;
	_ =	strace $0x9FFFFFFF  }
0x3a: {  	(tm) =	ssettm $0x7FFFFFFF  }
0x3b: {  	_ =	shalt  }
tec
execute0_lowered:
.L_overlay_start_1:
0x0: {  	(tag) =	ssettag $0x1  }
0x1: {  	s0 =	srdreg.scid  }
0x2: {  	s1 =	sshll.u32 s0, $0x4  }
0x3: {  	s0 =	stileid.u32;
	s1 =	sand.u32 $0x10, s1  }
0x4: {  	s1 =	sor.u32 s0, s1  }
0x5: {  	s6 =	rddreg [dreg:$0x0];
	s2 =	sshll.u32 s1, $0x7  }
0x6: {  	s3 =	rddreg [dreg:$0x1];
	s5 =	simm.s32 $0x1;
	s4 =	ssub.s32 $0x100000, s2  }
0x7: {  	s31 =	simm.s32 $0x2;
	s12 =	simm.s32 $0x0;
	s30 =	sand.u32 $0xF80, s4  }
0x8: {  	s11 =	simm.s32 $0x0;
	s8 =	simm.s32 $0x0;
	p0 =	sne.s32 s30, $0x0  }
.Ltmp0:
0x9: {  	s7 =	sshrl.u32 s4, $0xC;
	s5 =	simm.s32 @!p0 $0x0;
	(pc) =	sbr.rel .LBB1_1-.Ltmp0, $4  }
0xa: {  	s10 =	simm.s32 $0x0;
	s1 =	rddreg [dreg:$0x2];
	s5 =	sadd.s32 s5, s7  }
0xb: {  	_ =	strace $0x8000004A;
	s4 =	simm.s32 $0x1;
	s5 =	smul.u32 $0x3, s5  }
0xc: {  	s6 =	sadd.s32 $0x1022A00, s6;
	s9 =	smov.u32 s2;
	[sflag:s4] =	ssyncpa.u1 $0x0  }
0xd: {  	[sflag:s31] =	ssyncpa.u1 $0x0;
	p0 =	por $0x0, $0x0;
	s7 =	sadd.s32 $0x1, s5  }
.LBB1_4:
0xe: {  	[tilespmem:s22+$0xFFFFFFFA ss:$0x81] =	vst.msk $0xff, v4  }
0xf: {  	v4 =	vld.msk [tilespmem:s24+$0xFFFFFFF0], $0xff;
	_ =	sdelay $0x3  }
0x10: {  	[tilespmem:s19+$0xFFFFFFFB ss:$0x81] =	vst.msk $0xff, v3  }
0x11: {  	v3 =	vld.msk [tilespmem:s21+$0xFFFFFFF8], $0xff;
	[tilespmem:s22+$0xFFFFFFFB ss:$0x81] =	vst.msk $0xff, v4  }
0x12: {  	v4 =	vld.msk [tilespmem:s24+$0xFFFFFFF8], $0xff;
	_ =	sdelay $0x3  }
0x13: {  	v5 =	vld.msk [tilespmem:s20+$0x0], $0xff;
	[tilespmem:s19+$0xFFFFFFFC ss:$0x81] =	vst.msk $0xff, v3  }
0x14: {  	v3 =	vld.msk [tilespmem:s21+$0x0], $0xff;
	[tilespmem:s22+$0xFFFFFFFC ss:$0x81] =	vst.msk $0xff, v4  }
0x15: {  	v4 =	vld.msk [tilespmem:s24+$0x0], $0xff;
	_ =	sdelay $0x2  }
0x16: {  	[tilespmem:s17+$0xFFFFFFFD ss:$0x81] =	vst.msk $0xff, v5  }
0x17: {  	v5 =	vld.msk [tilespmem:s20+$0x8], $0xff;
	[tilespmem:s19+$0xFFFFFFFD ss:$0x81] =	vst.msk $0xff, v3  }
0x18: {  	v3 =	vld.msk [tilespmem:s21+$0x8], $0xff;
	[tilespmem:s22+$0xFFFFFFFD ss:$0x81] =	vst.msk $0xff, v4  }
0x19: {  	v4 =	vld.msk [tilespmem:s24+$0x8], $0xff;
	_ =	sdelay $0x1  }
0x1a: {  	[tilespmem:s15+$0xFFFFFFFE ss:$0x81] =	vst.msk $0xff, v2  }
0x1b: {  	v2 =	vld.msk [tilespmem:s18+$0x10], $0xff;
	[tilespmem:s17+$0xFFFFFFFE ss:$0x81] =	vst.msk $0xff, v5  }
0x1c: {  	v5 =	vld.msk [tilespmem:s20+$0x10], $0xff;
	[tilespmem:s19+$0xFFFFFFFE ss:$0x81] =	vst.msk $0xff, v3  }
0x1d: {  	v3 =	vld.msk [tilespmem:s21+$0x10], $0xff;
	[tilespmem:s22+$0xFFFFFFFE ss:$0x81] =	vst.msk $0xff, v4  }
0x1e: {  	s25 =	sshll.u32 s12, $0x14;
	s26 =	sshll.u32 s11, $0x3;
	v4 =	vld.msk [tilespmem:s24+$0x10], $0xff  }
0x1f: {  	[tilespmem:s14+$0xFFFFFFFF ss:$0x81] =	vst.msk $0xff, v1;
	s25 =	sand.u32 $0xFF800000, s25;
	s27 =	sand.u32 $0xFFFFFC00, s26  }
0x20: {  	v1 =	vld.msk [tilespmem:s16+$0x18], $0xff;
	s31 =	sadd.s32 s27, s25;
	[tilespmem:s15+$0xFFFFFFFF ss:$0x81] =	vst.msk $0xff, v2  }
0x21: {  	s16 =	sshrl.u32 s31, $0x14;
	v2 =	vld.msk [tilespmem:s18+$0x18], $0xff;
	[tilespmem:s17+$0xFFFFFFFF ss:$0x81] =	vst.msk $0xff, v5  }
0x22: {  	v61 =	vld.msk [tilespmem:s20+$0x18], $0xff;
	s20 =	smul.u32 $0xAAB, s16;
	[tilespmem:s19+$0xFFFFFFFF ss:$0x81] =	vst.msk $0xff, v3  }
0x23: {  	s28 =	sand.u32 $0xFFC00, s26;
	v62 =	vld.msk [tilespmem:s21+$0x18], $0xff;
	[tilespmem:s22+$0xFFFFFFFF ss:$0x81] =	vst.msk $0xff, v4  }
0x24: {  	[tilespmem:s13+$0x0 ss:$0x81] =	vst.msk $0xff, v0;
	s25 =	sand.u32 $0x78, s11;
	s27 =	sshll.u32 s12, $0x7;
	s18 =	sshrl.u32 s20, $0x10;
	v63 =	vld.msk [tilespmem:s24+$0x18], $0xff  }
0x25: {  	s12 =	sand.u32 $0x380, s27;
	s13 =	sor.u32 s25, s28;
	[tilespmem:s14+$0x0 ss:$0x81] =	vst.msk $0xff, v1;
	s29 =	smul.u32 $0x18, s18  }
0x26: {  	s12 =	sor.u32 s12, s13;
	[tilespmem:s15+$0x0 ss:$0x81] =	vst.msk $0xff, v2  }
0x27: {  	s12 =	sshrl.u32 s12, $0x3;
	[tilespmem:s17+$0x0 ss:$0x81] =	vst.msk $0xff, v61;
	s30 =	ssub.s32 s16, s29  }
0x28: {  	s12 =	sadd.s32 s3, s12;
	s13 =	sshll.u32 s30, $0x11;
	[tilespmem:s19+$0x0 ss:$0x81] =	vst.msk $0xff, v62  }
0x29: {  	s31 =	sand.u32 $0x7, s11;
	s12 =	sadd.s32 s13, s12;
	[tilespmem:s22+$0x0 ss:$0x81] =	vst.msk $0xff, v63  }
0x2a: {  	[hbm4b:s12+s31] =	stream.linear.scatter [tilespmem:s23], [sflag:$0x2], $0x400, $0x20;
	[tilespmem:$0x1010] =	vst v63  }
.LBB1_5:
0x2b: {  	s13 =	sadd.s32 $0x8, s8  }
0x2c: {  	s11 =	sadd.s32 $0x1000, s9;
	s15 =	smov.u32 s9;
	p2 =	sgt.s32 s13, $0x12  }
0x2d: {  	s15 =	smov.u32 @p2 s11  }
0x2e: {  	s13 =	simm.s32 @p2 $0x0;
	p2 =	sgt.s32 s15, $0xFFFFF  }
0x2f: {  	s15 =	smov.u32 @p2 s2;
	p2 =	sne.s32 s10, s7  }
.Ltmp1:
0x30: {  	p1 =	slt.u32 s10, $0x2;
	(pc) =	sbr.rel @!p2 .LBB1_6-.Ltmp1, $4  }
0x31: {  	s14 =	simm.s32 @!p1 $0x2  }
0x32: {  	s12 =	smov.u32 s8;
	p0 =	por !p0, !p0;
	_ =	swait.ge @!p1 [sflag:s14], $0x400  }
0x33: {  	s11 =	smov.u32 s9;
	[sflag:s14] =	ssyncset.done @!p1 $0x0;
	s8 =	smov.u32 s13  }
0x34: {  	s10 =	sadd.s32 $0x1, s10;
	[sflag:s14] =	ssyncadd.s32 @!p1 $0xFFFFFC00;
	s9 =	smov.u32 s15  }
.LBB1_1:
0x35: {  	p1 =	sge.u32 s10, s5  }
0x36: {  	s31 =	sadd.s32 $0xFFFFFFFF, s10;
	s13 =	sshll.u32 @!p1 s9, $0x7;
	s14 =	sshll.u32 @!p1 s8, $0x3  }
0x37: {  	s15 =	sxor.u32 @!p1 $0xFFFFFFFF, s10;
	s16 =	sand.u32 @!p1 $0x7FFFC00, s13;
	s14 =	sand.u32 @!p1 $0x7FFFC00, s14  }
0x38: {  	s15 =	sshll.u32 @!p1 s15, $0xA;
	s13 =	sand.u32 @!p1 $0x380, s13;
	s14 =	sadd.s32 @!p1 s16, s14  }
0x39: {  	s15 =	sand.u32 @!p1 $0x400, s15;
	s13 =	sor.u32 @!p1 s13, s14;
	s14 =	sshrl.u32 @!p1 s8, $0x3  }
0x3a: {  	s16 =	sand.u32 @!p1 $0x7, s8;
	s13 =	sshrl.u32 @!p1 s13, $0x3;
	s14 =	sand.u32 @!p1 $0xF, s14  }
0x3b: {  	s16 =	sshll.u32 @!p1 s16, $0x12;
	s13 =	sand.u32 @!p1 $0xFFFFF0, s13;
	s14 =	sadd.s32 @!p1 s6, s14  }
0x3c: {  	s13 =	sadd.s32 @!p1 s13, s14;
	s14 =	sor.u32 @!p1 $0x8, s16;
	s16 =	simm.s32 @!p1 $0x80  }
0x3d: {  	[tilespmem:s15], [sflag:$0x1] =	stream.strided.gather @!p1 [hbm4b:s13+s14], $0x400, s16, s14, $0x38;
	[tilespmem:$0x1010] =	vst v63  }
0x3e: {  	p1 =	sge.u32 s31, s5  }
.Ltmp2:
0x3f: {  	_ = 	snop;
	(pc) =	sbr.rel @p1 .LBB1_5-.Ltmp2, $1  }
0x40: {  	_ =	sdelay $0x3  }
0x41: {  	s13 =	simm.s32 $0x1  }
0x42: {  	_ =	swait.ge [sflag:s4], $0x400;
	s13 =	simm.s32 @!p0 $0x0  }
0x43: {  	[sflag:s4] =	ssyncset.done $0x0;
	s14 =	sshll.u32 s13, $0xA  }
0x44: {  	[sflag:s4] =	ssyncadd.s32 $0xFFFFFC00;
	s22 =	sor.u32 $0x20, s14  }
0x45: {  	v0 =	vld.msk [tilespmem:s22+$0xFFFFFFE0], $0xff  }
0x46: {  	s13 =	smul.u32 $0x1020, s13;
	_ =	sdelay $0x1  }
0x47: {  	s13 =	sshrl.u32 s13, $0x2  }
0x48: {  	s13 =	sor.u32 $0x807, s13  }
0x49: {  	[tilespmem:s13+$0xFFFFFFF9 ss:$0x81] =	vst.msk $0xff, v0  }
0x4a: {  	v0 =	vld.msk [tilespmem:s22+$0xFFFFFFE8], $0xff  }
0x4b: {  	s16 =	sadd.s32 $0x40, s22  }
0x4c: {  	v1 =	vld.msk [tilespmem:s16+$0xFFFFFFE0], $0xff;
	_ =	sdelay $0x2  }
0x4d: {  	[tilespmem:s13+$0xFFFFFFFA ss:$0x81] =	vst.msk $0xff, v0  }
0x4e: {  	s14 =	sadd.s32 $0x8, s13;
	v0 =	vld.msk [tilespmem:s22+$0xFFFFFFF0], $0xff  }
0x4f: {  	[tilespmem:s14+$0xFFFFFFF9 ss:$0x81] =	vst.msk $0xff, v1  }
0x50: {  	v1 =	vld.msk [tilespmem:s16+$0xFFFFFFE8], $0xff  }
0x51: {  	s18 =	sadd.s32 $0x40, s16  }
0x52: {  	v2 =	vld.msk [tilespmem:s18+$0xFFFFFFE0], $0xff  }
0x53: {  	[tilespmem:s13+$0xFFFFFFFB ss:$0x81] =	vst.msk $0xff, v0  }
0x54: {  	v0 =	vld.msk [tilespmem:s22+$0xFFFFFFF8], $0xff  }
0x55: {  	[tilespmem:s14+$0xFFFFFFFA ss:$0x81] =	vst.msk $0xff, v1  }
0x56: {  	s15 =	sadd.s32 $0x8, s14;
	v1 =	vld.msk [tilespmem:s16+$0xFFFFFFF0], $0xff  }
0x57: {  	[tilespmem:s15+$0xFFFFFFF9 ss:$0x81] =	vst.msk $0xff, v2  }
0x58: {  	s20 =	sadd.s32 $0x40, s18;
	v2 =	vld.msk [tilespmem:s18+$0xFFFFFFE8], $0xff  }
0x59: {  	[tilespmem:s13+$0xFFFFFFFC ss:$0x81] =	vst.msk $0xff, v0;
	v0 =	vld.msk [tilespmem:s20+$0xFFFFFFE0], $0xff  }
0x5a: {  	v3 =	vld.msk [tilespmem:s22+$0x0], $0xff  }
0x5b: {  	[tilespmem:s14+$0xFFFFFFFB ss:$0x81] =	vst.msk $0xff, v1  }
0x5c: {  	v1 =	vld.msk [tilespmem:s16+$0xFFFFFFF8], $0xff  }
0x5d: {  	s17 =	sadd.s32 $0x8, s15;
	[tilespmem:s15+$0xFFFFFFFA ss:$0x81] =	vst.msk $0xff, v2  }
0x5e: {  	v2 =	vld.msk [tilespmem:s18+$0xFFFFFFF0], $0xff;
	[tilespmem:s17+$0xFFFFFFF9 ss:$0x81] =	vst.msk $0xff, v0  }
0x5f: {  	v0 =	vld.msk [tilespmem:s20+$0xFFFFFFE8], $0xff;
	[tilespmem:s13+$0xFFFFFFFD ss:$0x81] =	vst.msk $0xff, v3  }
0x60: {  	s21 =	sadd.s32 $0x40, s20;
	v3 =	vld.msk [tilespmem:s22+$0x8], $0xff  }
0x61: {  	[tilespmem:s14+$0xFFFFFFFC ss:$0x81] =	vst.msk $0xff, v1;
	v1 =	vld.msk [tilespmem:s21+$0xFFFFFFE0], $0xff  }
0x62: {  	v4 =	vld.msk [tilespmem:s16+$0x0], $0xff  }
0x63: {  	[tilespmem:s15+$0xFFFFFFFB ss:$0x81] =	vst.msk $0xff, v2  }
0x64: {  	v2 =	vld.msk [tilespmem:s18+$0xFFFFFFF8], $0xff;
	[tilespmem:s17+$0xFFFFFFFA ss:$0x81] =	vst.msk $0xff, v0  }
0x65: {  	s19 =	sadd.s32 $0x8, s17;
	v0 =	vld.msk [tilespmem:s20+$0xFFFFFFF0], $0xff;
	[tilespmem:s13+$0xFFFFFFFE ss:$0x81] =	vst.msk $0xff, v3  }
0x66: {  	[tilespmem:s19+$0xFFFFFFF9 ss:$0x81] =	vst.msk $0xff, v1;
	v1 =	vld.msk [tilespmem:s22+$0x10], $0xff  }
0x67: {  	[tilespmem:s14+$0xFFFFFFFD ss:$0x81] =	vst.msk $0xff, v4;
	v3 =	vld.msk [tilespmem:s21+$0xFFFFFFE8], $0xff  }
0x68: {  	s24 =	sadd.s32 $0x40, s21;
	v4 =	vld.msk [tilespmem:s16+$0x8], $0xff  }
0x69: {  	[tilespmem:s15+$0xFFFFFFFC ss:$0x81] =	vst.msk $0xff, v2;
	v2 =	vld.msk [tilespmem:s24+$0xFFFFFFE0], $0xff  }
0x6a: {  	v5 =	vld.msk [tilespmem:s18+$0x0], $0xff;
	[tilespmem:s17+$0xFFFFFFFB ss:$0x81] =	vst.msk $0xff, v0  }
0x6b: {  	v6 =	vld.msk [tilespmem:s20+$0xFFFFFFF8], $0xff;
	[tilespmem:s13+$0xFFFFFFFF ss:$0x81] =	vst.msk $0xff, v1  }
0x6c: {  	s23 =	sand.u32 $0x1, s10;
	[tilespmem:s19+$0xFFFFFFFA ss:$0x81] =	vst.msk $0xff, v3;
	v0 =	vld.msk [tilespmem:s22+$0x18], $0xff  }
0x6d: {  	s23 =	smul.u32 $0x1020, s23;
	[tilespmem:s14+$0xFFFFFFFE ss:$0x81] =	vst.msk $0xff, v4;
	v3 =	vld.msk [tilespmem:s21+$0xFFFFFFF0], $0xff;
	s22 =	sadd.s32 $0x8, s19  }
0x6e: {  	v1 =	vld.msk [tilespmem:s16+$0x10], $0xff;
	[tilespmem:s22+$0xFFFFFFF9 ss:$0x81] =	vst.msk $0xff, v2  }
0x6f: {  	s23 =	sshrl.u32 s23, $0x2;
	[tilespmem:s15+$0xFFFFFFFD ss:$0x81] =	vst.msk $0xff, v5;
	v4 =	vld.msk [tilespmem:s24+$0xFFFFFFE8], $0xff  }
0x70: {  	s25 =	simm.s32 $0x28;
	s23 =	sor.u32 $0x800, s23;
	s26 =	sadd.s32 $0x40, s24;
	v2 =	vld.msk [tilespmem:s18+$0x8], $0xff;
	[tilespmem:s17+$0xFFFFFFFC ss:$0x81] =	vst.msk $0xff, v6  }
.LBB1_3:
0x71: {  	v5 =	vld.msk [tilespmem:s26+$0xFFFFFFE0], $0xff;
	[tilespmem:s13+$0x0 ss:$0x81] =	vst.msk $0xff, v0;
	s13 =	smov.u32 s14;
	s14 =	smov.u32 s15;
	s15 =	smov.u32 s17  }
0x72: {  	s25 =	sadd.s32 $0x8, s25;
	s17 =	smov.u32 s19;
	[tilespmem:s19+$0xFFFFFFFB ss:$0x81] =	vst.msk $0xff, v3;
	v6 =	vld.msk [tilespmem:s20+$0x0], $0xff;
	s19 =	smov.u32 s22  }
0x73: {  	p1 =	slt.u32 s25, $0x78;
	v7 =	vld.msk [tilespmem:s21+$0xFFFFFFF8], $0xff;
	[tilespmem:s13+$0xFFFFFFFF ss:$0x81] =	vst.msk $0xff, v1  }
.Ltmp3:
0x74: {  	[tilespmem:s22+$0xFFFFFFFA ss:$0x81] =	vst.msk $0xff, v4;
	v0 =	vld.msk [tilespmem:s16+$0x18], $0xff;
	s16 =	smov.u32 s18;
	s18 =	smov.u32 s20;
	(pc) =	sbr.rel @p1 .LBB1_3-.Ltmp3, $4  }
0x75: {  	s22 =	sadd.s32 $0x8, s22;
	s20 =	smov.u32 s21;
	s21 =	smov.u32 s24;
	v3 =	vld.msk [tilespmem:s24+$0xFFFFFFF0], $0xff;
	[tilespmem:s14+$0xFFFFFFFE ss:$0x81] =	vst.msk $0xff, v2  }
0x76: {  	s24 =	smov.u32 s26;
	[tilespmem:s22+$0xFFFFFFF9 ss:$0x81] =	vst.msk $0xff, v5;
	v1 =	vld.msk [tilespmem:s16+$0x10], $0xff  }
0x77: {  	v4 =	vld.msk [tilespmem:s26+$0xFFFFFFE8], $0xff;
	[tilespmem:s15+$0xFFFFFFFD ss:$0x81] =	vst.msk $0xff, v6  }
0x78: {  	s26 =	sadd.s32 $0x40, s26;
	[tilespmem:s17+$0xFFFFFFFC ss:$0x81] =	vst.msk $0xff, v7;
	v2 =	vld.msk [tilespmem:s18+$0x8], $0xff  }
.Ltmp4:
0x79: {  	_ = 	snop;
	(pc) =	sbr.rel .LBB1_4-.Ltmp4, $1  }
0x7a: {  	_ =	sdelay $0x3  }
.LBB1_6:
0x7b: {  	_ =	sfence.sel $0x180000  }
0x7c: {  	s2 =	simm.s32 $0x1;
	[bflag:$0x0] =	sbarrier.arrive $0xFFFF  }
0x7d: {  	s31 =	simm.s32 $0x2;
	[sflag:s2] =	ssyncpa.u1 $0x1  }
0x7e: {  	[sflag:s31] =	ssyncpa.u1 $0x1  }
0x7f: {  	p0 =	sne.s32 s0, $0x0;
	_ =	strace $0x9000004A  }
0x80: {  	s0 =	sadd.s32 @!p0 $0x100000, s1;
	[bflag:$0x2] =	sbarrier.arrive $0xFFFF  }
0x81: {  	[sflag:s0] =	ssyncadd.tile.s32 @!p0 $0x1;
	_ =	shalt  }
.Lfunc_end1:
_tile_overlayer_lowered:
.L_overlay_start_2:
0x82: {  	(tag) =	ssettag $0x2  }
0x83: {  	s0 =	rddreg [dreg:$0x0];
	s2 =	stileid.u32  }
0x84: {  	s1 =	rddreg [dreg:$0x1];
	p0 =	sne.s32 s2, $0x0  }
0x85: {  	s3 =	rddreg [dreg:$0x2];
	[bflag:$0x3] =	sbarrier.arrive $0xFFFF;
	s2 =	simm.s32 @!p0 $0x1C01  }
0x86: {  	[timem:s3], [sflag:s2] =	dma.local @!p0 [hbm:s0], s1  }
0x87: {  	s0 =	simm.s32 @!p0 $0x1  }
0x88: {  	_ =	swait.ge @!p0 [sflag:s0], s1  }
0x89: {  	s1 =	ssub.s32 @!p0 $0x0, s1;
	[sflag:s0] =	ssyncset.done @!p0 $0x0  }
0x8a: {  	[sflag:s0] =	ssyncadd.s32 @!p0 s1  }
0x8b: {  	[bflag:$0x3] =	sbarrier.arrive $0xFFFF  }
0x8c: {  	_ =	shalt  }

</sc_bundles>
